<compile_context>
chip_gen: v7x
topology: tpu7x:2x2x1
jax: 0.10.2.dev20260603
libtpu: 0.0.44.dev20260713+nightly
codegen_flags: <defaults>
</compile_context>

<pallas_src>
import jax
import jax.numpy as jnp
from jax import lax
from jax.experimental import pallas as pl
from jax.experimental.pallas import tpu as pltpu
from jax.experimental.pallas import tpu_sc as plsc

_INPUT_DIM = 2048
_LATENT_DIM = 32768
_BATCH = 32
_K = 32
_LBLK = 2048
_NBLK = _LATENT_DIM // _LBLK

_NC = 2
_NS = 16
_L = 16

_GSZ = 128
_NGRP = _LATENT_DIM // _GSZ
_GPB = _LBLK // _GSZ

_NEG_INF = float("-inf")



_NSTREAM = 2
_HBLK = _LBLK // _NSTREAM


def _enc_body(x_ref, wa_ref, wb_ref, b_ref, lat_ref, gm_ref, xn_ref):
    j = pl.program_id(0)

    @pl.when(j == 0)
    def _():
        x = x_ref[...]
        mu = jnp.mean(x, axis=1, keepdims=True)
        xc = x - mu
        var = jnp.sum(xc * xc, axis=1, keepdims=True) / (_INPUT_DIM - 1)
        std = jnp.sqrt(var)
        xn_ref[...] = xc / (std + 1e-5)

    xn = xn_ref[...]
    for h, w_ref in enumerate((wa_ref, wb_ref)):
        acc = lax.dot_general(
            xn, w_ref[...], (((1,), (1,)), ((), ())),
            preferred_element_type=jnp.float32,
        )
        gph = _HBLK // _GSZ
        lat = acc + b_ref[0, :, pl.ds(h * _HBLK, _HBLK)][0]
        lat3 = lat.reshape(_BATCH, gph, _GSZ)
        lat_ref[:, pl.ds(h * gph, gph), :] = lat3
        gm = jnp.max(lat3, axis=2)
        gm_ref[:, 0, 0, pl.ds(h * gph, gph)] = gm


def _encode(x, w, b2):
    return pl.pallas_call(
        _enc_body,
        grid=(_NBLK,),
        in_specs=[
            pl.BlockSpec((_BATCH, _INPUT_DIM), lambda j: (0, 0)),
            pl.BlockSpec((_HBLK, _INPUT_DIM), lambda j: (2 * j, 0)),
            pl.BlockSpec((_HBLK, _INPUT_DIM), lambda j: (2 * j + 1, 0)),
            pl.BlockSpec((1, 1, _LBLK), lambda j: (j, 0, 0)),
        ],
        out_specs=[
            pl.BlockSpec((_BATCH, _GPB, _GSZ), lambda j: (0, j, 0)),
            pl.BlockSpec((_BATCH, 1, 1, _GPB), lambda j: (0, j, 0, 0)),
        ],
        out_shape=[
            jax.ShapeDtypeStruct((_BATCH, _NGRP, _GSZ), jnp.float32),
            jax.ShapeDtypeStruct((_BATCH, _NBLK, 1, _GPB), jnp.float32),
        ],
        scratch_shapes=[pltpu.VMEM((_BATCH, _INPUT_DIM), jnp.float32)],
        compiler_params=pltpu.CompilerParams(vmem_limit_bytes=63 * 1024 * 1024),
    )(x, w, w, b2)



def _merge_topk(kv0, kv1, ki0, ki1, sv, si):
    rsv = lax.rev(sv, (0,))
    rsi = lax.rev(si, (0,))
    ge = kv1 >= rsv
    c1 = jnp.where(ge, kv1, rsv)
    c1i = jnp.where(ge, ki1, rsi)
    ge2 = kv0 >= c1
    hi = jnp.where(ge2, kv0, c1)
    hii = jnp.where(ge2, ki0, c1i)
    lo = jnp.where(ge2, c1, kv0)
    loi = jnp.where(ge2, c1i, ki0)
    kv0, ki0 = plsc.sort_key_val(hi, hii, descending=True)
    kv1, ki1 = plsc.sort_key_val(lo, loi, descending=True)
    return kv0, kv1, ki0, ki1


_Z1 = 512


def _sc_body(lat3_hbm, gmax_hbm, w_hbm, pb_hbm, out_hbm, sparse_hbm,
             zbuf, grp_rows, rows_v, outv, pbv, gmaxv,
             cand_v, cand_i, ki_ref, gi_ref, sem0, sem1, sem2, sem3):
    wid = lax.axis_index("s") * _NC + lax.axis_index("c")

    lane = lax.iota(jnp.int32, _L)
    zeros16 = jnp.zeros((_L,), jnp.float32)
    neg_inf16 = jnp.full((_L,), _NEG_INF, jnp.float32)
    izeros16 = jnp.zeros((_L,), jnp.int32)

    with jax.named_scope("sc_dma_in"):
        cp_gm = pltpu.make_async_copy(gmax_hbm.at[wid], gmaxv, sem0)
        cp_gm.start()
        cp_pb = pltpu.make_async_copy(pb_hbm, pbv, sem1)
        cp_pb.start()

    with jax.named_scope("sc_phase_a"):
        cp_gm.wait()
        gv0, gv1 = neg_inf16, neg_inf16
        gi0, gi1 = izeros16, izeros16
        for c in range(_NGRP // _L):
            v = gmaxv[c, 0, :]
            sv, si = plsc.sort_key_val(v, c * _L + lane, descending=True)
            gv0, gv1, gi0, gi1 = _merge_topk(gv0, gv1, gi0, gi1, sv, si)
        gi_ref[pl.ds(0, _L)] = gi0
        gi_ref[pl.ds(_L, _L)] = gi1
        g_scal = [gi0[i] for i in range(_L)] + [gi1[i] for i in range(_L)]
        t0g = gv1[_L - 1]

    with jax.named_scope("sc_group_gather"):
        cp_grp = pltpu.make_async_copy(lat3_hbm.at[wid].at[gi_ref], grp_rows, sem2)
        cp_grp.start()
        def zero1_body(i, c):
            for u in range(4):
                zbuf[pl.ds(i * (4 * _L) + u * _L, _L)] = zeros16
            return c

        lax.fori_loop(0, _Z1 // 4, zero1_body, 0)
        cp_grp.wait()

    with jax.named_scope("sc_phase_b"):
        cnt = jnp.int32(0)
        for k in range(_K):
            g = g_scal[k]

            def chunk_body(c, cnt, k=k, g=g):
                v = grp_rows[k, pl.ds(c * _L, _L)]
                m = v >= t0g
                iv = g * _GSZ + c * _L + lane
                plsc.store_compressed(cand_v.at[pl.ds(cnt, _L)], v, mask=m)
                plsc.store_compressed(cand_i.at[pl.ds(cnt, _L)], iv, mask=m)
                return cnt + plsc.all_reduce_population_count(m)[0]

            cnt = lax.fori_loop(0, _GSZ // _L, chunk_body, cnt)

        def p2_body(i, carry):
            kv0, kv1, ki0, ki1 = carry
            v = cand_v[pl.ds(i * _L, _L)]
            iv = cand_i[pl.ds(i * _L, _L)]
            valid = (i * _L + lane) < cnt
            v = jnp.where(valid, v, neg_inf16)
            sv, si = plsc.sort_key_val(v, iv, descending=True)
            return _merge_topk(kv0, kv1, ki0, ki1, sv, si)

        nv = (cnt + _L - 1) // _L
        kv0, kv1, ki0, ki1 = lax.fori_loop(
            0, nv, p2_body, (neg_inf16, neg_inf16, izeros16, izeros16))

    with jax.named_scope("sc_scatter"):
        ki_ref[pl.ds(0, _L)] = ki0
        ki_ref[pl.ds(_L, _L)] = ki1

        cp_w = pltpu.make_async_copy(w_hbm.at[ki_ref], rows_v, sem3)
        cp_w.start()

        def zero2_body(i, c):
            base = _Z1 * _L + i * (4 * _L)
            for u in range(4):
                zbuf[pl.ds(base + u * _L, _L)] = zeros16
            return c

        lax.fori_loop(0, (_LATENT_DIM // _L - _Z1) // 4, zero2_body, 0)
        plsc.store_scatter(zbuf, [ki0], kv0)
        plsc.store_scatter(zbuf, [ki1], kv1)

    with jax.named_scope("sc_gather_wait"):
        cp_pb.wait()
        cp_w.wait()
        cp_sparse = pltpu.make_async_copy(zbuf, sparse_hbm.at[wid], sem0)
        cp_sparse.start()

    with jax.named_scope("sc_decode"):
        vals = [kv0[i] for i in range(_L)] + [kv1[i] for i in range(_L)]

        def col_body(jj, c):
            col = jj * (2 * _L)
            for u in range(2):
                cu = col + u * _L
                p = [None] * 4
                for k in range(_K):
                    term = vals[k] * rows_v[k, pl.ds(cu, _L)]
                    q = k & 3
                    p[q] = term if p[q] is None else p[q] + term
                outv[pl.ds(cu, _L)] = (p[0] + p[1]) + (p[2] + p[3]) + pbv[pl.ds(cu, _L)]
            return c

        lax.fori_loop(0, _INPUT_DIM // (2 * _L), col_body, 0)

    with jax.named_scope("sc_dma_out"):
        pltpu.sync_copy(outv, out_hbm.at[wid])
        cp_sparse.wait()


def _sc_topk_decode(lat3, gmax, w, pre_bias):
    mesh = plsc.VectorSubcoreMesh(
        core_axis_name="c", subcore_axis_name="s",
        num_cores=_NC, num_subcores=_NS,
    )
    f = pl.kernel(
        _sc_body,
        out_type=[
            jax.ShapeDtypeStruct((_BATCH, _INPUT_DIM), jnp.float32),
            jax.ShapeDtypeStruct((_BATCH, _LATENT_DIM), jnp.float32),
        ],
        mesh=mesh,
        compiler_params=pltpu.CompilerParams(needs_layout_passes=False),
        scratch_types=[
            pltpu.VMEM((_LATENT_DIM,), jnp.float32),
            pltpu.VMEM((_K, _GSZ), jnp.float32),
            pltpu.VMEM((_K, _INPUT_DIM), jnp.float32),
            pltpu.VMEM((_INPUT_DIM,), jnp.float32),
            pltpu.VMEM((_INPUT_DIM,), jnp.float32),
            pltpu.VMEM((_NBLK, 1, _GPB), jnp.float32),
            pltpu.VMEM((_K * _GSZ + _L,), jnp.float32),
            pltpu.VMEM((_K * _GSZ + _L,), jnp.int32),
            pltpu.VMEM((2 * _L,), jnp.int32),
            pltpu.VMEM((2 * _L,), jnp.int32),
            pltpu.SemaphoreType.DMA,
            pltpu.SemaphoreType.DMA,
            pltpu.SemaphoreType.DMA,
            pltpu.SemaphoreType.DMA,
        ],
    )
    return f(lat3, gmax, w, pre_bias)


@jax.jit
def kernel(x, W_enc, b_enc, pre_bias):
    b2 = b_enc.reshape(_NBLK, 1, _LBLK)
    lat3, gmax4 = _encode(x, W_enc, b2)
    output, sparse_latents = _sc_topk_decode(lat3, gmax4, W_enc, pre_bias)
    return (output, sparse_latents)

# --- scband reference (transcript-rebuilt; emitter-appended) ---
"""Pipeline reference for scband-top-ksparse-autoencoder-33981781246341 (READ-ONLY COPY).

The authoritative reference and input builder live on the scoring server;
editing this copy changes nothing except your own understanding.
"""

import jax, jax.numpy as jnp
import numpy as np

INPUT_DIM = 2048
LATENT_DIM = 32768
K = 32


def setup_inputs(seed: int = 0) -> dict:
    key = jax.random.key(seed)
    k1, k2, k3 = jax.random.split(key, 3)
    x = jax.random.normal(k1, (32, INPUT_DIM), dtype=jnp.float32)
    # encoder weight: row-normalized gaussian (matches _init_weights with scale=1.0)
    W = jax.random.normal(k2, (LATENT_DIM, INPUT_DIM), dtype=jnp.float32)
    W = W / (jnp.linalg.norm(W, axis=1, keepdims=True) + 1e-12)
    bound = 1.0 / np.sqrt(INPUT_DIM)
    b = jax.random.uniform(k3, (LATENT_DIM,), dtype=jnp.float32, minval=-bound, maxval=bound)
    pre_bias = jnp.zeros((INPUT_DIM,), dtype=jnp.float32)
    return {"x": x, "W_enc": W, "b_enc": b, "pre_bias": pre_bias}


def reference(x, W_enc, b_enc, pre_bias):
    # norm_input: center and scale by unbiased std (torch default ddof=1)
    mu = jnp.mean(x, axis=-1, keepdims=True)
    xc = x - mu
    std = jnp.std(xc, axis=-1, keepdims=True, ddof=1)
    xn = xc / (std + 1e-05)
    # encoder: Linear(input_dim -> latent_dim)
    latents = xn @ W_enc.T + b_enc
    # TopK activation: keep top-k values per row, zero elsewhere (scatter)
    topk_vals, topk_idx = jax.lax.top_k(latents, K)
    rows = jnp.arange(latents.shape[0])[:, None]
    sparse_latents = jnp.zeros_like(latents).at[rows, topk_idx].set(topk_vals)
    # tied decoder: F.linear(sparse, W.t()) == sparse @ W
    output = sparse_latents @ W_enc + pre_bias
    return (output, sparse_latents)

if __name__ == "__main__":
    import jax
    _d = setup_inputs()
    print(jax.jit(kernel)(*tuple(_d.values())))

</pallas_src>

<mosaic_0001>
#map = affine_map<(d0, d1) -> (0, 0, 0)>
#map1 = affine_map<(d0, d1) -> (0, 0, 0, 0)>
#map2 = affine_map<(d0, d1) -> (0, 0)>
#map3 = affine_map<(d0, d1) -> (0)>
module attributes {stable_mosaic.version = 14 : i64} {
  func.func @_sc_body(%arg0: i32, %arg1: i32, %arg2: memref<32x256x128xf32, #tpu.memory_space<hbm>>, %arg3: memref<32x16x1x16xf32, #tpu.memory_space<hbm>>, %arg4: memref<32768x2048xf32, #tpu.memory_space<hbm>>, %arg5: memref<2048xf32, #tpu.memory_space<hbm>>, %arg6: memref<32x2048xf32, #tpu.memory_space<hbm>>, %arg7: memref<32x32768xf32, #tpu.memory_space<hbm>>, %arg8: memref<32768xf32, #tpu.memory_space<vmem>>, %arg9: memref<32x128xf32, #tpu.memory_space<vmem>>, %arg10: memref<32x2048xf32, #tpu.memory_space<vmem>>, %arg11: memref<2048xf32, #tpu.memory_space<vmem>>, %arg12: memref<2048xf32, #tpu.memory_space<vmem>>, %arg13: memref<16x1x16xf32, #tpu.memory_space<vmem>>, %arg14: memref<4112xf32, #tpu.memory_space<vmem>>, %arg15: memref<4112xi32, #tpu.memory_space<vmem>>, %arg16: memref<32xi32, #tpu.memory_space<vmem>>, %arg17: memref<32xi32, #tpu.memory_space<vmem>>, %arg18: memref<!tpu.dma_semaphore, #tpu.memory_space<semaphore_mem>>, %arg19: memref<!tpu.dma_semaphore, #tpu.memory_space<semaphore_mem>>, %arg20: memref<!tpu.dma_semaphore, #tpu.memory_space<semaphore_mem>>, %arg21: memref<!tpu.dma_semaphore, #tpu.memory_space<semaphore_mem>>) attributes {dimension_semantics = [#tpu.dimension_semantics<core_parallel>, #tpu.dimension_semantics<subcore_parallel>], iteration_bounds = array<i64: 2, 16>, scalar_prefetch = 0 : i64, scratch_operands = 14 : i64, tpu.core_type = #tpu.core_type<sc_vector_subcore>, window_params = [{transform_indices = #map}, {transform_indices = #map1}, {transform_indices = #map2}, {transform_indices = #map3}, {transform_indices = #map2}, {transform_indices = #map2}]} {
    %mul3A = arith.constant 2 : i32
    %mul3A_0 = arith.muli %arg1, %mul3A : i32
    %add3A = arith.addi %mul3A_0, %arg0 : i32
    %iota3A = tpu.iota {dimensions = array<i32: 0>} : vector<16xi32>
    %broadcast_in_dim3A = arith.constant 0.000000e+00 : f32
    %broadcast_in_dim3A_1 = vector.broadcast %broadcast_in_dim3A : f32 to vector<16xf32>
    %broadcast_in_dim3A_2 = arith.constant 0xFF800000 : f32
    %broadcast_in_dim3A_3 = vector.broadcast %broadcast_in_dim3A_2 : f32 to vector<16xf32>
    %broadcast_in_dim3A_4 = arith.constant 0 : i32
    %broadcast_in_dim3A_5 = vector.broadcast %broadcast_in_dim3A_4 : i32 to vector<16xi32>
    "tpu.trace_start"() <{level = 10 : i32, message = "sc_dma_in"}> : () -> ()
    %dma_start3A = arith.constant 0 : i32
    %dma_start3A_6 = arith.constant 0 : i32
    %dma_start3A_7 = arith.constant 0 : i32
    %dma_start3A_8 = tpu.memref_slice %arg3[%add3A, %dma_start3A, %dma_start3A_6, %dma_start3A_7] : memref<32x16x1x16xf32, #tpu.memory_space<hbm>> -> memref<1x16x1x16xf32, #tpu.memory_space<hbm>>
    %dma_start3A_9 = tpu.memref_squeeze %dma_start3A_8 : memref<1x16x1x16xf32, #tpu.memory_space<hbm>> -> memref<16x1x16xf32, #tpu.memory_space<hbm>>
    %dma_start3A_10 = arith.constant 0 : i32
    %dma_start3A_11 = arith.constant 0 : i32
    %dma_start3A_12 = arith.constant 0 : i32
    %dma_start3A_13 = tpu.memref_slice %arg3[%add3A, %dma_start3A_10, %dma_start3A_11, %dma_start3A_12] : memref<32x16x1x16xf32, #tpu.memory_space<hbm>> -> memref<1x16x1x16xf32, #tpu.memory_space<hbm>>
    %dma_start3A_14 = tpu.memref_squeeze %dma_start3A_13 : memref<1x16x1x16xf32, #tpu.memory_space<hbm>> -> memref<16x1x16xf32, #tpu.memory_space<hbm>>
    tpu.enqueue_dma source(%dma_start3A_14 : memref<16x1x16xf32, #tpu.memory_space<hbm>>) target(%arg13 : memref<16x1x16xf32, #tpu.memory_space<vmem>>) target_semaphore(%arg18 : memref<!tpu.dma_semaphore, #tpu.memory_space<semaphore_mem>>)
    tpu.enqueue_dma source(%arg5 : memref<2048xf32, #tpu.memory_space<hbm>>) target(%arg12 : memref<2048xf32, #tpu.memory_space<vmem>>) target_semaphore(%arg19 : memref<!tpu.dma_semaphore, #tpu.memory_space<semaphore_mem>>)
    "tpu.trace_stop"() : () -> ()
    "tpu.trace_start"() <{level = 10 : i32, message = "sc_phase_a"}> : () -> ()
    %dma_wait3A = arith.constant 0 : i32
    %dma_wait3A_15 = arith.constant 0 : i32
    %dma_wait3A_16 = arith.constant 0 : i32
    %dma_wait3A_17 = tpu.memref_slice %arg3[%add3A, %dma_wait3A, %dma_wait3A_15, %dma_wait3A_16] : memref<32x16x1x16xf32, #tpu.memory_space<hbm>> -> memref<1x16x1x16xf32, #tpu.memory_space<hbm>>
    %dma_wait3A_18 = tpu.memref_squeeze %dma_wait3A_17 : memref<1x16x1x16xf32, #tpu.memory_space<hbm>> -> memref<16x1x16xf32, #tpu.memory_space<hbm>>
    %dma_wait3A_19 = arith.constant 0 : i32
    %dma_wait3A_20 = arith.constant 0 : i32
    %dma_wait3A_21 = arith.constant 0 : i32
    %dma_wait3A_22 = tpu.memref_slice %arg3[%add3A, %dma_wait3A_19, %dma_wait3A_20, %dma_wait3A_21] : memref<32x16x1x16xf32, #tpu.memory_space<hbm>> -> memref<1x16x1x16xf32, #tpu.memory_space<hbm>>
    %dma_wait3A_23 = tpu.memref_squeeze %dma_wait3A_22 : memref<1x16x1x16xf32, #tpu.memory_space<hbm>> -> memref<16x1x16xf32, #tpu.memory_space<hbm>>
    tpu.wait_dma2 semaphore(%arg18 : memref<!tpu.dma_semaphore, #tpu.memory_space<semaphore_mem>>) src(%dma_wait3A_23 : memref<16x1x16xf32, #tpu.memory_space<hbm>>) dst(%arg13 : memref<16x1x16xf32, #tpu.memory_space<vmem>>)
    %get3A = arith.constant 0 : i32
    %get3A_24 = arith.constant 0 : i32
    %get3A_25 = arith.index_cast %get3A : i32 to index
    %get3A_26 = arith.index_cast %get3A_24 : i32 to index
    %get3A_27 = arith.constant 0 : index
    %get3A_28 = tpu.vector_load %arg13[%get3A_25, %get3A_26, %get3A_27] {strides = array<i32>} : memref<16x1x16xf32, #tpu.memory_space<vmem>>, vector<16xf32>,
    %add3A_29 = arith.constant 0 : i32
    %add3A_30 = vector.broadcast %add3A_29 : i32 to vector<16xi32>
    %add3A_31 = arith.addi %add3A_30, %iota3A : vector<16xi32>
    %masked_sort3A = arith.constant dense<true> : vector<16xi1>
    %masked_sort3A_32, %masked_sort3A_33, %masked_sort3A_34 = tpu.sort %get3A_28, %add3A_31 masked %masked_sort3A {descending = true} : (vector<16xf32>, vector<16xi32>, vector<16xi1>) -> (vector<16xi1>, vector<16xf32>, vector<16xi32>)
    %rev3A = arith.constant 15 : i32
    %rev3A_35 = vector.broadcast %rev3A : i32 to vector<16xi32>
    %rev3A_36 = tpu.iota {dimensions = array<i32: 0>} : vector<16xi32>
    %rev3A_37 = arith.subi %rev3A_35, %rev3A_36 : vector<16xi32>
    %rev3A_38 = tpu.dynamic_gather %masked_sort3A_33[%rev3A_37] in [0] : vector<16xf32>, vector<16xi32> -> vector<16xf32>
    %rev3A_39 = arith.constant 15 : i32
    %rev3A_40 = vector.broadcast %rev3A_39 : i32 to vector<16xi32>
    %rev3A_41 = tpu.iota {dimensions = array<i32: 0>} : vector<16xi32>
    %rev3A_42 = arith.subi %rev3A_40, %rev3A_41 : vector<16xi32>
    %rev3A_43 = tpu.dynamic_gather %masked_sort3A_34[%rev3A_42] in [0] : vector<16xi32>, vector<16xi32> -> vector<16xi32>
    %ge3A = arith.cmpf oge, %broadcast_in_dim3A_3, %rev3A_38 : vector<16xf32>
    %select_n3A = arith.select %ge3A, %broadcast_in_dim3A_3, %rev3A_38 : vector<16xi1>, vector<16xf32>
    %select_n3A_44 = arith.select %ge3A, %broadcast_in_dim3A_5, %rev3A_43 : vector<16xi1>, vector<16xi32>
    %ge3A_45 = arith.cmpf oge, %broadcast_in_dim3A_3, %select_n3A : vector<16xf32>
    %select_n3A_46 = arith.select %ge3A_45, %broadcast_in_dim3A_3, %select_n3A : vector<16xi1>, vector<16xf32>
    %select_n3A_47 = arith.select %ge3A_45, %broadcast_in_dim3A_5, %select_n3A_44 : vector<16xi1>, vector<16xi32>
    %select_n3A_48 = arith.select %ge3A_45, %select_n3A, %broadcast_in_dim3A_3 : vector<16xi1>, vector<16xf32>
    %select_n3A_49 = arith.select %ge3A_45, %select_n3A_44, %broadcast_in_dim3A_5 : vector<16xi1>, vector<16xi32>
    %masked_sort3A_50 = arith.constant dense<true> : vector<16xi1>
    %masked_sort3A_51, %masked_sort3A_52, %masked_sort3A_53 = tpu.sort %select_n3A_46, %select_n3A_47 masked %masked_sort3A_50 {descending = true} : (vector<16xf32>, vector<16xi32>, vector<16xi1>) -> (vector<16xi1>, vector<16xf32>, vector<16xi32>)
    %masked_sort3A_54 = arith.constant dense<true> : vector<16xi1>
    %masked_sort3A_55, %masked_sort3A_56, %masked_sort3A_57 = tpu.sort %select_n3A_48, %select_n3A_49 masked %masked_sort3A_54 {descending = true} : (vector<16xf32>, vector<16xi32>, vector<16xi1>) -> (vector<16xi1>, vector<16xf32>, vector<16xi32>)
    %get3A_58 = arith.constant 1 : i32
    %get3A_59 = arith.constant 0 : i32
    %get3A_60 = arith.index_cast %get3A_58 : i32 to index
    %get3A_61 = arith.index_cast %get3A_59 : i32 to index
    %get3A_62 = arith.constant 0 : index
    %get3A_63 = tpu.vector_load %arg13[%get3A_60, %get3A_61, %get3A_62] {strides = array<i32>} : memref<16x1x16xf32, #tpu.memory_space<vmem>>, vector<16xf32>,
    %add3A_64 = arith.constant 16 : i32
    %add3A_65 = vector.broadcast %add3A_64 : i32 to vector<16xi32>
    %add3A_66 = arith.addi %add3A_65, %iota3A : vector<16xi32>
    %masked_sort3A_67 = arith.constant dense<true> : vector<16xi1>
    %masked_sort3A_68, %masked_sort3A_69, %masked_sort3A_70 = tpu.sort %get3A_63, %add3A_66 masked %masked_sort3A_67 {descending = true} : (vector<16xf32>, vector<16xi32>, vector<16xi1>) -> (vector<16xi1>, vector<16xf32>, vector<16xi32>)
    %rev3A_71 = arith.constant 15 : i32
    %rev3A_72 = vector.broadcast %rev3A_71 : i32 to vector<16xi32>
    %rev3A_73 = tpu.iota {dimensions = array<i32: 0>} : vector<16xi32>
    %rev3A_74 = arith.subi %rev3A_72, %rev3A_73 : vector<16xi32>
    %rev3A_75 = tpu.dynamic_gather %masked_sort3A_69[%rev3A_74] in [0] : vector<16xf32>, vector<16xi32> -> vector<16xf32>
    %rev3A_76 = arith.constant 15 : i32
    %rev3A_77 = vector.broadcast %rev3A_76 : i32 to vector<16xi32>
    %rev3A_78 = tpu.iota {dimensions = array<i32: 0>} : vector<16xi32>
    %rev3A_79 = arith.subi %rev3A_77, %rev3A_78 : vector<16xi32>
    %rev3A_80 = tpu.dynamic_gather %masked_sort3A_70[%rev3A_79] in [0] : vector<16xi32>, vector<16xi32> -> vector<16xi32>
    %ge3A_81 = arith.cmpf oge, %masked_sort3A_56, %rev3A_75 : vector<16xf32>
    %select_n3A_82 = arith.select %ge3A_81, %masked_sort3A_56, %rev3A_75 : vector<16xi1>, vector<16xf32>
    %select_n3A_83 = arith.select %ge3A_81, %masked_sort3A_57, %rev3A_80 : vector<16xi1>, vector<16xi32>
    %ge3A_84 = arith.cmpf oge, %masked_sort3A_52, %select_n3A_82 : vector<16xf32>
    %select_n3A_85 = arith.select %ge3A_84, %masked_sort3A_52, %select_n3A_82 : vector<16xi1>, vector<16xf32>
    %select_n3A_86 = arith.select %ge3A_84, %masked_sort3A_53, %select_n3A_83 : vector<16xi1>, vector<16xi32>
    %select_n3A_87 = arith.select %ge3A_84, %select_n3A_82, %masked_sort3A_52 : vector<16xi1>, vector<16xf32>
    %select_n3A_88 = arith.select %ge3A_84, %select_n3A_83, %masked_sort3A_53 : vector<16xi1>, vector<16xi32>
    %masked_sort3A_89 = arith.constant dense<true> : vector<16xi1>
    %masked_sort3A_90, %masked_sort3A_91, %masked_sort3A_92 = tpu.sort %select_n3A_85, %select_n3A_86 masked %masked_sort3A_89 {descending = true} : (vector<16xf32>, vector<16xi32>, vector<16xi1>) -> (vector<16xi1>, vector<16xf32>, vector<16xi32>)
    %masked_sort3A_93 = arith.constant dense<true> : vector<16xi1>
    %masked_sort3A_94, %masked_sort3A_95, %masked_sort3A_96 = tpu.sort %select_n3A_87, %select_n3A_88 masked %masked_sort3A_93 {descending = true} : (vector<16xf32>, vector<16xi32>, vector<16xi1>) -> (vector<16xi1>, vector<16xf32>, vector<16xi32>)
    %get3A_97 = arith.constant 2 : i32
    %get3A_98 = arith.constant 0 : i32
    %get3A_99 = arith.index_cast %get3A_97 : i32 to index
    %get3A_100 = arith.index_cast %get3A_98 : i32 to index
    %get3A_101 = arith.constant 0 : index
    %get3A_102 = tpu.vector_load %arg13[%get3A_99, %get3A_100, %get3A_101] {strides = array<i32>} : memref<16x1x16xf32, #tpu.memory_space<vmem>>, vector<16xf32>,
    %add3A_103 = arith.constant 32 : i32
    %add3A_104 = vector.broadcast %add3A_103 : i32 to vector<16xi32>
    %add3A_105 = arith.addi %add3A_104, %iota3A : vector<16xi32>
    %masked_sort3A_106 = arith.constant dense<true> : vector<16xi1>
    %masked_sort3A_107, %masked_sort3A_108, %masked_sort3A_109 = tpu.sort %get3A_102, %add3A_105 masked %masked_sort3A_106 {descending = true} : (vector<16xf32>, vector<16xi32>, vector<16xi1>) -> (vector<16xi1>, vector<16xf32>, vector<16xi32>)
    %rev3A_110 = arith.constant 15 : i32
    %rev3A_111 = vector.broadcast %rev3A_110 : i32 to vector<16xi32>
    %rev3A_112 = tpu.iota {dimensions = array<i32: 0>} : vector<16xi32>
    %rev3A_113 = arith.subi %rev3A_111, %rev3A_112 : vector<16xi32>
    %rev3A_114 = tpu.dynamic_gather %masked_sort3A_108[%rev3A_113] in [0] : vector<16xf32>, vector<16xi32> -> vector<16xf32>
    %rev3A_115 = arith.constant 15 : i32
    %rev3A_116 = vector.broadcast %rev3A_115 : i32 to vector<16xi32>
    %rev3A_117 = tpu.iota {dimensions = array<i32: 0>} : vector<16xi32>
    %rev3A_118 = arith.subi %rev3A_116, %rev3A_117 : vector<16xi32>
    %rev3A_119 = tpu.dynamic_gather %masked_sort3A_109[%rev3A_118] in [0] : vector<16xi32>, vector<16xi32> -> vector<16xi32>
    %ge3A_120 = arith.cmpf oge, %masked_sort3A_95, %rev3A_114 : vector<16xf32>
    %select_n3A_121 = arith.select %ge3A_120, %masked_sort3A_95, %rev3A_114 : vector<16xi1>, vector<16xf32>
    %select_n3A_122 = arith.select %ge3A_120, %masked_sort3A_96, %rev3A_119 : vector<16xi1>, vector<16xi32>
    %ge3A_123 = arith.cmpf oge, %masked_sort3A_91, %select_n3A_121 : vector<16xf32>
    %select_n3A_124 = arith.select %ge3A_123, %masked_sort3A_91, %select_n3A_121 : vector<16xi1>, vector<16xf32>
    %select_n3A_125 = arith.select %ge3A_123, %masked_sort3A_92, %select_n3A_122 : vector<16xi1>, vector<16xi32>
    %select_n3A_126 = arith.select %ge3A_123, %select_n3A_121, %masked_sort3A_91 : vector<16xi1>, vector<16xf32>
    %select_n3A_127 = arith.select %ge3A_123, %select_n3A_122, %masked_sort3A_92 : vector<16xi1>, vector<16xi32>
    %masked_sort3A_128 = arith.constant dense<true> : vector<16xi1>
    %masked_sort3A_129, %masked_sort3A_130, %masked_sort3A_131 = tpu.sort %select_n3A_124, %select_n3A_125 masked %masked_sort3A_128 {descending = true} : (vector<16xf32>, vector<16xi32>, vector<16xi1>) -> (vector<16xi1>, vector<16xf32>, vector<16xi32>)
    %masked_sort3A_132 = arith.constant dense<true> : vector<16xi1>
    %masked_sort3A_133, %masked_sort3A_134, %masked_sort3A_135 = tpu.sort %select_n3A_126, %select_n3A_127 masked %masked_sort3A_132 {descending = true} : (vector<16xf32>, vector<16xi32>, vector<16xi1>) -> (vector<16xi1>, vector<16xf32>, vector<16xi32>)
    %get3A_136 = arith.constant 3 : i32
    %get3A_137 = arith.constant 0 : i32
    %get3A_138 = arith.index_cast %get3A_136 : i32 to index
    %get3A_139 = arith.index_cast %get3A_137 : i32 to index
    %get3A_140 = arith.constant 0 : index
    %get3A_141 = tpu.vector_load %arg13[%get3A_138, %get3A_139, %get3A_140] {strides = array<i32>} : memref<16x1x16xf32, #tpu.memory_space<vmem>>, vector<16xf32>,
    %add3A_142 = arith.constant 48 : i32
    %add3A_143 = vector.broadcast %add3A_142 : i32 to vector<16xi32>
    %add3A_144 = arith.addi %add3A_143, %iota3A : vector<16xi32>
    %masked_sort3A_145 = arith.constant dense<true> : vector<16xi1>
    %masked_sort3A_146, %masked_sort3A_147, %masked_sort3A_148 = tpu.sort %get3A_141, %add3A_144 masked %masked_sort3A_145 {descending = true} : (vector<16xf32>, vector<16xi32>, vector<16xi1>) -> (vector<16xi1>, vector<16xf32>, vector<16xi32>)
    %rev3A_149 = arith.constant 15 : i32
    %rev3A_150 = vector.broadcast %rev3A_149 : i32 to vector<16xi32>
    %rev3A_151 = tpu.iota {dimensions = array<i32: 0>} : vector<16xi32>
    %rev3A_152 = arith.subi %rev3A_150, %rev3A_151 : vector<16xi32>
    %rev3A_153 = tpu.dynamic_gather %masked_sort3A_147[%rev3A_152] in [0] : vector<16xf32>, vector<16xi32> -> vector<16xf32>
    %rev3A_154 = arith.constant 15 : i32
    %rev3A_155 = vector.broadcast %rev3A_154 : i32 to vector<16xi32>
    %rev3A_156 = tpu.iota {dimensions = array<i32: 0>} : vector<16xi32>
    %rev3A_157 = arith.subi %rev3A_155, %rev3A_156 : vector<16xi32>
    %rev3A_158 = tpu.dynamic_gather %masked_sort3A_148[%rev3A_157] in [0] : vector<16xi32>, vector<16xi32> -> vector<16xi32>
    %ge3A_159 = arith.cmpf oge, %masked_sort3A_134, %rev3A_153 : vector<16xf32>
    %select_n3A_160 = arith.select %ge3A_159, %masked_sort3A_134, %rev3A_153 : vector<16xi1>, vector<16xf32>
    %select_n3A_161 = arith.select %ge3A_159, %masked_sort3A_135, %rev3A_158 : vector<16xi1>, vector<16xi32>
    %ge3A_162 = arith.cmpf oge, %masked_sort3A_130, %select_n3A_160 : vector<16xf32>
    %select_n3A_163 = arith.select %ge3A_162, %masked_sort3A_130, %select_n3A_160 : vector<16xi1>, vector<16xf32>
    %select_n3A_164 = arith.select %ge3A_162, %masked_sort3A_131, %select_n3A_161 : vector<16xi1>, vector<16xi32>
    %select_n3A_165 = arith.select %ge3A_162, %select_n3A_160, %masked_sort3A_130 : vector<16xi1>, vector<16xf32>
    %select_n3A_166 = arith.select %ge3A_162, %select_n3A_161, %masked_sort3A_131 : vector<16xi1>, vector<16xi32>
    %masked_sort3A_167 = arith.constant dense<true> : vector<16xi1>
    %masked_sort3A_168, %masked_sort3A_169, %masked_sort3A_170 = tpu.sort %select_n3A_163, %select_n3A_164 masked %masked_sort3A_167 {descending = true} : (vector<16xf32>, vector<16xi32>, vector<16xi1>) -> (vector<16xi1>, vector<16xf32>, vector<16xi32>)
    %masked_sort3A_171 = arith.constant dense<true> : vector<16xi1>
    %masked_sort3A_172, %masked_sort3A_173, %masked_sort3A_174 = tpu.sort %select_n3A_165, %select_n3A_166 masked %masked_sort3A_171 {descending = true} : (vector<16xf32>, vector<16xi32>, vector<16xi1>) -> (vector<16xi1>, vector<16xf32>, vector<16xi32>)
    %get3A_175 = arith.constant 4 : i32
    %get3A_176 = arith.constant 0 : i32
    %get3A_177 = arith.index_cast %get3A_175 : i32 to index
    %get3A_178 = arith.index_cast %get3A_176 : i32 to index
    %get3A_179 = arith.constant 0 : index
    %get3A_180 = tpu.vector_load %arg13[%get3A_177, %get3A_178, %get3A_179] {strides = array<i32>} : memref<16x1x16xf32, #tpu.memory_space<vmem>>, vector<16xf32>,
    %add3A_181 = arith.constant 64 : i32
    %add3A_182 = vector.broadcast %add3A_181 : i32 to vector<16xi32>
    %add3A_183 = arith.addi %add3A_182, %iota3A : vector<16xi32>
    %masked_sort3A_184 = arith.constant dense<true> : vector<16xi1>
    %masked_sort3A_185, %masked_sort3A_186, %masked_sort3A_187 = tpu.sort %get3A_180, %add3A_183 masked %masked_sort3A_184 {descending = true} : (vector<16xf32>, vector<16xi32>, vector<16xi1>) -> (vector<16xi1>, vector<16xf32>, vector<16xi32>)
    %rev3A_188 = arith.constant 15 : i32
    %rev3A_189 = vector.broadcast %rev3A_188 : i32 to vector<16xi32>
    %rev3A_190 = tpu.iota {dimensions = array<i32: 0>} : vector<16xi32>
    %rev3A_191 = arith.subi %rev3A_189, %rev3A_190 : vector<16xi32>
    %rev3A_192 = tpu.dynamic_gather %masked_sort3A_186[%rev3A_191] in [0] : vector<16xf32>, vector<16xi32> -> vector<16xf32>
    %rev3A_193 = arith.constant 15 : i32
    %rev3A_194 = vector.broadcast %rev3A_193 : i32 to vector<16xi32>
    %rev3A_195 = tpu.iota {dimensions = array<i32: 0>} : vector<16xi32>
    %rev3A_196 = arith.subi %rev3A_194, %rev3A_195 : vector<16xi32>
    %rev3A_197 = tpu.dynamic_gather %masked_sort3A_187[%rev3A_196] in [0] : vector<16xi32>, vector<16xi32> -> vector<16xi32>
    %ge3A_198 = arith.cmpf oge, %masked_sort3A_173, %rev3A_192 : vector<16xf32>
    %select_n3A_199 = arith.select %ge3A_198, %masked_sort3A_173, %rev3A_192 : vector<16xi1>, vector<16xf32>
    %select_n3A_200 = arith.select %ge3A_198, %masked_sort3A_174, %rev3A_197 : vector<16xi1>, vector<16xi32>
    %ge3A_201 = arith.cmpf oge, %masked_sort3A_169, %select_n3A_199 : vector<16xf32>
    %select_n3A_202 = arith.select %ge3A_201, %masked_sort3A_169, %select_n3A_199 : vector<16xi1>, vector<16xf32>
    %select_n3A_203 = arith.select %ge3A_201, %masked_sort3A_170, %select_n3A_200 : vector<16xi1>, vector<16xi32>
    %select_n3A_204 = arith.select %ge3A_201, %select_n3A_199, %masked_sort3A_169 : vector<16xi1>, vector<16xf32>
    %select_n3A_205 = arith.select %ge3A_201, %select_n3A_200, %masked_sort3A_170 : vector<16xi1>, vector<16xi32>
    %masked_sort3A_206 = arith.constant dense<true> : vector<16xi1>
    %masked_sort3A_207, %masked_sort3A_208, %masked_sort3A_209 = tpu.sort %select_n3A_202, %select_n3A_203 masked %masked_sort3A_206 {descending = true} : (vector<16xf32>, vector<16xi32>, vector<16xi1>) -> (vector<16xi1>, vector<16xf32>, vector<16xi32>)
    %masked_sort3A_210 = arith.constant dense<true> : vector<16xi1>
    %masked_sort3A_211, %masked_sort3A_212, %masked_sort3A_213 = tpu.sort %select_n3A_204, %select_n3A_205 masked %masked_sort3A_210 {descending = true} : (vector<16xf32>, vector<16xi32>, vector<16xi1>) -> (vector<16xi1>, vector<16xf32>, vector<16xi32>)
    %get3A_214 = arith.constant 5 : i32
    %get3A_215 = arith.constant 0 : i32
    %get3A_216 = arith.index_cast %get3A_214 : i32 to index
    %get3A_217 = arith.index_cast %get3A_215 : i32 to index
    %get3A_218 = arith.constant 0 : index
    %get3A_219 = tpu.vector_load %arg13[%get3A_216, %get3A_217, %get3A_218] {strides = array<i32>} : memref<16x1x16xf32, #tpu.memory_space<vmem>>, vector<16xf32>,
    %add3A_220 = arith.constant 80 : i32
    %add3A_221 = vector.broadcast %add3A_220 : i32 to vector<16xi32>
    %add3A_222 = arith.addi %add3A_221, %iota3A : vector<16xi32>
    %masked_sort3A_223 = arith.constant dense<true> : vector<16xi1>
    %masked_sort3A_224, %masked_sort3A_225, %masked_sort3A_226 = tpu.sort %get3A_219, %add3A_222 masked %masked_sort3A_223 {descending = true} : (vector<16xf32>, vector<16xi32>, vector<16xi1>) -> (vector<16xi1>, vector<16xf32>, vector<16xi32>)
    %rev3A_227 = arith.constant 15 : i32
    %rev3A_228 = vector.broadcast %rev3A_227 : i32 to vector<16xi32>
    %rev3A_229 = tpu.iota {dimensions = array<i32: 0>} : vector<16xi32>
    %rev3A_230 = arith.subi %rev3A_228, %rev3A_229 : vector<16xi32>
    %rev3A_231 = tpu.dynamic_gather %masked_sort3A_225[%rev3A_230] in [0] : vector<16xf32>, vector<16xi32> -> vector<16xf32>
    %rev3A_232 = arith.constant 15 : i32
    %rev3A_233 = vector.broadcast %rev3A_232 : i32 to vector<16xi32>
    %rev3A_234 = tpu.iota {dimensions = array<i32: 0>} : vector<16xi32>
    %rev3A_235 = arith.subi %rev3A_233, %rev3A_234 : vector<16xi32>
    %rev3A_236 = tpu.dynamic_gather %masked_sort3A_226[%rev3A_235] in [0] : vector<16xi32>, vector<16xi32> -> vector<16xi32>
    %ge3A_237 = arith.cmpf oge, %masked_sort3A_212, %rev3A_231 : vector<16xf32>
    %select_n3A_238 = arith.select %ge3A_237, %masked_sort3A_212, %rev3A_231 : vector<16xi1>, vector<16xf32>
    %select_n3A_239 = arith.select %ge3A_237, %masked_sort3A_213, %rev3A_236 : vector<16xi1>, vector<16xi32>
    %ge3A_240 = arith.cmpf oge, %masked_sort3A_208, %select_n3A_238 : vector<16xf32>
    %select_n3A_241 = arith.select %ge3A_240, %masked_sort3A_208, %select_n3A_238 : vector<16xi1>, vector<16xf32>
    %select_n3A_242 = arith.select %ge3A_240, %masked_sort3A_209, %select_n3A_239 : vector<16xi1>, vector<16xi32>
    %select_n3A_243 = arith.select %ge3A_240, %select_n3A_238, %masked_sort3A_208 : vector<16xi1>, vector<16xf32>
    %select_n3A_244 = arith.select %ge3A_240, %select_n3A_239, %masked_sort3A_209 : vector<16xi1>, vector<16xi32>
    %masked_sort3A_245 = arith.constant dense<true> : vector<16xi1>
    %masked_sort3A_246, %masked_sort3A_247, %masked_sort3A_248 = tpu.sort %select_n3A_241, %select_n3A_242 masked %masked_sort3A_245 {descending = true} : (vector<16xf32>, vector<16xi32>, vector<16xi1>) -> (vector<16xi1>, vector<16xf32>, vector<16xi32>)
    %masked_sort3A_249 = arith.constant dense<true> : vector<16xi1>
    %masked_sort3A_250, %masked_sort3A_251, %masked_sort3A_252 = tpu.sort %select_n3A_243, %select_n3A_244 masked %masked_sort3A_249 {descending = true} : (vector<16xf32>, vector<16xi32>, vector<16xi1>) -> (vector<16xi1>, vector<16xf32>, vector<16xi32>)
    %get3A_253 = arith.constant 6 : i32
    %get3A_254 = arith.constant 0 : i32
    %get3A_255 = arith.index_cast %get3A_253 : i32 to index
    %get3A_256 = arith.index_cast %get3A_254 : i32 to index
    %get3A_257 = arith.constant 0 : index
    %get3A_258 = tpu.vector_load %arg13[%get3A_255, %get3A_256, %get3A_257] {strides = array<i32>} : memref<16x1x16xf32, #tpu.memory_space<vmem>>, vector<16xf32>,
    %add3A_259 = arith.constant 96 : i32
    %add3A_260 = vector.broadcast %add3A_259 : i32 to vector<16xi32>
    %add3A_261 = arith.addi %add3A_260, %iota3A : vector<16xi32>
    %masked_sort3A_262 = arith.constant dense<true> : vector<16xi1>
    %masked_sort3A_263, %masked_sort3A_264, %masked_sort3A_265 = tpu.sort %get3A_258, %add3A_261 masked %masked_sort3A_262 {descending = true} : (vector<16xf32>, vector<16xi32>, vector<16xi1>) -> (vector<16xi1>, vector<16xf32>, vector<16xi32>)
    %rev3A_266 = arith.constant 15 : i32
    %rev3A_267 = vector.broadcast %rev3A_266 : i32 to vector<16xi32>
    %rev3A_268 = tpu.iota {dimensions = array<i32: 0>} : vector<16xi32>
    %rev3A_269 = arith.subi %rev3A_267, %rev3A_268 : vector<16xi32>
    %rev3A_270 = tpu.dynamic_gather %masked_sort3A_264[%rev3A_269] in [0] : vector<16xf32>, vector<16xi32> -> vector<16xf32>
    %rev3A_271 = arith.constant 15 : i32
    %rev3A_272 = vector.broadcast %rev3A_271 : i32 to vector<16xi32>
    %rev3A_273 = tpu.iota {dimensions = array<i32: 0>} : vector<16xi32>
    %rev3A_274 = arith.subi %rev3A_272, %rev3A_273 : vector<16xi32>
    %rev3A_275 = tpu.dynamic_gather %masked_sort3A_265[%rev3A_274] in [0] : vector<16xi32>, vector<16xi32> -> vector<16xi32>
    %ge3A_276 = arith.cmpf oge, %masked_sort3A_251, %rev3A_270 : vector<16xf32>
    %select_n3A_277 = arith.select %ge3A_276, %masked_sort3A_251, %rev3A_270 : vector<16xi1>, vector<16xf32>
    %select_n3A_278 = arith.select %ge3A_276, %masked_sort3A_252, %rev3A_275 : vector<16xi1>, vector<16xi32>
    %ge3A_279 = arith.cmpf oge, %masked_sort3A_247, %select_n3A_277 : vector<16xf32>
    %select_n3A_280 = arith.select %ge3A_279, %masked_sort3A_247, %select_n3A_277 : vector<16xi1>, vector<16xf32>
    %select_n3A_281 = arith.select %ge3A_279, %masked_sort3A_248, %select_n3A_278 : vector<16xi1>, vector<16xi32>
    %select_n3A_282 = arith.select %ge3A_279, %select_n3A_277, %masked_sort3A_247 : vector<16xi1>, vector<16xf32>
    %select_n3A_283 = arith.select %ge3A_279, %select_n3A_278, %masked_sort3A_248 : vector<16xi1>, vector<16xi32>
    %masked_sort3A_284 = arith.constant dense<true> : vector<16xi1>
    %masked_sort3A_285, %masked_sort3A_286, %masked_sort3A_287 = tpu.sort %select_n3A_280, %select_n3A_281 masked %masked_sort3A_284 {descending = true} : (vector<16xf32>, vector<16xi32>, vector<16xi1>) -> (vector<16xi1>, vector<16xf32>, vector<16xi32>)
    %masked_sort3A_288 = arith.constant dense<true> : vector<16xi1>
    %masked_sort3A_289, %masked_sort3A_290, %masked_sort3A_291 = tpu.sort %select_n3A_282, %select_n3A_283 masked %masked_sort3A_288 {descending = true} : (vector<16xf32>, vector<16xi32>, vector<16xi1>) -> (vector<16xi1>, vector<16xf32>, vector<16xi32>)
    %get3A_292 = arith.constant 7 : i32
    %get3A_293 = arith.constant 0 : i32
    %get3A_294 = arith.index_cast %get3A_292 : i32 to index
    %get3A_295 = arith.index_cast %get3A_293 : i32 to index
    %get3A_296 = arith.constant 0 : index
    %get3A_297 = tpu.vector_load %arg13[%get3A_294, %get3A_295, %get3A_296] {strides = array<i32>} : memref<16x1x16xf32, #tpu.memory_space<vmem>>, vector<16xf32>,
    %add3A_298 = arith.constant 112 : i32
    %add3A_299 = vector.broadcast %add3A_298 : i32 to vector<16xi32>
    %add3A_300 = arith.addi %add3A_299, %iota3A : vector<16xi32>
    %masked_sort3A_301 = arith.constant dense<true> : vector<16xi1>
    %masked_sort3A_302, %masked_sort3A_303, %masked_sort3A_304 = tpu.sort %get3A_297, %add3A_300 masked %masked_sort3A_301 {descending = true} : (vector<16xf32>, vector<16xi32>, vector<16xi1>) -> (vector<16xi1>, vector<16xf32>, vector<16xi32>)
    %rev3A_305 = arith.constant 15 : i32
    %rev3A_306 = vector.broadcast %rev3A_305 : i32 to vector<16xi32>
    %rev3A_307 = tpu.iota {dimensions = array<i32: 0>} : vector<16xi32>
    %rev3A_308 = arith.subi %rev3A_306, %rev3A_307 : vector<16xi32>
    %rev3A_309 = tpu.dynamic_gather %masked_sort3A_303[%rev3A_308] in [0] : vector<16xf32>, vector<16xi32> -> vector<16xf32>
    %rev3A_310 = arith.constant 15 : i32
    %rev3A_311 = vector.broadcast %rev3A_310 : i32 to vector<16xi32>
    %rev3A_312 = tpu.iota {dimensions = array<i32: 0>} : vector<16xi32>
    %rev3A_313 = arith.subi %rev3A_311, %rev3A_312 : vector<16xi32>
    %rev3A_314 = tpu.dynamic_gather %masked_sort3A_304[%rev3A_313] in [0] : vector<16xi32>, vector<16xi32> -> vector<16xi32>
    %ge3A_315 = arith.cmpf oge, %masked_sort3A_290, %rev3A_309 : vector<16xf32>
    %select_n3A_316 = arith.select %ge3A_315, %masked_sort3A_290, %rev3A_309 : vector<16xi1>, vector<16xf32>
    %select_n3A_317 = arith.select %ge3A_315, %masked_sort3A_291, %rev3A_314 : vector<16xi1>, vector<16xi32>
    %ge3A_318 = arith.cmpf oge, %masked_sort3A_286, %select_n3A_316 : vector<16xf32>
    %select_n3A_319 = arith.select %ge3A_318, %masked_sort3A_286, %select_n3A_316 : vector<16xi1>, vector<16xf32>
    %select_n3A_320 = arith.select %ge3A_318, %masked_sort3A_287, %select_n3A_317 : vector<16xi1>, vector<16xi32>
    %select_n3A_321 = arith.select %ge3A_318, %select_n3A_316, %masked_sort3A_286 : vector<16xi1>, vector<16xf32>
    %select_n3A_322 = arith.select %ge3A_318, %select_n3A_317, %masked_sort3A_287 : vector<16xi1>, vector<16xi32>
    %masked_sort3A_323 = arith.constant dense<true> : vector<16xi1>
    %masked_sort3A_324, %masked_sort3A_325, %masked_sort3A_326 = tpu.sort %select_n3A_319, %select_n3A_320 masked %masked_sort3A_323 {descending = true} : (vector<16xf32>, vector<16xi32>, vector<16xi1>) -> (vector<16xi1>, vector<16xf32>, vector<16xi32>)
    %masked_sort3A_327 = arith.constant dense<true> : vector<16xi1>
    %masked_sort3A_328, %masked_sort3A_329, %masked_sort3A_330 = tpu.sort %select_n3A_321, %select_n3A_322 masked %masked_sort3A_327 {descending = true} : (vector<16xf32>, vector<16xi32>, vector<16xi1>) -> (vector<16xi1>, vector<16xf32>, vector<16xi32>)
    %get3A_331 = arith.constant 8 : i32
    %get3A_332 = arith.constant 0 : i32
    %get3A_333 = arith.index_cast %get3A_331 : i32 to index
    %get3A_334 = arith.index_cast %get3A_332 : i32 to index
    %get3A_335 = arith.constant 0 : index
    %get3A_336 = tpu.vector_load %arg13[%get3A_333, %get3A_334, %get3A_335] {strides = array<i32>} : memref<16x1x16xf32, #tpu.memory_space<vmem>>, vector<16xf32>,
    %add3A_337 = arith.constant 128 : i32
    %add3A_338 = vector.broadcast %add3A_337 : i32 to vector<16xi32>
    %add3A_339 = arith.addi %add3A_338, %iota3A : vector<16xi32>
    %masked_sort3A_340 = arith.constant dense<true> : vector<16xi1>
    %masked_sort3A_341, %masked_sort3A_342, %masked_sort3A_343 = tpu.sort %get3A_336, %add3A_339 masked %masked_sort3A_340 {descending = true} : (vector<16xf32>, vector<16xi32>, vector<16xi1>) -> (vector<16xi1>, vector<16xf32>, vector<16xi32>)
    %rev3A_344 = arith.constant 15 : i32
    %rev3A_345 = vector.broadcast %rev3A_344 : i32 to vector<16xi32>
    %rev3A_346 = tpu.iota {dimensions = array<i32: 0>} : vector<16xi32>
    %rev3A_347 = arith.subi %rev3A_345, %rev3A_346 : vector<16xi32>
    %rev3A_348 = tpu.dynamic_gather %masked_sort3A_342[%rev3A_347] in [0] : vector<16xf32>, vector<16xi32> -> vector<16xf32>
    %rev3A_349 = arith.constant 15 : i32
    %rev3A_350 = vector.broadcast %rev3A_349 : i32 to vector<16xi32>
    %rev3A_351 = tpu.iota {dimensions = array<i32: 0>} : vector<16xi32>
    %rev3A_352 = arith.subi %rev3A_350, %rev3A_351 : vector<16xi32>
    %rev3A_353 = tpu.dynamic_gather %masked_sort3A_343[%rev3A_352] in [0] : vector<16xi32>, vector<16xi32> -> vector<16xi32>
    %ge3A_354 = arith.cmpf oge, %masked_sort3A_329, %rev3A_348 : vector<16xf32>
    %select_n3A_355 = arith.select %ge3A_354, %masked_sort3A_329, %rev3A_348 : vector<16xi1>, vector<16xf32>
    %select_n3A_356 = arith.select %ge3A_354, %masked_sort3A_330, %rev3A_353 : vector<16xi1>, vector<16xi32>
    %ge3A_357 = arith.cmpf oge, %masked_sort3A_325, %select_n3A_355 : vector<16xf32>
    %select_n3A_358 = arith.select %ge3A_357, %masked_sort3A_325, %select_n3A_355 : vector<16xi1>, vector<16xf32>
    %select_n3A_359 = arith.select %ge3A_357, %masked_sort3A_326, %select_n3A_356 : vector<16xi1>, vector<16xi32>
    %select_n3A_360 = arith.select %ge3A_357, %select_n3A_355, %masked_sort3A_325 : vector<16xi1>, vector<16xf32>
    %select_n3A_361 = arith.select %ge3A_357, %select_n3A_356, %masked_sort3A_326 : vector<16xi1>, vector<16xi32>
    %masked_sort3A_362 = arith.constant dense<true> : vector<16xi1>
    %masked_sort3A_363, %masked_sort3A_364, %masked_sort3A_365 = tpu.sort %select_n3A_358, %select_n3A_359 masked %masked_sort3A_362 {descending = true} : (vector<16xf32>, vector<16xi32>, vector<16xi1>) -> (vector<16xi1>, vector<16xf32>, vector<16xi32>)
    %masked_sort3A_366 = arith.constant dense<true> : vector<16xi1>
    %masked_sort3A_367, %masked_sort3A_368, %masked_sort3A_369 = tpu.sort %select_n3A_360, %select_n3A_361 masked %masked_sort3A_366 {descending = true} : (vector<16xf32>, vector<16xi32>, vector<16xi1>) -> (vector<16xi1>, vector<16xf32>, vector<16xi32>)
    %get3A_370 = arith.constant 9 : i32
    %get3A_371 = arith.constant 0 : i32
    %get3A_372 = arith.index_cast %get3A_370 : i32 to index
    %get3A_373 = arith.index_cast %get3A_371 : i32 to index
    %get3A_374 = arith.constant 0 : index
    %get3A_375 = tpu.vector_load %arg13[%get3A_372, %get3A_373, %get3A_374] {strides = array<i32>} : memref<16x1x16xf32, #tpu.memory_space<vmem>>, vector<16xf32>,
    %add3A_376 = arith.constant 144 : i32
    %add3A_377 = vector.broadcast %add3A_376 : i32 to vector<16xi32>
    %add3A_378 = arith.addi %add3A_377, %iota3A : vector<16xi32>
    %masked_sort3A_379 = arith.constant dense<true> : vector<16xi1>
    %masked_sort3A_380, %masked_sort3A_381, %masked_sort3A_382 = tpu.sort %get3A_375, %add3A_378 masked %masked_sort3A_379 {descending = true} : (vector<16xf32>, vector<16xi32>, vector<16xi1>) -> (vector<16xi1>, vector<16xf32>, vector<16xi32>)
    %rev3A_383 = arith.constant 15 : i32
    %rev3A_384 = vector.broadcast %rev3A_383 : i32 to vector<16xi32>
    %rev3A_385 = tpu.iota {dimensions = array<i32: 0>} : vector<16xi32>
    %rev3A_386 = arith.subi %rev3A_384, %rev3A_385 : vector<16xi32>
    %rev3A_387 = tpu.dynamic_gather %masked_sort3A_381[%rev3A_386] in [0] : vector<16xf32>, vector<16xi32> -> vector<16xf32>
    %rev3A_388 = arith.constant 15 : i32
    %rev3A_389 = vector.broadcast %rev3A_388 : i32 to vector<16xi32>
    %rev3A_390 = tpu.iota {dimensions = array<i32: 0>} : vector<16xi32>
    %rev3A_391 = arith.subi %rev3A_389, %rev3A_390 : vector<16xi32>
    %rev3A_392 = tpu.dynamic_gather %masked_sort3A_382[%rev3A_391] in [0] : vector<16xi32>, vector<16xi32> -> vector<16xi32>
    %ge3A_393 = arith.cmpf oge, %masked_sort3A_368, %rev3A_387 : vector<16xf32>
    %select_n3A_394 = arith.select %ge3A_393, %masked_sort3A_368, %rev3A_387 : vector<16xi1>, vector<16xf32>
    %select_n3A_395 = arith.select %ge3A_393, %masked_sort3A_369, %rev3A_392 : vector<16xi1>, vector<16xi32>
    %ge3A_396 = arith.cmpf oge, %masked_sort3A_364, %select_n3A_394 : vector<16xf32>
    %select_n3A_397 = arith.select %ge3A_396, %masked_sort3A_364, %select_n3A_394 : vector<16xi1>, vector<16xf32>
    %select_n3A_398 = arith.select %ge3A_396, %masked_sort3A_365, %select_n3A_395 : vector<16xi1>, vector<16xi32>
    %select_n3A_399 = arith.select %ge3A_396, %select_n3A_394, %masked_sort3A_364 : vector<16xi1>, vector<16xf32>
    %select_n3A_400 = arith.select %ge3A_396, %select_n3A_395, %masked_sort3A_365 : vector<16xi1>, vector<16xi32>
    %masked_sort3A_401 = arith.constant dense<true> : vector<16xi1>
    %masked_sort3A_402, %masked_sort3A_403, %masked_sort3A_404 = tpu.sort %select_n3A_397, %select_n3A_398 masked %masked_sort3A_401 {descending = true} : (vector<16xf32>, vector<16xi32>, vector<16xi1>) -> (vector<16xi1>, vector<16xf32>, vector<16xi32>)
    %masked_sort3A_405 = arith.constant dense<true> : vector<16xi1>
    %masked_sort3A_406, %masked_sort3A_407, %masked_sort3A_408 = tpu.sort %select_n3A_399, %select_n3A_400 masked %masked_sort3A_405 {descending = true} : (vector<16xf32>, vector<16xi32>, vector<16xi1>) -> (vector<16xi1>, vector<16xf32>, vector<16xi32>)
    %get3A_409 = arith.constant 10 : i32
    %get3A_410 = arith.constant 0 : i32
    %get3A_411 = arith.index_cast %get3A_409 : i32 to index
    %get3A_412 = arith.index_cast %get3A_410 : i32 to index
    %get3A_413 = arith.constant 0 : index
    %get3A_414 = tpu.vector_load %arg13[%get3A_411, %get3A_412, %get3A_413] {strides = array<i32>} : memref<16x1x16xf32, #tpu.memory_space<vmem>>, vector<16xf32>,
    %add3A_415 = arith.constant 160 : i32
    %add3A_416 = vector.broadcast %add3A_415 : i32 to vector<16xi32>
    %add3A_417 = arith.addi %add3A_416, %iota3A : vector<16xi32>
    %masked_sort3A_418 = arith.constant dense<true> : vector<16xi1>
    %masked_sort3A_419, %masked_sort3A_420, %masked_sort3A_421 = tpu.sort %get3A_414, %add3A_417 masked %masked_sort3A_418 {descending = true} : (vector<16xf32>, vector<16xi32>, vector<16xi1>) -> (vector<16xi1>, vector<16xf32>, vector<16xi32>)
    %rev3A_422 = arith.constant 15 : i32
    %rev3A_423 = vector.broadcast %rev3A_422 : i32 to vector<16xi32>
    %rev3A_424 = tpu.iota {dimensions = array<i32: 0>} : vector<16xi32>
    %rev3A_425 = arith.subi %rev3A_423, %rev3A_424 : vector<16xi32>
    %rev3A_426 = tpu.dynamic_gather %masked_sort3A_420[%rev3A_425] in [0] : vector<16xf32>, vector<16xi32> -> vector<16xf32>
    %rev3A_427 = arith.constant 15 : i32
    %rev3A_428 = vector.broadcast %rev3A_427 : i32 to vector<16xi32>
    %rev3A_429 = tpu.iota {dimensions = array<i32: 0>} : vector<16xi32>
    %rev3A_430 = arith.subi %rev3A_428, %rev3A_429 : vector<16xi32>
    %rev3A_431 = tpu.dynamic_gather %masked_sort3A_421[%rev3A_430] in [0] : vector<16xi32>, vector<16xi32> -> vector<16xi32>
    %ge3A_432 = arith.cmpf oge, %masked_sort3A_407, %rev3A_426 : vector<16xf32>
    %select_n3A_433 = arith.select %ge3A_432, %masked_sort3A_407, %rev3A_426 : vector<16xi1>, vector<16xf32>
    %select_n3A_434 = arith.select %ge3A_432, %masked_sort3A_408, %rev3A_431 : vector<16xi1>, vector<16xi32>
    %ge3A_435 = arith.cmpf oge, %masked_sort3A_403, %select_n3A_433 : vector<16xf32>
    %select_n3A_436 = arith.select %ge3A_435, %masked_sort3A_403, %select_n3A_433 : vector<16xi1>, vector<16xf32>
    %select_n3A_437 = arith.select %ge3A_435, %masked_sort3A_404, %select_n3A_434 : vector<16xi1>, vector<16xi32>
    %select_n3A_438 = arith.select %ge3A_435, %select_n3A_433, %masked_sort3A_403 : vector<16xi1>, vector<16xf32>
    %select_n3A_439 = arith.select %ge3A_435, %select_n3A_434, %masked_sort3A_404 : vector<16xi1>, vector<16xi32>
    %masked_sort3A_440 = arith.constant dense<true> : vector<16xi1>
    %masked_sort3A_441, %masked_sort3A_442, %masked_sort3A_443 = tpu.sort %select_n3A_436, %select_n3A_437 masked %masked_sort3A_440 {descending = true} : (vector<16xf32>, vector<16xi32>, vector<16xi1>) -> (vector<16xi1>, vector<16xf32>, vector<16xi32>)
    %masked_sort3A_444 = arith.constant dense<true> : vector<16xi1>
    %masked_sort3A_445, %masked_sort3A_446, %masked_sort3A_447 = tpu.sort %select_n3A_438, %select_n3A_439 masked %masked_sort3A_444 {descending = true} : (vector<16xf32>, vector<16xi32>, vector<16xi1>) -> (vector<16xi1>, vector<16xf32>, vector<16xi32>)
    %get3A_448 = arith.constant 11 : i32
    %get3A_449 = arith.constant 0 : i32
    %get3A_450 = arith.index_cast %get3A_448 : i32 to index
    %get3A_451 = arith.index_cast %get3A_449 : i32 to index
    %get3A_452 = arith.constant 0 : index
    %get3A_453 = tpu.vector_load %arg13[%get3A_450, %get3A_451, %get3A_452] {strides = array<i32>} : memref<16x1x16xf32, #tpu.memory_space<vmem>>, vector<16xf32>,
    %add3A_454 = arith.constant 176 : i32
    %add3A_455 = vector.broadcast %add3A_454 : i32 to vector<16xi32>
    %add3A_456 = arith.addi %add3A_455, %iota3A : vector<16xi32>
    %masked_sort3A_457 = arith.constant dense<true> : vector<16xi1>
    %masked_sort3A_458, %masked_sort3A_459, %masked_sort3A_460 = tpu.sort %get3A_453, %add3A_456 masked %masked_sort3A_457 {descending = true} : (vector<16xf32>, vector<16xi32>, vector<16xi1>) -> (vector<16xi1>, vector<16xf32>, vector<16xi32>)
    %rev3A_461 = arith.constant 15 : i32
    %rev3A_462 = vector.broadcast %rev3A_461 : i32 to vector<16xi32>
    %rev3A_463 = tpu.iota {dimensions = array<i32: 0>} : vector<16xi32>
    %rev3A_464 = arith.subi %rev3A_462, %rev3A_463 : vector<16xi32>
    %rev3A_465 = tpu.dynamic_gather %masked_sort3A_459[%rev3A_464] in [0] : vector<16xf32>, vector<16xi32> -> vector<16xf32>
    %rev3A_466 = arith.constant 15 : i32
    %rev3A_467 = vector.broadcast %rev3A_466 : i32 to vector<16xi32>
    %rev3A_468 = tpu.iota {dimensions = array<i32: 0>} : vector<16xi32>
    %rev3A_469 = arith.subi %rev3A_467, %rev3A_468 : vector<16xi32>
    %rev3A_470 = tpu.dynamic_gather %masked_sort3A_460[%rev3A_469] in [0] : vector<16xi32>, vector<16xi32> -> vector<16xi32>
    %ge3A_471 = arith.cmpf oge, %masked_sort3A_446, %rev3A_465 : vector<16xf32>
    %select_n3A_472 = arith.select %ge3A_471, %masked_sort3A_446, %rev3A_465 : vector<16xi1>, vector<16xf32>
    %select_n3A_473 = arith.select %ge3A_471, %masked_sort3A_447, %rev3A_470 : vector<16xi1>, vector<16xi32>
    %ge3A_474 = arith.cmpf oge, %masked_sort3A_442, %select_n3A_472 : vector<16xf32>
    %select_n3A_475 = arith.select %ge3A_474, %masked_sort3A_442, %select_n3A_472 : vector<16xi1>, vector<16xf32>
    %select_n3A_476 = arith.select %ge3A_474, %masked_sort3A_443, %select_n3A_473 : vector<16xi1>, vector<16xi32>
    %select_n3A_477 = arith.select %ge3A_474, %select_n3A_472, %masked_sort3A_442 : vector<16xi1>, vector<16xf32>
    %select_n3A_478 = arith.select %ge3A_474, %select_n3A_473, %masked_sort3A_443 : vector<16xi1>, vector<16xi32>
    %masked_sort3A_479 = arith.constant dense<true> : vector<16xi1>
    %masked_sort3A_480, %masked_sort3A_481, %masked_sort3A_482 = tpu.sort %select_n3A_475, %select_n3A_476 masked %masked_sort3A_479 {descending = true} : (vector<16xf32>, vector<16xi32>, vector<16xi1>) -> (vector<16xi1>, vector<16xf32>, vector<16xi32>)
    %masked_sort3A_483 = arith.constant dense<true> : vector<16xi1>
    %masked_sort3A_484, %masked_sort3A_485, %masked_sort3A_486 = tpu.sort %select_n3A_477, %select_n3A_478 masked %masked_sort3A_483 {descending = true} : (vector<16xf32>, vector<16xi32>, vector<16xi1>) -> (vector<16xi1>, vector<16xf32>, vector<16xi32>)
    %get3A_487 = arith.constant 12 : i32
    %get3A_488 = arith.constant 0 : i32
    %get3A_489 = arith.index_cast %get3A_487 : i32 to index
    %get3A_490 = arith.index_cast %get3A_488 : i32 to index
    %get3A_491 = arith.constant 0 : index
    %get3A_492 = tpu.vector_load %arg13[%get3A_489, %get3A_490, %get3A_491] {strides = array<i32>} : memref<16x1x16xf32, #tpu.memory_space<vmem>>, vector<16xf32>,
    %add3A_493 = arith.constant 192 : i32
    %add3A_494 = vector.broadcast %add3A_493 : i32 to vector<16xi32>
    %add3A_495 = arith.addi %add3A_494, %iota3A : vector<16xi32>
    %masked_sort3A_496 = arith.constant dense<true> : vector<16xi1>
    %masked_sort3A_497, %masked_sort3A_498, %masked_sort3A_499 = tpu.sort %get3A_492, %add3A_495 masked %masked_sort3A_496 {descending = true} : (vector<16xf32>, vector<16xi32>, vector<16xi1>) -> (vector<16xi1>, vector<16xf32>, vector<16xi32>)
    %rev3A_500 = arith.constant 15 : i32
    %rev3A_501 = vector.broadcast %rev3A_500 : i32 to vector<16xi32>
    %rev3A_502 = tpu.iota {dimensions = array<i32: 0>} : vector<16xi32>
    %rev3A_503 = arith.subi %rev3A_501, %rev3A_502 : vector<16xi32>
    %rev3A_504 = tpu.dynamic_gather %masked_sort3A_498[%rev3A_503] in [0] : vector<16xf32>, vector<16xi32> -> vector<16xf32>
    %rev3A_505 = arith.constant 15 : i32
    %rev3A_506 = vector.broadcast %rev3A_505 : i32 to vector<16xi32>
    %rev3A_507 = tpu.iota {dimensions = array<i32: 0>} : vector<16xi32>
    %rev3A_508 = arith.subi %rev3A_506, %rev3A_507 : vector<16xi32>
    %rev3A_509 = tpu.dynamic_gather %masked_sort3A_499[%rev3A_508] in [0] : vector<16xi32>, vector<16xi32> -> vector<16xi32>
    %ge3A_510 = arith.cmpf oge, %masked_sort3A_485, %rev3A_504 : vector<16xf32>
    %select_n3A_511 = arith.select %ge3A_510, %masked_sort3A_485, %rev3A_504 : vector<16xi1>, vector<16xf32>
    %select_n3A_512 = arith.select %ge3A_510, %masked_sort3A_486, %rev3A_509 : vector<16xi1>, vector<16xi32>
    %ge3A_513 = arith.cmpf oge, %masked_sort3A_481, %select_n3A_511 : vector<16xf32>
    %select_n3A_514 = arith.select %ge3A_513, %masked_sort3A_481, %select_n3A_511 : vector<16xi1>, vector<16xf32>
    %select_n3A_515 = arith.select %ge3A_513, %masked_sort3A_482, %select_n3A_512 : vector<16xi1>, vector<16xi32>
    %select_n3A_516 = arith.select %ge3A_513, %select_n3A_511, %masked_sort3A_481 : vector<16xi1>, vector<16xf32>
    %select_n3A_517 = arith.select %ge3A_513, %select_n3A_512, %masked_sort3A_482 : vector<16xi1>, vector<16xi32>
    %masked_sort3A_518 = arith.constant dense<true> : vector<16xi1>
    %masked_sort3A_519, %masked_sort3A_520, %masked_sort3A_521 = tpu.sort %select_n3A_514, %select_n3A_515 masked %masked_sort3A_518 {descending = true} : (vector<16xf32>, vector<16xi32>, vector<16xi1>) -> (vector<16xi1>, vector<16xf32>, vector<16xi32>)
    %masked_sort3A_522 = arith.constant dense<true> : vector<16xi1>
    %masked_sort3A_523, %masked_sort3A_524, %masked_sort3A_525 = tpu.sort %select_n3A_516, %select_n3A_517 masked %masked_sort3A_522 {descending = true} : (vector<16xf32>, vector<16xi32>, vector<16xi1>) -> (vector<16xi1>, vector<16xf32>, vector<16xi32>)
    %get3A_526 = arith.constant 13 : i32
    %get3A_527 = arith.constant 0 : i32
    %get3A_528 = arith.index_cast %get3A_526 : i32 to index
    %get3A_529 = arith.index_cast %get3A_527 : i32 to index
    %get3A_530 = arith.constant 0 : index
    %get3A_531 = tpu.vector_load %arg13[%get3A_528, %get3A_529, %get3A_530] {strides = array<i32>} : memref<16x1x16xf32, #tpu.memory_space<vmem>>, vector<16xf32>,
    %add3A_532 = arith.constant 208 : i32
    %add3A_533 = vector.broadcast %add3A_532 : i32 to vector<16xi32>
    %add3A_534 = arith.addi %add3A_533, %iota3A : vector<16xi32>
    %masked_sort3A_535 = arith.constant dense<true> : vector<16xi1>
    %masked_sort3A_536, %masked_sort3A_537, %masked_sort3A_538 = tpu.sort %get3A_531, %add3A_534 masked %masked_sort3A_535 {descending = true} : (vector<16xf32>, vector<16xi32>, vector<16xi1>) -> (vector<16xi1>, vector<16xf32>, vector<16xi32>)
    %rev3A_539 = arith.constant 15 : i32
    %rev3A_540 = vector.broadcast %rev3A_539 : i32 to vector<16xi32>
    %rev3A_541 = tpu.iota {dimensions = array<i32: 0>} : vector<16xi32>
    %rev3A_542 = arith.subi %rev3A_540, %rev3A_541 : vector<16xi32>
    %rev3A_543 = tpu.dynamic_gather %masked_sort3A_537[%rev3A_542] in [0] : vector<16xf32>, vector<16xi32> -> vector<16xf32>
    %rev3A_544 = arith.constant 15 : i32
    %rev3A_545 = vector.broadcast %rev3A_544 : i32 to vector<16xi32>
    %rev3A_546 = tpu.iota {dimensions = array<i32: 0>} : vector<16xi32>
    %rev3A_547 = arith.subi %rev3A_545, %rev3A_546 : vector<16xi32>
    %rev3A_548 = tpu.dynamic_gather %masked_sort3A_538[%rev3A_547] in [0] : vector<16xi32>, vector<16xi32> -> vector<16xi32>
    %ge3A_549 = arith.cmpf oge, %masked_sort3A_524, %rev3A_543 : vector<16xf32>
    %select_n3A_550 = arith.select %ge3A_549, %masked_sort3A_524, %rev3A_543 : vector<16xi1>, vector<16xf32>
    %select_n3A_551 = arith.select %ge3A_549, %masked_sort3A_525, %rev3A_548 : vector<16xi1>, vector<16xi32>
    %ge3A_552 = arith.cmpf oge, %masked_sort3A_520, %select_n3A_550 : vector<16xf32>
    %select_n3A_553 = arith.select %ge3A_552, %masked_sort3A_520, %select_n3A_550 : vector<16xi1>, vector<16xf32>
    %select_n3A_554 = arith.select %ge3A_552, %masked_sort3A_521, %select_n3A_551 : vector<16xi1>, vector<16xi32>
    %select_n3A_555 = arith.select %ge3A_552, %select_n3A_550, %masked_sort3A_520 : vector<16xi1>, vector<16xf32>
    %select_n3A_556 = arith.select %ge3A_552, %select_n3A_551, %masked_sort3A_521 : vector<16xi1>, vector<16xi32>
    %masked_sort3A_557 = arith.constant dense<true> : vector<16xi1>
    %masked_sort3A_558, %masked_sort3A_559, %masked_sort3A_560 = tpu.sort %select_n3A_553, %select_n3A_554 masked %masked_sort3A_557 {descending = true} : (vector<16xf32>, vector<16xi32>, vector<16xi1>) -> (vector<16xi1>, vector<16xf32>, vector<16xi32>)
    %masked_sort3A_561 = arith.constant dense<true> : vector<16xi1>
    %masked_sort3A_562, %masked_sort3A_563, %masked_sort3A_564 = tpu.sort %select_n3A_555, %select_n3A_556 masked %masked_sort3A_561 {descending = true} : (vector<16xf32>, vector<16xi32>, vector<16xi1>) -> (vector<16xi1>, vector<16xf32>, vector<16xi32>)
    %get3A_565 = arith.constant 14 : i32
    %get3A_566 = arith.constant 0 : i32
    %get3A_567 = arith.index_cast %get3A_565 : i32 to index
    %get3A_568 = arith.index_cast %get3A_566 : i32 to index
    %get3A_569 = arith.constant 0 : index
    %get3A_570 = tpu.vector_load %arg13[%get3A_567, %get3A_568, %get3A_569] {strides = array<i32>} : memref<16x1x16xf32, #tpu.memory_space<vmem>>, vector<16xf32>,
    %add3A_571 = arith.constant 224 : i32
    %add3A_572 = vector.broadcast %add3A_571 : i32 to vector<16xi32>
    %add3A_573 = arith.addi %add3A_572, %iota3A : vector<16xi32>
    %masked_sort3A_574 = arith.constant dense<true> : vector<16xi1>
    %masked_sort3A_575, %masked_sort3A_576, %masked_sort3A_577 = tpu.sort %get3A_570, %add3A_573 masked %masked_sort3A_574 {descending = true} : (vector<16xf32>, vector<16xi32>, vector<16xi1>) -> (vector<16xi1>, vector<16xf32>, vector<16xi32>)
    %rev3A_578 = arith.constant 15 : i32
    %rev3A_579 = vector.broadcast %rev3A_578 : i32 to vector<16xi32>
    %rev3A_580 = tpu.iota {dimensions = array<i32: 0>} : vector<16xi32>
    %rev3A_581 = arith.subi %rev3A_579, %rev3A_580 : vector<16xi32>
    %rev3A_582 = tpu.dynamic_gather %masked_sort3A_576[%rev3A_581] in [0] : vector<16xf32>, vector<16xi32> -> vector<16xf32>
    %rev3A_583 = arith.constant 15 : i32
    %rev3A_584 = vector.broadcast %rev3A_583 : i32 to vector<16xi32>
    %rev3A_585 = tpu.iota {dimensions = array<i32: 0>} : vector<16xi32>
    %rev3A_586 = arith.subi %rev3A_584, %rev3A_585 : vector<16xi32>
    %rev3A_587 = tpu.dynamic_gather %masked_sort3A_577[%rev3A_586] in [0] : vector<16xi32>, vector<16xi32> -> vector<16xi32>
    %ge3A_588 = arith.cmpf oge, %masked_sort3A_563, %rev3A_582 : vector<16xf32>
    %select_n3A_589 = arith.select %ge3A_588, %masked_sort3A_563, %rev3A_582 : vector<16xi1>, vector<16xf32>
    %select_n3A_590 = arith.select %ge3A_588, %masked_sort3A_564, %rev3A_587 : vector<16xi1>, vector<16xi32>
    %ge3A_591 = arith.cmpf oge, %masked_sort3A_559, %select_n3A_589 : vector<16xf32>
    %select_n3A_592 = arith.select %ge3A_591, %masked_sort3A_559, %select_n3A_589 : vector<16xi1>, vector<16xf32>
    %select_n3A_593 = arith.select %ge3A_591, %masked_sort3A_560, %select_n3A_590 : vector<16xi1>, vector<16xi32>
    %select_n3A_594 = arith.select %ge3A_591, %select_n3A_589, %masked_sort3A_559 : vector<16xi1>, vector<16xf32>
    %select_n3A_595 = arith.select %ge3A_591, %select_n3A_590, %masked_sort3A_560 : vector<16xi1>, vector<16xi32>
    %masked_sort3A_596 = arith.constant dense<true> : vector<16xi1>
    %masked_sort3A_597, %masked_sort3A_598, %masked_sort3A_599 = tpu.sort %select_n3A_592, %select_n3A_593 masked %masked_sort3A_596 {descending = true} : (vector<16xf32>, vector<16xi32>, vector<16xi1>) -> (vector<16xi1>, vector<16xf32>, vector<16xi32>)
    %masked_sort3A_600 = arith.constant dense<true> : vector<16xi1>
    %masked_sort3A_601, %masked_sort3A_602, %masked_sort3A_603 = tpu.sort %select_n3A_594, %select_n3A_595 masked %masked_sort3A_600 {descending = true} : (vector<16xf32>, vector<16xi32>, vector<16xi1>) -> (vector<16xi1>, vector<16xf32>, vector<16xi32>)
    %get3A_604 = arith.constant 15 : i32
    %get3A_605 = arith.constant 0 : i32
    %get3A_606 = arith.index_cast %get3A_604 : i32 to index
    %get3A_607 = arith.index_cast %get3A_605 : i32 to index
    %get3A_608 = arith.constant 0 : index
    %get3A_609 = tpu.vector_load %arg13[%get3A_606, %get3A_607, %get3A_608] {strides = array<i32>} : memref<16x1x16xf32, #tpu.memory_space<vmem>>, vector<16xf32>,
    %add3A_610 = arith.constant 240 : i32
    %add3A_611 = vector.broadcast %add3A_610 : i32 to vector<16xi32>
    %add3A_612 = arith.addi %add3A_611, %iota3A : vector<16xi32>
    %masked_sort3A_613 = arith.constant dense<true> : vector<16xi1>
    %masked_sort3A_614, %masked_sort3A_615, %masked_sort3A_616 = tpu.sort %get3A_609, %add3A_612 masked %masked_sort3A_613 {descending = true} : (vector<16xf32>, vector<16xi32>, vector<16xi1>) -> (vector<16xi1>, vector<16xf32>, vector<16xi32>)
    %rev3A_617 = arith.constant 15 : i32
    %rev3A_618 = vector.broadcast %rev3A_617 : i32 to vector<16xi32>
    %rev3A_619 = tpu.iota {dimensions = array<i32: 0>} : vector<16xi32>
    %rev3A_620 = arith.subi %rev3A_618, %rev3A_619 : vector<16xi32>
    %rev3A_621 = tpu.dynamic_gather %masked_sort3A_615[%rev3A_620] in [0] : vector<16xf32>, vector<16xi32> -> vector<16xf32>
    %rev3A_622 = arith.constant 15 : i32
    %rev3A_623 = vector.broadcast %rev3A_622 : i32 to vector<16xi32>
    %rev3A_624 = tpu.iota {dimensions = array<i32: 0>} : vector<16xi32>
    %rev3A_625 = arith.subi %rev3A_623, %rev3A_624 : vector<16xi32>
    %rev3A_626 = tpu.dynamic_gather %masked_sort3A_616[%rev3A_625] in [0] : vector<16xi32>, vector<16xi32> -> vector<16xi32>
    %ge3A_627 = arith.cmpf oge, %masked_sort3A_602, %rev3A_621 : vector<16xf32>
    %select_n3A_628 = arith.select %ge3A_627, %masked_sort3A_602, %rev3A_621 : vector<16xi1>, vector<16xf32>
    %select_n3A_629 = arith.select %ge3A_627, %masked_sort3A_603, %rev3A_626 : vector<16xi1>, vector<16xi32>
    %ge3A_630 = arith.cmpf oge, %masked_sort3A_598, %select_n3A_628 : vector<16xf32>
    %select_n3A_631 = arith.select %ge3A_630, %masked_sort3A_598, %select_n3A_628 : vector<16xi1>, vector<16xf32>
    %select_n3A_632 = arith.select %ge3A_630, %masked_sort3A_599, %select_n3A_629 : vector<16xi1>, vector<16xi32>
    %select_n3A_633 = arith.select %ge3A_630, %select_n3A_628, %masked_sort3A_598 : vector<16xi1>, vector<16xf32>
    %select_n3A_634 = arith.select %ge3A_630, %select_n3A_629, %masked_sort3A_599 : vector<16xi1>, vector<16xi32>
    %masked_sort3A_635 = arith.constant dense<true> : vector<16xi1>
    %masked_sort3A_636, %masked_sort3A_637, %masked_sort3A_638 = tpu.sort %select_n3A_631, %select_n3A_632 masked %masked_sort3A_635 {descending = true} : (vector<16xf32>, vector<16xi32>, vector<16xi1>) -> (vector<16xi1>, vector<16xf32>, vector<16xi32>)
    %masked_sort3A_639 = arith.constant dense<true> : vector<16xi1>
    %masked_sort3A_640, %masked_sort3A_641, %masked_sort3A_642 = tpu.sort %select_n3A_633, %select_n3A_634 masked %masked_sort3A_639 {descending = true} : (vector<16xf32>, vector<16xi32>, vector<16xi1>) -> (vector<16xi1>, vector<16xf32>, vector<16xi32>)
    %swap3A = arith.constant 0 : index
    %swap3A_643 = tpu.vector_load %arg17[%swap3A] {strides = array<i32>} : memref<32xi32, #tpu.memory_space<vmem>>, vector<16xi32>,
    tpu.vector_store %arg17[%swap3A], %masked_sort3A_638 {strides = array<i32>} : memref<32xi32, #tpu.memory_space<vmem>>, vector<16xi32>,
    %swap3A_644 = arith.constant 16 : index
    %swap3A_645 = tpu.vector_load %arg17[%swap3A_644] {strides = array<i32>} : memref<32xi32, #tpu.memory_space<vmem>>, vector<16xi32>,
    tpu.vector_store %arg17[%swap3A_644], %masked_sort3A_642 {strides = array<i32>} : memref<32xi32, #tpu.memory_space<vmem>>, vector<16xi32>,
    %slice3A = vector.extract_strided_slice %masked_sort3A_638 {offsets = [0], sizes = [1], strides = [1]} : vector<16xi32> to vector<1xi32>
    %squeeze3A = vector.extract %slice3A[0] : i32 from vector<1xi32>
    %slice3A_646 = vector.extract_strided_slice %masked_sort3A_638 {offsets = [1], sizes = [1], strides = [1]} : vector<16xi32> to vector<1xi32>
    %squeeze3A_647 = vector.extract %slice3A_646[0] : i32 from vector<1xi32>
    %slice3A_648 = vector.extract_strided_slice %masked_sort3A_638 {offsets = [2], sizes = [1], strides = [1]} : vector<16xi32> to vector<1xi32>
    %squeeze3A_649 = vector.extract %slice3A_648[0] : i32 from vector<1xi32>
    %slice3A_650 = vector.extract_strided_slice %masked_sort3A_638 {offsets = [3], sizes = [1], strides = [1]} : vector<16xi32> to vector<1xi32>
    %squeeze3A_651 = vector.extract %slice3A_650[0] : i32 from vector<1xi32>
    %slice3A_652 = vector.extract_strided_slice %masked_sort3A_638 {offsets = [4], sizes = [1], strides = [1]} : vector<16xi32> to vector<1xi32>
    %squeeze3A_653 = vector.extract %slice3A_652[0] : i32 from vector<1xi32>
    %slice3A_654 = vector.extract_strided_slice %masked_sort3A_638 {offsets = [5], sizes = [1], strides = [1]} : vector<16xi32> to vector<1xi32>
    %squeeze3A_655 = vector.extract %slice3A_654[0] : i32 from vector<1xi32>
    %slice3A_656 = vector.extract_strided_slice %masked_sort3A_638 {offsets = [6], sizes = [1], strides = [1]} : vector<16xi32> to vector<1xi32>
    %squeeze3A_657 = vector.extract %slice3A_656[0] : i32 from vector<1xi32>
    %slice3A_658 = vector.extract_strided_slice %masked_sort3A_638 {offsets = [7], sizes = [1], strides = [1]} : vector<16xi32> to vector<1xi32>
    %squeeze3A_659 = vector.extract %slice3A_658[0] : i32 from vector<1xi32>
    %slice3A_660 = vector.extract_strided_slice %masked_sort3A_638 {offsets = [8], sizes = [1], strides = [1]} : vector<16xi32> to vector<1xi32>
    %squeeze3A_661 = vector.extract %slice3A_660[0] : i32 from vector<1xi32>
    %slice3A_662 = vector.extract_strided_slice %masked_sort3A_638 {offsets = [9], sizes = [1], strides = [1]} : vector<16xi32> to vector<1xi32>
    %squeeze3A_663 = vector.extract %slice3A_662[0] : i32 from vector<1xi32>
    %slice3A_664 = vector.extract_strided_slice %masked_sort3A_638 {offsets = [10], sizes = [1], strides = [1]} : vector<16xi32> to vector<1xi32>
    %squeeze3A_665 = vector.extract %slice3A_664[0] : i32 from vector<1xi32>
    %slice3A_666 = vector.extract_strided_slice %masked_sort3A_638 {offsets = [11], sizes = [1], strides = [1]} : vector<16xi32> to vector<1xi32>
    %squeeze3A_667 = vector.extract %slice3A_666[0] : i32 from vector<1xi32>
    %slice3A_668 = vector.extract_strided_slice %masked_sort3A_638 {offsets = [12], sizes = [1], strides = [1]} : vector<16xi32> to vector<1xi32>
    %squeeze3A_669 = vector.extract %slice3A_668[0] : i32 from vector<1xi32>
    %slice3A_670 = vector.extract_strided_slice %masked_sort3A_638 {offsets = [13], sizes = [1], strides = [1]} : vector<16xi32> to vector<1xi32>
    %squeeze3A_671 = vector.extract %slice3A_670[0] : i32 from vector<1xi32>
    %slice3A_672 = vector.extract_strided_slice %masked_sort3A_638 {offsets = [14], sizes = [1], strides = [1]} : vector<16xi32> to vector<1xi32>
    %squeeze3A_673 = vector.extract %slice3A_672[0] : i32 from vector<1xi32>
    %slice3A_674 = vector.extract_strided_slice %masked_sort3A_638 {offsets = [15], sizes = [1], strides = [1]} : vector<16xi32> to vector<1xi32>
    %squeeze3A_675 = vector.extract %slice3A_674[0] : i32 from vector<1xi32>
    %slice3A_676 = vector.extract_strided_slice %masked_sort3A_642 {offsets = [0], sizes = [1], strides = [1]} : vector<16xi32> to vector<1xi32>
    %squeeze3A_677 = vector.extract %slice3A_676[0] : i32 from vector<1xi32>
    %slice3A_678 = vector.extract_strided_slice %masked_sort3A_642 {offsets = [1], sizes = [1], strides = [1]} : vector<16xi32> to vector<1xi32>
    %squeeze3A_679 = vector.extract %slice3A_678[0] : i32 from vector<1xi32>
    %slice3A_680 = vector.extract_strided_slice %masked_sort3A_642 {offsets = [2], sizes = [1], strides = [1]} : vector<16xi32> to vector<1xi32>
    %squeeze3A_681 = vector.extract %slice3A_680[0] : i32 from vector<1xi32>
    %slice3A_682 = vector.extract_strided_slice %masked_sort3A_642 {offsets = [3], sizes = [1], strides = [1]} : vector<16xi32> to vector<1xi32>
    %squeeze3A_683 = vector.extract %slice3A_682[0] : i32 from vector<1xi32>
    %slice3A_684 = vector.extract_strided_slice %masked_sort3A_642 {offsets = [4], sizes = [1], strides = [1]} : vector<16xi32> to vector<1xi32>
    %squeeze3A_685 = vector.extract %slice3A_684[0] : i32 from vector<1xi32>
    %slice3A_686 = vector.extract_strided_slice %masked_sort3A_642 {offsets = [5], sizes = [1], strides = [1]} : vector<16xi32> to vector<1xi32>
    %squeeze3A_687 = vector.extract %slice3A_686[0] : i32 from vector<1xi32>
    %slice3A_688 = vector.extract_strided_slice %masked_sort3A_642 {offsets = [6], sizes = [1], strides = [1]} : vector<16xi32> to vector<1xi32>
    %squeeze3A_689 = vector.extract %slice3A_688[0] : i32 from vector<1xi32>
    %slice3A_690 = vector.extract_strided_slice %masked_sort3A_642 {offsets = [7], sizes = [1], strides = [1]} : vector<16xi32> to vector<1xi32>
    %squeeze3A_691 = vector.extract %slice3A_690[0] : i32 from vector<1xi32>
    %slice3A_692 = vector.extract_strided_slice %masked_sort3A_642 {offsets = [8], sizes = [1], strides = [1]} : vector<16xi32> to vector<1xi32>
    %squeeze3A_693 = vector.extract %slice3A_692[0] : i32 from vector<1xi32>
    %slice3A_694 = vector.extract_strided_slice %masked_sort3A_642 {offsets = [9], sizes = [1], strides = [1]} : vector<16xi32> to vector<1xi32>
    %squeeze3A_695 = vector.extract %slice3A_694[0] : i32 from vector<1xi32>
    %slice3A_696 = vector.extract_strided_slice %masked_sort3A_642 {offsets = [10], sizes = [1], strides = [1]} : vector<16xi32> to vector<1xi32>
    %squeeze3A_697 = vector.extract %slice3A_696[0] : i32 from vector<1xi32>
    %slice3A_698 = vector.extract_strided_slice %masked_sort3A_642 {offsets = [11], sizes = [1], strides = [1]} : vector<16xi32> to vector<1xi32>
    %squeeze3A_699 = vector.extract %slice3A_698[0] : i32 from vector<1xi32>
    %slice3A_700 = vector.extract_strided_slice %masked_sort3A_642 {offsets = [12], sizes = [1], strides = [1]} : vector<16xi32> to vector<1xi32>
    %squeeze3A_701 = vector.extract %slice3A_700[0] : i32 from vector<1xi32>
    %slice3A_702 = vector.extract_strided_slice %masked_sort3A_642 {offsets = [13], sizes = [1], strides = [1]} : vector<16xi32> to vector<1xi32>
    %squeeze3A_703 = vector.extract %slice3A_702[0] : i32 from vector<1xi32>
    %slice3A_704 = vector.extract_strided_slice %masked_sort3A_642 {offsets = [14], sizes = [1], strides = [1]} : vector<16xi32> to vector<1xi32>
    %squeeze3A_705 = vector.extract %slice3A_704[0] : i32 from vector<1xi32>
    %slice3A_706 = vector.extract_strided_slice %masked_sort3A_642 {offsets = [15], sizes = [1], strides = [1]} : vector<16xi32> to vector<1xi32>
    %squeeze3A_707 = vector.extract %slice3A_706[0] : i32 from vector<1xi32>
    %slice3A_708 = vector.extract_strided_slice %masked_sort3A_641 {offsets = [15], sizes = [1], strides = [1]} : vector<16xf32> to vector<1xf32>
    %squeeze3A_709 = vector.extract %slice3A_708[0] : f32 from vector<1xf32>
    "tpu.trace_stop"() : () -> ()
    "tpu.trace_start"() <{level = 10 : i32, message = "sc_group_gather"}> : () -> ()
    %dma_start3A_710 = arith.constant 0 : i32
    %dma_start3A_711 = arith.constant 0 : i32
    %dma_start3A_712 = tpu.memref_slice %arg2[%add3A, %dma_start3A_710, %dma_start3A_711] : memref<32x256x128xf32, #tpu.memory_space<hbm>> -> memref<1x256x128xf32, #tpu.memory_space<hbm>>
    %dma_start3A_713 = tpu.memref_squeeze %dma_start3A_712 : memref<1x256x128xf32, #tpu.memory_space<hbm>> -> memref<256x128xf32, #tpu.memory_space<hbm>>
    %dma_start3A_714 = arith.constant 0 : i32
    %dma_start3A_715 = arith.constant 0 : i32
    %dma_start3A_716 = tpu.memref_slice %dma_start3A_713[%dma_start3A_714, %dma_start3A_715] : memref<256x128xf32, #tpu.memory_space<hbm>> -> memref<256x128xf32, #tpu.memory_space<hbm>>
    tpu.enqueue_indirect_dma source(%dma_start3A_716 : memref<256x128xf32, #tpu.memory_space<hbm>>) target(%arg9 : memref<32x128xf32, #tpu.memory_space<vmem>>) offsets(%arg17 : memref<32xi32, #tpu.memory_space<vmem>>) semaphore(%arg20 : memref<!tpu.dma_semaphore, #tpu.memory_space<semaphore_mem>>)
    %scan3A = arith.constant 0 : i32
    %scan3A_717 = arith.constant 0 : i32
    %scan3A_718 = arith.constant 128 : i32
    %scan3A_719 = arith.addi %scan3A_717, %scan3A_718 : i32
    %scan3A_720 = arith.constant 1 : i32
    scf.for %scan3A_1051 = %scan3A_717 to %scan3A_719 step %scan3A_720  : i32 {
      %mul3A_1052 = arith.constant 64 : i32
      %mul3A_1053 = arith.muli %scan3A_1051, %mul3A_1052 : i32
      %add3A_1054 = arith.constant 0 : i32
      %add3A_1055 = arith.addi %mul3A_1053, %add3A_1054 : i32
      %swap3A_1056 = arith.index_cast %add3A_1055 : i32 to index
      %swap3A_1057 = tpu.vector_load %arg8[%swap3A_1056] {strides = array<i32>} : memref<32768xf32, #tpu.memory_space<vmem>>, vector<16xf32>,
      tpu.vector_store %arg8[%swap3A_1056], %broadcast_in_dim3A_1 {strides = array<i32>} : memref<32768xf32, #tpu.memory_space<vmem>>, vector<16xf32>,
      %mul3A_1058 = arith.constant 64 : i32
      %mul3A_1059 = arith.muli %scan3A_1051, %mul3A_1058 : i32
      %add3A_1060 = arith.constant 16 : i32
      %add3A_1061 = arith.addi %mul3A_1059, %add3A_1060 : i32
      %swap3A_1062 = arith.index_cast %add3A_1061 : i32 to index
      %swap3A_1063 = tpu.vector_load %arg8[%swap3A_1062] {strides = array<i32>} : memref<32768xf32, #tpu.memory_space<vmem>>, vector<16xf32>,
      tpu.vector_store %arg8[%swap3A_1062], %broadcast_in_dim3A_1 {strides = array<i32>} : memref<32768xf32, #tpu.memory_space<vmem>>, vector<16xf32>,
      %mul3A_1064 = arith.constant 64 : i32
      %mul3A_1065 = arith.muli %scan3A_1051, %mul3A_1064 : i32
      %add3A_1066 = arith.constant 32 : i32
      %add3A_1067 = arith.addi %mul3A_1065, %add3A_1066 : i32
      %swap3A_1068 = arith.index_cast %add3A_1067 : i32 to index
      %swap3A_1069 = tpu.vector_load %arg8[%swap3A_1068] {strides = array<i32>} : memref<32768xf32, #tpu.memory_space<vmem>>, vector<16xf32>,
      tpu.vector_store %arg8[%swap3A_1068], %broadcast_in_dim3A_1 {strides = array<i32>} : memref<32768xf32, #tpu.memory_space<vmem>>, vector<16xf32>,
      %mul3A_1070 = arith.constant 64 : i32
      %mul3A_1071 = arith.muli %scan3A_1051, %mul3A_1070 : i32
      %add3A_1072 = arith.constant 48 : i32
      %add3A_1073 = arith.addi %mul3A_1071, %add3A_1072 : i32
      %swap3A_1074 = arith.index_cast %add3A_1073 : i32 to index
      %swap3A_1075 = tpu.vector_load %arg8[%swap3A_1074] {strides = array<i32>} : memref<32768xf32, #tpu.memory_space<vmem>>, vector<16xf32>,
      tpu.vector_store %arg8[%swap3A_1074], %broadcast_in_dim3A_1 {strides = array<i32>} : memref<32768xf32, #tpu.memory_space<vmem>>, vector<16xf32>,
    }
    %scan3A_721 = arith.constant 128 : i32
    %dma_wait3A_722 = arith.constant 0 : i32
    %dma_wait3A_723 = arith.constant 0 : i32
    %dma_wait3A_724 = tpu.memref_slice %arg2[%add3A, %dma_wait3A_722, %dma_wait3A_723] : memref<32x256x128xf32, #tpu.memory_space<hbm>> -> memref<1x256x128xf32, #tpu.memory_space<hbm>>
    %dma_wait3A_725 = tpu.memref_squeeze %dma_wait3A_724 : memref<1x256x128xf32, #tpu.memory_space<hbm>> -> memref<256x128xf32, #tpu.memory_space<hbm>>
    %dma_wait3A_726 = arith.constant 0 : i32
    %dma_wait3A_727 = arith.constant 0 : i32
    %dma_wait3A_728 = tpu.memref_slice %dma_wait3A_725[%dma_wait3A_726, %dma_wait3A_727] : memref<256x128xf32, #tpu.memory_space<hbm>> -> memref<256x128xf32, #tpu.memory_space<hbm>>
    tpu.wait_indirect_dma semaphore(%arg20 : memref<!tpu.dma_semaphore, #tpu.memory_space<semaphore_mem>>) src(%dma_wait3A_728 : memref<256x128xf32, #tpu.memory_space<hbm>>) dst(%arg9 : memref<32x128xf32, #tpu.memory_space<vmem>>)
    "tpu.trace_stop"() : () -> ()
    "tpu.trace_start"() <{level = 10 : i32, message = "sc_phase_b"}> : () -> ()
    %scan3A_729 = arith.constant 0 : i32
    %scan3A_730 = arith.constant 0 : i32
    %scan3A_731 = arith.constant 8 : i32
    %scan3A_732 = arith.addi %scan3A_730, %scan3A_731 : i32
    %scan3A_733 = arith.constant 1 : i32
    %scan3A_734 = scf.for %scan3A_1051 = %scan3A_730 to %scan3A_732 step %scan3A_733 iter_args(%scan3A_1052 = %scan3A_729) -> (i32)  : i32 {
      %mul3A_1053 = arith.constant 16 : i32
      %mul3A_1054 = arith.muli %scan3A_1051, %mul3A_1053 : i32
      %get3A_1055 = arith.constant 0 : i32
      %get3A_1056 = arith.index_cast %get3A_1055 : i32 to index
      %get3A_1057 = arith.index_cast %mul3A_1054 : i32 to index
      %get3A_1058 = tpu.vector_load %arg9[%get3A_1056, %get3A_1057] {strides = array<i32>} : memref<32x128xf32, #tpu.memory_space<vmem>>, vector<16xf32>,
      %ge3A_1059 = vector.broadcast %squeeze3A_709 : f32 to vector<16xf32>
      %ge3A_1060 = arith.cmpf oge, %get3A_1058, %ge3A_1059 : vector<16xf32>
      %mul3A_1061 = arith.constant 128 : i32
      %mul3A_1062 = arith.muli %squeeze3A, %mul3A_1061 : i32
      %mul3A_1063 = arith.constant 16 : i32
      %mul3A_1064 = arith.muli %scan3A_1051, %mul3A_1063 : i32
      %add3A_1065 = arith.addi %mul3A_1062, %mul3A_1064 : i32
      %add3A_1066 = vector.broadcast %add3A_1065 : i32 to vector<16xi32>
      %add3A_1067 = arith.addi %add3A_1066, %iota3A : vector<16xi32>
      %swap3A_1068 = arith.index_cast %scan3A_1052 : i32 to index
      %swap3A_1069 = tpu.vector_load %arg14[%swap3A_1068] masked %ge3A_1060 {strides = array<i32>} : memref<4112xf32, #tpu.memory_space<vmem>>, vector<16xf32>, vector<16xi1>
      tpu.vector_store %arg14[%swap3A_1068], %get3A_1058 masked %ge3A_1060 {strides = array<i32>} : memref<4112xf32, #tpu.memory_space<vmem>>, vector<16xf32>, vector<16xi1>
      %swap3A_1070 = arith.index_cast %scan3A_1052 : i32 to index
      %swap3A_1071 = tpu.vector_load %arg15[%swap3A_1070] masked %ge3A_1060 {strides = array<i32>} : memref<4112xi32, #tpu.memory_space<vmem>>, vector<16xi32>, vector<16xi1>
      tpu.vector_store %arg15[%swap3A_1070], %add3A_1067 masked %ge3A_1060 {strides = array<i32>} : memref<4112xi32, #tpu.memory_space<vmem>>, vector<16xi32>, vector<16xi1>
      %all_reduce_population_count3A = tpu.all_reduce %ge3A_1060 {dim = 0 : i64, kind = #tpu.reduction_kind<sum>} : vector<16xi1> -> vector<16xi32>
      %slice3A_1072 = vector.extract_strided_slice %all_reduce_population_count3A {offsets = [0], sizes = [1], strides = [1]} : vector<16xi32> to vector<1xi32>
      %squeeze3A_1073 = vector.extract %slice3A_1072[0] : i32 from vector<1xi32>
      %add3A_1074 = arith.addi %scan3A_1052, %squeeze3A_1073 : i32
      scf.yield %add3A_1074 : i32
    }
    %scan3A_735 = arith.constant 8 : i32
    %scan3A_736 = arith.constant 0 : i32
    %scan3A_737 = arith.constant 8 : i32
    %scan3A_738 = arith.addi %scan3A_736, %scan3A_737 : i32
    %scan3A_739 = arith.constant 1 : i32
    %scan3A_740 = scf.for %scan3A_1051 = %scan3A_736 to %scan3A_738 step %scan3A_739 iter_args(%scan3A_1052 = %scan3A_734) -> (i32)  : i32 {
      %mul3A_1053 = arith.constant 16 : i32
      %mul3A_1054 = arith.muli %scan3A_1051, %mul3A_1053 : i32
      %get3A_1055 = arith.constant 1 : i32
      %get3A_1056 = arith.index_cast %get3A_1055 : i32 to index
      %get3A_1057 = arith.index_cast %mul3A_1054 : i32 to index
      %get3A_1058 = tpu.vector_load %arg9[%get3A_1056, %get3A_1057] {strides = array<i32>} : memref<32x128xf32, #tpu.memory_space<vmem>>, vector<16xf32>,
      %ge3A_1059 = vector.broadcast %squeeze3A_709 : f32 to vector<16xf32>
      %ge3A_1060 = arith.cmpf oge, %get3A_1058, %ge3A_1059 : vector<16xf32>
      %mul3A_1061 = arith.constant 128 : i32
      %mul3A_1062 = arith.muli %squeeze3A_647, %mul3A_1061 : i32
      %mul3A_1063 = arith.constant 16 : i32
      %mul3A_1064 = arith.muli %scan3A_1051, %mul3A_1063 : i32
      %add3A_1065 = arith.addi %mul3A_1062, %mul3A_1064 : i32
      %add3A_1066 = vector.broadcast %add3A_1065 : i32 to vector<16xi32>
      %add3A_1067 = arith.addi %add3A_1066, %iota3A : vector<16xi32>
      %swap3A_1068 = arith.index_cast %scan3A_1052 : i32 to index
      %swap3A_1069 = tpu.vector_load %arg14[%swap3A_1068] masked %ge3A_1060 {strides = array<i32>} : memref<4112xf32, #tpu.memory_space<vmem>>, vector<16xf32>, vector<16xi1>
      tpu.vector_store %arg14[%swap3A_1068], %get3A_1058 masked %ge3A_1060 {strides = array<i32>} : memref<4112xf32, #tpu.memory_space<vmem>>, vector<16xf32>, vector<16xi1>
      %swap3A_1070 = arith.index_cast %scan3A_1052 : i32 to index
      %swap3A_1071 = tpu.vector_load %arg15[%swap3A_1070] masked %ge3A_1060 {strides = array<i32>} : memref<4112xi32, #tpu.memory_space<vmem>>, vector<16xi32>, vector<16xi1>
      tpu.vector_store %arg15[%swap3A_1070], %add3A_1067 masked %ge3A_1060 {strides = array<i32>} : memref<4112xi32, #tpu.memory_space<vmem>>, vector<16xi32>, vector<16xi1>
      %all_reduce_population_count3A = tpu.all_reduce %ge3A_1060 {dim = 0 : i64, kind = #tpu.reduction_kind<sum>} : vector<16xi1> -> vector<16xi32>
      %slice3A_1072 = vector.extract_strided_slice %all_reduce_population_count3A {offsets = [0], sizes = [1], strides = [1]} : vector<16xi32> to vector<1xi32>
      %squeeze3A_1073 = vector.extract %slice3A_1072[0] : i32 from vector<1xi32>
      %add3A_1074 = arith.addi %scan3A_1052, %squeeze3A_1073 : i32
      scf.yield %add3A_1074 : i32
    }
    %scan3A_741 = arith.constant 8 : i32
    %scan3A_742 = arith.constant 0 : i32
    %scan3A_743 = arith.constant 8 : i32
    %scan3A_744 = arith.addi %scan3A_742, %scan3A_743 : i32
    %scan3A_745 = arith.constant 1 : i32
    %scan3A_746 = scf.for %scan3A_1051 = %scan3A_742 to %scan3A_744 step %scan3A_745 iter_args(%scan3A_1052 = %scan3A_740) -> (i32)  : i32 {
      %mul3A_1053 = arith.constant 16 : i32
      %mul3A_1054 = arith.muli %scan3A_1051, %mul3A_1053 : i32
      %get3A_1055 = arith.constant 2 : i32
      %get3A_1056 = arith.index_cast %get3A_1055 : i32 to index
      %get3A_1057 = arith.index_cast %mul3A_1054 : i32 to index
      %get3A_1058 = tpu.vector_load %arg9[%get3A_1056, %get3A_1057] {strides = array<i32>} : memref<32x128xf32, #tpu.memory_space<vmem>>, vector<16xf32>,
      %ge3A_1059 = vector.broadcast %squeeze3A_709 : f32 to vector<16xf32>
      %ge3A_1060 = arith.cmpf oge, %get3A_1058, %ge3A_1059 : vector<16xf32>
      %mul3A_1061 = arith.constant 128 : i32
      %mul3A_1062 = arith.muli %squeeze3A_649, %mul3A_1061 : i32
      %mul3A_1063 = arith.constant 16 : i32
      %mul3A_1064 = arith.muli %scan3A_1051, %mul3A_1063 : i32
      %add3A_1065 = arith.addi %mul3A_1062, %mul3A_1064 : i32
      %add3A_1066 = vector.broadcast %add3A_1065 : i32 to vector<16xi32>
      %add3A_1067 = arith.addi %add3A_1066, %iota3A : vector<16xi32>
      %swap3A_1068 = arith.index_cast %scan3A_1052 : i32 to index
      %swap3A_1069 = tpu.vector_load %arg14[%swap3A_1068] masked %ge3A_1060 {strides = array<i32>} : memref<4112xf32, #tpu.memory_space<vmem>>, vector<16xf32>, vector<16xi1>
      tpu.vector_store %arg14[%swap3A_1068], %get3A_1058 masked %ge3A_1060 {strides = array<i32>} : memref<4112xf32, #tpu.memory_space<vmem>>, vector<16xf32>, vector<16xi1>
      %swap3A_1070 = arith.index_cast %scan3A_1052 : i32 to index
      %swap3A_1071 = tpu.vector_load %arg15[%swap3A_1070] masked %ge3A_1060 {strides = array<i32>} : memref<4112xi32, #tpu.memory_space<vmem>>, vector<16xi32>, vector<16xi1>
      tpu.vector_store %arg15[%swap3A_1070], %add3A_1067 masked %ge3A_1060 {strides = array<i32>} : memref<4112xi32, #tpu.memory_space<vmem>>, vector<16xi32>, vector<16xi1>
      %all_reduce_population_count3A = tpu.all_reduce %ge3A_1060 {dim = 0 : i64, kind = #tpu.reduction_kind<sum>} : vector<16xi1> -> vector<16xi32>
      %slice3A_1072 = vector.extract_strided_slice %all_reduce_population_count3A {offsets = [0], sizes = [1], strides = [1]} : vector<16xi32> to vector<1xi32>
      %squeeze3A_1073 = vector.extract %slice3A_1072[0] : i32 from vector<1xi32>
      %add3A_1074 = arith.addi %scan3A_1052, %squeeze3A_1073 : i32
      scf.yield %add3A_1074 : i32
    }
    %scan3A_747 = arith.constant 8 : i32
    %scan3A_748 = arith.constant 0 : i32
    %scan3A_749 = arith.constant 8 : i32
    %scan3A_750 = arith.addi %scan3A_748, %scan3A_749 : i32
    %scan3A_751 = arith.constant 1 : i32
    %scan3A_752 = scf.for %scan3A_1051 = %scan3A_748 to %scan3A_750 step %scan3A_751 iter_args(%scan3A_1052 = %scan3A_746) -> (i32)  : i32 {
      %mul3A_1053 = arith.constant 16 : i32
      %mul3A_1054 = arith.muli %scan3A_1051, %mul3A_1053 : i32
      %get3A_1055 = arith.constant 3 : i32
      %get3A_1056 = arith.index_cast %get3A_1055 : i32 to index
      %get3A_1057 = arith.index_cast %mul3A_1054 : i32 to index
      %get3A_1058 = tpu.vector_load %arg9[%get3A_1056, %get3A_1057] {strides = array<i32>} : memref<32x128xf32, #tpu.memory_space<vmem>>, vector<16xf32>,
      %ge3A_1059 = vector.broadcast %squeeze3A_709 : f32 to vector<16xf32>
      %ge3A_1060 = arith.cmpf oge, %get3A_1058, %ge3A_1059 : vector<16xf32>
      %mul3A_1061 = arith.constant 128 : i32
      %mul3A_1062 = arith.muli %squeeze3A_651, %mul3A_1061 : i32
      %mul3A_1063 = arith.constant 16 : i32
      %mul3A_1064 = arith.muli %scan3A_1051, %mul3A_1063 : i32
      %add3A_1065 = arith.addi %mul3A_1062, %mul3A_1064 : i32
      %add3A_1066 = vector.broadcast %add3A_1065 : i32 to vector<16xi32>
      %add3A_1067 = arith.addi %add3A_1066, %iota3A : vector<16xi32>
      %swap3A_1068 = arith.index_cast %scan3A_1052 : i32 to index
      %swap3A_1069 = tpu.vector_load %arg14[%swap3A_1068] masked %ge3A_1060 {strides = array<i32>} : memref<4112xf32, #tpu.memory_space<vmem>>, vector<16xf32>, vector<16xi1>
      tpu.vector_store %arg14[%swap3A_1068], %get3A_1058 masked %ge3A_1060 {strides = array<i32>} : memref<4112xf32, #tpu.memory_space<vmem>>, vector<16xf32>, vector<16xi1>
      %swap3A_1070 = arith.index_cast %scan3A_1052 : i32 to index
      %swap3A_1071 = tpu.vector_load %arg15[%swap3A_1070] masked %ge3A_1060 {strides = array<i32>} : memref<4112xi32, #tpu.memory_space<vmem>>, vector<16xi32>, vector<16xi1>
      tpu.vector_store %arg15[%swap3A_1070], %add3A_1067 masked %ge3A_1060 {strides = array<i32>} : memref<4112xi32, #tpu.memory_space<vmem>>, vector<16xi32>, vector<16xi1>
      %all_reduce_population_count3A = tpu.all_reduce %ge3A_1060 {dim = 0 : i64, kind = #tpu.reduction_kind<sum>} : vector<16xi1> -> vector<16xi32>
      %slice3A_1072 = vector.extract_strided_slice %all_reduce_population_count3A {offsets = [0], sizes = [1], strides = [1]} : vector<16xi32> to vector<1xi32>
      %squeeze3A_1073 = vector.extract %slice3A_1072[0] : i32 from vector<1xi32>
      %add3A_1074 = arith.addi %scan3A_1052, %squeeze3A_1073 : i32
      scf.yield %add3A_1074 : i32
    }
    %scan3A_753 = arith.constant 8 : i32
    %scan3A_754 = arith.constant 0 : i32
    %scan3A_755 = arith.constant 8 : i32
    %scan3A_756 = arith.addi %scan3A_754, %scan3A_755 : i32
    %scan3A_757 = arith.constant 1 : i32
    %scan3A_758 = scf.for %scan3A_1051 = %scan3A_754 to %scan3A_756 step %scan3A_757 iter_args(%scan3A_1052 = %scan3A_752) -> (i32)  : i32 {
      %mul3A_1053 = arith.constant 16 : i32
      %mul3A_1054 = arith.muli %scan3A_1051, %mul3A_1053 : i32
      %get3A_1055 = arith.constant 4 : i32
      %get3A_1056 = arith.index_cast %get3A_1055 : i32 to index
      %get3A_1057 = arith.index_cast %mul3A_1054 : i32 to index
      %get3A_1058 = tpu.vector_load %arg9[%get3A_1056, %get3A_1057] {strides = array<i32>} : memref<32x128xf32, #tpu.memory_space<vmem>>, vector<16xf32>,
      %ge3A_1059 = vector.broadcast %squeeze3A_709 : f32 to vector<16xf32>
      %ge3A_1060 = arith.cmpf oge, %get3A_1058, %ge3A_1059 : vector<16xf32>
      %mul3A_1061 = arith.constant 128 : i32
      %mul3A_1062 = arith.muli %squeeze3A_653, %mul3A_1061 : i32
      %mul3A_1063 = arith.constant 16 : i32
      %mul3A_1064 = arith.muli %scan3A_1051, %mul3A_1063 : i32
      %add3A_1065 = arith.addi %mul3A_1062, %mul3A_1064 : i32
      %add3A_1066 = vector.broadcast %add3A_1065 : i32 to vector<16xi32>
      %add3A_1067 = arith.addi %add3A_1066, %iota3A : vector<16xi32>
      %swap3A_1068 = arith.index_cast %scan3A_1052 : i32 to index
      %swap3A_1069 = tpu.vector_load %arg14[%swap3A_1068] masked %ge3A_1060 {strides = array<i32>} : memref<4112xf32, #tpu.memory_space<vmem>>, vector<16xf32>, vector<16xi1>
      tpu.vector_store %arg14[%swap3A_1068], %get3A_1058 masked %ge3A_1060 {strides = array<i32>} : memref<4112xf32, #tpu.memory_space<vmem>>, vector<16xf32>, vector<16xi1>
      %swap3A_1070 = arith.index_cast %scan3A_1052 : i32 to index
      %swap3A_1071 = tpu.vector_load %arg15[%swap3A_1070] masked %ge3A_1060 {strides = array<i32>} : memref<4112xi32, #tpu.memory_space<vmem>>, vector<16xi32>, vector<16xi1>
      tpu.vector_store %arg15[%swap3A_1070], %add3A_1067 masked %ge3A_1060 {strides = array<i32>} : memref<4112xi32, #tpu.memory_space<vmem>>, vector<16xi32>, vector<16xi1>
      %all_reduce_population_count3A = tpu.all_reduce %ge3A_1060 {dim = 0 : i64, kind = #tpu.reduction_kind<sum>} : vector<16xi1> -> vector<16xi32>
      %slice3A_1072 = vector.extract_strided_slice %all_reduce_population_count3A {offsets = [0], sizes = [1], strides = [1]} : vector<16xi32> to vector<1xi32>
      %squeeze3A_1073 = vector.extract %slice3A_1072[0] : i32 from vector<1xi32>
      %add3A_1074 = arith.addi %scan3A_1052, %squeeze3A_1073 : i32
      scf.yield %add3A_1074 : i32
    }
    %scan3A_759 = arith.constant 8 : i32
    %scan3A_760 = arith.constant 0 : i32
    %scan3A_761 = arith.constant 8 : i32
    %scan3A_762 = arith.addi %scan3A_760, %scan3A_761 : i32
    %scan3A_763 = arith.constant 1 : i32
    %scan3A_764 = scf.for %scan3A_1051 = %scan3A_760 to %scan3A_762 step %scan3A_763 iter_args(%scan3A_1052 = %scan3A_758) -> (i32)  : i32 {
      %mul3A_1053 = arith.constant 16 : i32
      %mul3A_1054 = arith.muli %scan3A_1051, %mul3A_1053 : i32
      %get3A_1055 = arith.constant 5 : i32
      %get3A_1056 = arith.index_cast %get3A_1055 : i32 to index
      %get3A_1057 = arith.index_cast %mul3A_1054 : i32 to index
      %get3A_1058 = tpu.vector_load %arg9[%get3A_1056, %get3A_1057] {strides = array<i32>} : memref<32x128xf32, #tpu.memory_space<vmem>>, vector<16xf32>,
      %ge3A_1059 = vector.broadcast %squeeze3A_709 : f32 to vector<16xf32>
      %ge3A_1060 = arith.cmpf oge, %get3A_1058, %ge3A_1059 : vector<16xf32>
      %mul3A_1061 = arith.constant 128 : i32
      %mul3A_1062 = arith.muli %squeeze3A_655, %mul3A_1061 : i32
      %mul3A_1063 = arith.constant 16 : i32
      %mul3A_1064 = arith.muli %scan3A_1051, %mul3A_1063 : i32
      %add3A_1065 = arith.addi %mul3A_1062, %mul3A_1064 : i32
      %add3A_1066 = vector.broadcast %add3A_1065 : i32 to vector<16xi32>
      %add3A_1067 = arith.addi %add3A_1066, %iota3A : vector<16xi32>
      %swap3A_1068 = arith.index_cast %scan3A_1052 : i32 to index
      %swap3A_1069 = tpu.vector_load %arg14[%swap3A_1068] masked %ge3A_1060 {strides = array<i32>} : memref<4112xf32, #tpu.memory_space<vmem>>, vector<16xf32>, vector<16xi1>
      tpu.vector_store %arg14[%swap3A_1068], %get3A_1058 masked %ge3A_1060 {strides = array<i32>} : memref<4112xf32, #tpu.memory_space<vmem>>, vector<16xf32>, vector<16xi1>
      %swap3A_1070 = arith.index_cast %scan3A_1052 : i32 to index
      %swap3A_1071 = tpu.vector_load %arg15[%swap3A_1070] masked %ge3A_1060 {strides = array<i32>} : memref<4112xi32, #tpu.memory_space<vmem>>, vector<16xi32>, vector<16xi1>
      tpu.vector_store %arg15[%swap3A_1070], %add3A_1067 masked %ge3A_1060 {strides = array<i32>} : memref<4112xi32, #tpu.memory_space<vmem>>, vector<16xi32>, vector<16xi1>
      %all_reduce_population_count3A = tpu.all_reduce %ge3A_1060 {dim = 0 : i64, kind = #tpu.reduction_kind<sum>} : vector<16xi1> -> vector<16xi32>
      %slice3A_1072 = vector.extract_strided_slice %all_reduce_population_count3A {offsets = [0], sizes = [1], strides = [1]} : vector<16xi32> to vector<1xi32>
      %squeeze3A_1073 = vector.extract %slice3A_1072[0] : i32 from vector<1xi32>
      %add3A_1074 = arith.addi %scan3A_1052, %squeeze3A_1073 : i32
      scf.yield %add3A_1074 : i32
    }
    %scan3A_765 = arith.constant 8 : i32
    %scan3A_766 = arith.constant 0 : i32
    %scan3A_767 = arith.constant 8 : i32
    %scan3A_768 = arith.addi %scan3A_766, %scan3A_767 : i32
    %scan3A_769 = arith.constant 1 : i32
    %scan3A_770 = scf.for %scan3A_1051 = %scan3A_766 to %scan3A_768 step %scan3A_769 iter_args(%scan3A_1052 = %scan3A_764) -> (i32)  : i32 {
      %mul3A_1053 = arith.constant 16 : i32
      %mul3A_1054 = arith.muli %scan3A_1051, %mul3A_1053 : i32
      %get3A_1055 = arith.constant 6 : i32
      %get3A_1056 = arith.index_cast %get3A_1055 : i32 to index
      %get3A_1057 = arith.index_cast %mul3A_1054 : i32 to index
      %get3A_1058 = tpu.vector_load %arg9[%get3A_1056, %get3A_1057] {strides = array<i32>} : memref<32x128xf32, #tpu.memory_space<vmem>>, vector<16xf32>,
      %ge3A_1059 = vector.broadcast %squeeze3A_709 : f32 to vector<16xf32>
      %ge3A_1060 = arith.cmpf oge, %get3A_1058, %ge3A_1059 : vector<16xf32>
      %mul3A_1061 = arith.constant 128 : i32
      %mul3A_1062 = arith.muli %squeeze3A_657, %mul3A_1061 : i32
      %mul3A_1063 = arith.constant 16 : i32
      %mul3A_1064 = arith.muli %scan3A_1051, %mul3A_1063 : i32
      %add3A_1065 = arith.addi %mul3A_1062, %mul3A_1064 : i32
      %add3A_1066 = vector.broadcast %add3A_1065 : i32 to vector<16xi32>
      %add3A_1067 = arith.addi %add3A_1066, %iota3A : vector<16xi32>
      %swap3A_1068 = arith.index_cast %scan3A_1052 : i32 to index
      %swap3A_1069 = tpu.vector_load %arg14[%swap3A_1068] masked %ge3A_1060 {strides = array<i32>} : memref<4112xf32, #tpu.memory_space<vmem>>, vector<16xf32>, vector<16xi1>
      tpu.vector_store %arg14[%swap3A_1068], %get3A_1058 masked %ge3A_1060 {strides = array<i32>} : memref<4112xf32, #tpu.memory_space<vmem>>, vector<16xf32>, vector<16xi1>
      %swap3A_1070 = arith.index_cast %scan3A_1052 : i32 to index
      %swap3A_1071 = tpu.vector_load %arg15[%swap3A_1070] masked %ge3A_1060 {strides = array<i32>} : memref<4112xi32, #tpu.memory_space<vmem>>, vector<16xi32>, vector<16xi1>
      tpu.vector_store %arg15[%swap3A_1070], %add3A_1067 masked %ge3A_1060 {strides = array<i32>} : memref<4112xi32, #tpu.memory_space<vmem>>, vector<16xi32>, vector<16xi1>
      %all_reduce_population_count3A = tpu.all_reduce %ge3A_1060 {dim = 0 : i64, kind = #tpu.reduction_kind<sum>} : vector<16xi1> -> vector<16xi32>
      %slice3A_1072 = vector.extract_strided_slice %all_reduce_population_count3A {offsets = [0], sizes = [1], strides = [1]} : vector<16xi32> to vector<1xi32>
      %squeeze3A_1073 = vector.extract %slice3A_1072[0] : i32 from vector<1xi32>
      %add3A_1074 = arith.addi %scan3A_1052, %squeeze3A_1073 : i32
      scf.yield %add3A_1074 : i32
    }
    %scan3A_771 = arith.constant 8 : i32
    %scan3A_772 = arith.constant 0 : i32
    %scan3A_773 = arith.constant 8 : i32
    %scan3A_774 = arith.addi %scan3A_772, %scan3A_773 : i32
    %scan3A_775 = arith.constant 1 : i32
    %scan3A_776 = scf.for %scan3A_1051 = %scan3A_772 to %scan3A_774 step %scan3A_775 iter_args(%scan3A_1052 = %scan3A_770) -> (i32)  : i32 {
      %mul3A_1053 = arith.constant 16 : i32
      %mul3A_1054 = arith.muli %scan3A_1051, %mul3A_1053 : i32
      %get3A_1055 = arith.constant 7 : i32
      %get3A_1056 = arith.index_cast %get3A_1055 : i32 to index
      %get3A_1057 = arith.index_cast %mul3A_1054 : i32 to index
      %get3A_1058 = tpu.vector_load %arg9[%get3A_1056, %get3A_1057] {strides = array<i32>} : memref<32x128xf32, #tpu.memory_space<vmem>>, vector<16xf32>,
      %ge3A_1059 = vector.broadcast %squeeze3A_709 : f32 to vector<16xf32>
      %ge3A_1060 = arith.cmpf oge, %get3A_1058, %ge3A_1059 : vector<16xf32>
      %mul3A_1061 = arith.constant 128 : i32
      %mul3A_1062 = arith.muli %squeeze3A_659, %mul3A_1061 : i32
      %mul3A_1063 = arith.constant 16 : i32
      %mul3A_1064 = arith.muli %scan3A_1051, %mul3A_1063 : i32
      %add3A_1065 = arith.addi %mul3A_1062, %mul3A_1064 : i32
      %add3A_1066 = vector.broadcast %add3A_1065 : i32 to vector<16xi32>
      %add3A_1067 = arith.addi %add3A_1066, %iota3A : vector<16xi32>
      %swap3A_1068 = arith.index_cast %scan3A_1052 : i32 to index
      %swap3A_1069 = tpu.vector_load %arg14[%swap3A_1068] masked %ge3A_1060 {strides = array<i32>} : memref<4112xf32, #tpu.memory_space<vmem>>, vector<16xf32>, vector<16xi1>
      tpu.vector_store %arg14[%swap3A_1068], %get3A_1058 masked %ge3A_1060 {strides = array<i32>} : memref<4112xf32, #tpu.memory_space<vmem>>, vector<16xf32>, vector<16xi1>
      %swap3A_1070 = arith.index_cast %scan3A_1052 : i32 to index
      %swap3A_1071 = tpu.vector_load %arg15[%swap3A_1070] masked %ge3A_1060 {strides = array<i32>} : memref<4112xi32, #tpu.memory_space<vmem>>, vector<16xi32>, vector<16xi1>
      tpu.vector_store %arg15[%swap3A_1070], %add3A_1067 masked %ge3A_1060 {strides = array<i32>} : memref<4112xi32, #tpu.memory_space<vmem>>, vector<16xi32>, vector<16xi1>
      %all_reduce_population_count3A = tpu.all_reduce %ge3A_1060 {dim = 0 : i64, kind = #tpu.reduction_kind<sum>} : vector<16xi1> -> vector<16xi32>
      %slice3A_1072 = vector.extract_strided_slice %all_reduce_population_count3A {offsets = [0], sizes = [1], strides = [1]} : vector<16xi32> to vector<1xi32>
      %squeeze3A_1073 = vector.extract %slice3A_1072[0] : i32 from vector<1xi32>
      %add3A_1074 = arith.addi %scan3A_1052, %squeeze3A_1073 : i32
      scf.yield %add3A_1074 : i32
    }
    %scan3A_777 = arith.constant 8 : i32
    %scan3A_778 = arith.constant 0 : i32
    %scan3A_779 = arith.constant 8 : i32
    %scan3A_780 = arith.addi %scan3A_778, %scan3A_779 : i32
    %scan3A_781 = arith.constant 1 : i32
    %scan3A_782 = scf.for %scan3A_1051 = %scan3A_778 to %scan3A_780 step %scan3A_781 iter_args(%scan3A_1052 = %scan3A_776) -> (i32)  : i32 {
      %mul3A_1053 = arith.constant 16 : i32
      %mul3A_1054 = arith.muli %scan3A_1051, %mul3A_1053 : i32
      %get3A_1055 = arith.constant 8 : i32
      %get3A_1056 = arith.index_cast %get3A_1055 : i32 to index
      %get3A_1057 = arith.index_cast %mul3A_1054 : i32 to index
      %get3A_1058 = tpu.vector_load %arg9[%get3A_1056, %get3A_1057] {strides = array<i32>} : memref<32x128xf32, #tpu.memory_space<vmem>>, vector<16xf32>,
      %ge3A_1059 = vector.broadcast %squeeze3A_709 : f32 to vector<16xf32>
      %ge3A_1060 = arith.cmpf oge, %get3A_1058, %ge3A_1059 : vector<16xf32>
      %mul3A_1061 = arith.constant 128 : i32
      %mul3A_1062 = arith.muli %squeeze3A_661, %mul3A_1061 : i32
      %mul3A_1063 = arith.constant 16 : i32
      %mul3A_1064 = arith.muli %scan3A_1051, %mul3A_1063 : i32
      %add3A_1065 = arith.addi %mul3A_1062, %mul3A_1064 : i32
      %add3A_1066 = vector.broadcast %add3A_1065 : i32 to vector<16xi32>
      %add3A_1067 = arith.addi %add3A_1066, %iota3A : vector<16xi32>
      %swap3A_1068 = arith.index_cast %scan3A_1052 : i32 to index
      %swap3A_1069 = tpu.vector_load %arg14[%swap3A_1068] masked %ge3A_1060 {strides = array<i32>} : memref<4112xf32, #tpu.memory_space<vmem>>, vector<16xf32>, vector<16xi1>
      tpu.vector_store %arg14[%swap3A_1068], %get3A_1058 masked %ge3A_1060 {strides = array<i32>} : memref<4112xf32, #tpu.memory_space<vmem>>, vector<16xf32>, vector<16xi1>
      %swap3A_1070 = arith.index_cast %scan3A_1052 : i32 to index
      %swap3A_1071 = tpu.vector_load %arg15[%swap3A_1070] masked %ge3A_1060 {strides = array<i32>} : memref<4112xi32, #tpu.memory_space<vmem>>, vector<16xi32>, vector<16xi1>
      tpu.vector_store %arg15[%swap3A_1070], %add3A_1067 masked %ge3A_1060 {strides = array<i32>} : memref<4112xi32, #tpu.memory_space<vmem>>, vector<16xi32>, vector<16xi1>
      %all_reduce_population_count3A = tpu.all_reduce %ge3A_1060 {dim = 0 : i64, kind = #tpu.reduction_kind<sum>} : vector<16xi1> -> vector<16xi32>
      %slice3A_1072 = vector.extract_strided_slice %all_reduce_population_count3A {offsets = [0], sizes = [1], strides = [1]} : vector<16xi32> to vector<1xi32>
      %squeeze3A_1073 = vector.extract %slice3A_1072[0] : i32 from vector<1xi32>
      %add3A_1074 = arith.addi %scan3A_1052, %squeeze3A_1073 : i32
      scf.yield %add3A_1074 : i32
    }
    %scan3A_783 = arith.constant 8 : i32
    %scan3A_784 = arith.constant 0 : i32
    %scan3A_785 = arith.constant 8 : i32
    %scan3A_786 = arith.addi %scan3A_784, %scan3A_785 : i32
    %scan3A_787 = arith.constant 1 : i32
    %scan3A_788 = scf.for %scan3A_1051 = %scan3A_784 to %scan3A_786 step %scan3A_787 iter_args(%scan3A_1052 = %scan3A_782) -> (i32)  : i32 {
      %mul3A_1053 = arith.constant 16 : i32
      %mul3A_1054 = arith.muli %scan3A_1051, %mul3A_1053 : i32
      %get3A_1055 = arith.constant 9 : i32
      %get3A_1056 = arith.index_cast %get3A_1055 : i32 to index
      %get3A_1057 = arith.index_cast %mul3A_1054 : i32 to index
      %get3A_1058 = tpu.vector_load %arg9[%get3A_1056, %get3A_1057] {strides = array<i32>} : memref<32x128xf32, #tpu.memory_space<vmem>>, vector<16xf32>,
      %ge3A_1059 = vector.broadcast %squeeze3A_709 : f32 to vector<16xf32>
      %ge3A_1060 = arith.cmpf oge, %get3A_1058, %ge3A_1059 : vector<16xf32>
      %mul3A_1061 = arith.constant 128 : i32
      %mul3A_1062 = arith.muli %squeeze3A_663, %mul3A_1061 : i32
      %mul3A_1063 = arith.constant 16 : i32
      %mul3A_1064 = arith.muli %scan3A_1051, %mul3A_1063 : i32
      %add3A_1065 = arith.addi %mul3A_1062, %mul3A_1064 : i32
      %add3A_1066 = vector.broadcast %add3A_1065 : i32 to vector<16xi32>
      %add3A_1067 = arith.addi %add3A_1066, %iota3A : vector<16xi32>
      %swap3A_1068 = arith.index_cast %scan3A_1052 : i32 to index
      %swap3A_1069 = tpu.vector_load %arg14[%swap3A_1068] masked %ge3A_1060 {strides = array<i32>} : memref<4112xf32, #tpu.memory_space<vmem>>, vector<16xf32>, vector<16xi1>
      tpu.vector_store %arg14[%swap3A_1068], %get3A_1058 masked %ge3A_1060 {strides = array<i32>} : memref<4112xf32, #tpu.memory_space<vmem>>, vector<16xf32>, vector<16xi1>
      %swap3A_1070 = arith.index_cast %scan3A_1052 : i32 to index
      %swap3A_1071 = tpu.vector_load %arg15[%swap3A_1070] masked %ge3A_1060 {strides = array<i32>} : memref<4112xi32, #tpu.memory_space<vmem>>, vector<16xi32>, vector<16xi1>
      tpu.vector_store %arg15[%swap3A_1070], %add3A_1067 masked %ge3A_1060 {strides = array<i32>} : memref<4112xi32, #tpu.memory_space<vmem>>, vector<16xi32>, vector<16xi1>
      %all_reduce_population_count3A = tpu.all_reduce %ge3A_1060 {dim = 0 : i64, kind = #tpu.reduction_kind<sum>} : vector<16xi1> -> vector<16xi32>
      %slice3A_1072 = vector.extract_strided_slice %all_reduce_population_count3A {offsets = [0], sizes = [1], strides = [1]} : vector<16xi32> to vector<1xi32>
      %squeeze3A_1073 = vector.extract %slice3A_1072[0] : i32 from vector<1xi32>
      %add3A_1074 = arith.addi %scan3A_1052, %squeeze3A_1073 : i32
      scf.yield %add3A_1074 : i32
    }
    %scan3A_789 = arith.constant 8 : i32
    %scan3A_790 = arith.constant 0 : i32
    %scan3A_791 = arith.constant 8 : i32
    %scan3A_792 = arith.addi %scan3A_790, %scan3A_791 : i32
    %scan3A_793 = arith.constant 1 : i32
    %scan3A_794 = scf.for %scan3A_1051 = %scan3A_790 to %scan3A_792 step %scan3A_793 iter_args(%scan3A_1052 = %scan3A_788) -> (i32)  : i32 {
      %mul3A_1053 = arith.constant 16 : i32
      %mul3A_1054 = arith.muli %scan3A_1051, %mul3A_1053 : i32
      %get3A_1055 = arith.constant 10 : i32
      %get3A_1056 = arith.index_cast %get3A_1055 : i32 to index
      %get3A_1057 = arith.index_cast %mul3A_1054 : i32 to index
      %get3A_1058 = tpu.vector_load %arg9[%get3A_1056, %get3A_1057] {strides = array<i32>} : memref<32x128xf32, #tpu.memory_space<vmem>>, vector<16xf32>,
      %ge3A_1059 = vector.broadcast %squeeze3A_709 : f32 to vector<16xf32>
      %ge3A_1060 = arith.cmpf oge, %get3A_1058, %ge3A_1059 : vector<16xf32>
      %mul3A_1061 = arith.constant 128 : i32
      %mul3A_1062 = arith.muli %squeeze3A_665, %mul3A_1061 : i32
      %mul3A_1063 = arith.constant 16 : i32
      %mul3A_1064 = arith.muli %scan3A_1051, %mul3A_1063 : i32
      %add3A_1065 = arith.addi %mul3A_1062, %mul3A_1064 : i32
      %add3A_1066 = vector.broadcast %add3A_1065 : i32 to vector<16xi32>
      %add3A_1067 = arith.addi %add3A_1066, %iota3A : vector<16xi32>
      %swap3A_1068 = arith.index_cast %scan3A_1052 : i32 to index
      %swap3A_1069 = tpu.vector_load %arg14[%swap3A_1068] masked %ge3A_1060 {strides = array<i32>} : memref<4112xf32, #tpu.memory_space<vmem>>, vector<16xf32>, vector<16xi1>
      tpu.vector_store %arg14[%swap3A_1068], %get3A_1058 masked %ge3A_1060 {strides = array<i32>} : memref<4112xf32, #tpu.memory_space<vmem>>, vector<16xf32>, vector<16xi1>
      %swap3A_1070 = arith.index_cast %scan3A_1052 : i32 to index
      %swap3A_1071 = tpu.vector_load %arg15[%swap3A_1070] masked %ge3A_1060 {strides = array<i32>} : memref<4112xi32, #tpu.memory_space<vmem>>, vector<16xi32>, vector<16xi1>
      tpu.vector_store %arg15[%swap3A_1070], %add3A_1067 masked %ge3A_1060 {strides = array<i32>} : memref<4112xi32, #tpu.memory_space<vmem>>, vector<16xi32>, vector<16xi1>
      %all_reduce_population_count3A = tpu.all_reduce %ge3A_1060 {dim = 0 : i64, kind = #tpu.reduction_kind<sum>} : vector<16xi1> -> vector<16xi32>
      %slice3A_1072 = vector.extract_strided_slice %all_reduce_population_count3A {offsets = [0], sizes = [1], strides = [1]} : vector<16xi32> to vector<1xi32>
      %squeeze3A_1073 = vector.extract %slice3A_1072[0] : i32 from vector<1xi32>
      %add3A_1074 = arith.addi %scan3A_1052, %squeeze3A_1073 : i32
      scf.yield %add3A_1074 : i32
    }
    %scan3A_795 = arith.constant 8 : i32
    %scan3A_796 = arith.constant 0 : i32
    %scan3A_797 = arith.constant 8 : i32
    %scan3A_798 = arith.addi %scan3A_796, %scan3A_797 : i32
    %scan3A_799 = arith.constant 1 : i32
    %scan3A_800 = scf.for %scan3A_1051 = %scan3A_796 to %scan3A_798 step %scan3A_799 iter_args(%scan3A_1052 = %scan3A_794) -> (i32)  : i32 {
      %mul3A_1053 = arith.constant 16 : i32
      %mul3A_1054 = arith.muli %scan3A_1051, %mul3A_1053 : i32
      %get3A_1055 = arith.constant 11 : i32
      %get3A_1056 = arith.index_cast %get3A_1055 : i32 to index
      %get3A_1057 = arith.index_cast %mul3A_1054 : i32 to index
      %get3A_1058 = tpu.vector_load %arg9[%get3A_1056, %get3A_1057] {strides = array<i32>} : memref<32x128xf32, #tpu.memory_space<vmem>>, vector<16xf32>,
      %ge3A_1059 = vector.broadcast %squeeze3A_709 : f32 to vector<16xf32>
      %ge3A_1060 = arith.cmpf oge, %get3A_1058, %ge3A_1059 : vector<16xf32>
      %mul3A_1061 = arith.constant 128 : i32
      %mul3A_1062 = arith.muli %squeeze3A_667, %mul3A_1061 : i32
      %mul3A_1063 = arith.constant 16 : i32
      %mul3A_1064 = arith.muli %scan3A_1051, %mul3A_1063 : i32
      %add3A_1065 = arith.addi %mul3A_1062, %mul3A_1064 : i32
      %add3A_1066 = vector.broadcast %add3A_1065 : i32 to vector<16xi32>
      %add3A_1067 = arith.addi %add3A_1066, %iota3A : vector<16xi32>
      %swap3A_1068 = arith.index_cast %scan3A_1052 : i32 to index
      %swap3A_1069 = tpu.vector_load %arg14[%swap3A_1068] masked %ge3A_1060 {strides = array<i32>} : memref<4112xf32, #tpu.memory_space<vmem>>, vector<16xf32>, vector<16xi1>
      tpu.vector_store %arg14[%swap3A_1068], %get3A_1058 masked %ge3A_1060 {strides = array<i32>} : memref<4112xf32, #tpu.memory_space<vmem>>, vector<16xf32>, vector<16xi1>
      %swap3A_1070 = arith.index_cast %scan3A_1052 : i32 to index
      %swap3A_1071 = tpu.vector_load %arg15[%swap3A_1070] masked %ge3A_1060 {strides = array<i32>} : memref<4112xi32, #tpu.memory_space<vmem>>, vector<16xi32>, vector<16xi1>
      tpu.vector_store %arg15[%swap3A_1070], %add3A_1067 masked %ge3A_1060 {strides = array<i32>} : memref<4112xi32, #tpu.memory_space<vmem>>, vector<16xi32>, vector<16xi1>
      %all_reduce_population_count3A = tpu.all_reduce %ge3A_1060 {dim = 0 : i64, kind = #tpu.reduction_kind<sum>} : vector<16xi1> -> vector<16xi32>
      %slice3A_1072 = vector.extract_strided_slice %all_reduce_population_count3A {offsets = [0], sizes = [1], strides = [1]} : vector<16xi32> to vector<1xi32>
      %squeeze3A_1073 = vector.extract %slice3A_1072[0] : i32 from vector<1xi32>
      %add3A_1074 = arith.addi %scan3A_1052, %squeeze3A_1073 : i32
      scf.yield %add3A_1074 : i32
    }
    %scan3A_801 = arith.constant 8 : i32
    %scan3A_802 = arith.constant 0 : i32
    %scan3A_803 = arith.constant 8 : i32
    %scan3A_804 = arith.addi %scan3A_802, %scan3A_803 : i32
    %scan3A_805 = arith.constant 1 : i32
    %scan3A_806 = scf.for %scan3A_1051 = %scan3A_802 to %scan3A_804 step %scan3A_805 iter_args(%scan3A_1052 = %scan3A_800) -> (i32)  : i32 {
      %mul3A_1053 = arith.constant 16 : i32
      %mul3A_1054 = arith.muli %scan3A_1051, %mul3A_1053 : i32
      %get3A_1055 = arith.constant 12 : i32
      %get3A_1056 = arith.index_cast %get3A_1055 : i32 to index
      %get3A_1057 = arith.index_cast %mul3A_1054 : i32 to index
      %get3A_1058 = tpu.vector_load %arg9[%get3A_1056, %get3A_1057] {strides = array<i32>} : memref<32x128xf32, #tpu.memory_space<vmem>>, vector<16xf32>,
      %ge3A_1059 = vector.broadcast %squeeze3A_709 : f32 to vector<16xf32>
      %ge3A_1060 = arith.cmpf oge, %get3A_1058, %ge3A_1059 : vector<16xf32>
      %mul3A_1061 = arith.constant 128 : i32
      %mul3A_1062 = arith.muli %squeeze3A_669, %mul3A_1061 : i32
      %mul3A_1063 = arith.constant 16 : i32
      %mul3A_1064 = arith.muli %scan3A_1051, %mul3A_1063 : i32
      %add3A_1065 = arith.addi %mul3A_1062, %mul3A_1064 : i32
      %add3A_1066 = vector.broadcast %add3A_1065 : i32 to vector<16xi32>
      %add3A_1067 = arith.addi %add3A_1066, %iota3A : vector<16xi32>
      %swap3A_1068 = arith.index_cast %scan3A_1052 : i32 to index
      %swap3A_1069 = tpu.vector_load %arg14[%swap3A_1068] masked %ge3A_1060 {strides = array<i32>} : memref<4112xf32, #tpu.memory_space<vmem>>, vector<16xf32>, vector<16xi1>
      tpu.vector_store %arg14[%swap3A_1068], %get3A_1058 masked %ge3A_1060 {strides = array<i32>} : memref<4112xf32, #tpu.memory_space<vmem>>, vector<16xf32>, vector<16xi1>
      %swap3A_1070 = arith.index_cast %scan3A_1052 : i32 to index
      %swap3A_1071 = tpu.vector_load %arg15[%swap3A_1070] masked %ge3A_1060 {strides = array<i32>} : memref<4112xi32, #tpu.memory_space<vmem>>, vector<16xi32>, vector<16xi1>
      tpu.vector_store %arg15[%swap3A_1070], %add3A_1067 masked %ge3A_1060 {strides = array<i32>} : memref<4112xi32, #tpu.memory_space<vmem>>, vector<16xi32>, vector<16xi1>
      %all_reduce_population_count3A = tpu.all_reduce %ge3A_1060 {dim = 0 : i64, kind = #tpu.reduction_kind<sum>} : vector<16xi1> -> vector<16xi32>
      %slice3A_1072 = vector.extract_strided_slice %all_reduce_population_count3A {offsets = [0], sizes = [1], strides = [1]} : vector<16xi32> to vector<1xi32>
      %squeeze3A_1073 = vector.extract %slice3A_1072[0] : i32 from vector<1xi32>
      %add3A_1074 = arith.addi %scan3A_1052, %squeeze3A_1073 : i32
      scf.yield %add3A_1074 : i32
    }
    %scan3A_807 = arith.constant 8 : i32
    %scan3A_808 = arith.constant 0 : i32
    %scan3A_809 = arith.constant 8 : i32
    %scan3A_810 = arith.addi %scan3A_808, %scan3A_809 : i32
    %scan3A_811 = arith.constant 1 : i32
    %scan3A_812 = scf.for %scan3A_1051 = %scan3A_808 to %scan3A_810 step %scan3A_811 iter_args(%scan3A_1052 = %scan3A_806) -> (i32)  : i32 {
      %mul3A_1053 = arith.constant 16 : i32
      %mul3A_1054 = arith.muli %scan3A_1051, %mul3A_1053 : i32
      %get3A_1055 = arith.constant 13 : i32
      %get3A_1056 = arith.index_cast %get3A_1055 : i32 to index
      %get3A_1057 = arith.index_cast %mul3A_1054 : i32 to index
      %get3A_1058 = tpu.vector_load %arg9[%get3A_1056, %get3A_1057] {strides = array<i32>} : memref<32x128xf32, #tpu.memory_space<vmem>>, vector<16xf32>,
      %ge3A_1059 = vector.broadcast %squeeze3A_709 : f32 to vector<16xf32>
      %ge3A_1060 = arith.cmpf oge, %get3A_1058, %ge3A_1059 : vector<16xf32>
      %mul3A_1061 = arith.constant 128 : i32
      %mul3A_1062 = arith.muli %squeeze3A_671, %mul3A_1061 : i32
      %mul3A_1063 = arith.constant 16 : i32
      %mul3A_1064 = arith.muli %scan3A_1051, %mul3A_1063 : i32
      %add3A_1065 = arith.addi %mul3A_1062, %mul3A_1064 : i32
      %add3A_1066 = vector.broadcast %add3A_1065 : i32 to vector<16xi32>
      %add3A_1067 = arith.addi %add3A_1066, %iota3A : vector<16xi32>
      %swap3A_1068 = arith.index_cast %scan3A_1052 : i32 to index
      %swap3A_1069 = tpu.vector_load %arg14[%swap3A_1068] masked %ge3A_1060 {strides = array<i32>} : memref<4112xf32, #tpu.memory_space<vmem>>, vector<16xf32>, vector<16xi1>
      tpu.vector_store %arg14[%swap3A_1068], %get3A_1058 masked %ge3A_1060 {strides = array<i32>} : memref<4112xf32, #tpu.memory_space<vmem>>, vector<16xf32>, vector<16xi1>
      %swap3A_1070 = arith.index_cast %scan3A_1052 : i32 to index
      %swap3A_1071 = tpu.vector_load %arg15[%swap3A_1070] masked %ge3A_1060 {strides = array<i32>} : memref<4112xi32, #tpu.memory_space<vmem>>, vector<16xi32>, vector<16xi1>
      tpu.vector_store %arg15[%swap3A_1070], %add3A_1067 masked %ge3A_1060 {strides = array<i32>} : memref<4112xi32, #tpu.memory_space<vmem>>, vector<16xi32>, vector<16xi1>
      %all_reduce_population_count3A = tpu.all_reduce %ge3A_1060 {dim = 0 : i64, kind = #tpu.reduction_kind<sum>} : vector<16xi1> -> vector<16xi32>
      %slice3A_1072 = vector.extract_strided_slice %all_reduce_population_count3A {offsets = [0], sizes = [1], strides = [1]} : vector<16xi32> to vector<1xi32>
      %squeeze3A_1073 = vector.extract %slice3A_1072[0] : i32 from vector<1xi32>
      %add3A_1074 = arith.addi %scan3A_1052, %squeeze3A_1073 : i32
      scf.yield %add3A_1074 : i32
    }
    %scan3A_813 = arith.constant 8 : i32
    %scan3A_814 = arith.constant 0 : i32
    %scan3A_815 = arith.constant 8 : i32
    %scan3A_816 = arith.addi %scan3A_814, %scan3A_815 : i32
    %scan3A_817 = arith.constant 1 : i32
    %scan3A_818 = scf.for %scan3A_1051 = %scan3A_814 to %scan3A_816 step %scan3A_817 iter_args(%scan3A_1052 = %scan3A_812) -> (i32)  : i32 {
      %mul3A_1053 = arith.constant 16 : i32
      %mul3A_1054 = arith.muli %scan3A_1051, %mul3A_1053 : i32
      %get3A_1055 = arith.constant 14 : i32
      %get3A_1056 = arith.index_cast %get3A_1055 : i32 to index
      %get3A_1057 = arith.index_cast %mul3A_1054 : i32 to index
      %get3A_1058 = tpu.vector_load %arg9[%get3A_1056, %get3A_1057] {strides = array<i32>} : memref<32x128xf32, #tpu.memory_space<vmem>>, vector<16xf32>,
      %ge3A_1059 = vector.broadcast %squeeze3A_709 : f32 to vector<16xf32>
      %ge3A_1060 = arith.cmpf oge, %get3A_1058, %ge3A_1059 : vector<16xf32>
      %mul3A_1061 = arith.constant 128 : i32
      %mul3A_1062 = arith.muli %squeeze3A_673, %mul3A_1061 : i32
      %mul3A_1063 = arith.constant 16 : i32
      %mul3A_1064 = arith.muli %scan3A_1051, %mul3A_1063 : i32
      %add3A_1065 = arith.addi %mul3A_1062, %mul3A_1064 : i32
      %add3A_1066 = vector.broadcast %add3A_1065 : i32 to vector<16xi32>
      %add3A_1067 = arith.addi %add3A_1066, %iota3A : vector<16xi32>
      %swap3A_1068 = arith.index_cast %scan3A_1052 : i32 to index
      %swap3A_1069 = tpu.vector_load %arg14[%swap3A_1068] masked %ge3A_1060 {strides = array<i32>} : memref<4112xf32, #tpu.memory_space<vmem>>, vector<16xf32>, vector<16xi1>
      tpu.vector_store %arg14[%swap3A_1068], %get3A_1058 masked %ge3A_1060 {strides = array<i32>} : memref<4112xf32, #tpu.memory_space<vmem>>, vector<16xf32>, vector<16xi1>
      %swap3A_1070 = arith.index_cast %scan3A_1052 : i32 to index
      %swap3A_1071 = tpu.vector_load %arg15[%swap3A_1070] masked %ge3A_1060 {strides = array<i32>} : memref<4112xi32, #tpu.memory_space<vmem>>, vector<16xi32>, vector<16xi1>
      tpu.vector_store %arg15[%swap3A_1070], %add3A_1067 masked %ge3A_1060 {strides = array<i32>} : memref<4112xi32, #tpu.memory_space<vmem>>, vector<16xi32>, vector<16xi1>
      %all_reduce_population_count3A = tpu.all_reduce %ge3A_1060 {dim = 0 : i64, kind = #tpu.reduction_kind<sum>} : vector<16xi1> -> vector<16xi32>
      %slice3A_1072 = vector.extract_strided_slice %all_reduce_population_count3A {offsets = [0], sizes = [1], strides = [1]} : vector<16xi32> to vector<1xi32>
      %squeeze3A_1073 = vector.extract %slice3A_1072[0] : i32 from vector<1xi32>
      %add3A_1074 = arith.addi %scan3A_1052, %squeeze3A_1073 : i32
      scf.yield %add3A_1074 : i32
    }
    %scan3A_819 = arith.constant 8 : i32
    %scan3A_820 = arith.constant 0 : i32
    %scan3A_821 = arith.constant 8 : i32
    %scan3A_822 = arith.addi %scan3A_820, %scan3A_821 : i32
    %scan3A_823 = arith.constant 1 : i32
    %scan3A_824 = scf.for %scan3A_1051 = %scan3A_820 to %scan3A_822 step %scan3A_823 iter_args(%scan3A_1052 = %scan3A_818) -> (i32)  : i32 {
      %mul3A_1053 = arith.constant 16 : i32
      %mul3A_1054 = arith.muli %scan3A_1051, %mul3A_1053 : i32
      %get3A_1055 = arith.constant 15 : i32
      %get3A_1056 = arith.index_cast %get3A_1055 : i32 to index
      %get3A_1057 = arith.index_cast %mul3A_1054 : i32 to index
      %get3A_1058 = tpu.vector_load %arg9[%get3A_1056, %get3A_1057] {strides = array<i32>} : memref<32x128xf32, #tpu.memory_space<vmem>>, vector<16xf32>,
      %ge3A_1059 = vector.broadcast %squeeze3A_709 : f32 to vector<16xf32>
      %ge3A_1060 = arith.cmpf oge, %get3A_1058, %ge3A_1059 : vector<16xf32>
      %mul3A_1061 = arith.constant 128 : i32
      %mul3A_1062 = arith.muli %squeeze3A_675, %mul3A_1061 : i32
      %mul3A_1063 = arith.constant 16 : i32
      %mul3A_1064 = arith.muli %scan3A_1051, %mul3A_1063 : i32
      %add3A_1065 = arith.addi %mul3A_1062, %mul3A_1064 : i32
      %add3A_1066 = vector.broadcast %add3A_1065 : i32 to vector<16xi32>
      %add3A_1067 = arith.addi %add3A_1066, %iota3A : vector<16xi32>
      %swap3A_1068 = arith.index_cast %scan3A_1052 : i32 to index
      %swap3A_1069 = tpu.vector_load %arg14[%swap3A_1068] masked %ge3A_1060 {strides = array<i32>} : memref<4112xf32, #tpu.memory_space<vmem>>, vector<16xf32>, vector<16xi1>
      tpu.vector_store %arg14[%swap3A_1068], %get3A_1058 masked %ge3A_1060 {strides = array<i32>} : memref<4112xf32, #tpu.memory_space<vmem>>, vector<16xf32>, vector<16xi1>
      %swap3A_1070 = arith.index_cast %scan3A_1052 : i32 to index
      %swap3A_1071 = tpu.vector_load %arg15[%swap3A_1070] masked %ge3A_1060 {strides = array<i32>} : memref<4112xi32, #tpu.memory_space<vmem>>, vector<16xi32>, vector<16xi1>
      tpu.vector_store %arg15[%swap3A_1070], %add3A_1067 masked %ge3A_1060 {strides = array<i32>} : memref<4112xi32, #tpu.memory_space<vmem>>, vector<16xi32>, vector<16xi1>
      %all_reduce_population_count3A = tpu.all_reduce %ge3A_1060 {dim = 0 : i64, kind = #tpu.reduction_kind<sum>} : vector<16xi1> -> vector<16xi32>
      %slice3A_1072 = vector.extract_strided_slice %all_reduce_population_count3A {offsets = [0], sizes = [1], strides = [1]} : vector<16xi32> to vector<1xi32>
      %squeeze3A_1073 = vector.extract %slice3A_1072[0] : i32 from vector<1xi32>
      %add3A_1074 = arith.addi %scan3A_1052, %squeeze3A_1073 : i32
      scf.yield %add3A_1074 : i32
    }
    %scan3A_825 = arith.constant 8 : i32
    %scan3A_826 = arith.constant 0 : i32
    %scan3A_827 = arith.constant 8 : i32
    %scan3A_828 = arith.addi %scan3A_826, %scan3A_827 : i32
    %scan3A_829 = arith.constant 1 : i32
    %scan3A_830 = scf.for %scan3A_1051 = %scan3A_826 to %scan3A_828 step %scan3A_829 iter_args(%scan3A_1052 = %scan3A_824) -> (i32)  : i32 {
      %mul3A_1053 = arith.constant 16 : i32
      %mul3A_1054 = arith.muli %scan3A_1051, %mul3A_1053 : i32
      %get3A_1055 = arith.constant 16 : i32
      %get3A_1056 = arith.index_cast %get3A_1055 : i32 to index
      %get3A_1057 = arith.index_cast %mul3A_1054 : i32 to index
      %get3A_1058 = tpu.vector_load %arg9[%get3A_1056, %get3A_1057] {strides = array<i32>} : memref<32x128xf32, #tpu.memory_space<vmem>>, vector<16xf32>,
      %ge3A_1059 = vector.broadcast %squeeze3A_709 : f32 to vector<16xf32>
      %ge3A_1060 = arith.cmpf oge, %get3A_1058, %ge3A_1059 : vector<16xf32>
      %mul3A_1061 = arith.constant 128 : i32
      %mul3A_1062 = arith.muli %squeeze3A_677, %mul3A_1061 : i32
      %mul3A_1063 = arith.constant 16 : i32
      %mul3A_1064 = arith.muli %scan3A_1051, %mul3A_1063 : i32
      %add3A_1065 = arith.addi %mul3A_1062, %mul3A_1064 : i32
      %add3A_1066 = vector.broadcast %add3A_1065 : i32 to vector<16xi32>
      %add3A_1067 = arith.addi %add3A_1066, %iota3A : vector<16xi32>
      %swap3A_1068 = arith.index_cast %scan3A_1052 : i32 to index
      %swap3A_1069 = tpu.vector_load %arg14[%swap3A_1068] masked %ge3A_1060 {strides = array<i32>} : memref<4112xf32, #tpu.memory_space<vmem>>, vector<16xf32>, vector<16xi1>
      tpu.vector_store %arg14[%swap3A_1068], %get3A_1058 masked %ge3A_1060 {strides = array<i32>} : memref<4112xf32, #tpu.memory_space<vmem>>, vector<16xf32>, vector<16xi1>
      %swap3A_1070 = arith.index_cast %scan3A_1052 : i32 to index
      %swap3A_1071 = tpu.vector_load %arg15[%swap3A_1070] masked %ge3A_1060 {strides = array<i32>} : memref<4112xi32, #tpu.memory_space<vmem>>, vector<16xi32>, vector<16xi1>
      tpu.vector_store %arg15[%swap3A_1070], %add3A_1067 masked %ge3A_1060 {strides = array<i32>} : memref<4112xi32, #tpu.memory_space<vmem>>, vector<16xi32>, vector<16xi1>
      %all_reduce_population_count3A = tpu.all_reduce %ge3A_1060 {dim = 0 : i64, kind = #tpu.reduction_kind<sum>} : vector<16xi1> -> vector<16xi32>
      %slice3A_1072 = vector.extract_strided_slice %all_reduce_population_count3A {offsets = [0], sizes = [1], strides = [1]} : vector<16xi32> to vector<1xi32>
      %squeeze3A_1073 = vector.extract %slice3A_1072[0] : i32 from vector<1xi32>
      %add3A_1074 = arith.addi %scan3A_1052, %squeeze3A_1073 : i32
      scf.yield %add3A_1074 : i32
    }
    %scan3A_831 = arith.constant 8 : i32
    %scan3A_832 = arith.constant 0 : i32
    %scan3A_833 = arith.constant 8 : i32
    %scan3A_834 = arith.addi %scan3A_832, %scan3A_833 : i32
    %scan3A_835 = arith.constant 1 : i32
    %scan3A_836 = scf.for %scan3A_1051 = %scan3A_832 to %scan3A_834 step %scan3A_835 iter_args(%scan3A_1052 = %scan3A_830) -> (i32)  : i32 {
      %mul3A_1053 = arith.constant 16 : i32
      %mul3A_1054 = arith.muli %scan3A_1051, %mul3A_1053 : i32
      %get3A_1055 = arith.constant 17 : i32
      %get3A_1056 = arith.index_cast %get3A_1055 : i32 to index
      %get3A_1057 = arith.index_cast %mul3A_1054 : i32 to index
      %get3A_1058 = tpu.vector_load %arg9[%get3A_1056, %get3A_1057] {strides = array<i32>} : memref<32x128xf32, #tpu.memory_space<vmem>>, vector<16xf32>,
      %ge3A_1059 = vector.broadcast %squeeze3A_709 : f32 to vector<16xf32>
      %ge3A_1060 = arith.cmpf oge, %get3A_1058, %ge3A_1059 : vector<16xf32>
      %mul3A_1061 = arith.constant 128 : i32
      %mul3A_1062 = arith.muli %squeeze3A_679, %mul3A_1061 : i32
      %mul3A_1063 = arith.constant 16 : i32
      %mul3A_1064 = arith.muli %scan3A_1051, %mul3A_1063 : i32
      %add3A_1065 = arith.addi %mul3A_1062, %mul3A_1064 : i32
      %add3A_1066 = vector.broadcast %add3A_1065 : i32 to vector<16xi32>
      %add3A_1067 = arith.addi %add3A_1066, %iota3A : vector<16xi32>
      %swap3A_1068 = arith.index_cast %scan3A_1052 : i32 to index
      %swap3A_1069 = tpu.vector_load %arg14[%swap3A_1068] masked %ge3A_1060 {strides = array<i32>} : memref<4112xf32, #tpu.memory_space<vmem>>, vector<16xf32>, vector<16xi1>
      tpu.vector_store %arg14[%swap3A_1068], %get3A_1058 masked %ge3A_1060 {strides = array<i32>} : memref<4112xf32, #tpu.memory_space<vmem>>, vector<16xf32>, vector<16xi1>
      %swap3A_1070 = arith.index_cast %scan3A_1052 : i32 to index
      %swap3A_1071 = tpu.vector_load %arg15[%swap3A_1070] masked %ge3A_1060 {strides = array<i32>} : memref<4112xi32, #tpu.memory_space<vmem>>, vector<16xi32>, vector<16xi1>
      tpu.vector_store %arg15[%swap3A_1070], %add3A_1067 masked %ge3A_1060 {strides = array<i32>} : memref<4112xi32, #tpu.memory_space<vmem>>, vector<16xi32>, vector<16xi1>
      %all_reduce_population_count3A = tpu.all_reduce %ge3A_1060 {dim = 0 : i64, kind = #tpu.reduction_kind<sum>} : vector<16xi1> -> vector<16xi32>
      %slice3A_1072 = vector.extract_strided_slice %all_reduce_population_count3A {offsets = [0], sizes = [1], strides = [1]} : vector<16xi32> to vector<1xi32>
      %squeeze3A_1073 = vector.extract %slice3A_1072[0] : i32 from vector<1xi32>
      %add3A_1074 = arith.addi %scan3A_1052, %squeeze3A_1073 : i32
      scf.yield %add3A_1074 : i32
    }
    %scan3A_837 = arith.constant 8 : i32
    %scan3A_838 = arith.constant 0 : i32
    %scan3A_839 = arith.constant 8 : i32
    %scan3A_840 = arith.addi %scan3A_838, %scan3A_839 : i32
    %scan3A_841 = arith.constant 1 : i32
    %scan3A_842 = scf.for %scan3A_1051 = %scan3A_838 to %scan3A_840 step %scan3A_841 iter_args(%scan3A_1052 = %scan3A_836) -> (i32)  : i32 {
      %mul3A_1053 = arith.constant 16 : i32
      %mul3A_1054 = arith.muli %scan3A_1051, %mul3A_1053 : i32
      %get3A_1055 = arith.constant 18 : i32
      %get3A_1056 = arith.index_cast %get3A_1055 : i32 to index
      %get3A_1057 = arith.index_cast %mul3A_1054 : i32 to index
      %get3A_1058 = tpu.vector_load %arg9[%get3A_1056, %get3A_1057] {strides = array<i32>} : memref<32x128xf32, #tpu.memory_space<vmem>>, vector<16xf32>,
      %ge3A_1059 = vector.broadcast %squeeze3A_709 : f32 to vector<16xf32>
      %ge3A_1060 = arith.cmpf oge, %get3A_1058, %ge3A_1059 : vector<16xf32>
      %mul3A_1061 = arith.constant 128 : i32
      %mul3A_1062 = arith.muli %squeeze3A_681, %mul3A_1061 : i32
      %mul3A_1063 = arith.constant 16 : i32
      %mul3A_1064 = arith.muli %scan3A_1051, %mul3A_1063 : i32
      %add3A_1065 = arith.addi %mul3A_1062, %mul3A_1064 : i32
      %add3A_1066 = vector.broadcast %add3A_1065 : i32 to vector<16xi32>
      %add3A_1067 = arith.addi %add3A_1066, %iota3A : vector<16xi32>
      %swap3A_1068 = arith.index_cast %scan3A_1052 : i32 to index
      %swap3A_1069 = tpu.vector_load %arg14[%swap3A_1068] masked %ge3A_1060 {strides = array<i32>} : memref<4112xf32, #tpu.memory_space<vmem>>, vector<16xf32>, vector<16xi1>
      tpu.vector_store %arg14[%swap3A_1068], %get3A_1058 masked %ge3A_1060 {strides = array<i32>} : memref<4112xf32, #tpu.memory_space<vmem>>, vector<16xf32>, vector<16xi1>
      %swap3A_1070 = arith.index_cast %scan3A_1052 : i32 to index
      %swap3A_1071 = tpu.vector_load %arg15[%swap3A_1070] masked %ge3A_1060 {strides = array<i32>} : memref<4112xi32, #tpu.memory_space<vmem>>, vector<16xi32>, vector<16xi1>
      tpu.vector_store %arg15[%swap3A_1070], %add3A_1067 masked %ge3A_1060 {strides = array<i32>} : memref<4112xi32, #tpu.memory_space<vmem>>, vector<16xi32>, vector<16xi1>
      %all_reduce_population_count3A = tpu.all_reduce %ge3A_1060 {dim = 0 : i64, kind = #tpu.reduction_kind<sum>} : vector<16xi1> -> vector<16xi32>
      %slice3A_1072 = vector.extract_strided_slice %all_reduce_population_count3A {offsets = [0], sizes = [1], strides = [1]} : vector<16xi32> to vector<1xi32>
      %squeeze3A_1073 = vector.extract %slice3A_1072[0] : i32 from vector<1xi32>
      %add3A_1074 = arith.addi %scan3A_1052, %squeeze3A_1073 : i32
      scf.yield %add3A_1074 : i32
    }
    %scan3A_843 = arith.constant 8 : i32
    %scan3A_844 = arith.constant 0 : i32
    %scan3A_845 = arith.constant 8 : i32
    %scan3A_846 = arith.addi %scan3A_844, %scan3A_845 : i32
    %scan3A_847 = arith.constant 1 : i32
    %scan3A_848 = scf.for %scan3A_1051 = %scan3A_844 to %scan3A_846 step %scan3A_847 iter_args(%scan3A_1052 = %scan3A_842) -> (i32)  : i32 {
      %mul3A_1053 = arith.constant 16 : i32
      %mul3A_1054 = arith.muli %scan3A_1051, %mul3A_1053 : i32
      %get3A_1055 = arith.constant 19 : i32
      %get3A_1056 = arith.index_cast %get3A_1055 : i32 to index
      %get3A_1057 = arith.index_cast %mul3A_1054 : i32 to index
      %get3A_1058 = tpu.vector_load %arg9[%get3A_1056, %get3A_1057] {strides = array<i32>} : memref<32x128xf32, #tpu.memory_space<vmem>>, vector<16xf32>,
      %ge3A_1059 = vector.broadcast %squeeze3A_709 : f32 to vector<16xf32>
      %ge3A_1060 = arith.cmpf oge, %get3A_1058, %ge3A_1059 : vector<16xf32>
      %mul3A_1061 = arith.constant 128 : i32
      %mul3A_1062 = arith.muli %squeeze3A_683, %mul3A_1061 : i32
      %mul3A_1063 = arith.constant 16 : i32
      %mul3A_1064 = arith.muli %scan3A_1051, %mul3A_1063 : i32
      %add3A_1065 = arith.addi %mul3A_1062, %mul3A_1064 : i32
      %add3A_1066 = vector.broadcast %add3A_1065 : i32 to vector<16xi32>
      %add3A_1067 = arith.addi %add3A_1066, %iota3A : vector<16xi32>
      %swap3A_1068 = arith.index_cast %scan3A_1052 : i32 to index
      %swap3A_1069 = tpu.vector_load %arg14[%swap3A_1068] masked %ge3A_1060 {strides = array<i32>} : memref<4112xf32, #tpu.memory_space<vmem>>, vector<16xf32>, vector<16xi1>
      tpu.vector_store %arg14[%swap3A_1068], %get3A_1058 masked %ge3A_1060 {strides = array<i32>} : memref<4112xf32, #tpu.memory_space<vmem>>, vector<16xf32>, vector<16xi1>
      %swap3A_1070 = arith.index_cast %scan3A_1052 : i32 to index
      %swap3A_1071 = tpu.vector_load %arg15[%swap3A_1070] masked %ge3A_1060 {strides = array<i32>} : memref<4112xi32, #tpu.memory_space<vmem>>, vector<16xi32>, vector<16xi1>
      tpu.vector_store %arg15[%swap3A_1070], %add3A_1067 masked %ge3A_1060 {strides = array<i32>} : memref<4112xi32, #tpu.memory_space<vmem>>, vector<16xi32>, vector<16xi1>
      %all_reduce_population_count3A = tpu.all_reduce %ge3A_1060 {dim = 0 : i64, kind = #tpu.reduction_kind<sum>} : vector<16xi1> -> vector<16xi32>
      %slice3A_1072 = vector.extract_strided_slice %all_reduce_population_count3A {offsets = [0], sizes = [1], strides = [1]} : vector<16xi32> to vector<1xi32>
      %squeeze3A_1073 = vector.extract %slice3A_1072[0] : i32 from vector<1xi32>
      %add3A_1074 = arith.addi %scan3A_1052, %squeeze3A_1073 : i32
      scf.yield %add3A_1074 : i32
    }
    %scan3A_849 = arith.constant 8 : i32
    %scan3A_850 = arith.constant 0 : i32
    %scan3A_851 = arith.constant 8 : i32
    %scan3A_852 = arith.addi %scan3A_850, %scan3A_851 : i32
    %scan3A_853 = arith.constant 1 : i32
    %scan3A_854 = scf.for %scan3A_1051 = %scan3A_850 to %scan3A_852 step %scan3A_853 iter_args(%scan3A_1052 = %scan3A_848) -> (i32)  : i32 {
      %mul3A_1053 = arith.constant 16 : i32
      %mul3A_1054 = arith.muli %scan3A_1051, %mul3A_1053 : i32
      %get3A_1055 = arith.constant 20 : i32
      %get3A_1056 = arith.index_cast %get3A_1055 : i32 to index
      %get3A_1057 = arith.index_cast %mul3A_1054 : i32 to index
      %get3A_1058 = tpu.vector_load %arg9[%get3A_1056, %get3A_1057] {strides = array<i32>} : memref<32x128xf32, #tpu.memory_space<vmem>>, vector<16xf32>,
      %ge3A_1059 = vector.broadcast %squeeze3A_709 : f32 to vector<16xf32>
      %ge3A_1060 = arith.cmpf oge, %get3A_1058, %ge3A_1059 : vector<16xf32>
      %mul3A_1061 = arith.constant 128 : i32
      %mul3A_1062 = arith.muli %squeeze3A_685, %mul3A_1061 : i32
      %mul3A_1063 = arith.constant 16 : i32
      %mul3A_1064 = arith.muli %scan3A_1051, %mul3A_1063 : i32
      %add3A_1065 = arith.addi %mul3A_1062, %mul3A_1064 : i32
      %add3A_1066 = vector.broadcast %add3A_1065 : i32 to vector<16xi32>
      %add3A_1067 = arith.addi %add3A_1066, %iota3A : vector<16xi32>
      %swap3A_1068 = arith.index_cast %scan3A_1052 : i32 to index
      %swap3A_1069 = tpu.vector_load %arg14[%swap3A_1068] masked %ge3A_1060 {strides = array<i32>} : memref<4112xf32, #tpu.memory_space<vmem>>, vector<16xf32>, vector<16xi1>
      tpu.vector_store %arg14[%swap3A_1068], %get3A_1058 masked %ge3A_1060 {strides = array<i32>} : memref<4112xf32, #tpu.memory_space<vmem>>, vector<16xf32>, vector<16xi1>
      %swap3A_1070 = arith.index_cast %scan3A_1052 : i32 to index
      %swap3A_1071 = tpu.vector_load %arg15[%swap3A_1070] masked %ge3A_1060 {strides = array<i32>} : memref<4112xi32, #tpu.memory_space<vmem>>, vector<16xi32>, vector<16xi1>
      tpu.vector_store %arg15[%swap3A_1070], %add3A_1067 masked %ge3A_1060 {strides = array<i32>} : memref<4112xi32, #tpu.memory_space<vmem>>, vector<16xi32>, vector<16xi1>
      %all_reduce_population_count3A = tpu.all_reduce %ge3A_1060 {dim = 0 : i64, kind = #tpu.reduction_kind<sum>} : vector<16xi1> -> vector<16xi32>
      %slice3A_1072 = vector.extract_strided_slice %all_reduce_population_count3A {offsets = [0], sizes = [1], strides = [1]} : vector<16xi32> to vector<1xi32>
      %squeeze3A_1073 = vector.extract %slice3A_1072[0] : i32 from vector<1xi32>
      %add3A_1074 = arith.addi %scan3A_1052, %squeeze3A_1073 : i32
      scf.yield %add3A_1074 : i32
    }
    %scan3A_855 = arith.constant 8 : i32
    %scan3A_856 = arith.constant 0 : i32
    %scan3A_857 = arith.constant 8 : i32
    %scan3A_858 = arith.addi %scan3A_856, %scan3A_857 : i32
    %scan3A_859 = arith.constant 1 : i32
    %scan3A_860 = scf.for %scan3A_1051 = %scan3A_856 to %scan3A_858 step %scan3A_859 iter_args(%scan3A_1052 = %scan3A_854) -> (i32)  : i32 {
      %mul3A_1053 = arith.constant 16 : i32
      %mul3A_1054 = arith.muli %scan3A_1051, %mul3A_1053 : i32
      %get3A_1055 = arith.constant 21 : i32
      %get3A_1056 = arith.index_cast %get3A_1055 : i32 to index
      %get3A_1057 = arith.index_cast %mul3A_1054 : i32 to index
      %get3A_1058 = tpu.vector_load %arg9[%get3A_1056, %get3A_1057] {strides = array<i32>} : memref<32x128xf32, #tpu.memory_space<vmem>>, vector<16xf32>,
      %ge3A_1059 = vector.broadcast %squeeze3A_709 : f32 to vector<16xf32>
      %ge3A_1060 = arith.cmpf oge, %get3A_1058, %ge3A_1059 : vector<16xf32>
      %mul3A_1061 = arith.constant 128 : i32
      %mul3A_1062 = arith.muli %squeeze3A_687, %mul3A_1061 : i32
      %mul3A_1063 = arith.constant 16 : i32
      %mul3A_1064 = arith.muli %scan3A_1051, %mul3A_1063 : i32
      %add3A_1065 = arith.addi %mul3A_1062, %mul3A_1064 : i32
      %add3A_1066 = vector.broadcast %add3A_1065 : i32 to vector<16xi32>
      %add3A_1067 = arith.addi %add3A_1066, %iota3A : vector<16xi32>
      %swap3A_1068 = arith.index_cast %scan3A_1052 : i32 to index
      %swap3A_1069 = tpu.vector_load %arg14[%swap3A_1068] masked %ge3A_1060 {strides = array<i32>} : memref<4112xf32, #tpu.memory_space<vmem>>, vector<16xf32>, vector<16xi1>
      tpu.vector_store %arg14[%swap3A_1068], %get3A_1058 masked %ge3A_1060 {strides = array<i32>} : memref<4112xf32, #tpu.memory_space<vmem>>, vector<16xf32>, vector<16xi1>
      %swap3A_1070 = arith.index_cast %scan3A_1052 : i32 to index
      %swap3A_1071 = tpu.vector_load %arg15[%swap3A_1070] masked %ge3A_1060 {strides = array<i32>} : memref<4112xi32, #tpu.memory_space<vmem>>, vector<16xi32>, vector<16xi1>
      tpu.vector_store %arg15[%swap3A_1070], %add3A_1067 masked %ge3A_1060 {strides = array<i32>} : memref<4112xi32, #tpu.memory_space<vmem>>, vector<16xi32>, vector<16xi1>
      %all_reduce_population_count3A = tpu.all_reduce %ge3A_1060 {dim = 0 : i64, kind = #tpu.reduction_kind<sum>} : vector<16xi1> -> vector<16xi32>
      %slice3A_1072 = vector.extract_strided_slice %all_reduce_population_count3A {offsets = [0], sizes = [1], strides = [1]} : vector<16xi32> to vector<1xi32>
      %squeeze3A_1073 = vector.extract %slice3A_1072[0] : i32 from vector<1xi32>
      %add3A_1074 = arith.addi %scan3A_1052, %squeeze3A_1073 : i32
      scf.yield %add3A_1074 : i32
    }
    %scan3A_861 = arith.constant 8 : i32
    %scan3A_862 = arith.constant 0 : i32
    %scan3A_863 = arith.constant 8 : i32
    %scan3A_864 = arith.addi %scan3A_862, %scan3A_863 : i32
    %scan3A_865 = arith.constant 1 : i32
    %scan3A_866 = scf.for %scan3A_1051 = %scan3A_862 to %scan3A_864 step %scan3A_865 iter_args(%scan3A_1052 = %scan3A_860) -> (i32)  : i32 {
      %mul3A_1053 = arith.constant 16 : i32
      %mul3A_1054 = arith.muli %scan3A_1051, %mul3A_1053 : i32
      %get3A_1055 = arith.constant 22 : i32
      %get3A_1056 = arith.index_cast %get3A_1055 : i32 to index
      %get3A_1057 = arith.index_cast %mul3A_1054 : i32 to index
      %get3A_1058 = tpu.vector_load %arg9[%get3A_1056, %get3A_1057] {strides = array<i32>} : memref<32x128xf32, #tpu.memory_space<vmem>>, vector<16xf32>,
      %ge3A_1059 = vector.broadcast %squeeze3A_709 : f32 to vector<16xf32>
      %ge3A_1060 = arith.cmpf oge, %get3A_1058, %ge3A_1059 : vector<16xf32>
      %mul3A_1061 = arith.constant 128 : i32
      %mul3A_1062 = arith.muli %squeeze3A_689, %mul3A_1061 : i32
      %mul3A_1063 = arith.constant 16 : i32
      %mul3A_1064 = arith.muli %scan3A_1051, %mul3A_1063 : i32
      %add3A_1065 = arith.addi %mul3A_1062, %mul3A_1064 : i32
      %add3A_1066 = vector.broadcast %add3A_1065 : i32 to vector<16xi32>
      %add3A_1067 = arith.addi %add3A_1066, %iota3A : vector<16xi32>
      %swap3A_1068 = arith.index_cast %scan3A_1052 : i32 to index
      %swap3A_1069 = tpu.vector_load %arg14[%swap3A_1068] masked %ge3A_1060 {strides = array<i32>} : memref<4112xf32, #tpu.memory_space<vmem>>, vector<16xf32>, vector<16xi1>
      tpu.vector_store %arg14[%swap3A_1068], %get3A_1058 masked %ge3A_1060 {strides = array<i32>} : memref<4112xf32, #tpu.memory_space<vmem>>, vector<16xf32>, vector<16xi1>
      %swap3A_1070 = arith.index_cast %scan3A_1052 : i32 to index
      %swap3A_1071 = tpu.vector_load %arg15[%swap3A_1070] masked %ge3A_1060 {strides = array<i32>} : memref<4112xi32, #tpu.memory_space<vmem>>, vector<16xi32>, vector<16xi1>
      tpu.vector_store %arg15[%swap3A_1070], %add3A_1067 masked %ge3A_1060 {strides = array<i32>} : memref<4112xi32, #tpu.memory_space<vmem>>, vector<16xi32>, vector<16xi1>
      %all_reduce_population_count3A = tpu.all_reduce %ge3A_1060 {dim = 0 : i64, kind = #tpu.reduction_kind<sum>} : vector<16xi1> -> vector<16xi32>
      %slice3A_1072 = vector.extract_strided_slice %all_reduce_population_count3A {offsets = [0], sizes = [1], strides = [1]} : vector<16xi32> to vector<1xi32>
      %squeeze3A_1073 = vector.extract %slice3A_1072[0] : i32 from vector<1xi32>
      %add3A_1074 = arith.addi %scan3A_1052, %squeeze3A_1073 : i32
      scf.yield %add3A_1074 : i32
    }
    %scan3A_867 = arith.constant 8 : i32
    %scan3A_868 = arith.constant 0 : i32
    %scan3A_869 = arith.constant 8 : i32
    %scan3A_870 = arith.addi %scan3A_868, %scan3A_869 : i32
    %scan3A_871 = arith.constant 1 : i32
    %scan3A_872 = scf.for %scan3A_1051 = %scan3A_868 to %scan3A_870 step %scan3A_871 iter_args(%scan3A_1052 = %scan3A_866) -> (i32)  : i32 {
      %mul3A_1053 = arith.constant 16 : i32
      %mul3A_1054 = arith.muli %scan3A_1051, %mul3A_1053 : i32
      %get3A_1055 = arith.constant 23 : i32
      %get3A_1056 = arith.index_cast %get3A_1055 : i32 to index
      %get3A_1057 = arith.index_cast %mul3A_1054 : i32 to index
      %get3A_1058 = tpu.vector_load %arg9[%get3A_1056, %get3A_1057] {strides = array<i32>} : memref<32x128xf32, #tpu.memory_space<vmem>>, vector<16xf32>,
      %ge3A_1059 = vector.broadcast %squeeze3A_709 : f32 to vector<16xf32>
      %ge3A_1060 = arith.cmpf oge, %get3A_1058, %ge3A_1059 : vector<16xf32>
      %mul3A_1061 = arith.constant 128 : i32
      %mul3A_1062 = arith.muli %squeeze3A_691, %mul3A_1061 : i32
      %mul3A_1063 = arith.constant 16 : i32
      %mul3A_1064 = arith.muli %scan3A_1051, %mul3A_1063 : i32
      %add3A_1065 = arith.addi %mul3A_1062, %mul3A_1064 : i32
      %add3A_1066 = vector.broadcast %add3A_1065 : i32 to vector<16xi32>
      %add3A_1067 = arith.addi %add3A_1066, %iota3A : vector<16xi32>
      %swap3A_1068 = arith.index_cast %scan3A_1052 : i32 to index
      %swap3A_1069 = tpu.vector_load %arg14[%swap3A_1068] masked %ge3A_1060 {strides = array<i32>} : memref<4112xf32, #tpu.memory_space<vmem>>, vector<16xf32>, vector<16xi1>
      tpu.vector_store %arg14[%swap3A_1068], %get3A_1058 masked %ge3A_1060 {strides = array<i32>} : memref<4112xf32, #tpu.memory_space<vmem>>, vector<16xf32>, vector<16xi1>
      %swap3A_1070 = arith.index_cast %scan3A_1052 : i32 to index
      %swap3A_1071 = tpu.vector_load %arg15[%swap3A_1070] masked %ge3A_1060 {strides = array<i32>} : memref<4112xi32, #tpu.memory_space<vmem>>, vector<16xi32>, vector<16xi1>
      tpu.vector_store %arg15[%swap3A_1070], %add3A_1067 masked %ge3A_1060 {strides = array<i32>} : memref<4112xi32, #tpu.memory_space<vmem>>, vector<16xi32>, vector<16xi1>
      %all_reduce_population_count3A = tpu.all_reduce %ge3A_1060 {dim = 0 : i64, kind = #tpu.reduction_kind<sum>} : vector<16xi1> -> vector<16xi32>
      %slice3A_1072 = vector.extract_strided_slice %all_reduce_population_count3A {offsets = [0], sizes = [1], strides = [1]} : vector<16xi32> to vector<1xi32>
      %squeeze3A_1073 = vector.extract %slice3A_1072[0] : i32 from vector<1xi32>
      %add3A_1074 = arith.addi %scan3A_1052, %squeeze3A_1073 : i32
      scf.yield %add3A_1074 : i32
    }
    %scan3A_873 = arith.constant 8 : i32
    %scan3A_874 = arith.constant 0 : i32
    %scan3A_875 = arith.constant 8 : i32
    %scan3A_876 = arith.addi %scan3A_874, %scan3A_875 : i32
    %scan3A_877 = arith.constant 1 : i32
    %scan3A_878 = scf.for %scan3A_1051 = %scan3A_874 to %scan3A_876 step %scan3A_877 iter_args(%scan3A_1052 = %scan3A_872) -> (i32)  : i32 {
      %mul3A_1053 = arith.constant 16 : i32
      %mul3A_1054 = arith.muli %scan3A_1051, %mul3A_1053 : i32
      %get3A_1055 = arith.constant 24 : i32
      %get3A_1056 = arith.index_cast %get3A_1055 : i32 to index
      %get3A_1057 = arith.index_cast %mul3A_1054 : i32 to index
      %get3A_1058 = tpu.vector_load %arg9[%get3A_1056, %get3A_1057] {strides = array<i32>} : memref<32x128xf32, #tpu.memory_space<vmem>>, vector<16xf32>,
      %ge3A_1059 = vector.broadcast %squeeze3A_709 : f32 to vector<16xf32>
      %ge3A_1060 = arith.cmpf oge, %get3A_1058, %ge3A_1059 : vector<16xf32>
      %mul3A_1061 = arith.constant 128 : i32
      %mul3A_1062 = arith.muli %squeeze3A_693, %mul3A_1061 : i32
      %mul3A_1063 = arith.constant 16 : i32
      %mul3A_1064 = arith.muli %scan3A_1051, %mul3A_1063 : i32
      %add3A_1065 = arith.addi %mul3A_1062, %mul3A_1064 : i32
      %add3A_1066 = vector.broadcast %add3A_1065 : i32 to vector<16xi32>
      %add3A_1067 = arith.addi %add3A_1066, %iota3A : vector<16xi32>
      %swap3A_1068 = arith.index_cast %scan3A_1052 : i32 to index
      %swap3A_1069 = tpu.vector_load %arg14[%swap3A_1068] masked %ge3A_1060 {strides = array<i32>} : memref<4112xf32, #tpu.memory_space<vmem>>, vector<16xf32>, vector<16xi1>
      tpu.vector_store %arg14[%swap3A_1068], %get3A_1058 masked %ge3A_1060 {strides = array<i32>} : memref<4112xf32, #tpu.memory_space<vmem>>, vector<16xf32>, vector<16xi1>
      %swap3A_1070 = arith.index_cast %scan3A_1052 : i32 to index
      %swap3A_1071 = tpu.vector_load %arg15[%swap3A_1070] masked %ge3A_1060 {strides = array<i32>} : memref<4112xi32, #tpu.memory_space<vmem>>, vector<16xi32>, vector<16xi1>
      tpu.vector_store %arg15[%swap3A_1070], %add3A_1067 masked %ge3A_1060 {strides = array<i32>} : memref<4112xi32, #tpu.memory_space<vmem>>, vector<16xi32>, vector<16xi1>
      %all_reduce_population_count3A = tpu.all_reduce %ge3A_1060 {dim = 0 : i64, kind = #tpu.reduction_kind<sum>} : vector<16xi1> -> vector<16xi32>
      %slice3A_1072 = vector.extract_strided_slice %all_reduce_population_count3A {offsets = [0], sizes = [1], strides = [1]} : vector<16xi32> to vector<1xi32>
      %squeeze3A_1073 = vector.extract %slice3A_1072[0] : i32 from vector<1xi32>
      %add3A_1074 = arith.addi %scan3A_1052, %squeeze3A_1073 : i32
      scf.yield %add3A_1074 : i32
    }
    %scan3A_879 = arith.constant 8 : i32
    %scan3A_880 = arith.constant 0 : i32
    %scan3A_881 = arith.constant 8 : i32
    %scan3A_882 = arith.addi %scan3A_880, %scan3A_881 : i32
    %scan3A_883 = arith.constant 1 : i32
    %scan3A_884 = scf.for %scan3A_1051 = %scan3A_880 to %scan3A_882 step %scan3A_883 iter_args(%scan3A_1052 = %scan3A_878) -> (i32)  : i32 {
      %mul3A_1053 = arith.constant 16 : i32
      %mul3A_1054 = arith.muli %scan3A_1051, %mul3A_1053 : i32
      %get3A_1055 = arith.constant 25 : i32
      %get3A_1056 = arith.index_cast %get3A_1055 : i32 to index
      %get3A_1057 = arith.index_cast %mul3A_1054 : i32 to index
      %get3A_1058 = tpu.vector_load %arg9[%get3A_1056, %get3A_1057] {strides = array<i32>} : memref<32x128xf32, #tpu.memory_space<vmem>>, vector<16xf32>,
      %ge3A_1059 = vector.broadcast %squeeze3A_709 : f32 to vector<16xf32>
      %ge3A_1060 = arith.cmpf oge, %get3A_1058, %ge3A_1059 : vector<16xf32>
      %mul3A_1061 = arith.constant 128 : i32
      %mul3A_1062 = arith.muli %squeeze3A_695, %mul3A_1061 : i32
      %mul3A_1063 = arith.constant 16 : i32
      %mul3A_1064 = arith.muli %scan3A_1051, %mul3A_1063 : i32
      %add3A_1065 = arith.addi %mul3A_1062, %mul3A_1064 : i32
      %add3A_1066 = vector.broadcast %add3A_1065 : i32 to vector<16xi32>
      %add3A_1067 = arith.addi %add3A_1066, %iota3A : vector<16xi32>
      %swap3A_1068 = arith.index_cast %scan3A_1052 : i32 to index
      %swap3A_1069 = tpu.vector_load %arg14[%swap3A_1068] masked %ge3A_1060 {strides = array<i32>} : memref<4112xf32, #tpu.memory_space<vmem>>, vector<16xf32>, vector<16xi1>
      tpu.vector_store %arg14[%swap3A_1068], %get3A_1058 masked %ge3A_1060 {strides = array<i32>} : memref<4112xf32, #tpu.memory_space<vmem>>, vector<16xf32>, vector<16xi1>
      %swap3A_1070 = arith.index_cast %scan3A_1052 : i32 to index
      %swap3A_1071 = tpu.vector_load %arg15[%swap3A_1070] masked %ge3A_1060 {strides = array<i32>} : memref<4112xi32, #tpu.memory_space<vmem>>, vector<16xi32>, vector<16xi1>
      tpu.vector_store %arg15[%swap3A_1070], %add3A_1067 masked %ge3A_1060 {strides = array<i32>} : memref<4112xi32, #tpu.memory_space<vmem>>, vector<16xi32>, vector<16xi1>
      %all_reduce_population_count3A = tpu.all_reduce %ge3A_1060 {dim = 0 : i64, kind = #tpu.reduction_kind<sum>} : vector<16xi1> -> vector<16xi32>
      %slice3A_1072 = vector.extract_strided_slice %all_reduce_population_count3A {offsets = [0], sizes = [1], strides = [1]} : vector<16xi32> to vector<1xi32>
      %squeeze3A_1073 = vector.extract %slice3A_1072[0] : i32 from vector<1xi32>
      %add3A_1074 = arith.addi %scan3A_1052, %squeeze3A_1073 : i32
      scf.yield %add3A_1074 : i32
    }
    %scan3A_885 = arith.constant 8 : i32
    %scan3A_886 = arith.constant 0 : i32
    %scan3A_887 = arith.constant 8 : i32
    %scan3A_888 = arith.addi %scan3A_886, %scan3A_887 : i32
    %scan3A_889 = arith.constant 1 : i32
    %scan3A_890 = scf.for %scan3A_1051 = %scan3A_886 to %scan3A_888 step %scan3A_889 iter_args(%scan3A_1052 = %scan3A_884) -> (i32)  : i32 {
      %mul3A_1053 = arith.constant 16 : i32
      %mul3A_1054 = arith.muli %scan3A_1051, %mul3A_1053 : i32
      %get3A_1055 = arith.constant 26 : i32
      %get3A_1056 = arith.index_cast %get3A_1055 : i32 to index
      %get3A_1057 = arith.index_cast %mul3A_1054 : i32 to index
      %get3A_1058 = tpu.vector_load %arg9[%get3A_1056, %get3A_1057] {strides = array<i32>} : memref<32x128xf32, #tpu.memory_space<vmem>>, vector<16xf32>,
      %ge3A_1059 = vector.broadcast %squeeze3A_709 : f32 to vector<16xf32>
      %ge3A_1060 = arith.cmpf oge, %get3A_1058, %ge3A_1059 : vector<16xf32>
      %mul3A_1061 = arith.constant 128 : i32
      %mul3A_1062 = arith.muli %squeeze3A_697, %mul3A_1061 : i32
      %mul3A_1063 = arith.constant 16 : i32
      %mul3A_1064 = arith.muli %scan3A_1051, %mul3A_1063 : i32
      %add3A_1065 = arith.addi %mul3A_1062, %mul3A_1064 : i32
      %add3A_1066 = vector.broadcast %add3A_1065 : i32 to vector<16xi32>
      %add3A_1067 = arith.addi %add3A_1066, %iota3A : vector<16xi32>
      %swap3A_1068 = arith.index_cast %scan3A_1052 : i32 to index
      %swap3A_1069 = tpu.vector_load %arg14[%swap3A_1068] masked %ge3A_1060 {strides = array<i32>} : memref<4112xf32, #tpu.memory_space<vmem>>, vector<16xf32>, vector<16xi1>
      tpu.vector_store %arg14[%swap3A_1068], %get3A_1058 masked %ge3A_1060 {strides = array<i32>} : memref<4112xf32, #tpu.memory_space<vmem>>, vector<16xf32>, vector<16xi1>
      %swap3A_1070 = arith.index_cast %scan3A_1052 : i32 to index
      %swap3A_1071 = tpu.vector_load %arg15[%swap3A_1070] masked %ge3A_1060 {strides = array<i32>} : memref<4112xi32, #tpu.memory_space<vmem>>, vector<16xi32>, vector<16xi1>
      tpu.vector_store %arg15[%swap3A_1070], %add3A_1067 masked %ge3A_1060 {strides = array<i32>} : memref<4112xi32, #tpu.memory_space<vmem>>, vector<16xi32>, vector<16xi1>
      %all_reduce_population_count3A = tpu.all_reduce %ge3A_1060 {dim = 0 : i64, kind = #tpu.reduction_kind<sum>} : vector<16xi1> -> vector<16xi32>
      %slice3A_1072 = vector.extract_strided_slice %all_reduce_population_count3A {offsets = [0], sizes = [1], strides = [1]} : vector<16xi32> to vector<1xi32>
      %squeeze3A_1073 = vector.extract %slice3A_1072[0] : i32 from vector<1xi32>
      %add3A_1074 = arith.addi %scan3A_1052, %squeeze3A_1073 : i32
      scf.yield %add3A_1074 : i32
    }
    %scan3A_891 = arith.constant 8 : i32
    %scan3A_892 = arith.constant 0 : i32
    %scan3A_893 = arith.constant 8 : i32
    %scan3A_894 = arith.addi %scan3A_892, %scan3A_893 : i32
    %scan3A_895 = arith.constant 1 : i32
    %scan3A_896 = scf.for %scan3A_1051 = %scan3A_892 to %scan3A_894 step %scan3A_895 iter_args(%scan3A_1052 = %scan3A_890) -> (i32)  : i32 {
      %mul3A_1053 = arith.constant 16 : i32
      %mul3A_1054 = arith.muli %scan3A_1051, %mul3A_1053 : i32
      %get3A_1055 = arith.constant 27 : i32
      %get3A_1056 = arith.index_cast %get3A_1055 : i32 to index
      %get3A_1057 = arith.index_cast %mul3A_1054 : i32 to index
      %get3A_1058 = tpu.vector_load %arg9[%get3A_1056, %get3A_1057] {strides = array<i32>} : memref<32x128xf32, #tpu.memory_space<vmem>>, vector<16xf32>,
      %ge3A_1059 = vector.broadcast %squeeze3A_709 : f32 to vector<16xf32>
      %ge3A_1060 = arith.cmpf oge, %get3A_1058, %ge3A_1059 : vector<16xf32>
      %mul3A_1061 = arith.constant 128 : i32
      %mul3A_1062 = arith.muli %squeeze3A_699, %mul3A_1061 : i32
      %mul3A_1063 = arith.constant 16 : i32
      %mul3A_1064 = arith.muli %scan3A_1051, %mul3A_1063 : i32
      %add3A_1065 = arith.addi %mul3A_1062, %mul3A_1064 : i32
      %add3A_1066 = vector.broadcast %add3A_1065 : i32 to vector<16xi32>
      %add3A_1067 = arith.addi %add3A_1066, %iota3A : vector<16xi32>
      %swap3A_1068 = arith.index_cast %scan3A_1052 : i32 to index
      %swap3A_1069 = tpu.vector_load %arg14[%swap3A_1068] masked %ge3A_1060 {strides = array<i32>} : memref<4112xf32, #tpu.memory_space<vmem>>, vector<16xf32>, vector<16xi1>
      tpu.vector_store %arg14[%swap3A_1068], %get3A_1058 masked %ge3A_1060 {strides = array<i32>} : memref<4112xf32, #tpu.memory_space<vmem>>, vector<16xf32>, vector<16xi1>
      %swap3A_1070 = arith.index_cast %scan3A_1052 : i32 to index
      %swap3A_1071 = tpu.vector_load %arg15[%swap3A_1070] masked %ge3A_1060 {strides = array<i32>} : memref<4112xi32, #tpu.memory_space<vmem>>, vector<16xi32>, vector<16xi1>
      tpu.vector_store %arg15[%swap3A_1070], %add3A_1067 masked %ge3A_1060 {strides = array<i32>} : memref<4112xi32, #tpu.memory_space<vmem>>, vector<16xi32>, vector<16xi1>
      %all_reduce_population_count3A = tpu.all_reduce %ge3A_1060 {dim = 0 : i64, kind = #tpu.reduction_kind<sum>} : vector<16xi1> -> vector<16xi32>
      %slice3A_1072 = vector.extract_strided_slice %all_reduce_population_count3A {offsets = [0], sizes = [1], strides = [1]} : vector<16xi32> to vector<1xi32>
      %squeeze3A_1073 = vector.extract %slice3A_1072[0] : i32 from vector<1xi32>
      %add3A_1074 = arith.addi %scan3A_1052, %squeeze3A_1073 : i32
      scf.yield %add3A_1074 : i32
    }
    %scan3A_897 = arith.constant 8 : i32
    %scan3A_898 = arith.constant 0 : i32
    %scan3A_899 = arith.constant 8 : i32
    %scan3A_900 = arith.addi %scan3A_898, %scan3A_899 : i32
    %scan3A_901 = arith.constant 1 : i32
    %scan3A_902 = scf.for %scan3A_1051 = %scan3A_898 to %scan3A_900 step %scan3A_901 iter_args(%scan3A_1052 = %scan3A_896) -> (i32)  : i32 {
      %mul3A_1053 = arith.constant 16 : i32
      %mul3A_1054 = arith.muli %scan3A_1051, %mul3A_1053 : i32
      %get3A_1055 = arith.constant 28 : i32
      %get3A_1056 = arith.index_cast %get3A_1055 : i32 to index
      %get3A_1057 = arith.index_cast %mul3A_1054 : i32 to index
      %get3A_1058 = tpu.vector_load %arg9[%get3A_1056, %get3A_1057] {strides = array<i32>} : memref<32x128xf32, #tpu.memory_space<vmem>>, vector<16xf32>,
      %ge3A_1059 = vector.broadcast %squeeze3A_709 : f32 to vector<16xf32>
      %ge3A_1060 = arith.cmpf oge, %get3A_1058, %ge3A_1059 : vector<16xf32>
      %mul3A_1061 = arith.constant 128 : i32
      %mul3A_1062 = arith.muli %squeeze3A_701, %mul3A_1061 : i32
      %mul3A_1063 = arith.constant 16 : i32
      %mul3A_1064 = arith.muli %scan3A_1051, %mul3A_1063 : i32
      %add3A_1065 = arith.addi %mul3A_1062, %mul3A_1064 : i32
      %add3A_1066 = vector.broadcast %add3A_1065 : i32 to vector<16xi32>
      %add3A_1067 = arith.addi %add3A_1066, %iota3A : vector<16xi32>
      %swap3A_1068 = arith.index_cast %scan3A_1052 : i32 to index
      %swap3A_1069 = tpu.vector_load %arg14[%swap3A_1068] masked %ge3A_1060 {strides = array<i32>} : memref<4112xf32, #tpu.memory_space<vmem>>, vector<16xf32>, vector<16xi1>
      tpu.vector_store %arg14[%swap3A_1068], %get3A_1058 masked %ge3A_1060 {strides = array<i32>} : memref<4112xf32, #tpu.memory_space<vmem>>, vector<16xf32>, vector<16xi1>
      %swap3A_1070 = arith.index_cast %scan3A_1052 : i32 to index
      %swap3A_1071 = tpu.vector_load %arg15[%swap3A_1070] masked %ge3A_1060 {strides = array<i32>} : memref<4112xi32, #tpu.memory_space<vmem>>, vector<16xi32>, vector<16xi1>
      tpu.vector_store %arg15[%swap3A_1070], %add3A_1067 masked %ge3A_1060 {strides = array<i32>} : memref<4112xi32, #tpu.memory_space<vmem>>, vector<16xi32>, vector<16xi1>
      %all_reduce_population_count3A = tpu.all_reduce %ge3A_1060 {dim = 0 : i64, kind = #tpu.reduction_kind<sum>} : vector<16xi1> -> vector<16xi32>
      %slice3A_1072 = vector.extract_strided_slice %all_reduce_population_count3A {offsets = [0], sizes = [1], strides = [1]} : vector<16xi32> to vector<1xi32>
      %squeeze3A_1073 = vector.extract %slice3A_1072[0] : i32 from vector<1xi32>
      %add3A_1074 = arith.addi %scan3A_1052, %squeeze3A_1073 : i32
      scf.yield %add3A_1074 : i32
    }
    %scan3A_903 = arith.constant 8 : i32
    %scan3A_904 = arith.constant 0 : i32
    %scan3A_905 = arith.constant 8 : i32
    %scan3A_906 = arith.addi %scan3A_904, %scan3A_905 : i32
    %scan3A_907 = arith.constant 1 : i32
    %scan3A_908 = scf.for %scan3A_1051 = %scan3A_904 to %scan3A_906 step %scan3A_907 iter_args(%scan3A_1052 = %scan3A_902) -> (i32)  : i32 {
      %mul3A_1053 = arith.constant 16 : i32
      %mul3A_1054 = arith.muli %scan3A_1051, %mul3A_1053 : i32
      %get3A_1055 = arith.constant 29 : i32
      %get3A_1056 = arith.index_cast %get3A_1055 : i32 to index
      %get3A_1057 = arith.index_cast %mul3A_1054 : i32 to index
      %get3A_1058 = tpu.vector_load %arg9[%get3A_1056, %get3A_1057] {strides = array<i32>} : memref<32x128xf32, #tpu.memory_space<vmem>>, vector<16xf32>,
      %ge3A_1059 = vector.broadcast %squeeze3A_709 : f32 to vector<16xf32>
      %ge3A_1060 = arith.cmpf oge, %get3A_1058, %ge3A_1059 : vector<16xf32>
      %mul3A_1061 = arith.constant 128 : i32
      %mul3A_1062 = arith.muli %squeeze3A_703, %mul3A_1061 : i32
      %mul3A_1063 = arith.constant 16 : i32
      %mul3A_1064 = arith.muli %scan3A_1051, %mul3A_1063 : i32
      %add3A_1065 = arith.addi %mul3A_1062, %mul3A_1064 : i32
      %add3A_1066 = vector.broadcast %add3A_1065 : i32 to vector<16xi32>
      %add3A_1067 = arith.addi %add3A_1066, %iota3A : vector<16xi32>
      %swap3A_1068 = arith.index_cast %scan3A_1052 : i32 to index
      %swap3A_1069 = tpu.vector_load %arg14[%swap3A_1068] masked %ge3A_1060 {strides = array<i32>} : memref<4112xf32, #tpu.memory_space<vmem>>, vector<16xf32>, vector<16xi1>
      tpu.vector_store %arg14[%swap3A_1068], %get3A_1058 masked %ge3A_1060 {strides = array<i32>} : memref<4112xf32, #tpu.memory_space<vmem>>, vector<16xf32>, vector<16xi1>
      %swap3A_1070 = arith.index_cast %scan3A_1052 : i32 to index
      %swap3A_1071 = tpu.vector_load %arg15[%swap3A_1070] masked %ge3A_1060 {strides = array<i32>} : memref<4112xi32, #tpu.memory_space<vmem>>, vector<16xi32>, vector<16xi1>
      tpu.vector_store %arg15[%swap3A_1070], %add3A_1067 masked %ge3A_1060 {strides = array<i32>} : memref<4112xi32, #tpu.memory_space<vmem>>, vector<16xi32>, vector<16xi1>
      %all_reduce_population_count3A = tpu.all_reduce %ge3A_1060 {dim = 0 : i64, kind = #tpu.reduction_kind<sum>} : vector<16xi1> -> vector<16xi32>
      %slice3A_1072 = vector.extract_strided_slice %all_reduce_population_count3A {offsets = [0], sizes = [1], strides = [1]} : vector<16xi32> to vector<1xi32>
      %squeeze3A_1073 = vector.extract %slice3A_1072[0] : i32 from vector<1xi32>
      %add3A_1074 = arith.addi %scan3A_1052, %squeeze3A_1073 : i32
      scf.yield %add3A_1074 : i32
    }
    %scan3A_909 = arith.constant 8 : i32
    %scan3A_910 = arith.constant 0 : i32
    %scan3A_911 = arith.constant 8 : i32
    %scan3A_912 = arith.addi %scan3A_910, %scan3A_911 : i32
    %scan3A_913 = arith.constant 1 : i32
    %scan3A_914 = scf.for %scan3A_1051 = %scan3A_910 to %scan3A_912 step %scan3A_913 iter_args(%scan3A_1052 = %scan3A_908) -> (i32)  : i32 {
      %mul3A_1053 = arith.constant 16 : i32
      %mul3A_1054 = arith.muli %scan3A_1051, %mul3A_1053 : i32
      %get3A_1055 = arith.constant 30 : i32
      %get3A_1056 = arith.index_cast %get3A_1055 : i32 to index
      %get3A_1057 = arith.index_cast %mul3A_1054 : i32 to index
      %get3A_1058 = tpu.vector_load %arg9[%get3A_1056, %get3A_1057] {strides = array<i32>} : memref<32x128xf32, #tpu.memory_space<vmem>>, vector<16xf32>,
      %ge3A_1059 = vector.broadcast %squeeze3A_709 : f32 to vector<16xf32>
      %ge3A_1060 = arith.cmpf oge, %get3A_1058, %ge3A_1059 : vector<16xf32>
      %mul3A_1061 = arith.constant 128 : i32
      %mul3A_1062 = arith.muli %squeeze3A_705, %mul3A_1061 : i32
      %mul3A_1063 = arith.constant 16 : i32
      %mul3A_1064 = arith.muli %scan3A_1051, %mul3A_1063 : i32
      %add3A_1065 = arith.addi %mul3A_1062, %mul3A_1064 : i32
      %add3A_1066 = vector.broadcast %add3A_1065 : i32 to vector<16xi32>
      %add3A_1067 = arith.addi %add3A_1066, %iota3A : vector<16xi32>
      %swap3A_1068 = arith.index_cast %scan3A_1052 : i32 to index
      %swap3A_1069 = tpu.vector_load %arg14[%swap3A_1068] masked %ge3A_1060 {strides = array<i32>} : memref<4112xf32, #tpu.memory_space<vmem>>, vector<16xf32>, vector<16xi1>
      tpu.vector_store %arg14[%swap3A_1068], %get3A_1058 masked %ge3A_1060 {strides = array<i32>} : memref<4112xf32, #tpu.memory_space<vmem>>, vector<16xf32>, vector<16xi1>
      %swap3A_1070 = arith.index_cast %scan3A_1052 : i32 to index
      %swap3A_1071 = tpu.vector_load %arg15[%swap3A_1070] masked %ge3A_1060 {strides = array<i32>} : memref<4112xi32, #tpu.memory_space<vmem>>, vector<16xi32>, vector<16xi1>
      tpu.vector_store %arg15[%swap3A_1070], %add3A_1067 masked %ge3A_1060 {strides = array<i32>} : memref<4112xi32, #tpu.memory_space<vmem>>, vector<16xi32>, vector<16xi1>
      %all_reduce_population_count3A = tpu.all_reduce %ge3A_1060 {dim = 0 : i64, kind = #tpu.reduction_kind<sum>} : vector<16xi1> -> vector<16xi32>
      %slice3A_1072 = vector.extract_strided_slice %all_reduce_population_count3A {offsets = [0], sizes = [1], strides = [1]} : vector<16xi32> to vector<1xi32>
      %squeeze3A_1073 = vector.extract %slice3A_1072[0] : i32 from vector<1xi32>
      %add3A_1074 = arith.addi %scan3A_1052, %squeeze3A_1073 : i32
      scf.yield %add3A_1074 : i32
    }
    %scan3A_915 = arith.constant 8 : i32
    %scan3A_916 = arith.constant 0 : i32
    %scan3A_917 = arith.constant 8 : i32
    %scan3A_918 = arith.addi %scan3A_916, %scan3A_917 : i32
    %scan3A_919 = arith.constant 1 : i32
    %scan3A_920 = scf.for %scan3A_1051 = %scan3A_916 to %scan3A_918 step %scan3A_919 iter_args(%scan3A_1052 = %scan3A_914) -> (i32)  : i32 {
      %mul3A_1053 = arith.constant 16 : i32
      %mul3A_1054 = arith.muli %scan3A_1051, %mul3A_1053 : i32
      %get3A_1055 = arith.constant 31 : i32
      %get3A_1056 = arith.index_cast %get3A_1055 : i32 to index
      %get3A_1057 = arith.index_cast %mul3A_1054 : i32 to index
      %get3A_1058 = tpu.vector_load %arg9[%get3A_1056, %get3A_1057] {strides = array<i32>} : memref<32x128xf32, #tpu.memory_space<vmem>>, vector<16xf32>,
      %ge3A_1059 = vector.broadcast %squeeze3A_709 : f32 to vector<16xf32>
      %ge3A_1060 = arith.cmpf oge, %get3A_1058, %ge3A_1059 : vector<16xf32>
      %mul3A_1061 = arith.constant 128 : i32
      %mul3A_1062 = arith.muli %squeeze3A_707, %mul3A_1061 : i32
      %mul3A_1063 = arith.constant 16 : i32
      %mul3A_1064 = arith.muli %scan3A_1051, %mul3A_1063 : i32
      %add3A_1065 = arith.addi %mul3A_1062, %mul3A_1064 : i32
      %add3A_1066 = vector.broadcast %add3A_1065 : i32 to vector<16xi32>
      %add3A_1067 = arith.addi %add3A_1066, %iota3A : vector<16xi32>
      %swap3A_1068 = arith.index_cast %scan3A_1052 : i32 to index
      %swap3A_1069 = tpu.vector_load %arg14[%swap3A_1068] masked %ge3A_1060 {strides = array<i32>} : memref<4112xf32, #tpu.memory_space<vmem>>, vector<16xf32>, vector<16xi1>
      tpu.vector_store %arg14[%swap3A_1068], %get3A_1058 masked %ge3A_1060 {strides = array<i32>} : memref<4112xf32, #tpu.memory_space<vmem>>, vector<16xf32>, vector<16xi1>
      %swap3A_1070 = arith.index_cast %scan3A_1052 : i32 to index
      %swap3A_1071 = tpu.vector_load %arg15[%swap3A_1070] masked %ge3A_1060 {strides = array<i32>} : memref<4112xi32, #tpu.memory_space<vmem>>, vector<16xi32>, vector<16xi1>
      tpu.vector_store %arg15[%swap3A_1070], %add3A_1067 masked %ge3A_1060 {strides = array<i32>} : memref<4112xi32, #tpu.memory_space<vmem>>, vector<16xi32>, vector<16xi1>
      %all_reduce_population_count3A = tpu.all_reduce %ge3A_1060 {dim = 0 : i64, kind = #tpu.reduction_kind<sum>} : vector<16xi1> -> vector<16xi32>
      %slice3A_1072 = vector.extract_strided_slice %all_reduce_population_count3A {offsets = [0], sizes = [1], strides = [1]} : vector<16xi32> to vector<1xi32>
      %squeeze3A_1073 = vector.extract %slice3A_1072[0] : i32 from vector<1xi32>
      %add3A_1074 = arith.addi %scan3A_1052, %squeeze3A_1073 : i32
      scf.yield %add3A_1074 : i32
    }
    %scan3A_921 = arith.constant 8 : i32
    %add3A_922 = arith.constant 16 : i32
    %add3A_923 = arith.addi %scan3A_920, %add3A_922 : i32
    %sub3A = arith.constant 1 : i32
    %sub3A_924 = arith.subi %add3A_923, %sub3A : i32
    %jit3A = arith.constant 16 : i32
    %div3A = arith.divsi %sub3A_924, %jit3A : i32
    %sign3A = arith.constant 0 : i32
    %sign3A_925 = arith.cmpi sgt, %sub3A_924, %sign3A : i32
    %sign3A_926 = arith.extui %sign3A_925 : i1 to i32
    %sign3A_927 = arith.constant 0 : i32
    %sign3A_928 = arith.cmpi slt, %sub3A_924, %sign3A_927 : i32
    %sign3A_929 = arith.extui %sign3A_928 : i1 to i32
    %sign3A_930 = arith.subi %sign3A_926, %sign3A_929 : i32
    %sign3A_931 = arith.constant 0 : i32
    %sign3A_932 = arith.cmpi sgt, %jit3A, %sign3A_931 : i32
    %sign3A_933 = arith.extui %sign3A_932 : i1 to i32
    %sign3A_934 = arith.constant 0 : i32
    %sign3A_935 = arith.cmpi slt, %jit3A, %sign3A_934 : i32
    %sign3A_936 = arith.extui %sign3A_935 : i1 to i32
    %sign3A_937 = arith.subi %sign3A_933, %sign3A_936 : i32
    %ne3A = arith.cmpi ne, %sign3A_930, %sign3A_937 : i32
    %rem3A = arith.remsi %sub3A_924, %jit3A : i32
    %ne3A_938 = arith.constant 0 : i32
    %ne3A_939 = arith.cmpi ne, %rem3A, %ne3A_938 : i32
    %and3A = arith.andi %ne3A, %ne3A_939 : i1
    %sub3A_940 = arith.constant 1 : i32
    %sub3A_941 = arith.subi %div3A, %sub3A_940 : i32
    %select_n3A_942 = arith.select %and3A, %sub3A_941, %div3A : i32
    %while3A = arith.constant 0 : i32
    %while3A_943 = arith.subi %select_n3A_942, %while3A : i32
    %while3A_944 = arith.addi %while3A, %while3A_943 : i32
    %while3A_945 = arith.constant 1 : i32
    %while3A_946 = arith.divsi %while3A_943, %while3A_945 : i32
    %while3A_947 = arith.muli %while3A_946, %while3A_945 : i32
    %while3A_948 = arith.addi %while3A, %while3A_947 : i32
    %while3A_949 = arith.constant 1 : i32
    %while3A_950:4 = scf.for %while3A_1051 = %while3A to %while3A_948 step %while3A_949 iter_args(%while3A_1052 = %broadcast_in_dim3A_3, %while3A_1053 = %broadcast_in_dim3A_3, %while3A_1054 = %broadcast_in_dim3A_5, %while3A_1055 = %broadcast_in_dim3A_5) -> (vector<16xf32>, vector<16xf32>, vector<16xi32>, vector<16xi32>)  : i32 {
      %mul3A_1056 = arith.constant 16 : i32
      %mul3A_1057 = arith.muli %while3A_1051, %mul3A_1056 : i32
      %get3A_1058 = arith.index_cast %mul3A_1057 : i32 to index
      %get3A_1059 = tpu.vector_load %arg14[%get3A_1058] {strides = array<i32>} : memref<4112xf32, #tpu.memory_space<vmem>>, vector<16xf32>,
      %mul3A_1060 = arith.constant 16 : i32
      %mul3A_1061 = arith.muli %while3A_1051, %mul3A_1060 : i32
      %get3A_1062 = arith.index_cast %mul3A_1061 : i32 to index
      %get3A_1063 = tpu.vector_load %arg15[%get3A_1062] {strides = array<i32>} : memref<4112xi32, #tpu.memory_space<vmem>>, vector<16xi32>,
      %mul3A_1064 = arith.constant 16 : i32
      %mul3A_1065 = arith.muli %while3A_1051, %mul3A_1064 : i32
      %add3A_1066 = vector.broadcast %mul3A_1065 : i32 to vector<16xi32>
      %add3A_1067 = arith.addi %add3A_1066, %iota3A : vector<16xi32>
      %lt3A = vector.broadcast %scan3A_920 : i32 to vector<16xi32>
      %lt3A_1068 = arith.cmpi slt, %add3A_1067, %lt3A : vector<16xi32>
      %select_n3A_1069 = arith.select %lt3A_1068, %get3A_1059, %broadcast_in_dim3A_3 : vector<16xi1>, vector<16xf32>
      %masked_sort3A_1070 = arith.constant dense<true> : vector<16xi1>
      %masked_sort3A_1071, %masked_sort3A_1072, %masked_sort3A_1073 = tpu.sort %select_n3A_1069, %get3A_1063 masked %masked_sort3A_1070 {descending = true} : (vector<16xf32>, vector<16xi32>, vector<16xi1>) -> (vector<16xi1>, vector<16xf32>, vector<16xi32>)
      %rev3A_1074 = arith.constant 15 : i32
      %rev3A_1075 = vector.broadcast %rev3A_1074 : i32 to vector<16xi32>
      %rev3A_1076 = tpu.iota {dimensions = array<i32: 0>} : vector<16xi32>
      %rev3A_1077 = arith.subi %rev3A_1075, %rev3A_1076 : vector<16xi32>
      %rev3A_1078 = tpu.dynamic_gather %masked_sort3A_1072[%rev3A_1077] in [0] : vector<16xf32>, vector<16xi32> -> vector<16xf32>
      %rev3A_1079 = arith.constant 15 : i32
      %rev3A_1080 = vector.broadcast %rev3A_1079 : i32 to vector<16xi32>
      %rev3A_1081 = tpu.iota {dimensions = array<i32: 0>} : vector<16xi32>
      %rev3A_1082 = arith.subi %rev3A_1080, %rev3A_1081 : vector<16xi32>
      %rev3A_1083 = tpu.dynamic_gather %masked_sort3A_1073[%rev3A_1082] in [0] : vector<16xi32>, vector<16xi32> -> vector<16xi32>
      %ge3A_1084 = arith.cmpf oge, %while3A_1053, %rev3A_1078 : vector<16xf32>
      %select_n3A_1085 = arith.select %ge3A_1084, %while3A_1053, %rev3A_1078 : vector<16xi1>, vector<16xf32>
      %select_n3A_1086 = arith.select %ge3A_1084, %while3A_1055, %rev3A_1083 : vector<16xi1>, vector<16xi32>
      %ge3A_1087 = arith.cmpf oge, %while3A_1052, %select_n3A_1085 : vector<16xf32>
      %select_n3A_1088 = arith.select %ge3A_1087, %while3A_1052, %select_n3A_1085 : vector<16xi1>, vector<16xf32>
      %select_n3A_1089 = arith.select %ge3A_1087, %while3A_1054, %select_n3A_1086 : vector<16xi1>, vector<16xi32>
      %select_n3A_1090 = arith.select %ge3A_1087, %select_n3A_1085, %while3A_1052 : vector<16xi1>, vector<16xf32>
      %select_n3A_1091 = arith.select %ge3A_1087, %select_n3A_1086, %while3A_1054 : vector<16xi1>, vector<16xi32>
      %masked_sort3A_1092 = arith.constant dense<true> : vector<16xi1>
      %masked_sort3A_1093, %masked_sort3A_1094, %masked_sort3A_1095 = tpu.sort %select_n3A_1088, %select_n3A_1089 masked %masked_sort3A_1092 {descending = true} : (vector<16xf32>, vector<16xi32>, vector<16xi1>) -> (vector<16xi1>, vector<16xf32>, vector<16xi32>)
      %masked_sort3A_1096 = arith.constant dense<true> : vector<16xi1>
      %masked_sort3A_1097, %masked_sort3A_1098, %masked_sort3A_1099 = tpu.sort %select_n3A_1090, %select_n3A_1091 masked %masked_sort3A_1096 {descending = true} : (vector<16xf32>, vector<16xi32>, vector<16xi1>) -> (vector<16xi1>, vector<16xf32>, vector<16xi32>)
      scf.yield %masked_sort3A_1094, %masked_sort3A_1098, %masked_sort3A_1095, %masked_sort3A_1099 : vector<16xf32>, vector<16xf32>, vector<16xi32>, vector<16xi32>
    }
    %while3A_951 = arith.constant 1 : i32
    %while3A_952:4 = scf.for %while3A_1051 = %while3A_948 to %while3A_944 step %while3A_951 iter_args(%while3A_1052 = %while3A_950#0, %while3A_1053 = %while3A_950#1, %while3A_1054 = %while3A_950#2, %while3A_1055 = %while3A_950#3) -> (vector<16xf32>, vector<16xf32>, vector<16xi32>, vector<16xi32>)  : i32 {
      %mul3A_1056 = arith.constant 16 : i32
      %mul3A_1057 = arith.muli %while3A_1051, %mul3A_1056 : i32
      %get3A_1058 = arith.index_cast %mul3A_1057 : i32 to index
      %get3A_1059 = tpu.vector_load %arg14[%get3A_1058] {strides = array<i32>} : memref<4112xf32, #tpu.memory_space<vmem>>, vector<16xf32>,
      %mul3A_1060 = arith.constant 16 : i32
      %mul3A_1061 = arith.muli %while3A_1051, %mul3A_1060 : i32
      %get3A_1062 = arith.index_cast %mul3A_1061 : i32 to index
      %get3A_1063 = tpu.vector_load %arg15[%get3A_1062] {strides = array<i32>} : memref<4112xi32, #tpu.memory_space<vmem>>, vector<16xi32>,
      %mul3A_1064 = arith.constant 16 : i32
      %mul3A_1065 = arith.muli %while3A_1051, %mul3A_1064 : i32
      %add3A_1066 = vector.broadcast %mul3A_1065 : i32 to vector<16xi32>
      %add3A_1067 = arith.addi %add3A_1066, %iota3A : vector<16xi32>
      %lt3A = vector.broadcast %scan3A_920 : i32 to vector<16xi32>
      %lt3A_1068 = arith.cmpi slt, %add3A_1067, %lt3A : vector<16xi32>
      %select_n3A_1069 = arith.select %lt3A_1068, %get3A_1059, %broadcast_in_dim3A_3 : vector<16xi1>, vector<16xf32>
      %masked_sort3A_1070 = arith.constant dense<true> : vector<16xi1>
      %masked_sort3A_1071, %masked_sort3A_1072, %masked_sort3A_1073 = tpu.sort %select_n3A_1069, %get3A_1063 masked %masked_sort3A_1070 {descending = true} : (vector<16xf32>, vector<16xi32>, vector<16xi1>) -> (vector<16xi1>, vector<16xf32>, vector<16xi32>)
      %rev3A_1074 = arith.constant 15 : i32
      %rev3A_1075 = vector.broadcast %rev3A_1074 : i32 to vector<16xi32>
      %rev3A_1076 = tpu.iota {dimensions = array<i32: 0>} : vector<16xi32>
      %rev3A_1077 = arith.subi %rev3A_1075, %rev3A_1076 : vector<16xi32>
      %rev3A_1078 = tpu.dynamic_gather %masked_sort3A_1072[%rev3A_1077] in [0] : vector<16xf32>, vector<16xi32> -> vector<16xf32>
      %rev3A_1079 = arith.constant 15 : i32
      %rev3A_1080 = vector.broadcast %rev3A_1079 : i32 to vector<16xi32>
      %rev3A_1081 = tpu.iota {dimensions = array<i32: 0>} : vector<16xi32>
      %rev3A_1082 = arith.subi %rev3A_1080, %rev3A_1081 : vector<16xi32>
      %rev3A_1083 = tpu.dynamic_gather %masked_sort3A_1073[%rev3A_1082] in [0] : vector<16xi32>, vector<16xi32> -> vector<16xi32>
      %ge3A_1084 = arith.cmpf oge, %while3A_1053, %rev3A_1078 : vector<16xf32>
      %select_n3A_1085 = arith.select %ge3A_1084, %while3A_1053, %rev3A_1078 : vector<16xi1>, vector<16xf32>
      %select_n3A_1086 = arith.select %ge3A_1084, %while3A_1055, %rev3A_1083 : vector<16xi1>, vector<16xi32>
      %ge3A_1087 = arith.cmpf oge, %while3A_1052, %select_n3A_1085 : vector<16xf32>
      %select_n3A_1088 = arith.select %ge3A_1087, %while3A_1052, %select_n3A_1085 : vector<16xi1>, vector<16xf32>
      %select_n3A_1089 = arith.select %ge3A_1087, %while3A_1054, %select_n3A_1086 : vector<16xi1>, vector<16xi32>
      %select_n3A_1090 = arith.select %ge3A_1087, %select_n3A_1085, %while3A_1052 : vector<16xi1>, vector<16xf32>
      %select_n3A_1091 = arith.select %ge3A_1087, %select_n3A_1086, %while3A_1054 : vector<16xi1>, vector<16xi32>
      %masked_sort3A_1092 = arith.constant dense<true> : vector<16xi1>
      %masked_sort3A_1093, %masked_sort3A_1094, %masked_sort3A_1095 = tpu.sort %select_n3A_1088, %select_n3A_1089 masked %masked_sort3A_1092 {descending = true} : (vector<16xf32>, vector<16xi32>, vector<16xi1>) -> (vector<16xi1>, vector<16xf32>, vector<16xi32>)
      %masked_sort3A_1096 = arith.constant dense<true> : vector<16xi1>
      %masked_sort3A_1097, %masked_sort3A_1098, %masked_sort3A_1099 = tpu.sort %select_n3A_1090, %select_n3A_1091 masked %masked_sort3A_1096 {descending = true} : (vector<16xf32>, vector<16xi32>, vector<16xi1>) -> (vector<16xi1>, vector<16xf32>, vector<16xi32>)
      scf.yield %masked_sort3A_1094, %masked_sort3A_1098, %masked_sort3A_1095, %masked_sort3A_1099 : vector<16xf32>, vector<16xf32>, vector<16xi32>, vector<16xi32>
    }
    "tpu.trace_stop"() : () -> ()
    "tpu.trace_start"() <{level = 10 : i32, message = "sc_scatter"}> : () -> ()
    %swap3A_953 = arith.constant 0 : index
    %swap3A_954 = tpu.vector_load %arg16[%swap3A_953] {strides = array<i32>} : memref<32xi32, #tpu.memory_space<vmem>>, vector<16xi32>,
    tpu.vector_store %arg16[%swap3A_953], %while3A_952#2 {strides = array<i32>} : memref<32xi32, #tpu.memory_space<vmem>>, vector<16xi32>,
    %swap3A_955 = arith.constant 16 : index
    %swap3A_956 = tpu.vector_load %arg16[%swap3A_955] {strides = array<i32>} : memref<32xi32, #tpu.memory_space<vmem>>, vector<16xi32>,
    tpu.vector_store %arg16[%swap3A_955], %while3A_952#3 {strides = array<i32>} : memref<32xi32, #tpu.memory_space<vmem>>, vector<16xi32>,
    %dma_start3A_957 = arith.constant 0 : i32
    %dma_start3A_958 = arith.constant 0 : i32
    %dma_start3A_959 = tpu.memref_slice %arg4[%dma_start3A_957, %dma_start3A_958] : memref<32768x2048xf32, #tpu.memory_space<hbm>> -> memref<32768x2048xf32, #tpu.memory_space<hbm>>
    tpu.enqueue_indirect_dma source(%dma_start3A_959 : memref<32768x2048xf32, #tpu.memory_space<hbm>>) target(%arg10 : memref<32x2048xf32, #tpu.memory_space<vmem>>) offsets(%arg16 : memref<32xi32, #tpu.memory_space<vmem>>) semaphore(%arg21 : memref<!tpu.dma_semaphore, #tpu.memory_space<semaphore_mem>>)
    %scan3A_960 = arith.constant 0 : i32
    %scan3A_961 = arith.constant 0 : i32
    %scan3A_962 = arith.constant 384 : i32
    %scan3A_963 = arith.addi %scan3A_961, %scan3A_962 : i32
    %scan3A_964 = arith.constant 1 : i32
    scf.for %scan3A_1051 = %scan3A_961 to %scan3A_963 step %scan3A_964  : i32 {
      %mul3A_1052 = arith.constant 64 : i32
      %mul3A_1053 = arith.muli %scan3A_1051, %mul3A_1052 : i32
      %add3A_1054 = arith.constant 8192 : i32
      %add3A_1055 = arith.addi %add3A_1054, %mul3A_1053 : i32
      %add3A_1056 = arith.constant 0 : i32
      %add3A_1057 = arith.addi %add3A_1055, %add3A_1056 : i32
      %swap3A_1058 = arith.index_cast %add3A_1057 : i32 to index
      %swap3A_1059 = tpu.vector_load %arg8[%swap3A_1058] {strides = array<i32>} : memref<32768xf32, #tpu.memory_space<vmem>>, vector<16xf32>,
      tpu.vector_store %arg8[%swap3A_1058], %broadcast_in_dim3A_1 {strides = array<i32>} : memref<32768xf32, #tpu.memory_space<vmem>>, vector<16xf32>,
      %add3A_1060 = arith.constant 16 : i32
      %add3A_1061 = arith.addi %add3A_1055, %add3A_1060 : i32
      %swap3A_1062 = arith.index_cast %add3A_1061 : i32 to index
      %swap3A_1063 = tpu.vector_load %arg8[%swap3A_1062] {strides = array<i32>} : memref<32768xf32, #tpu.memory_space<vmem>>, vector<16xf32>,
      tpu.vector_store %arg8[%swap3A_1062], %broadcast_in_dim3A_1 {strides = array<i32>} : memref<32768xf32, #tpu.memory_space<vmem>>, vector<16xf32>,
      %add3A_1064 = arith.constant 32 : i32
      %add3A_1065 = arith.addi %add3A_1055, %add3A_1064 : i32
      %swap3A_1066 = arith.index_cast %add3A_1065 : i32 to index
      %swap3A_1067 = tpu.vector_load %arg8[%swap3A_1066] {strides = array<i32>} : memref<32768xf32, #tpu.memory_space<vmem>>, vector<16xf32>,
      tpu.vector_store %arg8[%swap3A_1066], %broadcast_in_dim3A_1 {strides = array<i32>} : memref<32768xf32, #tpu.memory_space<vmem>>, vector<16xf32>,
      %add3A_1068 = arith.constant 48 : i32
      %add3A_1069 = arith.addi %add3A_1055, %add3A_1068 : i32
      %swap3A_1070 = arith.index_cast %add3A_1069 : i32 to index
      %swap3A_1071 = tpu.vector_load %arg8[%swap3A_1070] {strides = array<i32>} : memref<32768xf32, #tpu.memory_space<vmem>>, vector<16xf32>,
      tpu.vector_store %arg8[%swap3A_1070], %broadcast_in_dim3A_1 {strides = array<i32>} : memref<32768xf32, #tpu.memory_space<vmem>>, vector<16xf32>,
    }
    %scan3A_965 = arith.constant 384 : i32
    tpu.vector_store_idx %arg8[%while3A_952#2], %while3A_952#0 : memref<32768xf32, #tpu.memory_space<vmem>>[vector<16xi32>], vector<16xf32>,
    tpu.vector_store_idx %arg8[%while3A_952#3], %while3A_952#1 : memref<32768xf32, #tpu.memory_space<vmem>>[vector<16xi32>], vector<16xf32>,
    "tpu.trace_stop"() : () -> ()
    "tpu.trace_start"() <{level = 10 : i32, message = "sc_gather_wait"}> : () -> ()
    tpu.wait_dma2 semaphore(%arg19 : memref<!tpu.dma_semaphore, #tpu.memory_space<semaphore_mem>>) src(%arg5 : memref<2048xf32, #tpu.memory_space<hbm>>) dst(%arg12 : memref<2048xf32, #tpu.memory_space<vmem>>)
    %dma_wait3A_966 = arith.constant 0 : i32
    %dma_wait3A_967 = arith.constant 0 : i32
    %dma_wait3A_968 = tpu.memref_slice %arg4[%dma_wait3A_966, %dma_wait3A_967] : memref<32768x2048xf32, #tpu.memory_space<hbm>> -> memref<32768x2048xf32, #tpu.memory_space<hbm>>
    tpu.wait_indirect_dma semaphore(%arg21 : memref<!tpu.dma_semaphore, #tpu.memory_space<semaphore_mem>>) src(%dma_wait3A_968 : memref<32768x2048xf32, #tpu.memory_space<hbm>>) dst(%arg10 : memref<32x2048xf32, #tpu.memory_space<vmem>>)
    %dma_start3A_969 = arith.constant 0 : i32
    %dma_start3A_970 = tpu.memref_slice %arg7[%add3A, %dma_start3A_969] : memref<32x32768xf32, #tpu.memory_space<hbm>> -> memref<1x32768xf32, #tpu.memory_space<hbm>>
    %dma_start3A_971 = tpu.memref_squeeze %dma_start3A_970 : memref<1x32768xf32, #tpu.memory_space<hbm>> -> memref<32768xf32, #tpu.memory_space<hbm>>
    %dma_start3A_972 = arith.constant 0 : i32
    %dma_start3A_973 = tpu.memref_slice %arg7[%add3A, %dma_start3A_972] : memref<32x32768xf32, #tpu.memory_space<hbm>> -> memref<1x32768xf32, #tpu.memory_space<hbm>>
    %dma_start3A_974 = tpu.memref_squeeze %dma_start3A_973 : memref<1x32768xf32, #tpu.memory_space<hbm>> -> memref<32768xf32, #tpu.memory_space<hbm>>
    tpu.enqueue_dma source(%arg8 : memref<32768xf32, #tpu.memory_space<vmem>>) target(%dma_start3A_974 : memref<32768xf32, #tpu.memory_space<hbm>>) target_semaphore(%arg18 : memref<!tpu.dma_semaphore, #tpu.memory_space<semaphore_mem>>)
    "tpu.trace_stop"() : () -> ()
    "tpu.trace_start"() <{level = 10 : i32, message = "sc_decode"}> : () -> ()
    %slice3A_975 = vector.extract_strided_slice %while3A_952#0 {offsets = [0], sizes = [1], strides = [1]} : vector<16xf32> to vector<1xf32>
    %squeeze3A_976 = vector.extract %slice3A_975[0] : f32 from vector<1xf32>
    %slice3A_977 = vector.extract_strided_slice %while3A_952#0 {offsets = [1], sizes = [1], strides = [1]} : vector<16xf32> to vector<1xf32>
    %squeeze3A_978 = vector.extract %slice3A_977[0] : f32 from vector<1xf32>
    %slice3A_979 = vector.extract_strided_slice %while3A_952#0 {offsets = [2], sizes = [1], strides = [1]} : vector<16xf32> to vector<1xf32>
    %squeeze3A_980 = vector.extract %slice3A_979[0] : f32 from vector<1xf32>
    %slice3A_981 = vector.extract_strided_slice %while3A_952#0 {offsets = [3], sizes = [1], strides = [1]} : vector<16xf32> to vector<1xf32>
    %squeeze3A_982 = vector.extract %slice3A_981[0] : f32 from vector<1xf32>
    %slice3A_983 = vector.extract_strided_slice %while3A_952#0 {offsets = [4], sizes = [1], strides = [1]} : vector<16xf32> to vector<1xf32>
    %squeeze3A_984 = vector.extract %slice3A_983[0] : f32 from vector<1xf32>
    %slice3A_985 = vector.extract_strided_slice %while3A_952#0 {offsets = [5], sizes = [1], strides = [1]} : vector<16xf32> to vector<1xf32>
    %squeeze3A_986 = vector.extract %slice3A_985[0] : f32 from vector<1xf32>
    %slice3A_987 = vector.extract_strided_slice %while3A_952#0 {offsets = [6], sizes = [1], strides = [1]} : vector<16xf32> to vector<1xf32>
    %squeeze3A_988 = vector.extract %slice3A_987[0] : f32 from vector<1xf32>
    %slice3A_989 = vector.extract_strided_slice %while3A_952#0 {offsets = [7], sizes = [1], strides = [1]} : vector<16xf32> to vector<1xf32>
    %squeeze3A_990 = vector.extract %slice3A_989[0] : f32 from vector<1xf32>
    %slice3A_991 = vector.extract_strided_slice %while3A_952#0 {offsets = [8], sizes = [1], strides = [1]} : vector<16xf32> to vector<1xf32>
    %squeeze3A_992 = vector.extract %slice3A_991[0] : f32 from vector<1xf32>
    %slice3A_993 = vector.extract_strided_slice %while3A_952#0 {offsets = [9], sizes = [1], strides = [1]} : vector<16xf32> to vector<1xf32>
    %squeeze3A_994 = vector.extract %slice3A_993[0] : f32 from vector<1xf32>
    %slice3A_995 = vector.extract_strided_slice %while3A_952#0 {offsets = [10], sizes = [1], strides = [1]} : vector<16xf32> to vector<1xf32>
    %squeeze3A_996 = vector.extract %slice3A_995[0] : f32 from vector<1xf32>
    %slice3A_997 = vector.extract_strided_slice %while3A_952#0 {offsets = [11], sizes = [1], strides = [1]} : vector<16xf32> to vector<1xf32>
    %squeeze3A_998 = vector.extract %slice3A_997[0] : f32 from vector<1xf32>
    %slice3A_999 = vector.extract_strided_slice %while3A_952#0 {offsets = [12], sizes = [1], strides = [1]} : vector<16xf32> to vector<1xf32>
    %squeeze3A_1000 = vector.extract %slice3A_999[0] : f32 from vector<1xf32>
    %slice3A_1001 = vector.extract_strided_slice %while3A_952#0 {offsets = [13], sizes = [1], strides = [1]} : vector<16xf32> to vector<1xf32>
    %squeeze3A_1002 = vector.extract %slice3A_1001[0] : f32 from vector<1xf32>
    %slice3A_1003 = vector.extract_strided_slice %while3A_952#0 {offsets = [14], sizes = [1], strides = [1]} : vector<16xf32> to vector<1xf32>
    %squeeze3A_1004 = vector.extract %slice3A_1003[0] : f32 from vector<1xf32>
    %slice3A_1005 = vector.extract_strided_slice %while3A_952#0 {offsets = [15], sizes = [1], strides = [1]} : vector<16xf32> to vector<1xf32>
    %squeeze3A_1006 = vector.extract %slice3A_1005[0] : f32 from vector<1xf32>
    %slice3A_1007 = vector.extract_strided_slice %while3A_952#1 {offsets = [0], sizes = [1], strides = [1]} : vector<16xf32> to vector<1xf32>
    %squeeze3A_1008 = vector.extract %slice3A_1007[0] : f32 from vector<1xf32>
    %slice3A_1009 = vector.extract_strided_slice %while3A_952#1 {offsets = [1], sizes = [1], strides = [1]} : vector<16xf32> to vector<1xf32>
    %squeeze3A_1010 = vector.extract %slice3A_1009[0] : f32 from vector<1xf32>
    %slice3A_1011 = vector.extract_strided_slice %while3A_952#1 {offsets = [2], sizes = [1], strides = [1]} : vector<16xf32> to vector<1xf32>
    %squeeze3A_1012 = vector.extract %slice3A_1011[0] : f32 from vector<1xf32>
    %slice3A_1013 = vector.extract_strided_slice %while3A_952#1 {offsets = [3], sizes = [1], strides = [1]} : vector<16xf32> to vector<1xf32>
    %squeeze3A_1014 = vector.extract %slice3A_1013[0] : f32 from vector<1xf32>
    %slice3A_1015 = vector.extract_strided_slice %while3A_952#1 {offsets = [4], sizes = [1], strides = [1]} : vector<16xf32> to vector<1xf32>
    %squeeze3A_1016 = vector.extract %slice3A_1015[0] : f32 from vector<1xf32>
    %slice3A_1017 = vector.extract_strided_slice %while3A_952#1 {offsets = [5], sizes = [1], strides = [1]} : vector<16xf32> to vector<1xf32>
    %squeeze3A_1018 = vector.extract %slice3A_1017[0] : f32 from vector<1xf32>
    %slice3A_1019 = vector.extract_strided_slice %while3A_952#1 {offsets = [6], sizes = [1], strides = [1]} : vector<16xf32> to vector<1xf32>
    %squeeze3A_1020 = vector.extract %slice3A_1019[0] : f32 from vector<1xf32>
    %slice3A_1021 = vector.extract_strided_slice %while3A_952#1 {offsets = [7], sizes = [1], strides = [1]} : vector<16xf32> to vector<1xf32>
    %squeeze3A_1022 = vector.extract %slice3A_1021[0] : f32 from vector<1xf32>
    %slice3A_1023 = vector.extract_strided_slice %while3A_952#1 {offsets = [8], sizes = [1], strides = [1]} : vector<16xf32> to vector<1xf32>
    %squeeze3A_1024 = vector.extract %slice3A_1023[0] : f32 from vector<1xf32>
    %slice3A_1025 = vector.extract_strided_slice %while3A_952#1 {offsets = [9], sizes = [1], strides = [1]} : vector<16xf32> to vector<1xf32>
    %squeeze3A_1026 = vector.extract %slice3A_1025[0] : f32 from vector<1xf32>
    %slice3A_1027 = vector.extract_strided_slice %while3A_952#1 {offsets = [10], sizes = [1], strides = [1]} : vector<16xf32> to vector<1xf32>
    %squeeze3A_1028 = vector.extract %slice3A_1027[0] : f32 from vector<1xf32>
    %slice3A_1029 = vector.extract_strided_slice %while3A_952#1 {offsets = [11], sizes = [1], strides = [1]} : vector<16xf32> to vector<1xf32>
    %squeeze3A_1030 = vector.extract %slice3A_1029[0] : f32 from vector<1xf32>
    %slice3A_1031 = vector.extract_strided_slice %while3A_952#1 {offsets = [12], sizes = [1], strides = [1]} : vector<16xf32> to vector<1xf32>
    %squeeze3A_1032 = vector.extract %slice3A_1031[0] : f32 from vector<1xf32>
    %slice3A_1033 = vector.extract_strided_slice %while3A_952#1 {offsets = [13], sizes = [1], strides = [1]} : vector<16xf32> to vector<1xf32>
    %squeeze3A_1034 = vector.extract %slice3A_1033[0] : f32 from vector<1xf32>
    %slice3A_1035 = vector.extract_strided_slice %while3A_952#1 {offsets = [14], sizes = [1], strides = [1]} : vector<16xf32> to vector<1xf32>
    %squeeze3A_1036 = vector.extract %slice3A_1035[0] : f32 from vector<1xf32>
    %slice3A_1037 = vector.extract_strided_slice %while3A_952#1 {offsets = [15], sizes = [1], strides = [1]} : vector<16xf32> to vector<1xf32>
    %squeeze3A_1038 = vector.extract %slice3A_1037[0] : f32 from vector<1xf32>
    %scan3A_1039 = arith.constant 0 : i32
    %scan3A_1040 = arith.constant 0 : i32
    %scan3A_1041 = arith.constant 64 : i32
    %scan3A_1042 = arith.addi %scan3A_1040, %scan3A_1041 : i32
    %scan3A_1043 = arith.constant 1 : i32
    scf.for %scan3A_1051 = %scan3A_1040 to %scan3A_1042 step %scan3A_1043  : i32 {
      %mul3A_1052 = arith.constant 32 : i32
      %mul3A_1053 = arith.muli %scan3A_1051, %mul3A_1052 : i32
      %add3A_1054 = arith.constant 0 : i32
      %add3A_1055 = arith.addi %mul3A_1053, %add3A_1054 : i32
      %get3A_1056 = arith.constant 0 : i32
      %get3A_1057 = arith.index_cast %get3A_1056 : i32 to index
      %get3A_1058 = arith.index_cast %add3A_1055 : i32 to index
      %get3A_1059 = tpu.vector_load %arg10[%get3A_1057, %get3A_1058] {strides = array<i32>} : memref<32x2048xf32, #tpu.memory_space<vmem>>, vector<16xf32>,
      %mul3A_1060 = vector.broadcast %squeeze3A_976 : f32 to vector<16xf32>
      %mul3A_1061 = arith.mulf %mul3A_1060, %get3A_1059 : vector<16xf32>
      %get3A_1062 = arith.constant 1 : i32
      %get3A_1063 = arith.index_cast %get3A_1062 : i32 to index
      %get3A_1064 = arith.index_cast %add3A_1055 : i32 to index
      %get3A_1065 = tpu.vector_load %arg10[%get3A_1063, %get3A_1064] {strides = array<i32>} : memref<32x2048xf32, #tpu.memory_space<vmem>>, vector<16xf32>,
      %mul3A_1066 = vector.broadcast %squeeze3A_978 : f32 to vector<16xf32>
      %mul3A_1067 = arith.mulf %mul3A_1066, %get3A_1065 : vector<16xf32>
      %get3A_1068 = arith.constant 2 : i32
      %get3A_1069 = arith.index_cast %get3A_1068 : i32 to index
      %get3A_1070 = arith.index_cast %add3A_1055 : i32 to index
      %get3A_1071 = tpu.vector_load %arg10[%get3A_1069, %get3A_1070] {strides = array<i32>} : memref<32x2048xf32, #tpu.memory_space<vmem>>, vector<16xf32>,
      %mul3A_1072 = vector.broadcast %squeeze3A_980 : f32 to vector<16xf32>
      %mul3A_1073 = arith.mulf %mul3A_1072, %get3A_1071 : vector<16xf32>
      %get3A_1074 = arith.constant 3 : i32
      %get3A_1075 = arith.index_cast %get3A_1074 : i32 to index
      %get3A_1076 = arith.index_cast %add3A_1055 : i32 to index
      %get3A_1077 = tpu.vector_load %arg10[%get3A_1075, %get3A_1076] {strides = array<i32>} : memref<32x2048xf32, #tpu.memory_space<vmem>>, vector<16xf32>,
      %mul3A_1078 = vector.broadcast %squeeze3A_982 : f32 to vector<16xf32>
      %mul3A_1079 = arith.mulf %mul3A_1078, %get3A_1077 : vector<16xf32>
      %get3A_1080 = arith.constant 4 : i32
      %get3A_1081 = arith.index_cast %get3A_1080 : i32 to index
      %get3A_1082 = arith.index_cast %add3A_1055 : i32 to index
      %get3A_1083 = tpu.vector_load %arg10[%get3A_1081, %get3A_1082] {strides = array<i32>} : memref<32x2048xf32, #tpu.memory_space<vmem>>, vector<16xf32>,
      %mul3A_1084 = vector.broadcast %squeeze3A_984 : f32 to vector<16xf32>
      %mul3A_1085 = arith.mulf %mul3A_1084, %get3A_1083 : vector<16xf32>
      %add3A_1086 = arith.addf %mul3A_1061, %mul3A_1085 : vector<16xf32>
      %get3A_1087 = arith.constant 5 : i32
      %get3A_1088 = arith.index_cast %get3A_1087 : i32 to index
      %get3A_1089 = arith.index_cast %add3A_1055 : i32 to index
      %get3A_1090 = tpu.vector_load %arg10[%get3A_1088, %get3A_1089] {strides = array<i32>} : memref<32x2048xf32, #tpu.memory_space<vmem>>, vector<16xf32>,
      %mul3A_1091 = vector.broadcast %squeeze3A_986 : f32 to vector<16xf32>
      %mul3A_1092 = arith.mulf %mul3A_1091, %get3A_1090 : vector<16xf32>
      %add3A_1093 = arith.addf %mul3A_1067, %mul3A_1092 : vector<16xf32>
      %get3A_1094 = arith.constant 6 : i32
      %get3A_1095 = arith.index_cast %get3A_1094 : i32 to index
      %get3A_1096 = arith.index_cast %add3A_1055 : i32 to index
      %get3A_1097 = tpu.vector_load %arg10[%get3A_1095, %get3A_1096] {strides = array<i32>} : memref<32x2048xf32, #tpu.memory_space<vmem>>, vector<16xf32>,
      %mul3A_1098 = vector.broadcast %squeeze3A_988 : f32 to vector<16xf32>
      %mul3A_1099 = arith.mulf %mul3A_1098, %get3A_1097 : vector<16xf32>
      %add3A_1100 = arith.addf %mul3A_1073, %mul3A_1099 : vector<16xf32>
      %get3A_1101 = arith.constant 7 : i32
      %get3A_1102 = arith.index_cast %get3A_1101 : i32 to index
      %get3A_1103 = arith.index_cast %add3A_1055 : i32 to index
      %get3A_1104 = tpu.vector_load %arg10[%get3A_1102, %get3A_1103] {strides = array<i32>} : memref<32x2048xf32, #tpu.memory_space<vmem>>, vector<16xf32>,
      %mul3A_1105 = vector.broadcast %squeeze3A_990 : f32 to vector<16xf32>
      %mul3A_1106 = arith.mulf %mul3A_1105, %get3A_1104 : vector<16xf32>
      %add3A_1107 = arith.addf %mul3A_1079, %mul3A_1106 : vector<16xf32>
      %get3A_1108 = arith.constant 8 : i32
      %get3A_1109 = arith.index_cast %get3A_1108 : i32 to index
      %get3A_1110 = arith.index_cast %add3A_1055 : i32 to index
      %get3A_1111 = tpu.vector_load %arg10[%get3A_1109, %get3A_1110] {strides = array<i32>} : memref<32x2048xf32, #tpu.memory_space<vmem>>, vector<16xf32>,
      %mul3A_1112 = vector.broadcast %squeeze3A_992 : f32 to vector<16xf32>
      %mul3A_1113 = arith.mulf %mul3A_1112, %get3A_1111 : vector<16xf32>
      %add3A_1114 = arith.addf %add3A_1086, %mul3A_1113 : vector<16xf32>
      %get3A_1115 = arith.constant 9 : i32
      %get3A_1116 = arith.index_cast %get3A_1115 : i32 to index
      %get3A_1117 = arith.index_cast %add3A_1055 : i32 to index
      %get3A_1118 = tpu.vector_load %arg10[%get3A_1116, %get3A_1117] {strides = array<i32>} : memref<32x2048xf32, #tpu.memory_space<vmem>>, vector<16xf32>,
      %mul3A_1119 = vector.broadcast %squeeze3A_994 : f32 to vector<16xf32>
      %mul3A_1120 = arith.mulf %mul3A_1119, %get3A_1118 : vector<16xf32>
      %add3A_1121 = arith.addf %add3A_1093, %mul3A_1120 : vector<16xf32>
      %get3A_1122 = arith.constant 10 : i32
      %get3A_1123 = arith.index_cast %get3A_1122 : i32 to index
      %get3A_1124 = arith.index_cast %add3A_1055 : i32 to index
      %get3A_1125 = tpu.vector_load %arg10[%get3A_1123, %get3A_1124] {strides = array<i32>} : memref<32x2048xf32, #tpu.memory_space<vmem>>, vector<16xf32>,
      %mul3A_1126 = vector.broadcast %squeeze3A_996 : f32 to vector<16xf32>
      %mul3A_1127 = arith.mulf %mul3A_1126, %get3A_1125 : vector<16xf32>
      %add3A_1128 = arith.addf %add3A_1100, %mul3A_1127 : vector<16xf32>
      %get3A_1129 = arith.constant 11 : i32
      %get3A_1130 = arith.index_cast %get3A_1129 : i32 to index
      %get3A_1131 = arith.index_cast %add3A_1055 : i32 to index
      %get3A_1132 = tpu.vector_load %arg10[%get3A_1130, %get3A_1131] {strides = array<i32>} : memref<32x2048xf32, #tpu.memory_space<vmem>>, vector<16xf32>,
      %mul3A_1133 = vector.broadcast %squeeze3A_998 : f32 to vector<16xf32>
      %mul3A_1134 = arith.mulf %mul3A_1133, %get3A_1132 : vector<16xf32>
      %add3A_1135 = arith.addf %add3A_1107, %mul3A_1134 : vector<16xf32>
      %get3A_1136 = arith.constant 12 : i32
      %get3A_1137 = arith.index_cast %get3A_1136 : i32 to index
      %get3A_1138 = arith.index_cast %add3A_1055 : i32 to index
      %get3A_1139 = tpu.vector_load %arg10[%get3A_1137, %get3A_1138] {strides = array<i32>} : memref<32x2048xf32, #tpu.memory_space<vmem>>, vector<16xf32>,
      %mul3A_1140 = vector.broadcast %squeeze3A_1000 : f32 to vector<16xf32>
      %mul3A_1141 = arith.mulf %mul3A_1140, %get3A_1139 : vector<16xf32>
      %add3A_1142 = arith.addf %add3A_1114, %mul3A_1141 : vector<16xf32>
      %get3A_1143 = arith.constant 13 : i32
      %get3A_1144 = arith.index_cast %get3A_1143 : i32 to index
      %get3A_1145 = arith.index_cast %add3A_1055 : i32 to index
      %get3A_1146 = tpu.vector_load %arg10[%get3A_1144, %get3A_1145] {strides = array<i32>} : memref<32x2048xf32, #tpu.memory_space<vmem>>, vector<16xf32>,
      %mul3A_1147 = vector.broadcast %squeeze3A_1002 : f32 to vector<16xf32>
      %mul3A_1148 = arith.mulf %mul3A_1147, %get3A_1146 : vector<16xf32>
      %add3A_1149 = arith.addf %add3A_1121, %mul3A_1148 : vector<16xf32>
      %get3A_1150 = arith.constant 14 : i32
      %get3A_1151 = arith.index_cast %get3A_1150 : i32 to index
      %get3A_1152 = arith.index_cast %add3A_1055 : i32 to index
      %get3A_1153 = tpu.vector_load %arg10[%get3A_1151, %get3A_1152] {strides = array<i32>} : memref<32x2048xf32, #tpu.memory_space<vmem>>, vector<16xf32>,
      %mul3A_1154 = vector.broadcast %squeeze3A_1004 : f32 to vector<16xf32>
      %mul3A_1155 = arith.mulf %mul3A_1154, %get3A_1153 : vector<16xf32>
      %add3A_1156 = arith.addf %add3A_1128, %mul3A_1155 : vector<16xf32>
      %get3A_1157 = arith.constant 15 : i32
      %get3A_1158 = arith.index_cast %get3A_1157 : i32 to index
      %get3A_1159 = arith.index_cast %add3A_1055 : i32 to index
      %get3A_1160 = tpu.vector_load %arg10[%get3A_1158, %get3A_1159] {strides = array<i32>} : memref<32x2048xf32, #tpu.memory_space<vmem>>, vector<16xf32>,
      %mul3A_1161 = vector.broadcast %squeeze3A_1006 : f32 to vector<16xf32>
      %mul3A_1162 = arith.mulf %mul3A_1161, %get3A_1160 : vector<16xf32>
      %add3A_1163 = arith.addf %add3A_1135, %mul3A_1162 : vector<16xf32>
      %get3A_1164 = arith.constant 16 : i32
      %get3A_1165 = arith.index_cast %get3A_1164 : i32 to index
      %get3A_1166 = arith.index_cast %add3A_1055 : i32 to index
      %get3A_1167 = tpu.vector_load %arg10[%get3A_1165, %get3A_1166] {strides = array<i32>} : memref<32x2048xf32, #tpu.memory_space<vmem>>, vector<16xf32>,
      %mul3A_1168 = vector.broadcast %squeeze3A_1008 : f32 to vector<16xf32>
      %mul3A_1169 = arith.mulf %mul3A_1168, %get3A_1167 : vector<16xf32>
      %add3A_1170 = arith.addf %add3A_1142, %mul3A_1169 : vector<16xf32>
      %get3A_1171 = arith.constant 17 : i32
      %get3A_1172 = arith.index_cast %get3A_1171 : i32 to index
      %get3A_1173 = arith.index_cast %add3A_1055 : i32 to index
      %get3A_1174 = tpu.vector_load %arg10[%get3A_1172, %get3A_1173] {strides = array<i32>} : memref<32x2048xf32, #tpu.memory_space<vmem>>, vector<16xf32>,
      %mul3A_1175 = vector.broadcast %squeeze3A_1010 : f32 to vector<16xf32>
      %mul3A_1176 = arith.mulf %mul3A_1175, %get3A_1174 : vector<16xf32>
      %add3A_1177 = arith.addf %add3A_1149, %mul3A_1176 : vector<16xf32>
      %get3A_1178 = arith.constant 18 : i32
      %get3A_1179 = arith.index_cast %get3A_1178 : i32 to index
      %get3A_1180 = arith.index_cast %add3A_1055 : i32 to index
      %get3A_1181 = tpu.vector_load %arg10[%get3A_1179, %get3A_1180] {strides = array<i32>} : memref<32x2048xf32, #tpu.memory_space<vmem>>, vector<16xf32>,
      %mul3A_1182 = vector.broadcast %squeeze3A_1012 : f32 to vector<16xf32>
      %mul3A_1183 = arith.mulf %mul3A_1182, %get3A_1181 : vector<16xf32>
      %add3A_1184 = arith.addf %add3A_1156, %mul3A_1183 : vector<16xf32>
      %get3A_1185 = arith.constant 19 : i32
      %get3A_1186 = arith.index_cast %get3A_1185 : i32 to index
      %get3A_1187 = arith.index_cast %add3A_1055 : i32 to index
      %get3A_1188 = tpu.vector_load %arg10[%get3A_1186, %get3A_1187] {strides = array<i32>} : memref<32x2048xf32, #tpu.memory_space<vmem>>, vector<16xf32>,
      %mul3A_1189 = vector.broadcast %squeeze3A_1014 : f32 to vector<16xf32>
      %mul3A_1190 = arith.mulf %mul3A_1189, %get3A_1188 : vector<16xf32>
      %add3A_1191 = arith.addf %add3A_1163, %mul3A_1190 : vector<16xf32>
      %get3A_1192 = arith.constant 20 : i32
      %get3A_1193 = arith.index_cast %get3A_1192 : i32 to index
      %get3A_1194 = arith.index_cast %add3A_1055 : i32 to index
      %get3A_1195 = tpu.vector_load %arg10[%get3A_1193, %get3A_1194] {strides = array<i32>} : memref<32x2048xf32, #tpu.memory_space<vmem>>, vector<16xf32>,
      %mul3A_1196 = vector.broadcast %squeeze3A_1016 : f32 to vector<16xf32>
      %mul3A_1197 = arith.mulf %mul3A_1196, %get3A_1195 : vector<16xf32>
      %add3A_1198 = arith.addf %add3A_1170, %mul3A_1197 : vector<16xf32>
      %get3A_1199 = arith.constant 21 : i32
      %get3A_1200 = arith.index_cast %get3A_1199 : i32 to index
      %get3A_1201 = arith.index_cast %add3A_1055 : i32 to index
      %get3A_1202 = tpu.vector_load %arg10[%get3A_1200, %get3A_1201] {strides = array<i32>} : memref<32x2048xf32, #tpu.memory_space<vmem>>, vector<16xf32>,
      %mul3A_1203 = vector.broadcast %squeeze3A_1018 : f32 to vector<16xf32>
      %mul3A_1204 = arith.mulf %mul3A_1203, %get3A_1202 : vector<16xf32>
      %add3A_1205 = arith.addf %add3A_1177, %mul3A_1204 : vector<16xf32>
      %get3A_1206 = arith.constant 22 : i32
      %get3A_1207 = arith.index_cast %get3A_1206 : i32 to index
      %get3A_1208 = arith.index_cast %add3A_1055 : i32 to index
      %get3A_1209 = tpu.vector_load %arg10[%get3A_1207, %get3A_1208] {strides = array<i32>} : memref<32x2048xf32, #tpu.memory_space<vmem>>, vector<16xf32>,
      %mul3A_1210 = vector.broadcast %squeeze3A_1020 : f32 to vector<16xf32>
      %mul3A_1211 = arith.mulf %mul3A_1210, %get3A_1209 : vector<16xf32>
      %add3A_1212 = arith.addf %add3A_1184, %mul3A_1211 : vector<16xf32>
      %get3A_1213 = arith.constant 23 : i32
      %get3A_1214 = arith.index_cast %get3A_1213 : i32 to index
      %get3A_1215 = arith.index_cast %add3A_1055 : i32 to index
      %get3A_1216 = tpu.vector_load %arg10[%get3A_1214, %get3A_1215] {strides = array<i32>} : memref<32x2048xf32, #tpu.memory_space<vmem>>, vector<16xf32>,
      %mul3A_1217 = vector.broadcast %squeeze3A_1022 : f32 to vector<16xf32>
      %mul3A_1218 = arith.mulf %mul3A_1217, %get3A_1216 : vector<16xf32>
      %add3A_1219 = arith.addf %add3A_1191, %mul3A_1218 : vector<16xf32>
      %get3A_1220 = arith.constant 24 : i32
      %get3A_1221 = arith.index_cast %get3A_1220 : i32 to index
      %get3A_1222 = arith.index_cast %add3A_1055 : i32 to index
      %get3A_1223 = tpu.vector_load %arg10[%get3A_1221, %get3A_1222] {strides = array<i32>} : memref<32x2048xf32, #tpu.memory_space<vmem>>, vector<16xf32>,
      %mul3A_1224 = vector.broadcast %squeeze3A_1024 : f32 to vector<16xf32>
      %mul3A_1225 = arith.mulf %mul3A_1224, %get3A_1223 : vector<16xf32>
      %add3A_1226 = arith.addf %add3A_1198, %mul3A_1225 : vector<16xf32>
      %get3A_1227 = arith.constant 25 : i32
      %get3A_1228 = arith.index_cast %get3A_1227 : i32 to index
      %get3A_1229 = arith.index_cast %add3A_1055 : i32 to index
      %get3A_1230 = tpu.vector_load %arg10[%get3A_1228, %get3A_1229] {strides = array<i32>} : memref<32x2048xf32, #tpu.memory_space<vmem>>, vector<16xf32>,
      %mul3A_1231 = vector.broadcast %squeeze3A_1026 : f32 to vector<16xf32>
      %mul3A_1232 = arith.mulf %mul3A_1231, %get3A_1230 : vector<16xf32>
      %add3A_1233 = arith.addf %add3A_1205, %mul3A_1232 : vector<16xf32>
      %get3A_1234 = arith.constant 26 : i32
      %get3A_1235 = arith.index_cast %get3A_1234 : i32 to index
      %get3A_1236 = arith.index_cast %add3A_1055 : i32 to index
      %get3A_1237 = tpu.vector_load %arg10[%get3A_1235, %get3A_1236] {strides = array<i32>} : memref<32x2048xf32, #tpu.memory_space<vmem>>, vector<16xf32>,
      %mul3A_1238 = vector.broadcast %squeeze3A_1028 : f32 to vector<16xf32>
      %mul3A_1239 = arith.mulf %mul3A_1238, %get3A_1237 : vector<16xf32>
      %add3A_1240 = arith.addf %add3A_1212, %mul3A_1239 : vector<16xf32>
      %get3A_1241 = arith.constant 27 : i32
      %get3A_1242 = arith.index_cast %get3A_1241 : i32 to index
      %get3A_1243 = arith.index_cast %add3A_1055 : i32 to index
      %get3A_1244 = tpu.vector_load %arg10[%get3A_1242, %get3A_1243] {strides = array<i32>} : memref<32x2048xf32, #tpu.memory_space<vmem>>, vector<16xf32>,
      %mul3A_1245 = vector.broadcast %squeeze3A_1030 : f32 to vector<16xf32>
      %mul3A_1246 = arith.mulf %mul3A_1245, %get3A_1244 : vector<16xf32>
      %add3A_1247 = arith.addf %add3A_1219, %mul3A_1246 : vector<16xf32>
      %get3A_1248 = arith.constant 28 : i32
      %get3A_1249 = arith.index_cast %get3A_1248 : i32 to index
      %get3A_1250 = arith.index_cast %add3A_1055 : i32 to index
      %get3A_1251 = tpu.vector_load %arg10[%get3A_1249, %get3A_1250] {strides = array<i32>} : memref<32x2048xf32, #tpu.memory_space<vmem>>, vector<16xf32>,
      %mul3A_1252 = vector.broadcast %squeeze3A_1032 : f32 to vector<16xf32>
      %mul3A_1253 = arith.mulf %mul3A_1252, %get3A_1251 : vector<16xf32>
      %add3A_1254 = arith.addf %add3A_1226, %mul3A_1253 : vector<16xf32>
      %get3A_1255 = arith.constant 29 : i32
      %get3A_1256 = arith.index_cast %get3A_1255 : i32 to index
      %get3A_1257 = arith.index_cast %add3A_1055 : i32 to index
      %get3A_1258 = tpu.vector_load %arg10[%get3A_1256, %get3A_1257] {strides = array<i32>} : memref<32x2048xf32, #tpu.memory_space<vmem>>, vector<16xf32>,
      %mul3A_1259 = vector.broadcast %squeeze3A_1034 : f32 to vector<16xf32>
      %mul3A_1260 = arith.mulf %mul3A_1259, %get3A_1258 : vector<16xf32>
      %add3A_1261 = arith.addf %add3A_1233, %mul3A_1260 : vector<16xf32>
      %get3A_1262 = arith.constant 30 : i32
      %get3A_1263 = arith.index_cast %get3A_1262 : i32 to index
      %get3A_1264 = arith.index_cast %add3A_1055 : i32 to index
      %get3A_1265 = tpu.vector_load %arg10[%get3A_1263, %get3A_1264] {strides = array<i32>} : memref<32x2048xf32, #tpu.memory_space<vmem>>, vector<16xf32>,
      %mul3A_1266 = vector.broadcast %squeeze3A_1036 : f32 to vector<16xf32>
      %mul3A_1267 = arith.mulf %mul3A_1266, %get3A_1265 : vector<16xf32>
      %add3A_1268 = arith.addf %add3A_1240, %mul3A_1267 : vector<16xf32>
      %get3A_1269 = arith.constant 31 : i32
      %get3A_1270 = arith.index_cast %get3A_1269 : i32 to index
      %get3A_1271 = arith.index_cast %add3A_1055 : i32 to index
      %get3A_1272 = tpu.vector_load %arg10[%get3A_1270, %get3A_1271] {strides = array<i32>} : memref<32x2048xf32, #tpu.memory_space<vmem>>, vector<16xf32>,
      %mul3A_1273 = vector.broadcast %squeeze3A_1038 : f32 to vector<16xf32>
      %mul3A_1274 = arith.mulf %mul3A_1273, %get3A_1272 : vector<16xf32>
      %add3A_1275 = arith.addf %add3A_1247, %mul3A_1274 : vector<16xf32>
      %add3A_1276 = arith.addf %add3A_1254, %add3A_1261 : vector<16xf32>
      %add3A_1277 = arith.addf %add3A_1268, %add3A_1275 : vector<16xf32>
      %add3A_1278 = arith.addf %add3A_1276, %add3A_1277 : vector<16xf32>
      %get3A_1279 = arith.index_cast %add3A_1055 : i32 to index
      %get3A_1280 = tpu.vector_load %arg12[%get3A_1279] {strides = array<i32>} : memref<2048xf32, #tpu.memory_space<vmem>>, vector<16xf32>,
      %add3A_1281 = arith.addf %add3A_1278, %get3A_1280 : vector<16xf32>
      %swap3A_1282 = arith.index_cast %add3A_1055 : i32 to index
      %swap3A_1283 = tpu.vector_load %arg11[%swap3A_1282] {strides = array<i32>} : memref<2048xf32, #tpu.memory_space<vmem>>, vector<16xf32>,
      tpu.vector_store %arg11[%swap3A_1282], %add3A_1281 {strides = array<i32>} : memref<2048xf32, #tpu.memory_space<vmem>>, vector<16xf32>,
      %add3A_1284 = arith.constant 16 : i32
      %add3A_1285 = arith.addi %mul3A_1053, %add3A_1284 : i32
      %get3A_1286 = arith.constant 0 : i32
      %get3A_1287 = arith.index_cast %get3A_1286 : i32 to index
      %get3A_1288 = arith.index_cast %add3A_1285 : i32 to index
      %get3A_1289 = tpu.vector_load %arg10[%get3A_1287, %get3A_1288] {strides = array<i32>} : memref<32x2048xf32, #tpu.memory_space<vmem>>, vector<16xf32>,
      %mul3A_1290 = vector.broadcast %squeeze3A_976 : f32 to vector<16xf32>
      %mul3A_1291 = arith.mulf %mul3A_1290, %get3A_1289 : vector<16xf32>
      %get3A_1292 = arith.constant 1 : i32
      %get3A_1293 = arith.index_cast %get3A_1292 : i32 to index
      %get3A_1294 = arith.index_cast %add3A_1285 : i32 to index
      %get3A_1295 = tpu.vector_load %arg10[%get3A_1293, %get3A_1294] {strides = array<i32>} : memref<32x2048xf32, #tpu.memory_space<vmem>>, vector<16xf32>,
      %mul3A_1296 = vector.broadcast %squeeze3A_978 : f32 to vector<16xf32>
      %mul3A_1297 = arith.mulf %mul3A_1296, %get3A_1295 : vector<16xf32>
      %get3A_1298 = arith.constant 2 : i32
      %get3A_1299 = arith.index_cast %get3A_1298 : i32 to index
      %get3A_1300 = arith.index_cast %add3A_1285 : i32 to index
      %get3A_1301 = tpu.vector_load %arg10[%get3A_1299, %get3A_1300] {strides = array<i32>} : memref<32x2048xf32, #tpu.memory_space<vmem>>, vector<16xf32>,
      %mul3A_1302 = vector.broadcast %squeeze3A_980 : f32 to vector<16xf32>
      %mul3A_1303 = arith.mulf %mul3A_1302, %get3A_1301 : vector<16xf32>
      %get3A_1304 = arith.constant 3 : i32
      %get3A_1305 = arith.index_cast %get3A_1304 : i32 to index
      %get3A_1306 = arith.index_cast %add3A_1285 : i32 to index
      %get3A_1307 = tpu.vector_load %arg10[%get3A_1305, %get3A_1306] {strides = array<i32>} : memref<32x2048xf32, #tpu.memory_space<vmem>>, vector<16xf32>,
      %mul3A_1308 = vector.broadcast %squeeze3A_982 : f32 to vector<16xf32>
      %mul3A_1309 = arith.mulf %mul3A_1308, %get3A_1307 : vector<16xf32>
      %get3A_1310 = arith.constant 4 : i32
      %get3A_1311 = arith.index_cast %get3A_1310 : i32 to index
      %get3A_1312 = arith.index_cast %add3A_1285 : i32 to index
      %get3A_1313 = tpu.vector_load %arg10[%get3A_1311, %get3A_1312] {strides = array<i32>} : memref<32x2048xf32, #tpu.memory_space<vmem>>, vector<16xf32>,
      %mul3A_1314 = vector.broadcast %squeeze3A_984 : f32 to vector<16xf32>
      %mul3A_1315 = arith.mulf %mul3A_1314, %get3A_1313 : vector<16xf32>
      %add3A_1316 = arith.addf %mul3A_1291, %mul3A_1315 : vector<16xf32>
      %get3A_1317 = arith.constant 5 : i32
      %get3A_1318 = arith.index_cast %get3A_1317 : i32 to index
      %get3A_1319 = arith.index_cast %add3A_1285 : i32 to index
      %get3A_1320 = tpu.vector_load %arg10[%get3A_1318, %get3A_1319] {strides = array<i32>} : memref<32x2048xf32, #tpu.memory_space<vmem>>, vector<16xf32>,
      %mul3A_1321 = vector.broadcast %squeeze3A_986 : f32 to vector<16xf32>
      %mul3A_1322 = arith.mulf %mul3A_1321, %get3A_1320 : vector<16xf32>
      %add3A_1323 = arith.addf %mul3A_1297, %mul3A_1322 : vector<16xf32>
      %get3A_1324 = arith.constant 6 : i32
      %get3A_1325 = arith.index_cast %get3A_1324 : i32 to index
      %get3A_1326 = arith.index_cast %add3A_1285 : i32 to index
      %get3A_1327 = tpu.vector_load %arg10[%get3A_1325, %get3A_1326] {strides = array<i32>} : memref<32x2048xf32, #tpu.memory_space<vmem>>, vector<16xf32>,
      %mul3A_1328 = vector.broadcast %squeeze3A_988 : f32 to vector<16xf32>
      %mul3A_1329 = arith.mulf %mul3A_1328, %get3A_1327 : vector<16xf32>
      %add3A_1330 = arith.addf %mul3A_1303, %mul3A_1329 : vector<16xf32>
      %get3A_1331 = arith.constant 7 : i32
      %get3A_1332 = arith.index_cast %get3A_1331 : i32 to index
      %get3A_1333 = arith.index_cast %add3A_1285 : i32 to index
      %get3A_1334 = tpu.vector_load %arg10[%get3A_1332, %get3A_1333] {strides = array<i32>} : memref<32x2048xf32, #tpu.memory_space<vmem>>, vector<16xf32>,
      %mul3A_1335 = vector.broadcast %squeeze3A_990 : f32 to vector<16xf32>
      %mul3A_1336 = arith.mulf %mul3A_1335, %get3A_1334 : vector<16xf32>
      %add3A_1337 = arith.addf %mul3A_1309, %mul3A_1336 : vector<16xf32>
      %get3A_1338 = arith.constant 8 : i32
      %get3A_1339 = arith.index_cast %get3A_1338 : i32 to index
      %get3A_1340 = arith.index_cast %add3A_1285 : i32 to index
      %get3A_1341 = tpu.vector_load %arg10[%get3A_1339, %get3A_1340] {strides = array<i32>} : memref<32x2048xf32, #tpu.memory_space<vmem>>, vector<16xf32>,
      %mul3A_1342 = vector.broadcast %squeeze3A_992 : f32 to vector<16xf32>
      %mul3A_1343 = arith.mulf %mul3A_1342, %get3A_1341 : vector<16xf32>
      %add3A_1344 = arith.addf %add3A_1316, %mul3A_1343 : vector<16xf32>
      %get3A_1345 = arith.constant 9 : i32
      %get3A_1346 = arith.index_cast %get3A_1345 : i32 to index
      %get3A_1347 = arith.index_cast %add3A_1285 : i32 to index
      %get3A_1348 = tpu.vector_load %arg10[%get3A_1346, %get3A_1347] {strides = array<i32>} : memref<32x2048xf32, #tpu.memory_space<vmem>>, vector<16xf32>,
      %mul3A_1349 = vector.broadcast %squeeze3A_994 : f32 to vector<16xf32>
      %mul3A_1350 = arith.mulf %mul3A_1349, %get3A_1348 : vector<16xf32>
      %add3A_1351 = arith.addf %add3A_1323, %mul3A_1350 : vector<16xf32>
      %get3A_1352 = arith.constant 10 : i32
      %get3A_1353 = arith.index_cast %get3A_1352 : i32 to index
      %get3A_1354 = arith.index_cast %add3A_1285 : i32 to index
      %get3A_1355 = tpu.vector_load %arg10[%get3A_1353, %get3A_1354] {strides = array<i32>} : memref<32x2048xf32, #tpu.memory_space<vmem>>, vector<16xf32>,
      %mul3A_1356 = vector.broadcast %squeeze3A_996 : f32 to vector<16xf32>
      %mul3A_1357 = arith.mulf %mul3A_1356, %get3A_1355 : vector<16xf32>
      %add3A_1358 = arith.addf %add3A_1330, %mul3A_1357 : vector<16xf32>
      %get3A_1359 = arith.constant 11 : i32
      %get3A_1360 = arith.index_cast %get3A_1359 : i32 to index
      %get3A_1361 = arith.index_cast %add3A_1285 : i32 to index
      %get3A_1362 = tpu.vector_load %arg10[%get3A_1360, %get3A_1361] {strides = array<i32>} : memref<32x2048xf32, #tpu.memory_space<vmem>>, vector<16xf32>,
      %mul3A_1363 = vector.broadcast %squeeze3A_998 : f32 to vector<16xf32>
      %mul3A_1364 = arith.mulf %mul3A_1363, %get3A_1362 : vector<16xf32>
      %add3A_1365 = arith.addf %add3A_1337, %mul3A_1364 : vector<16xf32>
      %get3A_1366 = arith.constant 12 : i32
      %get3A_1367 = arith.index_cast %get3A_1366 : i32 to index
      %get3A_1368 = arith.index_cast %add3A_1285 : i32 to index
      %get3A_1369 = tpu.vector_load %arg10[%get3A_1367, %get3A_1368] {strides = array<i32>} : memref<32x2048xf32, #tpu.memory_space<vmem>>, vector<16xf32>,
      %mul3A_1370 = vector.broadcast %squeeze3A_1000 : f32 to vector<16xf32>
      %mul3A_1371 = arith.mulf %mul3A_1370, %get3A_1369 : vector<16xf32>
      %add3A_1372 = arith.addf %add3A_1344, %mul3A_1371 : vector<16xf32>
      %get3A_1373 = arith.constant 13 : i32
      %get3A_1374 = arith.index_cast %get3A_1373 : i32 to index
      %get3A_1375 = arith.index_cast %add3A_1285 : i32 to index
      %get3A_1376 = tpu.vector_load %arg10[%get3A_1374, %get3A_1375] {strides = array<i32>} : memref<32x2048xf32, #tpu.memory_space<vmem>>, vector<16xf32>,
      %mul3A_1377 = vector.broadcast %squeeze3A_1002 : f32 to vector<16xf32>
      %mul3A_1378 = arith.mulf %mul3A_1377, %get3A_1376 : vector<16xf32>
      %add3A_1379 = arith.addf %add3A_1351, %mul3A_1378 : vector<16xf32>
      %get3A_1380 = arith.constant 14 : i32
      %get3A_1381 = arith.index_cast %get3A_1380 : i32 to index
      %get3A_1382 = arith.index_cast %add3A_1285 : i32 to index
      %get3A_1383 = tpu.vector_load %arg10[%get3A_1381, %get3A_1382] {strides = array<i32>} : memref<32x2048xf32, #tpu.memory_space<vmem>>, vector<16xf32>,
      %mul3A_1384 = vector.broadcast %squeeze3A_1004 : f32 to vector<16xf32>
      %mul3A_1385 = arith.mulf %mul3A_1384, %get3A_1383 : vector<16xf32>
      %add3A_1386 = arith.addf %add3A_1358, %mul3A_1385 : vector<16xf32>
      %get3A_1387 = arith.constant 15 : i32
      %get3A_1388 = arith.index_cast %get3A_1387 : i32 to index
      %get3A_1389 = arith.index_cast %add3A_1285 : i32 to index
      %get3A_1390 = tpu.vector_load %arg10[%get3A_1388, %get3A_1389] {strides = array<i32>} : memref<32x2048xf32, #tpu.memory_space<vmem>>, vector<16xf32>,
      %mul3A_1391 = vector.broadcast %squeeze3A_1006 : f32 to vector<16xf32>
      %mul3A_1392 = arith.mulf %mul3A_1391, %get3A_1390 : vector<16xf32>
      %add3A_1393 = arith.addf %add3A_1365, %mul3A_1392 : vector<16xf32>
      %get3A_1394 = arith.constant 16 : i32
      %get3A_1395 = arith.index_cast %get3A_1394 : i32 to index
      %get3A_1396 = arith.index_cast %add3A_1285 : i32 to index
      %get3A_1397 = tpu.vector_load %arg10[%get3A_1395, %get3A_1396] {strides = array<i32>} : memref<32x2048xf32, #tpu.memory_space<vmem>>, vector<16xf32>,
      %mul3A_1398 = vector.broadcast %squeeze3A_1008 : f32 to vector<16xf32>
      %mul3A_1399 = arith.mulf %mul3A_1398, %get3A_1397 : vector<16xf32>
      %add3A_1400 = arith.addf %add3A_1372, %mul3A_1399 : vector<16xf32>
      %get3A_1401 = arith.constant 17 : i32
      %get3A_1402 = arith.index_cast %get3A_1401 : i32 to index
      %get3A_1403 = arith.index_cast %add3A_1285 : i32 to index
      %get3A_1404 = tpu.vector_load %arg10[%get3A_1402, %get3A_1403] {strides = array<i32>} : memref<32x2048xf32, #tpu.memory_space<vmem>>, vector<16xf32>,
      %mul3A_1405 = vector.broadcast %squeeze3A_1010 : f32 to vector<16xf32>
      %mul3A_1406 = arith.mulf %mul3A_1405, %get3A_1404 : vector<16xf32>
      %add3A_1407 = arith.addf %add3A_1379, %mul3A_1406 : vector<16xf32>
      %get3A_1408 = arith.constant 18 : i32
      %get3A_1409 = arith.index_cast %get3A_1408 : i32 to index
      %get3A_1410 = arith.index_cast %add3A_1285 : i32 to index
      %get3A_1411 = tpu.vector_load %arg10[%get3A_1409, %get3A_1410] {strides = array<i32>} : memref<32x2048xf32, #tpu.memory_space<vmem>>, vector<16xf32>,
      %mul3A_1412 = vector.broadcast %squeeze3A_1012 : f32 to vector<16xf32>
      %mul3A_1413 = arith.mulf %mul3A_1412, %get3A_1411 : vector<16xf32>
      %add3A_1414 = arith.addf %add3A_1386, %mul3A_1413 : vector<16xf32>
      %get3A_1415 = arith.constant 19 : i32
      %get3A_1416 = arith.index_cast %get3A_1415 : i32 to index
      %get3A_1417 = arith.index_cast %add3A_1285 : i32 to index
      %get3A_1418 = tpu.vector_load %arg10[%get3A_1416, %get3A_1417] {strides = array<i32>} : memref<32x2048xf32, #tpu.memory_space<vmem>>, vector<16xf32>,
      %mul3A_1419 = vector.broadcast %squeeze3A_1014 : f32 to vector<16xf32>
      %mul3A_1420 = arith.mulf %mul3A_1419, %get3A_1418 : vector<16xf32>
      %add3A_1421 = arith.addf %add3A_1393, %mul3A_1420 : vector<16xf32>
      %get3A_1422 = arith.constant 20 : i32
      %get3A_1423 = arith.index_cast %get3A_1422 : i32 to index
      %get3A_1424 = arith.index_cast %add3A_1285 : i32 to index
      %get3A_1425 = tpu.vector_load %arg10[%get3A_1423, %get3A_1424] {strides = array<i32>} : memref<32x2048xf32, #tpu.memory_space<vmem>>, vector<16xf32>,
      %mul3A_1426 = vector.broadcast %squeeze3A_1016 : f32 to vector<16xf32>
      %mul3A_1427 = arith.mulf %mul3A_1426, %get3A_1425 : vector<16xf32>
      %add3A_1428 = arith.addf %add3A_1400, %mul3A_1427 : vector<16xf32>
      %get3A_1429 = arith.constant 21 : i32
      %get3A_1430 = arith.index_cast %get3A_1429 : i32 to index
      %get3A_1431 = arith.index_cast %add3A_1285 : i32 to index
      %get3A_1432 = tpu.vector_load %arg10[%get3A_1430, %get3A_1431] {strides = array<i32>} : memref<32x2048xf32, #tpu.memory_space<vmem>>, vector<16xf32>,
      %mul3A_1433 = vector.broadcast %squeeze3A_1018 : f32 to vector<16xf32>
      %mul3A_1434 = arith.mulf %mul3A_1433, %get3A_1432 : vector<16xf32>
      %add3A_1435 = arith.addf %add3A_1407, %mul3A_1434 : vector<16xf32>
      %get3A_1436 = arith.constant 22 : i32
      %get3A_1437 = arith.index_cast %get3A_1436 : i32 to index
      %get3A_1438 = arith.index_cast %add3A_1285 : i32 to index
      %get3A_1439 = tpu.vector_load %arg10[%get3A_1437, %get3A_1438] {strides = array<i32>} : memref<32x2048xf32, #tpu.memory_space<vmem>>, vector<16xf32>,
      %mul3A_1440 = vector.broadcast %squeeze3A_1020 : f32 to vector<16xf32>
      %mul3A_1441 = arith.mulf %mul3A_1440, %get3A_1439 : vector<16xf32>
      %add3A_1442 = arith.addf %add3A_1414, %mul3A_1441 : vector<16xf32>
      %get3A_1443 = arith.constant 23 : i32
      %get3A_1444 = arith.index_cast %get3A_1443 : i32 to index
      %get3A_1445 = arith.index_cast %add3A_1285 : i32 to index
      %get3A_1446 = tpu.vector_load %arg10[%get3A_1444, %get3A_1445] {strides = array<i32>} : memref<32x2048xf32, #tpu.memory_space<vmem>>, vector<16xf32>,
      %mul3A_1447 = vector.broadcast %squeeze3A_1022 : f32 to vector<16xf32>
      %mul3A_1448 = arith.mulf %mul3A_1447, %get3A_1446 : vector<16xf32>
      %add3A_1449 = arith.addf %add3A_1421, %mul3A_1448 : vector<16xf32>
      %get3A_1450 = arith.constant 24 : i32
      %get3A_1451 = arith.index_cast %get3A_1450 : i32 to index
      %get3A_1452 = arith.index_cast %add3A_1285 : i32 to index
      %get3A_1453 = tpu.vector_load %arg10[%get3A_1451, %get3A_1452] {strides = array<i32>} : memref<32x2048xf32, #tpu.memory_space<vmem>>, vector<16xf32>,
      %mul3A_1454 = vector.broadcast %squeeze3A_1024 : f32 to vector<16xf32>
      %mul3A_1455 = arith.mulf %mul3A_1454, %get3A_1453 : vector<16xf32>
      %add3A_1456 = arith.addf %add3A_1428, %mul3A_1455 : vector<16xf32>
      %get3A_1457 = arith.constant 25 : i32
      %get3A_1458 = arith.index_cast %get3A_1457 : i32 to index
      %get3A_1459 = arith.index_cast %add3A_1285 : i32 to index
      %get3A_1460 = tpu.vector_load %arg10[%get3A_1458, %get3A_1459] {strides = array<i32>} : memref<32x2048xf32, #tpu.memory_space<vmem>>, vector<16xf32>,
      %mul3A_1461 = vector.broadcast %squeeze3A_1026 : f32 to vector<16xf32>
      %mul3A_1462 = arith.mulf %mul3A_1461, %get3A_1460 : vector<16xf32>
      %add3A_1463 = arith.addf %add3A_1435, %mul3A_1462 : vector<16xf32>
      %get3A_1464 = arith.constant 26 : i32
      %get3A_1465 = arith.index_cast %get3A_1464 : i32 to index
      %get3A_1466 = arith.index_cast %add3A_1285 : i32 to index
      %get3A_1467 = tpu.vector_load %arg10[%get3A_1465, %get3A_1466] {strides = array<i32>} : memref<32x2048xf32, #tpu.memory_space<vmem>>, vector<16xf32>,
      %mul3A_1468 = vector.broadcast %squeeze3A_1028 : f32 to vector<16xf32>
      %mul3A_1469 = arith.mulf %mul3A_1468, %get3A_1467 : vector<16xf32>
      %add3A_1470 = arith.addf %add3A_1442, %mul3A_1469 : vector<16xf32>
      %get3A_1471 = arith.constant 27 : i32
      %get3A_1472 = arith.index_cast %get3A_1471 : i32 to index
      %get3A_1473 = arith.index_cast %add3A_1285 : i32 to index
      %get3A_1474 = tpu.vector_load %arg10[%get3A_1472, %get3A_1473] {strides = array<i32>} : memref<32x2048xf32, #tpu.memory_space<vmem>>, vector<16xf32>,
      %mul3A_1475 = vector.broadcast %squeeze3A_1030 : f32 to vector<16xf32>
      %mul3A_1476 = arith.mulf %mul3A_1475, %get3A_1474 : vector<16xf32>
      %add3A_1477 = arith.addf %add3A_1449, %mul3A_1476 : vector<16xf32>
      %get3A_1478 = arith.constant 28 : i32
      %get3A_1479 = arith.index_cast %get3A_1478 : i32 to index
      %get3A_1480 = arith.index_cast %add3A_1285 : i32 to index
      %get3A_1481 = tpu.vector_load %arg10[%get3A_1479, %get3A_1480] {strides = array<i32>} : memref<32x2048xf32, #tpu.memory_space<vmem>>, vector<16xf32>,
      %mul3A_1482 = vector.broadcast %squeeze3A_1032 : f32 to vector<16xf32>
      %mul3A_1483 = arith.mulf %mul3A_1482, %get3A_1481 : vector<16xf32>
      %add3A_1484 = arith.addf %add3A_1456, %mul3A_1483 : vector<16xf32>
      %get3A_1485 = arith.constant 29 : i32
      %get3A_1486 = arith.index_cast %get3A_1485 : i32 to index
      %get3A_1487 = arith.index_cast %add3A_1285 : i32 to index
      %get3A_1488 = tpu.vector_load %arg10[%get3A_1486, %get3A_1487] {strides = array<i32>} : memref<32x2048xf32, #tpu.memory_space<vmem>>, vector<16xf32>,
      %mul3A_1489 = vector.broadcast %squeeze3A_1034 : f32 to vector<16xf32>
      %mul3A_1490 = arith.mulf %mul3A_1489, %get3A_1488 : vector<16xf32>
      %add3A_1491 = arith.addf %add3A_1463, %mul3A_1490 : vector<16xf32>
      %get3A_1492 = arith.constant 30 : i32
      %get3A_1493 = arith.index_cast %get3A_1492 : i32 to index
      %get3A_1494 = arith.index_cast %add3A_1285 : i32 to index
      %get3A_1495 = tpu.vector_load %arg10[%get3A_1493, %get3A_1494] {strides = array<i32>} : memref<32x2048xf32, #tpu.memory_space<vmem>>, vector<16xf32>,
      %mul3A_1496 = vector.broadcast %squeeze3A_1036 : f32 to vector<16xf32>
      %mul3A_1497 = arith.mulf %mul3A_1496, %get3A_1495 : vector<16xf32>
      %add3A_1498 = arith.addf %add3A_1470, %mul3A_1497 : vector<16xf32>
      %get3A_1499 = arith.constant 31 : i32
      %get3A_1500 = arith.index_cast %get3A_1499 : i32 to index
      %get3A_1501 = arith.index_cast %add3A_1285 : i32 to index
      %get3A_1502 = tpu.vector_load %arg10[%get3A_1500, %get3A_1501] {strides = array<i32>} : memref<32x2048xf32, #tpu.memory_space<vmem>>, vector<16xf32>,
      %mul3A_1503 = vector.broadcast %squeeze3A_1038 : f32 to vector<16xf32>
      %mul3A_1504 = arith.mulf %mul3A_1503, %get3A_1502 : vector<16xf32>
      %add3A_1505 = arith.addf %add3A_1477, %mul3A_1504 : vector<16xf32>
      %add3A_1506 = arith.addf %add3A_1484, %add3A_1491 : vector<16xf32>
      %add3A_1507 = arith.addf %add3A_1498, %add3A_1505 : vector<16xf32>
      %add3A_1508 = arith.addf %add3A_1506, %add3A_1507 : vector<16xf32>
      %get3A_1509 = arith.index_cast %add3A_1285 : i32 to index
      %get3A_1510 = tpu.vector_load %arg12[%get3A_1509] {strides = array<i32>} : memref<2048xf32, #tpu.memory_space<vmem>>, vector<16xf32>,
      %add3A_1511 = arith.addf %add3A_1508, %get3A_1510 : vector<16xf32>
      %swap3A_1512 = arith.index_cast %add3A_1285 : i32 to index
      %swap3A_1513 = tpu.vector_load %arg11[%swap3A_1512] {strides = array<i32>} : memref<2048xf32, #tpu.memory_space<vmem>>, vector<16xf32>,
      tpu.vector_store %arg11[%swap3A_1512], %add3A_1511 {strides = array<i32>} : memref<2048xf32, #tpu.memory_space<vmem>>, vector<16xf32>,
    }
    %scan3A_1044 = arith.constant 64 : i32
    "tpu.trace_stop"() : () -> ()
    "tpu.trace_start"() <{level = 10 : i32, message = "sc_dma_out"}> : () -> ()
    "tpu.region"() ({
      %run_scoped3A = tpu.sem_alloc : memref<!tpu.dma_semaphore, #tpu.memory_space<semaphore_mem>>
      %dma_start3A_1051 = arith.constant 0 : i32
      %dma_start3A_1052 = tpu.memref_slice %arg6[%add3A, %dma_start3A_1051] : memref<32x2048xf32, #tpu.memory_space<hbm>> -> memref<1x2048xf32, #tpu.memory_space<hbm>>
      %dma_start3A_1053 = tpu.memref_squeeze %dma_start3A_1052 : memref<1x2048xf32, #tpu.memory_space<hbm>> -> memref<2048xf32, #tpu.memory_space<hbm>>
      %dma_start3A_1054 = arith.constant 0 : i32
      %dma_start3A_1055 = tpu.memref_slice %arg6[%add3A, %dma_start3A_1054] : memref<32x2048xf32, #tpu.memory_space<hbm>> -> memref<1x2048xf32, #tpu.memory_space<hbm>>
      %dma_start3A_1056 = tpu.memref_squeeze %dma_start3A_1055 : memref<1x2048xf32, #tpu.memory_space<hbm>> -> memref<2048xf32, #tpu.memory_space<hbm>>
      tpu.enqueue_dma source(%arg11 : memref<2048xf32, #tpu.memory_space<vmem>>) target(%dma_start3A_1056 : memref<2048xf32, #tpu.memory_space<hbm>>) target_semaphore(%run_scoped3A : memref<!tpu.dma_semaphore, #tpu.memory_space<semaphore_mem>>)
      %dma_wait3A_1057 = arith.constant 0 : i32
      %dma_wait3A_1058 = tpu.memref_slice %arg6[%add3A, %dma_wait3A_1057] : memref<32x2048xf32, #tpu.memory_space<hbm>> -> memref<1x2048xf32, #tpu.memory_space<hbm>>
      %dma_wait3A_1059 = tpu.memref_squeeze %dma_wait3A_1058 : memref<1x2048xf32, #tpu.memory_space<hbm>> -> memref<2048xf32, #tpu.memory_space<hbm>>
      %dma_wait3A_1060 = arith.constant 0 : i32
      %dma_wait3A_1061 = tpu.memref_slice %arg6[%add3A, %dma_wait3A_1060] : memref<32x2048xf32, #tpu.memory_space<hbm>> -> memref<1x2048xf32, #tpu.memory_space<hbm>>
      %dma_wait3A_1062 = tpu.memref_squeeze %dma_wait3A_1061 : memref<1x2048xf32, #tpu.memory_space<hbm>> -> memref<2048xf32, #tpu.memory_space<hbm>>
      tpu.wait_dma2 semaphore(%run_scoped3A : memref<!tpu.dma_semaphore, #tpu.memory_space<semaphore_mem>>) src(%arg11 : memref<2048xf32, #tpu.memory_space<vmem>>) dst(%dma_wait3A_1062 : memref<2048xf32, #tpu.memory_space<hbm>>)
      tpu.yield
    }) : () -> ()
    %dma_wait3A_1045 = arith.constant 0 : i32
    %dma_wait3A_1046 = tpu.memref_slice %arg7[%add3A, %dma_wait3A_1045] : memref<32x32768xf32, #tpu.memory_space<hbm>> -> memref<1x32768xf32, #tpu.memory_space<hbm>>
    %dma_wait3A_1047 = tpu.memref_squeeze %dma_wait3A_1046 : memref<1x32768xf32, #tpu.memory_space<hbm>> -> memref<32768xf32, #tpu.memory_space<hbm>>
    %dma_wait3A_1048 = arith.constant 0 : i32
    %dma_wait3A_1049 = tpu.memref_slice %arg7[%add3A, %dma_wait3A_1048] : memref<32x32768xf32, #tpu.memory_space<hbm>> -> memref<1x32768xf32, #tpu.memory_space<hbm>>
    %dma_wait3A_1050 = tpu.memref_squeeze %dma_wait3A_1049 : memref<1x32768xf32, #tpu.memory_space<hbm>> -> memref<32768xf32, #tpu.memory_space<hbm>>
    tpu.wait_dma2 semaphore(%arg18 : memref<!tpu.dma_semaphore, #tpu.memory_space<semaphore_mem>>) src(%arg8 : memref<32768xf32, #tpu.memory_space<vmem>>) dst(%dma_wait3A_1050 : memref<32768xf32, #tpu.memory_space<hbm>>)
    "tpu.trace_stop"() : () -> ()
    return
  }
}

module attributes {stable_mosaic.version = 14 : i64} {
  func.func @_enc_body(%arg0: i32, %arg1: memref<32x2048xf32, #tpu.memory_space<vmem>>, %arg2: memref<1024x2048xf32, #tpu.memory_space<vmem>>, %arg3: memref<1024x2048xf32, #tpu.memory_space<vmem>>, %arg4: memref<1x1x2048xf32, #tpu.memory_space<vmem>>, %arg5: memref<32x16x128xf32, #tpu.memory_space<vmem>>, %arg6: memref<32x1x1x16xf32, #tpu.memory_space<vmem>>, %arg7: memref<32x2048xf32, #tpu.memory_space<vmem>>) attributes {dimension_semantics = [#tpu.dimension_semantics<arbitrary>], iteration_bounds = array<i64: 16>, scalar_prefetch = 0 : i64, scratch_operands = 1 : i64, tpu.core_type = #tpu.core_type<tc>, window_params = [{pipeline_mode = #tpu.pipeline_mode<synchronous>, transform_indices = @transform_0, window_bounds = array<i64: 32, 2048>}, {transform_indices = @transform_1, window_bounds = array<i64: 1024, 2048>}, {transform_indices = @transform_2, window_bounds = array<i64: 1024, 2048>}, {transform_indices = @transform_3, window_bounds = array<i64: 1, 1, 2048>}, {transform_indices = @transform_4, window_bounds = array<i64: 32, 16, 128>}, {transform_indices = @transform_5, window_bounds = array<i64: 32, 1, 1, 16>}]} {
    %eq3A = arith.constant 0 : i32
    %eq3A_0 = arith.cmpi eq, %arg0, %eq3A : i32
    %convert_element_type3A = arith.extui %eq3A_0 : i1 to i32
    %cond3A = arith.constant 0 : i32
    %cond3A_1 = arith.cmpi ne, %convert_element_type3A, %cond3A : i32
    scf.if %cond3A_1 {
      %get3A_53 = arith.constant 0 : index
      %get3A_54 = arith.constant 0 : index
      %get3A_55 = vector.load %arg1[%get3A_53, %get3A_54] : memref<32x2048xf32, #tpu.memory_space<vmem>>, vector<32x2048xf32>
      %reduce_sum3A = arith.constant dense<0.000000e+00> : vector<32xf32>
      %reduce_sum3A_56 = vector.multi_reduction <add>, %get3A_55, %reduce_sum3A [1] : vector<32x2048xf32> to vector<32xf32>
      %broadcast_in_dim3A_57 = vector.shape_cast %reduce_sum3A_56 : vector<32xf32> to vector<32x1xf32>
      %div3A = arith.constant 2.048000e+03 : f32
      %div3A_58 = vector.broadcast %div3A : f32 to vector<32x1xf32>
      %div3A_59 = arith.divf %broadcast_in_dim3A_57, %div3A_58 : vector<32x1xf32>
      %sub3A = vector.broadcast %div3A_59 : vector<32x1xf32> to vector<32x2048xf32>
      %sub3A_60 = arith.subf %get3A_55, %sub3A : vector<32x2048xf32>
      %mul3A = arith.mulf %sub3A_60, %sub3A_60 : vector<32x2048xf32>
      %reduce_sum3A_61 = arith.constant dense<0.000000e+00> : vector<32xf32>
      %reduce_sum3A_62 = vector.multi_reduction <add>, %mul3A, %reduce_sum3A_61 [1] : vector<32x2048xf32> to vector<32xf32>
      %broadcast_in_dim3A_63 = vector.shape_cast %reduce_sum3A_62 : vector<32xf32> to vector<32x1xf32>
      %div3A_64 = arith.constant 2.047000e+03 : f32
      %div3A_65 = vector.broadcast %div3A_64 : f32 to vector<32x1xf32>
      %div3A_66 = arith.divf %broadcast_in_dim3A_63, %div3A_65 : vector<32x1xf32>
      %sqrt3A = math.sqrt %div3A_66 : vector<32x1xf32>
      %add3A_67 = arith.constant 9.99999974E-6 : f32
      %add3A_68 = vector.broadcast %add3A_67 : f32 to vector<32x1xf32>
      %add3A_69 = arith.addf %sqrt3A, %add3A_68 : vector<32x1xf32>
      %div3A_70 = vector.broadcast %add3A_69 : vector<32x1xf32> to vector<32x2048xf32>
      %div3A_71 = arith.divf %sub3A_60, %div3A_70 : vector<32x2048xf32>
      %swap3A_72 = arith.constant 0 : index
      %swap3A_73 = arith.constant 0 : index
      %swap3A_74 = vector.load %arg7[%swap3A_72, %swap3A_73] : memref<32x2048xf32, #tpu.memory_space<vmem>>, vector<32x2048xf32>
      tpu.vector_store %arg7[%swap3A_72, %swap3A_73], %div3A_71 {strides = array<i32>} : memref<32x2048xf32, #tpu.memory_space<vmem>>, vector<32x2048xf32>,
    } else {
    }
    %get3A = arith.constant 0 : index
    %get3A_2 = arith.constant 0 : index
    %get3A_3 = vector.load %arg7[%get3A, %get3A_2] : memref<32x2048xf32, #tpu.memory_space<vmem>>, vector<32x2048xf32>
    %get3A_4 = arith.constant 0 : index
    %get3A_5 = arith.constant 0 : index
    %get3A_6 = vector.load %arg2[%get3A_4, %get3A_5] : memref<1024x2048xf32, #tpu.memory_space<vmem>>, vector<1024x2048xf32>
    %dot_general3A = arith.constant dense<0.000000e+00> : vector<32x1024xf32>
    %dot_general3A_7 = tpu.matmul %get3A_3, %get3A_6, %dot_general3A {dimension_numbers = #tpu.dot_dimension_numbers<[1], [1], [0], [0], [0, 0, 1, 0], [], []>, transpose_lhs_hint = false} : vector<32x2048xf32>, vector<1024x2048xf32>, vector<32x1024xf32> -> vector<32x1024xf32>
    %get3A_8 = arith.constant 0 : index
    %get3A_9 = arith.constant 0 : index
    %get3A_10 = arith.constant 0 : index
    %get3A_11 = vector.load %arg4[%get3A_8, %get3A_9, %get3A_10] : memref<1x1x2048xf32, #tpu.memory_space<vmem>>, vector<1x1x1024xf32>
    %get3A_12 = vector.shape_cast %get3A_11 : vector<1x1x1024xf32> to vector<1x1024xf32>
    %squeeze3A = vector.shape_cast %get3A_12 : vector<1x1024xf32> to vector<1024xf32>
    %broadcast_in_dim3A = vector.shape_cast %squeeze3A : vector<1024xf32> to vector<1x1024xf32>
    %add3A = vector.broadcast %broadcast_in_dim3A : vector<1x1024xf32> to vector<32x1024xf32>
    %add3A_13 = arith.addf %dot_general3A_7, %add3A : vector<32x1024xf32>
    %reshape3A = vector.shape_cast %add3A_13 : vector<32x1024xf32> to vector<32x8x128xf32>
    %swap3A = arith.constant 0 : index
    %swap3A_14 = arith.constant 0 : index
    %swap3A_15 = arith.constant 0 : index
    %swap3A_16 = vector.load %arg5[%swap3A, %swap3A_14, %swap3A_15] : memref<32x16x128xf32, #tpu.memory_space<vmem>>, vector<32x8x128xf32>
    tpu.vector_store %arg5[%swap3A, %swap3A_14, %swap3A_15], %reshape3A {strides = array<i32>} : memref<32x16x128xf32, #tpu.memory_space<vmem>>, vector<32x8x128xf32>,
    %reduce_max3A = arith.constant dense<0xFF800000> : vector<32x8xf32>
    %reduce_max3A_17 = vector.multi_reduction <maximumf>, %reshape3A, %reduce_max3A [2] : vector<32x8x128xf32> to vector<32x8xf32>
    %swap3A_18 = arith.constant 0 : index
    %swap3A_19 = arith.constant 0 : index
    %swap3A_20 = arith.constant 0 : index
    %swap3A_21 = arith.constant 0 : index
    %swap3A_22 = vector.load %arg6[%swap3A_18, %swap3A_19, %swap3A_20, %swap3A_21] : memref<32x1x1x16xf32, #tpu.memory_space<vmem>>, vector<32x1x1x8xf32>
    %swap3A_23 = vector.shape_cast %swap3A_22 : vector<32x1x1x8xf32> to vector<32x8xf32>
    %swap3A_24 = vector.shape_cast %reduce_max3A_17 : vector<32x8xf32> to vector<32x1x1x8xf32>
    tpu.vector_store %arg6[%swap3A_18, %swap3A_19, %swap3A_20, %swap3A_21], %swap3A_24 {strides = array<i32>} : memref<32x1x1x16xf32, #tpu.memory_space<vmem>>, vector<32x1x1x8xf32>,
    %get3A_25 = arith.constant 0 : index
    %get3A_26 = arith.constant 0 : index
    %get3A_27 = vector.load %arg3[%get3A_25, %get3A_26] : memref<1024x2048xf32, #tpu.memory_space<vmem>>, vector<1024x2048xf32>
    %dot_general3A_28 = arith.constant dense<0.000000e+00> : vector<32x1024xf32>
    %dot_general3A_29 = tpu.matmul %get3A_3, %get3A_27, %dot_general3A_28 {dimension_numbers = #tpu.dot_dimension_numbers<[1], [1], [0], [0], [0, 0, 1, 0], [], []>, transpose_lhs_hint = false} : vector<32x2048xf32>, vector<1024x2048xf32>, vector<32x1024xf32> -> vector<32x1024xf32>
    %get3A_30 = arith.constant 0 : index
    %get3A_31 = arith.constant 0 : index
    %get3A_32 = arith.constant 1024 : index
    %get3A_33 = vector.load %arg4[%get3A_30, %get3A_31, %get3A_32] : memref<1x1x2048xf32, #tpu.memory_space<vmem>>, vector<1x1x1024xf32>
    %get3A_34 = vector.shape_cast %get3A_33 : vector<1x1x1024xf32> to vector<1x1024xf32>
    %squeeze3A_35 = vector.shape_cast %get3A_34 : vector<1x1024xf32> to vector<1024xf32>
    %broadcast_in_dim3A_36 = vector.shape_cast %squeeze3A_35 : vector<1024xf32> to vector<1x1024xf32>
    %add3A_37 = vector.broadcast %broadcast_in_dim3A_36 : vector<1x1024xf32> to vector<32x1024xf32>
    %add3A_38 = arith.addf %dot_general3A_29, %add3A_37 : vector<32x1024xf32>
    %reshape3A_39 = vector.shape_cast %add3A_38 : vector<32x1024xf32> to vector<32x8x128xf32>
    %swap3A_40 = arith.constant 0 : index
    %swap3A_41 = arith.constant 8 : index
    %swap3A_42 = arith.constant 0 : index
    %swap3A_43 = vector.load %arg5[%swap3A_40, %swap3A_41, %swap3A_42] : memref<32x16x128xf32, #tpu.memory_space<vmem>>, vector<32x8x128xf32>
    tpu.vector_store %arg5[%swap3A_40, %swap3A_41, %swap3A_42], %reshape3A_39 {strides = array<i32>} : memref<32x16x128xf32, #tpu.memory_space<vmem>>, vector<32x8x128xf32>,
    %reduce_max3A_44 = arith.constant dense<0xFF800000> : vector<32x8xf32>
    %reduce_max3A_45 = vector.multi_reduction <maximumf>, %reshape3A_39, %reduce_max3A_44 [2] : vector<32x8x128xf32> to vector<32x8xf32>
    %swap3A_46 = arith.constant 0 : index
    %swap3A_47 = arith.constant 0 : index
    %swap3A_48 = arith.constant 0 : index
    %swap3A_49 = arith.constant 8 : index
    %swap3A_50 = vector.load %arg6[%swap3A_46, %swap3A_47, %swap3A_48, %swap3A_49] : memref<32x1x1x16xf32, #tpu.memory_space<vmem>>, vector<32x1x1x8xf32>
    %swap3A_51 = vector.shape_cast %swap3A_50 : vector<32x1x1x8xf32> to vector<32x8xf32>
    %swap3A_52 = vector.shape_cast %reduce_max3A_45 : vector<32x8xf32> to vector<32x1x1x8xf32>
    tpu.vector_store %arg6[%swap3A_46, %swap3A_47, %swap3A_48, %swap3A_49], %swap3A_52 {strides = array<i32>} : memref<32x1x1x16xf32, #tpu.memory_space<vmem>>, vector<32x1x1x8xf32>,
    return
  }
  func.func @transform_0(%arg0: i32) -> (i32, i32) {
    %c0_i32 = arith.constant 0 : i32
    %c0_i32_0 = arith.constant 0 : i32
    %c0_i32_1 = arith.constant 0 : i32
    return %c0_i32, %c0_i32_0 : i32, i32
  }
  func.func @transform_1(%arg0: i32) -> (i32, i32) {
    %mul3A = arith.constant 2 : i32
    %mul3A_0 = arith.muli %mul3A, %arg0 : i32
    %c0_i32 = arith.constant 0 : i32
    %c0_i32_1 = arith.constant 0 : i32
    return %mul3A_0, %c0_i32 : i32, i32
  }
  func.func @transform_2(%arg0: i32) -> (i32, i32) {
    %mul3A = arith.constant 2 : i32
    %mul3A_0 = arith.muli %mul3A, %arg0 : i32
    %add3A = arith.constant 1 : i32
    %add3A_1 = arith.addi %mul3A_0, %add3A : i32
    %c0_i32 = arith.constant 0 : i32
    %c0_i32_2 = arith.constant 0 : i32
    return %add3A_1, %c0_i32 : i32, i32
  }
  func.func @transform_3(%arg0: i32) -> (i32, i32, i32) {
    %c0_i32 = arith.constant 0 : i32
    %c0_i32_0 = arith.constant 0 : i32
    %c0_i32_1 = arith.constant 0 : i32
    return %arg0, %c0_i32, %c0_i32_0 : i32, i32, i32
  }
  func.func @transform_4(%arg0: i32) -> (i32, i32, i32) {
    %c0_i32 = arith.constant 0 : i32
    %c0_i32_0 = arith.constant 0 : i32
    %c0_i32_1 = arith.constant 0 : i32
    return %c0_i32, %arg0, %c0_i32_0 : i32, i32, i32
  }
  func.func @transform_5(%arg0: i32) -> (i32, i32, i32, i32) {
    %c0_i32 = arith.constant 0 : i32
    %c0_i32_0 = arith.constant 0 : i32
    %c0_i32_1 = arith.constant 0 : i32
    %c0_i32_2 = arith.constant 0 : i32
    return %c0_i32, %arg0, %c0_i32_0, %c0_i32_1 : i32, i32, i32, i32
  }
}

</mosaic_0001>

<sc_bundles>
// kernel: kernel.4.cloned.1.call-start
scs
__scs_entry_jumppad:
0x0: {  	(pc) =	sbr.rel $0x88, $3  }
0x1: {  	(tag) =	ssettag $0x0;
	lr =	simm.s32 $0x1  }
0x2: {  	[smem:$0x3F9D] =	sst lr;
	_ =	strace $0xD0000000  }
0x3: {  	_ = 	snop  }
0x4: {  	_ = 	snop  }
0x5: {  	_ = 	snop  }
0x6: {  	_ = 	snop  }
0x7: {  	_ = 	snop  }
__scs_overlays_trampoline_lowered:
0x8: {  	[smem:$0x3FAC] =	sst s0  }
0x9: {  	[smem:$0x3FAD] =	sst s1  }
0xa: {  	[smem:$0x3FAE] =	sst s2  }
0xb: {  	[smem:$0x3FAF] =	sst s3  }
0xc: {  	[smem:$0x3FB0] =	sst s4  }
0xd: {  	[smem:$0x3FB1] =	sst s5  }
0xe: {  	[smem:$0x3FB2] =	sst s6  }
0xf: {  	[smem:$0x3FB3] =	sst s7  }
0x10: {  	[smem:$0x3FB4] =	sst s8  }
0x11: {  	[smem:$0x3FB5] =	sst s9;
	s0 =	simm.s32 @!p0 $0x0  }
0x12: {  	s1 =	sld [smem:$0x3F9B];
	s0 =	simm.s32 @p0 $0x1  }
0x13: {  	[smem:$0x3FB6] =	sst s0;
	s0 =	simm.s32 @!p1 $0x0  }
0x14: {  	s2 =	sld [smem:$0x3F9A];
	s0 =	simm.s32 @p1 $0x1  }
0x15: {  	[smem:$0x3FB7] =	sst s0;
	s0 =	simm.s32 @!p2 $0x0  }
0x16: {  	s3 =	sld [smem:$0x3FDB];
	s0 =	simm.s32 @p2 $0x1  }
0x17: {  	s4 =	simm.s32 $0x1BF5;
	[smem:$0x3FB9] =	sst s0  }
0x18: {  	s0 =	sld [smem:$0x3F9C];
	_ =	swait.ge [sflag:s4], $0x0  }
0x19: {  	s7 =	sld [smem:$0x3F9D]  }
0x1a: {  	s8 =	sadd.s32 $0xFFFFE003, lr  }
0x1b: {  	s9 =	sadd.s32 $0xFFFFFEF7, lr;
	s5 =	simm.s32 $0xFFFFFFFF;
	p2 =	slt.u32 s8, $0xFFFFF086  }
0x1c: {  	p1 =	slt.u32 s9, $0xF7A;
	s5 =	simm.s32 @!p2 $0x0  }
0x1d: {  	s5 =	simm.s32 @p1 $0x1;
	p0 =	seq.s32 s7, s2  }
0x1e: {  	s7 =	smul.u32 @!p0 $0xF7A, s2;
	p2 =	seq.s32 @!p0 s5, $0x0  }
0x1f: {  	s9 =	smul.u32 $0xF7A, s1;
	s8 =	simm.s32 @!p0 $0x1BF5;
	p2 =	por !p2, p0  }
0x20: {  	[sflag:s8] =	ssyncset.s32 @!p0 $0xFFFFF086;
	s6 =	sadd.s32 @!p0 s3, s7;
	s7 =	simm.s32 @!p0 $0x108  }
0x21: {  	s3 =	sadd.s32 s3, s9;
	s6 =	sadd.s32 @!p0 $0x88, s6;
	s7 =	simm.s32 @p2 $0x1082  }
0x22: {  	[simem:s7], [sflag:s8] =	dma.local @!p0 [hbm:s6], $0xF7A  }
0x23: {  	s9 =	sor.u32 $0xD0000000, s2;
	s6 =	simm.s32 $0x108;
	_ =	swait.ge @!p0 [sflag:s8], $0x0  }
0x24: {  	s3 =	sadd.s32 $0x88, s3;
	s6 =	simm.s32 @!p1 $0x1082;
	[sflag:s4] =	ssyncset.s32 $0xFFFFF086  }
0x25: {  	[simem:s6], [sflag:s4] =	dma.local [hbm:s3], $0xF7A  }
0x26: {  	[smem:$0x3F9D] =	sst s1;
	(tag) =	ssettag s2;
	_ =	strace s9  }
0x27: {  	s1 =	sld [smem:$0x3FAD]  }
0x28: {  	s2 =	sld [smem:$0x3FAE]  }
0x29: {  	s4 =	sld [smem:$0x3FB0]  }
0x2a: {  	p0 =	seq.s32 s5, $0x0;
	s5 =	sld [smem:$0x3FB1]  }
0x2b: {  	s6 =	sld [smem:$0x3FB2]  }
0x2c: {  	s7 =	sld [smem:$0x3FB3]  }
0x2d: {  	s3 =	simm.s32 $0x108;
	s8 =	sld [smem:$0x3FB4]  }
0x2e: {  	s3 =	simm.s32 @!p0 $0x1082;
	s9 =	sld [smem:$0x3FB5]  }
0x2f: {  	lr =	sadd.s32 s0, s3;
	s0 =	sld [smem:$0x3FAC]  }
0x30: {  	s3 =	sld [smem:$0x3FAF]  }
0x31: {  	[smem:$0x3FB8] =	sst s10  }
0x32: {  	s10 =	sld [smem:$0x3FB6];
	_ =	sdelay $0x3  }
0x33: {  	p0 =	seq.s32 s10, $0x1;
	s10 =	sld [smem:$0x3FB8];
	_ =	sdelay $0x3  }
0x34: {  	[smem:$0x3FB8] =	sst s10  }
0x35: {  	s10 =	sld [smem:$0x3FB7];
	_ =	sdelay $0x3  }
0x36: {  	p1 =	seq.s32 s10, $0x1;
	s10 =	sld [smem:$0x3FB8];
	_ =	sdelay $0x3  }
0x37: {  	[smem:$0x3FB8] =	sst s10  }
0x38: {  	s10 =	sld [smem:$0x3FB9]  }
0x39: {  	_ = 	snop;
	(pc) =	sbr.ind lr, $3  }
0x3a: {  	_ = 	snop  }
0x3b: {  	_ = 	snop  }
0x3c: {  	p2 =	seq.s32 s10, $0x1;
	s10 =	sld [smem:$0x3FB8]  }
0x3d: {  	_ =	shalt  }
0x3e: {  	_ =	shalt  }
0x3f: {  	_ =	shalt  }
0x40: {  	_ =	shalt  }
0x41: {  	_ =	shalt  }
0x42: {  	_ =	shalt  }
0x43: {  	_ =	shalt  }
0x44: {  	_ =	shalt  }
0x45: {  	_ =	shalt  }
0x46: {  	_ =	shalt  }
0x47: {  	_ =	shalt  }
0x48: {  	_ =	shalt  }
0x49: {  	_ =	shalt  }
0x4a: {  	_ =	shalt  }
0x4b: {  	_ =	shalt  }
0x4c: {  	_ =	shalt  }
0x4d: {  	_ =	shalt  }
0x4e: {  	_ =	shalt  }
0x4f: {  	_ =	shalt  }
0x50: {  	_ =	shalt  }
0x51: {  	_ =	shalt  }
0x52: {  	_ =	shalt  }
0x53: {  	_ =	shalt  }
0x54: {  	_ =	shalt  }
0x55: {  	_ =	shalt  }
0x56: {  	_ =	shalt  }
0x57: {  	_ =	shalt  }
0x58: {  	_ =	shalt  }
0x59: {  	_ =	shalt  }
0x5a: {  	_ =	shalt  }
0x5b: {  	_ =	shalt  }
0x5c: {  	_ =	shalt  }
0x5d: {  	_ =	shalt  }
0x5e: {  	_ =	shalt  }
0x5f: {  	_ =	shalt  }
0x60: {  	_ =	shalt  }
0x61: {  	_ =	shalt  }
0x62: {  	_ =	shalt  }
0x63: {  	_ =	shalt  }
0x64: {  	_ =	shalt  }
0x65: {  	_ =	shalt  }
0x66: {  	_ =	shalt  }
0x67: {  	_ =	shalt  }
0x68: {  	_ =	shalt  }
0x69: {  	_ =	shalt  }
0x6a: {  	_ =	shalt  }
0x6b: {  	_ =	shalt  }
0x6c: {  	_ =	shalt  }
0x6d: {  	_ =	shalt  }
0x6e: {  	_ =	shalt  }
0x6f: {  	_ =	shalt  }
0x70: {  	_ =	shalt  }
0x71: {  	_ =	shalt  }
0x72: {  	_ =	shalt  }
0x73: {  	_ =	shalt  }
0x74: {  	_ =	shalt  }
0x75: {  	_ =	shalt  }
0x76: {  	_ =	shalt  }
0x77: {  	_ =	shalt  }
0x78: {  	_ =	shalt  }
0x79: {  	_ =	shalt  }
0x7a: {  	_ =	shalt  }
0x7b: {  	_ =	shalt  }
0x7c: {  	_ =	shalt  }
0x7d: {  	_ =	shalt  }
0x7e: {  	_ =	shalt  }
0x7f: {  	_ =	shalt  }
0x80: {  	_ =	shalt  }
0x81: {  	_ =	shalt  }
0x82: {  	_ =	shalt  }
0x83: {  	_ =	shalt  }
0x84: {  	_ =	shalt  }
0x85: {  	_ =	shalt  }
0x86: {  	_ =	shalt  }
0x87: {  	_ =	shalt  }
.Lfunc_end0:
.L_simem_size_0:
called_computation_lowered:
.L_overlay_start_0:
0x88: {  	s2 =	sld [smem:$0x3FD9]  }
0x89: {  	s3 =	sld [smem:$0x3FFE];
	_ =	sdelay $0x1  }
0x8a: {  	s1 =	srdreg.scid  }
0x8b: {  	s0 =	sand.u32 $0x1, s1  }
0x8c: {  	s14 =	sshll.u32 s0, $0xA;
	s2 =	sadd.s32 s3, s2  }
0x8d: {  	s2 =	sadd.s32 s2, s14  }
0x8e: {  	[smem:$0x3FC4] =	sst s2  }
0x8f: {  	_ = 	snop  }
0x90: {  	s2 =	sld [smem:$0x3FD0];
	_ =	sdelay $0x1  }
0x91: {  	s15 =	sld [smem:$0x3FC8]  }
0x92: {  	s5 =	simm.s32 $0xA;
	s6 =	simm.s32 $0x10;
	s4 =	sld [smem:$0x3FC6]  }
0x93: {  	[smem:s6], [sflag:s5] =	dma.local [hbm:s2], $0x1  }
0x94: {  	_ =	swait.eq [sflag:s5], $0x1  }
0x95: {  	[sflag:s5] =	ssyncset.done $0x0  }
0x96: {  	s16 =	sld [smem:$0x10];
	[sflag:s5] =	ssyncadd.s32 $0xFFFFFFFF  }
0x97: {  	s17 =	sld [smem:$0x11];
	(tm) =	ssettm $0x1  }
0x98: {  	s18 =	sld [smem:$0x3FFB];
	_ =	sdelay $0x3  }
0x99: {  	_ =	strace s18  }
0x9a: {  	s6 =	sld [smem:$0x3FFC];
	_ =	sdelay $0x3  }
0x9b: {  	_ =	strace s6  }
0x9c: {  	s6 =	sld [smem:$0x3FFD];
	_ =	sdelay $0x3  }
0x9d: {  	_ =	strace s6  }
0x9e: {  	_ =	strace $0x8FFFFFFF  }
0x9f: {  	s19 =	sld [smem:$0x3FDB];
	_ =	sdelay $0x1  }
0xa0: {  	s7 =	simm.s32 $_scs_section_size  }
0xa1: {  	s8 =	simm.s32 $_size__tile_overlayer_lowered;
	s9 =	simm.s32 $_tile_overlayer_lowered  }
0xa2: {  	s22 =	simm.s32 $0x1BFF;
	s21 =	sshll.u32 s9, $0x1;
	s6 =	sadd.s32 s7, s19  }
0xa3: {  	s10 =	simm.s32 $0x0;
	s20 =	sshll.u32 s8, $0x1;
	s8 =	sadd.s32 s21, s6  }
0xa4: {  	[timem:s10], [sflag:s22] =	dma.local [hbm:s8], s20  }
0xa5: {  	_ =	swait.ge [sflag:s22], s20  }
0xa6: {  	s7 =	ssub.s32 $0x0, s20;
	[sflag:s22] =	ssyncset.done $0x0  }
0xa7: {  	[sflag:s22] =	ssyncadd.s32 s7;
	_ =	sdelay $0x1  }
0xa8: {  	s23 =	simm.s32 $0x1B8B  }
0xa9: {  	_ =	swait.ge [sflag:s23], $0x1  }
0xaa: {  	[sflag:s23] =	ssyncset.done $0x0  }
0xab: {  	s25 =	simm.s32 $0x1B8E;
	s24 =	sld [smem:$0x3FFE];
	[sflag:s23] =	ssyncadd.s32 $0xFFFFFFFF  }
0xac: {  	s26 =	simm.s32 $execute0_lowered;
	[smem:$0x3FD2] =	sst s25  }
0xad: {  	s8 =	sshll.u32 s26, $0x1;
	_ =	strace $0x80000046;
	[dreg:$0x1] =	wrdreg $0xFFFFFFFF  }
0xae: {  	s28 =	simm.s32 $_size_execute0_lowered;
	s6 =	sadd.s32 s6, s8;
	[dreg:$0x0] =	wrdreg $0x0  }
0xaf: {  	s8 =	sshll.u32 s28, $0x1;
	[dreg:$0x2] =	wrdreg s6  }
0xb0: {  	[dreg:$0x3] =	wrdreg s8  }
0xb1: {  	[dreg:$0x4] =	wrdreg $0xC0  }
0xb2: {  	_ =	task [dreg:s10], $0x5FFFF  }
0xb3: {  	[dreg:$0x1] =	wrdreg $0xFFFFFFFF  }
0xb4: {  	[dreg:$0x0] =	wrdreg $0x60  }
0xb5: {  	[dreg:$0x2] =	wrdreg s24  }
0xb6: {  	[dreg:$0x3] =	wrdreg s15  }
0xb7: {  	[dreg:$0x4] =	wrdreg s4  }
0xb8: {  	[dreg:$0x5] =	wrdreg s16  }
0xb9: {  	[dreg:$0x6] =	wrdreg s17  }
0xba: {  	[dreg:$0x7] =	wrdreg $0x9  }
0xbb: {  	_ =	task.clear_ibuf [dreg:s10], $0x8FFFF;
	_ =	strace $0x90000046  }
0xbc: {  	s29 =	simm.s32 $0x9;
	_ =	strace $0x80000050  }
0xbd: {  	_ =	swait.ge [sflag:s29], $0x1  }
0xbe: {  	[sflag:s29] =	ssyncadd.s32 $0xFFFFFFFF  }
0xbf: {  	_ =	strace $0x90000050  }
0xc0: {  	_ =	sfence  }
0xc1: {  	s30 =	sld [smem:$0x0];
	_ =	sdelay $0x2  }
0xc2: {  	s31 =	sshll.u32 s1, $0xD;
	s1 =	sshrl.u32 s1, $0x2  }
0xc3: {  	s3 =	sand.u32 $0x4000, s31;
	s1 =	sadd.s32 s1, s30  }
0xc4: {  	s0 =	sor.u32 s3, s0;
	s1 =	sshll.u32 s1, $0x11  }
0xc5: {  	s0 =	sor.u32 s1, s0  }
0xc6: {  	s0 =	sadd.s32 $0x8F2B, s0  }
0xc7: {  	[sflag:s0] =	ssyncadd.remote.s32 $0x1  }
0xc8: {  	_ =	sfence.sel $0xFFFF  }
0xc9: {  	[dreg:$0x0] =	wrdreg $0xFFFFFFFF;
	(pc) =	sbr.abs _section_cstart, $3  }
0xca: {  	[dreg:$0x1] =	wrdreg $0xFFFFFFFF  }
0xcb: {  	_ =	task.clear_ibuf [dreg:s10], $0x2FFFF;
	_ =	strace $0x9FFFFFFF  }
0xcc: {  	(tm) =	ssettm $0x7FFFFFFF  }
0xcd: {  	_ =	shalt  }
tec
execute0_lowered:
.L_overlay_start_1:
0x0: {  	(tag) =	ssettag $0x1  }
0x1: {  	s0 =	rddreg [dreg:$0x0]  }
0x2: {  	s8 =	rddreg [dreg:$0x1]  }
0x3: {  	s1 =	rddreg [dreg:$0x3]  }
0x4: {  	s2 =	rddreg [dreg:$0x4];
	s3 =	srdreg.scid;
	s5 =	simm.s32 $0x0  }
0x5: {  	s9 =	stileid.u32;
	[smem:$0x7FF] =	sst s5  }
0x6: {  	v0 =	vimm.s32 $0x0;
	v1 =	vimm.f32 $-Inf;
	s10 =	simm.s32 $0x80;
	s21 =	sadd.s32 $0x100, s8;
	_ =	strace $0x80000047  }
0x7: {  	s3 =	sand.u32 $0x1, s3;
	s22 =	sadd.s32 $0x200, s8;
	[dreg:$0x8] =	wrdreg s21;
	(xrf1) =	vsort.dscd.msk.f32 $0xffff, v1, v0  }
0x8: {  	s4 =	sshll.u32 s9, $0x1;
	s23 =	sadd.s32 $0x300, s8;
	[dreg:$0x9] =	wrdreg s22  }
0x9: {  	s24 =	sshrl.u32 s9, $0x2;
	s25 =	sadd.s32 $0x400, s8;
	[dreg:$0xa] =	wrdreg s23  }
0xa: {  	s28 =	sadd.s32 $0x500, s8;
	s29 =	sadd.s32 $0x600, s8;
	[dreg:$0xb] =	wrdreg s25;
	v0 =	vlaneseq.u32  }
0xb: {  	s30 =	sadd.s32 $0x700, s8;
	s4 =	sor.u32 s3, s4;
	[dreg:$0xc] =	wrdreg s28;
	v2 =	vor.u32 $0x10, v0  }
0xc: {  	s3 =	ssub.s32 $0x2, s3;
	s26 =	sshll.u32 s24, $0x12;
	[dreg:$0xd] =	wrdreg s29;
	[tilespmem:$0x1FF60] =	vst v2;
	v2 =	vor.u32 $0x20, v0  }
0xd: {  	[dreg:$0xe] =	wrdreg s30;
	s20 =	sshll.u32 s4, $0x8;
	s6 =	sshll.u32 s4, $0xC;
	[tilespmem:$0x1FF70] =	vst v2;
	v2 =	vor.u32 $0x30, v0  }
0xe: {  	s7 =	sshrl.u32 s3, $0x1;
	s4 =	sshll.u32 s4, $0x7;
	s5 =	sadd.s32 s20, s0;
	[tilespmem:$0x1FF80] =	vst v2;
	v2 =	vor.u32 $0x40, v0  }
0xf: {  	s0 =	sadd.s32 s6, s0;
	s3 =	ssub.s32 s3, s7;
	s5 =	sadd.s32 $0x20800, s5;
	[tilespmem:$0x1FF90] =	vst v2;
	v2 =	vor.u32 $0x50, v0  }
0x10: {  	s4 =	sand.u32 $0x380, s4;
	s0 =	sadd.s32 $0x800, s0;
	[dreg:$0x6] =	wrdreg s5;
	[tilespmem:$0x1FFA0] =	vst v2;
	v2 =	vor.u32 $0x60, v0  }
0x11: {  	[dreg:$0x7] =	wrdreg s0;
	s5 =	sor.u32 s26, s4;
	s0 =	sshll.u32 s24, $0xE;
	[tilespmem:$0x1FFB0] =	vst v2;
	v2 =	vor.u32 $0x70, v0  }
0x12: {  	v19 =	vimm.f32 $0.0e+00;
	s31 =	smax.u32 s3, $0x1;
	s5 =	sshrl.u32 s5, $0x3;
	s0 =	sor.u32 s0, s4;
	[tilespmem:$0x1FFC0] =	vst v2;
	v2 =	vor.u32 $0x80, v0  }
0x13: {  	v1 =	vmul.u32 $0xFFFFFFFF, v0;
	v12 =	vor.u32 $0xB0, v0;
	[dreg:$0x11] =	wrdreg s31;
	s2 =	sadd.s32 s2, s5;
	s0 =	sshrl.u32 s0, $0x3;
	[tilespmem:$0x1FFD0] =	vst v2;
	v2 =	vor.u32 $0x90, v0  }
0x14: {  	s11 =	simm.s32 $0x400;
	v13 =	vor.u32 $0xC0, v0;
	v14 =	vor.u32 $0xD0, v0;
	[dreg:$0xf] =	wrdreg s2;
	s0 =	sadd.s32 s1, s0;
	[tilespmem:$0x1FFE0] =	vst v2;
	v2 =	vor.u32 $0xA0, v0  }
0x15: {  	v17 =	vor.u32 $0xE0, v0;
	v18 =	vor.u32 $0xF0, v0;
	s3 =	simm.s32 $0x1;
	v1 =	vadd.s32 $0xF, v1;
	s1 =	simm.s32 $0x0;
	[dreg:$0x10] =	wrdreg s0;
	[tilespmem:$0x1FFF0] =	vst v2;
	v15, v16, _ =	vpop (xrf1)  }
.LBB2_1:
0x16: {  	[dreg:$0x12] =	wrdreg s1  }
0x17: {  	_ =	strace $0x80000048  }
0x18: {  	s24 =	simm.s32 $0x0;
	s2 =	simm.s32 $0x1A000;
	s0 =	rddreg [dreg:$0x6]  }
0x19: {  	[tilespmem:s2], [sflag:$0x1] =	stream.linear.gather [hbm4b:s0+s24], $0x800, $0x200038;
	[tilespmem:$0x1CA00] =	vst v63  }
0x1a: {  	s26 =	simm.s32 $0x19800;
	s25 =	rddreg [dreg:$0x2]  }
0x1b: {  	[tilespmem:s26], [sflag:$0x2] =	stream.linear.gather [hbm4b:s25+s24], $0x800, $0x200038;
	[tilespmem:$0x1CA00] =	vst v63  }
0x1c: {  	_ =	strace $0x90000048  }
0x1d: {  	_ =	strace $0x80000049  }
0x1e: {  	_ =	swait.ge [sflag:s3], $0x800  }
0x1f: {  	[sflag:s3] =	ssyncset.done $0x0  }
0x20: {  	[sflag:s3] =	ssyncadd.s32 $0xFFFFF800  }
0x21: {  	v20 =	vld [tilespmem:$0x1A000];
	_ =	sdelay $0x4  }
0x22: {  	(xrf1) =	vsort.dscd.msk.f32 $0xffff, v20, v0;
	_ =	sdelay $0xd  }
0x23: {  	v2 =	vld [tilespmem:$0x1FF60];
	v20, v21, _ =	vpop (xrf1)  }
0x24: {  	v22 =	vld [tilespmem:$0x1A080];
	v20 =	vperm.xlane v20, v1  }
0x25: {  	v21 =	vperm.xlane v21, v1  }
0x26: {  	vm0 =	veq.f32 v20, $-Inf  }
0x27: {  	v21 =	vsel vm0, $0x0, v21  }
0x28: {  	(xrf1) =	vsort.dscd.msk.f32 $0xffff, v20, v21  }
0x29: {  	(xrf1) =	vsort.dscd.msk.f32 $0xffff, v22, v2;
	_ =	sdelay $0xc  }
0x2a: {  	v20, v21, _ =	vpop (xrf1)  }
0x2b: {  	v22, v23, _ =	vpop (xrf1)  }
0x2c: {  	v22 =	vperm.xlane v22, v1;
	_ =	sdelay $0x1  }
0x2d: {  	v24 =	vld [tilespmem:$0x1A100];
	v23 =	vperm.xlane v23, v1;
	vm10 =	vge.f32 v15, v22  }
0x2e: {  	v2 =	vld [tilespmem:$0x1FF70];
	v22 =	vsel vm10, v15, v22  }
0x2f: {  	v23 =	vsel vm10, v16, v23;
	vm11 =	vge.f32 v20, v22  }
0x30: {  	v25 =	vsel vm11, v20, v22;
	v26 =	vsel vm11, v21, v23  }
0x31: {  	v20 =	vsel vm11, v22, v20;
	v21 =	vsel vm11, v23, v21;
	(xrf1) =	vsort.dscd.msk.f32 $0xffff, v25, v26  }
0x32: {  	(xrf1) =	vsort.dscd.msk.f32 $0xffff, v20, v21  }
0x33: {  	(xrf1) =	vsort.dscd.msk.f32 $0xffff, v24, v2;
	_ =	sdelay $0xb  }
0x34: {  	v20, v21, _ =	vpop (xrf1)  }
0x35: {  	v22, v23, _ =	vpop (xrf1)  }
0x36: {  	v24, v55, _ =	vpop (xrf1)  }
0x37: {  	v24 =	vperm.xlane v24, v1;
	_ =	sdelay $0x1  }
0x38: {  	v56 =	vld [tilespmem:$0x1A180];
	v25 =	vperm.xlane v55, v1;
	vm12 =	vge.f32 v22, v24  }
0x39: {  	v2 =	vld [tilespmem:$0x1FF80];
	v22 =	vsel vm12, v22, v24  }
0x3a: {  	v23 =	vsel vm12, v23, v25;
	vm13 =	vge.f32 v20, v22  }
0x3b: {  	v57 =	vsel vm13, v20, v22;
	v58 =	vsel vm13, v21, v23  }
0x3c: {  	v20 =	vsel vm13, v22, v20;
	v21 =	vsel vm13, v23, v21;
	(xrf1) =	vsort.dscd.msk.f32 $0xffff, v57, v58  }
0x3d: {  	(xrf1) =	vsort.dscd.msk.f32 $0xffff, v20, v21  }
0x3e: {  	(xrf1) =	vsort.dscd.msk.f32 $0xffff, v56, v2;
	_ =	sdelay $0xb  }
0x3f: {  	v20, v21, _ =	vpop (xrf1)  }
0x40: {  	v22, v23, _ =	vpop (xrf1)  }
0x41: {  	v24, v59, _ =	vpop (xrf1)  }
0x42: {  	v24 =	vperm.xlane v24, v1;
	_ =	sdelay $0x1  }
0x43: {  	v60 =	vld [tilespmem:$0x1A200];
	v25 =	vperm.xlane v59, v1;
	vm14 =	vge.f32 v22, v24  }
0x44: {  	v2 =	vld [tilespmem:$0x1FF90];
	v22 =	vsel vm14, v22, v24  }
0x45: {  	v23 =	vsel vm14, v23, v25;
	vm15 =	vge.f32 v20, v22  }
0x46: {  	v61 =	vsel vm15, v20, v22;
	v62 =	vsel vm15, v21, v23  }
0x47: {  	v20 =	vsel vm15, v22, v20;
	v21 =	vsel vm15, v23, v21;
	(xrf1) =	vsort.dscd.msk.f32 $0xffff, v61, v62  }
0x48: {  	(xrf1) =	vsort.dscd.msk.f32 $0xffff, v20, v21  }
0x49: {  	(xrf1) =	vsort.dscd.msk.f32 $0xffff, v60, v2;
	_ =	sdelay $0xb  }
0x4a: {  	v20, v21, _ =	vpop (xrf1)  }
0x4b: {  	v22, v23, _ =	vpop (xrf1)  }
0x4c: {  	v24, v63, _ =	vpop (xrf1)  }
0x4d: {  	v24 =	vperm.xlane v24, v1;
	_ =	sdelay $0x1  }
0x4e: {  	v4 =	vld [tilespmem:$0x1A280];
	v25 =	vperm.xlane v63, v1;
	vm4 =	vge.f32 v22, v24  }
0x4f: {  	v2 =	vld [tilespmem:$0x1FFA0];
	v22 =	vsel vm4, v22, v24  }
0x50: {  	v23 =	vsel vm4, v23, v25;
	vm5 =	vge.f32 v20, v22  }
0x51: {  	v5 =	vsel vm5, v20, v22;
	v6 =	vsel vm5, v21, v23  }
0x52: {  	v20 =	vsel vm5, v22, v20;
	v21 =	vsel vm5, v23, v21;
	(xrf1) =	vsort.dscd.msk.f32 $0xffff, v5, v6  }
0x53: {  	(xrf1) =	vsort.dscd.msk.f32 $0xffff, v20, v21  }
0x54: {  	(xrf1) =	vsort.dscd.msk.f32 $0xffff, v4, v2;
	_ =	sdelay $0xb  }
0x55: {  	v20, v21, _ =	vpop (xrf1)  }
0x56: {  	v22, v23, _ =	vpop (xrf1)  }
0x57: {  	v24, v7, _ =	vpop (xrf1)  }
0x58: {  	v24 =	vperm.xlane v24, v1;
	_ =	sdelay $0x1  }
0x59: {  	v8 =	vld [tilespmem:$0x1A300];
	v25 =	vperm.xlane v7, v1;
	vm6 =	vge.f32 v22, v24  }
0x5a: {  	v2 =	vld [tilespmem:$0x1FFB0];
	v22 =	vsel vm6, v22, v24  }
0x5b: {  	v23 =	vsel vm6, v23, v25;
	vm7 =	vge.f32 v20, v22  }
0x5c: {  	v9 =	vsel vm7, v20, v22;
	v10 =	vsel vm7, v21, v23  }
0x5d: {  	v20 =	vsel vm7, v22, v20;
	v21 =	vsel vm7, v23, v21;
	(xrf1) =	vsort.dscd.msk.f32 $0xffff, v9, v10  }
0x5e: {  	(xrf1) =	vsort.dscd.msk.f32 $0xffff, v20, v21  }
0x5f: {  	(xrf1) =	vsort.dscd.msk.f32 $0xffff, v8, v2;
	_ =	sdelay $0xb  }
0x60: {  	v20, v21, _ =	vpop (xrf1)  }
0x61: {  	v22, v23, _ =	vpop (xrf1)  }
0x62: {  	v24, v11, _ =	vpop (xrf1)  }
0x63: {  	v24 =	vperm.xlane v24, v1;
	_ =	sdelay $0x1  }
0x64: {  	v28 =	vld [tilespmem:$0x1A380];
	v25 =	vperm.xlane v11, v1;
	vm8 =	vge.f32 v22, v24  }
0x65: {  	v2 =	vld [tilespmem:$0x1FFC0];
	v22 =	vsel vm8, v22, v24  }
0x66: {  	v23 =	vsel vm8, v23, v25;
	vm9 =	vge.f32 v20, v22  }
0x67: {  	v29 =	vsel vm9, v20, v22;
	v30 =	vsel vm9, v21, v23  }
0x68: {  	v20 =	vsel vm9, v22, v20;
	v21 =	vsel vm9, v23, v21;
	(xrf1) =	vsort.dscd.msk.f32 $0xffff, v29, v30  }
0x69: {  	(xrf1) =	vsort.dscd.msk.f32 $0xffff, v20, v21  }
0x6a: {  	(xrf1) =	vsort.dscd.msk.f32 $0xffff, v28, v2;
	_ =	sdelay $0xb  }
0x6b: {  	v20, v21, _ =	vpop (xrf1)  }
0x6c: {  	v22, v23, _ =	vpop (xrf1)  }
0x6d: {  	v24, v31, _ =	vpop (xrf1)  }
0x6e: {  	v24 =	vperm.xlane v24, v1;
	_ =	sdelay $0x1  }
0x6f: {  	v32 =	vld [tilespmem:$0x1A400];
	v25 =	vperm.xlane v31, v1;
	vm10 =	vge.f32 v22, v24  }
0x70: {  	v2 =	vld [tilespmem:$0x1FFD0];
	v22 =	vsel vm10, v22, v24  }
0x71: {  	v23 =	vsel vm10, v23, v25;
	vm11 =	vge.f32 v20, v22  }
0x72: {  	v33 =	vsel vm11, v20, v22;
	v34 =	vsel vm11, v21, v23  }
0x73: {  	v20 =	vsel vm11, v22, v20;
	v21 =	vsel vm11, v23, v21;
	(xrf1) =	vsort.dscd.msk.f32 $0xffff, v33, v34  }
0x74: {  	(xrf1) =	vsort.dscd.msk.f32 $0xffff, v20, v21  }
0x75: {  	(xrf1) =	vsort.dscd.msk.f32 $0xffff, v32, v2;
	_ =	sdelay $0xb  }
0x76: {  	v20, v21, _ =	vpop (xrf1)  }
0x77: {  	v22, v23, _ =	vpop (xrf1)  }
0x78: {  	v24, v35, _ =	vpop (xrf1)  }
0x79: {  	v24 =	vperm.xlane v24, v1;
	_ =	sdelay $0x1  }
0x7a: {  	v36 =	vld [tilespmem:$0x1A480];
	v25 =	vperm.xlane v35, v1;
	vm12 =	vge.f32 v22, v24  }
0x7b: {  	v2 =	vld [tilespmem:$0x1FFE0];
	v22 =	vsel vm12, v22, v24  }
0x7c: {  	v23 =	vsel vm12, v23, v25;
	vm13 =	vge.f32 v20, v22  }
0x7d: {  	v37 =	vsel vm13, v20, v22;
	v38 =	vsel vm13, v21, v23  }
0x7e: {  	v20 =	vsel vm13, v22, v20;
	v21 =	vsel vm13, v23, v21;
	(xrf1) =	vsort.dscd.msk.f32 $0xffff, v37, v38  }
0x7f: {  	(xrf1) =	vsort.dscd.msk.f32 $0xffff, v20, v21  }
0x80: {  	(xrf1) =	vsort.dscd.msk.f32 $0xffff, v36, v2;
	_ =	sdelay $0xb  }
0x81: {  	v20, v21, _ =	vpop (xrf1)  }
0x82: {  	v22, v23, _ =	vpop (xrf1)  }
0x83: {  	v24, v39, _ =	vpop (xrf1)  }
0x84: {  	v24 =	vperm.xlane v24, v1;
	_ =	sdelay $0x1  }
0x85: {  	v40 =	vld [tilespmem:$0x1A500];
	v25 =	vperm.xlane v39, v1;
	vm14 =	vge.f32 v22, v24  }
0x86: {  	v2 =	vld [tilespmem:$0x1FFF0];
	v22 =	vsel vm14, v22, v24  }
0x87: {  	v23 =	vsel vm14, v23, v25;
	vm15 =	vge.f32 v20, v22  }
0x88: {  	v41 =	vsel vm15, v20, v22;
	v42 =	vsel vm15, v21, v23  }
0x89: {  	v20 =	vsel vm15, v22, v20;
	v21 =	vsel vm15, v23, v21;
	(xrf1) =	vsort.dscd.msk.f32 $0xffff, v41, v42  }
0x8a: {  	(xrf1) =	vsort.dscd.msk.f32 $0xffff, v20, v21  }
0x8b: {  	(xrf1) =	vsort.dscd.msk.f32 $0xffff, v40, v2;
	_ =	sdelay $0xb  }
0x8c: {  	v20, v21, _ =	vpop (xrf1)  }
0x8d: {  	v22, v23, _ =	vpop (xrf1)  }
0x8e: {  	v24, v43, _ =	vpop (xrf1)  }
0x8f: {  	v24 =	vperm.xlane v24, v1;
	_ =	sdelay $0x1  }
0x90: {  	v25 =	vperm.xlane v43, v1;
	vm4 =	vge.f32 v22, v24  }
0x91: {  	v44 =	vld [tilespmem:$0x1A580];
	v22 =	vsel vm4, v22, v24  }
0x92: {  	v23 =	vsel vm4, v23, v25;
	vm5 =	vge.f32 v20, v22  }
0x93: {  	v45 =	vsel vm5, v20, v22;
	v46 =	vsel vm5, v21, v23  }
0x94: {  	v20 =	vsel vm5, v22, v20;
	v21 =	vsel vm5, v23, v21;
	(xrf1) =	vsort.dscd.msk.f32 $0xffff, v45, v46  }
0x95: {  	(xrf1) =	vsort.dscd.msk.f32 $0xffff, v20, v21  }
0x96: {  	(xrf1) =	vsort.dscd.msk.f32 $0xffff, v44, v12;
	_ =	sdelay $0xb  }
0x97: {  	v20, v21, _ =	vpop (xrf1)  }
0x98: {  	v22, v23, _ =	vpop (xrf1)  }
0x99: {  	v24, v47, _ =	vpop (xrf1)  }
0x9a: {  	v24 =	vperm.xlane v24, v1;
	_ =	sdelay $0x1  }
0x9b: {  	v25 =	vperm.xlane v47, v1;
	vm6 =	vge.f32 v22, v24  }
0x9c: {  	v48 =	vld [tilespmem:$0x1A600];
	v22 =	vsel vm6, v22, v24  }
0x9d: {  	v23 =	vsel vm6, v23, v25;
	vm7 =	vge.f32 v20, v22  }
0x9e: {  	v49 =	vsel vm7, v20, v22;
	v50 =	vsel vm7, v21, v23  }
0x9f: {  	v20 =	vsel vm7, v22, v20;
	v21 =	vsel vm7, v23, v21;
	(xrf1) =	vsort.dscd.msk.f32 $0xffff, v49, v50  }
0xa0: {  	(xrf1) =	vsort.dscd.msk.f32 $0xffff, v20, v21  }
0xa1: {  	(xrf1) =	vsort.dscd.msk.f32 $0xffff, v48, v13;
	_ =	sdelay $0xb  }
0xa2: {  	v20, v21, _ =	vpop (xrf1)  }
0xa3: {  	v22, v23, _ =	vpop (xrf1)  }
0xa4: {  	v24, v51, _ =	vpop (xrf1)  }
0xa5: {  	v24 =	vperm.xlane v24, v1;
	_ =	sdelay $0x1  }
0xa6: {  	v25 =	vperm.xlane v51, v1;
	vm8 =	vge.f32 v22, v24  }
0xa7: {  	v52 =	vld [tilespmem:$0x1A680];
	v22 =	vsel vm8, v22, v24  }
0xa8: {  	v23 =	vsel vm8, v23, v25;
	vm9 =	vge.f32 v20, v22  }
0xa9: {  	v53 =	vsel vm9, v20, v22;
	v54 =	vsel vm9, v21, v23  }
0xaa: {  	v20 =	vsel vm9, v22, v20;
	v21 =	vsel vm9, v23, v21;
	(xrf1) =	vsort.dscd.msk.f32 $0xffff, v53, v54  }
0xab: {  	(xrf1) =	vsort.dscd.msk.f32 $0xffff, v20, v21  }
0xac: {  	(xrf1) =	vsort.dscd.msk.f32 $0xffff, v52, v14;
	_ =	sdelay $0xb  }
0xad: {  	v20, v21, _ =	vpop (xrf1)  }
0xae: {  	v22, v23, _ =	vpop (xrf1)  }
0xaf: {  	v24, v55, _ =	vpop (xrf1)  }
0xb0: {  	v24 =	vperm.xlane v24, v1;
	_ =	sdelay $0x1  }
0xb1: {  	v25 =	vperm.xlane v55, v1;
	vm10 =	vge.f32 v22, v24  }
0xb2: {  	v56 =	vld [tilespmem:$0x1A700];
	v22 =	vsel vm10, v22, v24  }
0xb3: {  	v23 =	vsel vm10, v23, v25;
	vm11 =	vge.f32 v20, v22  }
0xb4: {  	v57 =	vsel vm11, v20, v22;
	v58 =	vsel vm11, v21, v23  }
0xb5: {  	v20 =	vsel vm11, v22, v20;
	v21 =	vsel vm11, v23, v21;
	(xrf1) =	vsort.dscd.msk.f32 $0xffff, v57, v58  }
0xb6: {  	(xrf1) =	vsort.dscd.msk.f32 $0xffff, v20, v21  }
0xb7: {  	(xrf1) =	vsort.dscd.msk.f32 $0xffff, v56, v17;
	_ =	sdelay $0xb  }
0xb8: {  	v20, v21, _ =	vpop (xrf1)  }
0xb9: {  	v22, v23, _ =	vpop (xrf1)  }
0xba: {  	v24, v59, _ =	vpop (xrf1)  }
0xbb: {  	v24 =	vperm.xlane v24, v1;
	_ =	sdelay $0x1  }
0xbc: {  	v25 =	vperm.xlane v59, v1;
	vm12 =	vge.f32 v22, v24  }
0xbd: {  	v60 =	vld [tilespmem:$0x1A780];
	v22 =	vsel vm12, v22, v24  }
0xbe: {  	v23 =	vsel vm12, v23, v25;
	vm13 =	vge.f32 v20, v22  }
0xbf: {  	v61 =	vsel vm13, v20, v22;
	v62 =	vsel vm13, v21, v23  }
0xc0: {  	v20 =	vsel vm13, v22, v20;
	v21 =	vsel vm13, v23, v21;
	(xrf1) =	vsort.dscd.msk.f32 $0xffff, v61, v62  }
0xc1: {  	(xrf1) =	vsort.dscd.msk.f32 $0xffff, v20, v21  }
0xc2: {  	(xrf1) =	vsort.dscd.msk.f32 $0xffff, v60, v18;
	_ =	sdelay $0xb  }
0xc3: {  	v20, v21, _ =	vpop (xrf1)  }
0xc4: {  	v22, v23, _ =	vpop (xrf1)  }
0xc5: {  	v24, v63, _ =	vpop (xrf1)  }
0xc6: {  	v24 =	vperm.xlane v24, v1;
	_ =	sdelay $0x1  }
0xc7: {  	v25 =	vperm.xlane v63, v1;
	vm14 =	vge.f32 v22, v24  }
0xc8: {  	v22 =	vsel vm14, v22, v24  }
0xc9: {  	v23 =	vsel vm14, v23, v25;
	vm15 =	vge.f32 v20, v22  }
0xca: {  	v24 =	vsel vm15, v20, v22;
	v25 =	vsel vm15, v21, v23  }
0xcb: {  	v20 =	vsel vm15, v22, v20;
	v21 =	vsel vm15, v23, v21;
	(xrf1) =	vsort.dscd.msk.f32 $0xffff, v24, v25  }
0xcc: {  	(xrf1) =	vsort.dscd.msk.f32 $0xffff, v20, v21;
	_ =	sdelay $0xc  }
0xcd: {  	_, v22, _ =	vpop (xrf1)  }
0xce: {  	v20, v21, _ =	vpop (xrf1);
	[tilespmem:$0x1C980] =	vst v22  }
0xcf: {  	[tilespmem:$0x1C990] =	vst v21  }
0xd0: {  	s29 =	simm.s32 $0x20;
	_ =	strace $0x90000049  }
0xd1: {  	s30 =	simm.s32 $0x1C980;
	s31 =	simm.s32 $0x8000;
	_ =	strace $0x8000004A  }
0xd2: {  	s1 =	simm.s32 $0x100;
	s0 =	simm.s32 $0x0;
	s28 =	rddreg [dreg:$0x7]  }
0xd3: {  	[tilespmem:s31], [sflag:$0x3] =	stream.indirect.gather [hbm4b:s28+s29], $0x80, s30, s29, $0x2000b8;
	[tilespmem:$0x1CA00] =	vst v63  }
.LBB2_2:
0xd4: {  	p0 =	sne.s32 s1, $0x7F00;
	[tilespmem:s0+$0x30] =	vst v19;
	s2 =	smov.u32 s1;
	s1 =	sadd.s32 $0x100, s1  }
.Ltmp0:
0xd5: {  	[tilespmem:s0+$0x20] =	vst v19;
	(pc) =	sbr.rel @p0 .LBB2_2-.Ltmp0, $3  }
0xd6: {  	[tilespmem:s0+$0x0] =	vst v19  }
0xd7: {  	[tilespmem:s0+$0x10] =	vst v19;
	_ =	sdelay $0x1  }
0xd8: {  	s0 =	sshra.s32 s2, $0x2  }
0xd9: {  	(v2sf) =	vpush v22, $0x0;
	_ =	sdelay $0xb  }
0xda: {  	[tilespmem:s0+$0x30] =	vst v19  }
0xdb: {  	[tilespmem:s0+$0x20] =	vst v19  }
0xdc: {  	[tilespmem:s0+$0x0] =	vst v19  }
0xdd: {  	[tilespmem:s0+$0x10] =	vst v19;
	s1 =	simm.s32 $0x3;
	s31 =	spop (v2sf)  }
0xde: {  	_ =	swait.ge [sflag:s1], $0x1000  }
0xdf: {  	[sflag:s1] =	ssyncset.done $0x0  }
0xe0: {  	[sflag:s1] =	ssyncadd.s32 $0xFFFFF000  }
0xe1: {  	_ =	strace $0x9000004A  }
0xe2: {  	s2 =	simm.s32 $0x0;
	_ =	strace $0x8000004B  }
0xe3: {  	v23 =	vld [tilespmem:s2+$0x8000];
	_ =	sdelay $0x2  }
0xe4: {  	v20 =	vbroadcast v20, $0xF;
	_ =	sdelay $0x1  }
0xe5: {  	vm0 =	vge.f32 v23, v20  }
0xe6: {  	v24 =	vmpcnt.ones.xlane vm0;
	_ =	sdelay $0x1  }
0xe7: {  	(v2sf) =	vpush v24, $0x0;
	_ =	sdelay $0x4  }
0xe8: {  	s0 =	sshll.u32 s31, $0x7;
	s1 =	simm.s32 $0x0  }
0xe9: {  	v25 =	vor.u32 s0, v0;
	[tilespmem:s1+$0x1A800] =	vst.msk vm0, v23  }
0xea: {  	s4 =	simm.s32 $0x10;
	s2 =	simm.s32 $0x80;
	[tilespmem:s1+$0x1B880] =	vst.msk vm0, v25  }
.LBB2_4:
0xeb: {  	p0 =	seq.s32 s2, $0x1C0;
	v23 =	vld [tilespmem:s4+$0x8000];
	_ =	sdelay $0x4  }
0xec: {  	vm0 =	vge.f32 v23, v20  }
0xed: {  	v24 =	vmpcnt.ones.xlane vm0  }
0xee: {  	s4 =	spop (v2sf)  }
0xef: {  	s0 =	sadd.s32 $0x10, s0;
	(v2sf) =	vpush v24, $0x0;
	s1 =	sadd.s32 s1, s4  }
0xf0: {  	v24 =	vor.u32 s0, v0;
	[tilespmem:s1+$0x1A800] =	vst.msk vm0, v23  }
0xf1: {  	[tilespmem:s1+$0x1B880] =	vst.msk vm0, v24  }
.Ltmp1:
0xf2: {  	(pc) =	sbr.rel @!p0 .LBB2_4-.Ltmp1, $2  }
0xf3: {  	_ =	sdelay $0x2  }
0xf4: {  	s4 =	sshra.s32 s2, $0x2;
	s2 =	sadd.s32 $0x40, s2  }
0xf5: {  	v23 =	vld [tilespmem:s4+$0x8000];
	_ =	sdelay $0x4  }
0xf6: {  	vm0 =	vge.f32 v23, v20  }
0xf7: {  	v24 =	vmpcnt.ones.xlane vm0;
	_ =	sdelay $0x1  }
0xf8: {  	(v2sf) =	vpush v24, $0x0  }
0xf9: {  	s2 =	spop (v2sf);
	(v2sf) =	vpush v22, $0x1;
	_ =	sdelay $0x3  }
0xfa: {  	s0 =	sadd.s32 $0x10, s0;
	s1 =	sadd.s32 s1, s2  }
0xfb: {  	v62 =	vor.u32 s0, v0;
	[tilespmem:s1+$0x1A800] =	vst.msk vm0, v23  }
0xfc: {  	s31 =	simm.s32 $0x0;
	[tilespmem:s1+$0x1B880] =	vst.msk vm0, v62  }
0xfd: {  	v23 =	vld [tilespmem:s31+$0x8080];
	_ =	sdelay $0x4  }
0xfe: {  	vm15 =	vge.f32 v23, v20  }
0xff: {  	v63 =	vmpcnt.ones.xlane vm15  }
0x100: {  	s29 =	spop (v2sf)  }
0x101: {  	s30 =	spop (v2sf);
	(v2sf) =	vpush v63, $0x0;
	_ =	sdelay $0x4  }
0x102: {  	s0 =	sadd.s32 s1, s29;
	s1 =	sshll.u32 s30, $0x7  }
0x103: {  	[tilespmem:s0+$0x1A800] =	vst.msk vm15, v23;
	v25 =	vor.u32 s1, v0  }
0x104: {  	s4 =	simm.s32 $0x10;
	s2 =	simm.s32 $0x80;
	[tilespmem:s0+$0x1B880] =	vst.msk vm15, v25  }
.LBB2_6:
0x105: {  	p0 =	seq.s32 s2, $0x1C0;
	v23 =	vld [tilespmem:s4+$0x8080];
	_ =	sdelay $0x4  }
0x106: {  	vm0 =	vge.f32 v23, v20  }
0x107: {  	v24 =	vmpcnt.ones.xlane vm0  }
0x108: {  	s4 =	spop (v2sf)  }
0x109: {  	s1 =	sadd.s32 $0x10, s1;
	(v2sf) =	vpush v24, $0x0;
	s0 =	sadd.s32 s0, s4  }
0x10a: {  	v24 =	vor.u32 s1, v0;
	[tilespmem:s0+$0x1A800] =	vst.msk vm0, v23  }
0x10b: {  	[tilespmem:s0+$0x1B880] =	vst.msk vm0, v24  }
.Ltmp2:
0x10c: {  	(pc) =	sbr.rel @!p0 .LBB2_6-.Ltmp2, $2  }
0x10d: {  	_ =	sdelay $0x2  }
0x10e: {  	s4 =	sshra.s32 s2, $0x2;
	s2 =	sadd.s32 $0x40, s2  }
0x10f: {  	v23 =	vld [tilespmem:s4+$0x8080];
	_ =	sdelay $0x4  }
0x110: {  	vm0 =	vge.f32 v23, v20  }
0x111: {  	v24 =	vmpcnt.ones.xlane vm0;
	_ =	sdelay $0x1  }
0x112: {  	(v2sf) =	vpush v24, $0x0  }
0x113: {  	s2 =	spop (v2sf);
	(v2sf) =	vpush v22, $0x2;
	_ =	sdelay $0x3  }
0x114: {  	s1 =	sadd.s32 $0x10, s1;
	s0 =	sadd.s32 s0, s2  }
0x115: {  	v62 =	vor.u32 s1, v0;
	[tilespmem:s0+$0x1A800] =	vst.msk vm0, v23  }
0x116: {  	s31 =	simm.s32 $0x0;
	[tilespmem:s0+$0x1B880] =	vst.msk vm0, v62  }
0x117: {  	v23 =	vld [tilespmem:s31+$0x8100];
	_ =	sdelay $0x4  }
0x118: {  	vm15 =	vge.f32 v23, v20  }
0x119: {  	v63 =	vmpcnt.ones.xlane vm15  }
0x11a: {  	s29 =	spop (v2sf)  }
0x11b: {  	s30 =	spop (v2sf);
	(v2sf) =	vpush v63, $0x0;
	_ =	sdelay $0x4  }
0x11c: {  	s0 =	sadd.s32 s0, s29;
	s1 =	sshll.u32 s30, $0x7  }
0x11d: {  	[tilespmem:s0+$0x1A800] =	vst.msk vm15, v23;
	v25 =	vor.u32 s1, v0  }
0x11e: {  	s4 =	simm.s32 $0x10;
	s2 =	simm.s32 $0x80;
	[tilespmem:s0+$0x1B880] =	vst.msk vm15, v25  }
.LBB2_8:
0x11f: {  	p0 =	seq.s32 s2, $0x1C0;
	v23 =	vld [tilespmem:s4+$0x8100];
	_ =	sdelay $0x4  }
0x120: {  	vm0 =	vge.f32 v23, v20  }
0x121: {  	v24 =	vmpcnt.ones.xlane vm0  }
0x122: {  	s4 =	spop (v2sf)  }
0x123: {  	s1 =	sadd.s32 $0x10, s1;
	(v2sf) =	vpush v24, $0x0;
	s0 =	sadd.s32 s0, s4  }
0x124: {  	v24 =	vor.u32 s1, v0;
	[tilespmem:s0+$0x1A800] =	vst.msk vm0, v23  }
0x125: {  	[tilespmem:s0+$0x1B880] =	vst.msk vm0, v24  }
.Ltmp3:
0x126: {  	(pc) =	sbr.rel @!p0 .LBB2_8-.Ltmp3, $2  }
0x127: {  	_ =	sdelay $0x2  }
0x128: {  	s4 =	sshra.s32 s2, $0x2;
	s2 =	sadd.s32 $0x40, s2  }
0x129: {  	v23 =	vld [tilespmem:s4+$0x8100];
	_ =	sdelay $0x4  }
0x12a: {  	vm0 =	vge.f32 v23, v20  }
0x12b: {  	v24 =	vmpcnt.ones.xlane vm0;
	_ =	sdelay $0x1  }
0x12c: {  	(v2sf) =	vpush v24, $0x0  }
0x12d: {  	s2 =	spop (v2sf);
	(v2sf) =	vpush v22, $0x3;
	_ =	sdelay $0x3  }
0x12e: {  	s1 =	sadd.s32 $0x10, s1;
	s0 =	sadd.s32 s0, s2  }
0x12f: {  	v62 =	vor.u32 s1, v0;
	[tilespmem:s0+$0x1A800] =	vst.msk vm0, v23  }
0x130: {  	s31 =	simm.s32 $0x0;
	[tilespmem:s0+$0x1B880] =	vst.msk vm0, v62  }
0x131: {  	v23 =	vld [tilespmem:s31+$0x8180];
	_ =	sdelay $0x4  }
0x132: {  	vm15 =	vge.f32 v23, v20  }
0x133: {  	v63 =	vmpcnt.ones.xlane vm15  }
0x134: {  	s29 =	spop (v2sf)  }
0x135: {  	s30 =	spop (v2sf);
	(v2sf) =	vpush v63, $0x0;
	_ =	sdelay $0x4  }
0x136: {  	s0 =	sadd.s32 s0, s29;
	s1 =	sshll.u32 s30, $0x7  }
0x137: {  	[tilespmem:s0+$0x1A800] =	vst.msk vm15, v23;
	v25 =	vor.u32 s1, v0  }
0x138: {  	s4 =	simm.s32 $0x10;
	s2 =	simm.s32 $0x80;
	[tilespmem:s0+$0x1B880] =	vst.msk vm15, v25  }
.LBB2_10:
0x139: {  	p0 =	seq.s32 s2, $0x1C0;
	v23 =	vld [tilespmem:s4+$0x8180];
	_ =	sdelay $0x4  }
0x13a: {  	vm0 =	vge.f32 v23, v20  }
0x13b: {  	v24 =	vmpcnt.ones.xlane vm0  }
0x13c: {  	s4 =	spop (v2sf)  }
0x13d: {  	s1 =	sadd.s32 $0x10, s1;
	(v2sf) =	vpush v24, $0x0;
	s0 =	sadd.s32 s0, s4  }
0x13e: {  	v24 =	vor.u32 s1, v0;
	[tilespmem:s0+$0x1A800] =	vst.msk vm0, v23  }
0x13f: {  	[tilespmem:s0+$0x1B880] =	vst.msk vm0, v24  }
.Ltmp4:
0x140: {  	(pc) =	sbr.rel @!p0 .LBB2_10-.Ltmp4, $2  }
0x141: {  	_ =	sdelay $0x2  }
0x142: {  	s4 =	sshra.s32 s2, $0x2;
	s2 =	sadd.s32 $0x40, s2  }
0x143: {  	v23 =	vld [tilespmem:s4+$0x8180];
	_ =	sdelay $0x4  }
0x144: {  	vm0 =	vge.f32 v23, v20  }
0x145: {  	v24 =	vmpcnt.ones.xlane vm0;
	_ =	sdelay $0x1  }
0x146: {  	(v2sf) =	vpush v24, $0x0  }
0x147: {  	s2 =	spop (v2sf);
	(v2sf) =	vpush v22, $0x4;
	_ =	sdelay $0x3  }
0x148: {  	s1 =	sadd.s32 $0x10, s1;
	s0 =	sadd.s32 s0, s2  }
0x149: {  	v62 =	vor.u32 s1, v0;
	[tilespmem:s0+$0x1A800] =	vst.msk vm0, v23  }
0x14a: {  	s31 =	simm.s32 $0x0;
	[tilespmem:s0+$0x1B880] =	vst.msk vm0, v62  }
0x14b: {  	v23 =	vld [tilespmem:s31+$0x8200];
	_ =	sdelay $0x4  }
0x14c: {  	vm15 =	vge.f32 v23, v20  }
0x14d: {  	v63 =	vmpcnt.ones.xlane vm15  }
0x14e: {  	s29 =	spop (v2sf)  }
0x14f: {  	s30 =	spop (v2sf);
	(v2sf) =	vpush v63, $0x0;
	_ =	sdelay $0x4  }
0x150: {  	s0 =	sadd.s32 s0, s29;
	s1 =	sshll.u32 s30, $0x7  }
0x151: {  	[tilespmem:s0+$0x1A800] =	vst.msk vm15, v23;
	v25 =	vor.u32 s1, v0  }
0x152: {  	s4 =	simm.s32 $0x10;
	s2 =	simm.s32 $0x80;
	[tilespmem:s0+$0x1B880] =	vst.msk vm15, v25  }
.LBB2_12:
0x153: {  	p0 =	seq.s32 s2, $0x1C0;
	v23 =	vld [tilespmem:s4+$0x8200];
	_ =	sdelay $0x4  }
0x154: {  	vm0 =	vge.f32 v23, v20  }
0x155: {  	v24 =	vmpcnt.ones.xlane vm0  }
0x156: {  	s4 =	spop (v2sf)  }
0x157: {  	s1 =	sadd.s32 $0x10, s1;
	(v2sf) =	vpush v24, $0x0;
	s0 =	sadd.s32 s0, s4  }
0x158: {  	v24 =	vor.u32 s1, v0;
	[tilespmem:s0+$0x1A800] =	vst.msk vm0, v23  }
0x159: {  	[tilespmem:s0+$0x1B880] =	vst.msk vm0, v24  }
.Ltmp5:
0x15a: {  	(pc) =	sbr.rel @!p0 .LBB2_12-.Ltmp5, $2  }
0x15b: {  	_ =	sdelay $0x2  }
0x15c: {  	s4 =	sshra.s32 s2, $0x2;
	s2 =	sadd.s32 $0x40, s2  }
0x15d: {  	v23 =	vld [tilespmem:s4+$0x8200];
	_ =	sdelay $0x4  }
0x15e: {  	vm0 =	vge.f32 v23, v20  }
0x15f: {  	v24 =	vmpcnt.ones.xlane vm0;
	_ =	sdelay $0x1  }
0x160: {  	(v2sf) =	vpush v24, $0x0  }
0x161: {  	s2 =	spop (v2sf);
	(v2sf) =	vpush v22, $0x5;
	_ =	sdelay $0x3  }
0x162: {  	s1 =	sadd.s32 $0x10, s1;
	s0 =	sadd.s32 s0, s2  }
0x163: {  	v62 =	vor.u32 s1, v0;
	[tilespmem:s0+$0x1A800] =	vst.msk vm0, v23  }
0x164: {  	s31 =	simm.s32 $0x0;
	[tilespmem:s0+$0x1B880] =	vst.msk vm0, v62  }
0x165: {  	v23 =	vld [tilespmem:s31+$0x8280];
	_ =	sdelay $0x4  }
0x166: {  	vm15 =	vge.f32 v23, v20  }
0x167: {  	v63 =	vmpcnt.ones.xlane vm15  }
0x168: {  	s29 =	spop (v2sf)  }
0x169: {  	s30 =	spop (v2sf);
	(v2sf) =	vpush v63, $0x0;
	_ =	sdelay $0x4  }
0x16a: {  	s0 =	sadd.s32 s0, s29;
	s1 =	sshll.u32 s30, $0x7  }
0x16b: {  	[tilespmem:s0+$0x1A800] =	vst.msk vm15, v23;
	v25 =	vor.u32 s1, v0  }
0x16c: {  	s4 =	simm.s32 $0x10;
	s2 =	simm.s32 $0x80;
	[tilespmem:s0+$0x1B880] =	vst.msk vm15, v25  }
.LBB2_14:
0x16d: {  	p0 =	seq.s32 s2, $0x1C0;
	v23 =	vld [tilespmem:s4+$0x8280];
	_ =	sdelay $0x4  }
0x16e: {  	vm0 =	vge.f32 v23, v20  }
0x16f: {  	v24 =	vmpcnt.ones.xlane vm0  }
0x170: {  	s4 =	spop (v2sf)  }
0x171: {  	s1 =	sadd.s32 $0x10, s1;
	(v2sf) =	vpush v24, $0x0;
	s0 =	sadd.s32 s0, s4  }
0x172: {  	v24 =	vor.u32 s1, v0;
	[tilespmem:s0+$0x1A800] =	vst.msk vm0, v23  }
0x173: {  	[tilespmem:s0+$0x1B880] =	vst.msk vm0, v24  }
.Ltmp6:
0x174: {  	(pc) =	sbr.rel @!p0 .LBB2_14-.Ltmp6, $2  }
0x175: {  	_ =	sdelay $0x2  }
0x176: {  	s4 =	sshra.s32 s2, $0x2;
	s2 =	sadd.s32 $0x40, s2  }
0x177: {  	v23 =	vld [tilespmem:s4+$0x8280];
	_ =	sdelay $0x4  }
0x178: {  	vm0 =	vge.f32 v23, v20  }
0x179: {  	v24 =	vmpcnt.ones.xlane vm0;
	_ =	sdelay $0x1  }
0x17a: {  	(v2sf) =	vpush v24, $0x0  }
0x17b: {  	s2 =	spop (v2sf);
	(v2sf) =	vpush v22, $0x6;
	_ =	sdelay $0x3  }
0x17c: {  	s1 =	sadd.s32 $0x10, s1;
	s0 =	sadd.s32 s0, s2  }
0x17d: {  	v62 =	vor.u32 s1, v0;
	[tilespmem:s0+$0x1A800] =	vst.msk vm0, v23  }
0x17e: {  	s31 =	simm.s32 $0x0;
	[tilespmem:s0+$0x1B880] =	vst.msk vm0, v62  }
0x17f: {  	v23 =	vld [tilespmem:s31+$0x8300];
	_ =	sdelay $0x4  }
0x180: {  	vm15 =	vge.f32 v23, v20  }
0x181: {  	v63 =	vmpcnt.ones.xlane vm15  }
0x182: {  	s29 =	spop (v2sf)  }
0x183: {  	s30 =	spop (v2sf);
	(v2sf) =	vpush v63, $0x0;
	_ =	sdelay $0x4  }
0x184: {  	s0 =	sadd.s32 s0, s29;
	s1 =	sshll.u32 s30, $0x7  }
0x185: {  	[tilespmem:s0+$0x1A800] =	vst.msk vm15, v23;
	v25 =	vor.u32 s1, v0  }
0x186: {  	s4 =	simm.s32 $0x10;
	s2 =	simm.s32 $0x80;
	[tilespmem:s0+$0x1B880] =	vst.msk vm15, v25  }
.LBB2_16:
0x187: {  	p0 =	seq.s32 s2, $0x1C0;
	v23 =	vld [tilespmem:s4+$0x8300];
	_ =	sdelay $0x4  }
0x188: {  	vm0 =	vge.f32 v23, v20  }
0x189: {  	v24 =	vmpcnt.ones.xlane vm0  }
0x18a: {  	s4 =	spop (v2sf)  }
0x18b: {  	s1 =	sadd.s32 $0x10, s1;
	(v2sf) =	vpush v24, $0x0;
	s0 =	sadd.s32 s0, s4  }
0x18c: {  	v24 =	vor.u32 s1, v0;
	[tilespmem:s0+$0x1A800] =	vst.msk vm0, v23  }
0x18d: {  	[tilespmem:s0+$0x1B880] =	vst.msk vm0, v24  }
.Ltmp7:
0x18e: {  	(pc) =	sbr.rel @!p0 .LBB2_16-.Ltmp7, $2  }
0x18f: {  	_ =	sdelay $0x2  }
0x190: {  	s4 =	sshra.s32 s2, $0x2;
	s2 =	sadd.s32 $0x40, s2  }
0x191: {  	v23 =	vld [tilespmem:s4+$0x8300];
	_ =	sdelay $0x4  }
0x192: {  	vm0 =	vge.f32 v23, v20  }
0x193: {  	v24 =	vmpcnt.ones.xlane vm0;
	_ =	sdelay $0x1  }
0x194: {  	(v2sf) =	vpush v24, $0x0  }
0x195: {  	s2 =	spop (v2sf);
	(v2sf) =	vpush v22, $0x7;
	_ =	sdelay $0x3  }
0x196: {  	s1 =	sadd.s32 $0x10, s1;
	s0 =	sadd.s32 s0, s2  }
0x197: {  	v62 =	vor.u32 s1, v0;
	[tilespmem:s0+$0x1A800] =	vst.msk vm0, v23  }
0x198: {  	s31 =	simm.s32 $0x0;
	[tilespmem:s0+$0x1B880] =	vst.msk vm0, v62  }
0x199: {  	v23 =	vld [tilespmem:s31+$0x8380];
	_ =	sdelay $0x4  }
0x19a: {  	vm15 =	vge.f32 v23, v20  }
0x19b: {  	v63 =	vmpcnt.ones.xlane vm15  }
0x19c: {  	s29 =	spop (v2sf)  }
0x19d: {  	s30 =	spop (v2sf);
	(v2sf) =	vpush v63, $0x0;
	_ =	sdelay $0x4  }
0x19e: {  	s0 =	sadd.s32 s0, s29;
	s1 =	sshll.u32 s30, $0x7  }
0x19f: {  	[tilespmem:s0+$0x1A800] =	vst.msk vm15, v23;
	v25 =	vor.u32 s1, v0  }
0x1a0: {  	s4 =	simm.s32 $0x10;
	s2 =	simm.s32 $0x80;
	[tilespmem:s0+$0x1B880] =	vst.msk vm15, v25  }
.LBB2_18:
0x1a1: {  	p0 =	seq.s32 s2, $0x1C0;
	v23 =	vld [tilespmem:s4+$0x8380];
	_ =	sdelay $0x4  }
0x1a2: {  	vm0 =	vge.f32 v23, v20  }
0x1a3: {  	v24 =	vmpcnt.ones.xlane vm0  }
0x1a4: {  	s4 =	spop (v2sf)  }
0x1a5: {  	s1 =	sadd.s32 $0x10, s1;
	(v2sf) =	vpush v24, $0x0;
	s0 =	sadd.s32 s0, s4  }
0x1a6: {  	v24 =	vor.u32 s1, v0;
	[tilespmem:s0+$0x1A800] =	vst.msk vm0, v23  }
0x1a7: {  	[tilespmem:s0+$0x1B880] =	vst.msk vm0, v24  }
.Ltmp8:
0x1a8: {  	(pc) =	sbr.rel @!p0 .LBB2_18-.Ltmp8, $2  }
0x1a9: {  	_ =	sdelay $0x2  }
0x1aa: {  	s4 =	sshra.s32 s2, $0x2;
	s2 =	sadd.s32 $0x40, s2  }
0x1ab: {  	v23 =	vld [tilespmem:s4+$0x8380];
	_ =	sdelay $0x4  }
0x1ac: {  	vm0 =	vge.f32 v23, v20  }
0x1ad: {  	v24 =	vmpcnt.ones.xlane vm0;
	_ =	sdelay $0x1  }
0x1ae: {  	(v2sf) =	vpush v24, $0x0  }
0x1af: {  	s2 =	spop (v2sf);
	(v2sf) =	vpush v22, $0x8;
	_ =	sdelay $0x3  }
0x1b0: {  	s1 =	sadd.s32 $0x10, s1;
	s0 =	sadd.s32 s0, s2  }
0x1b1: {  	v62 =	vor.u32 s1, v0;
	[tilespmem:s0+$0x1A800] =	vst.msk vm0, v23  }
0x1b2: {  	s31 =	simm.s32 $0x0;
	[tilespmem:s0+$0x1B880] =	vst.msk vm0, v62  }
0x1b3: {  	v23 =	vld [tilespmem:s31+$0x8400];
	_ =	sdelay $0x4  }
0x1b4: {  	vm15 =	vge.f32 v23, v20  }
0x1b5: {  	v63 =	vmpcnt.ones.xlane vm15  }
0x1b6: {  	s29 =	spop (v2sf)  }
0x1b7: {  	s30 =	spop (v2sf);
	(v2sf) =	vpush v63, $0x0;
	_ =	sdelay $0x4  }
0x1b8: {  	s0 =	sadd.s32 s0, s29;
	s1 =	sshll.u32 s30, $0x7  }
0x1b9: {  	[tilespmem:s0+$0x1A800] =	vst.msk vm15, v23;
	v25 =	vor.u32 s1, v0  }
0x1ba: {  	s4 =	simm.s32 $0x10;
	s2 =	simm.s32 $0x80;
	[tilespmem:s0+$0x1B880] =	vst.msk vm15, v25  }
.LBB2_20:
0x1bb: {  	p0 =	seq.s32 s2, $0x1C0;
	v23 =	vld [tilespmem:s4+$0x8400];
	_ =	sdelay $0x4  }
0x1bc: {  	vm0 =	vge.f32 v23, v20  }
0x1bd: {  	v24 =	vmpcnt.ones.xlane vm0  }
0x1be: {  	s4 =	spop (v2sf)  }
0x1bf: {  	s1 =	sadd.s32 $0x10, s1;
	(v2sf) =	vpush v24, $0x0;
	s0 =	sadd.s32 s0, s4  }
0x1c0: {  	v24 =	vor.u32 s1, v0;
	[tilespmem:s0+$0x1A800] =	vst.msk vm0, v23  }
0x1c1: {  	[tilespmem:s0+$0x1B880] =	vst.msk vm0, v24  }
.Ltmp9:
0x1c2: {  	(pc) =	sbr.rel @!p0 .LBB2_20-.Ltmp9, $2  }
0x1c3: {  	_ =	sdelay $0x2  }
0x1c4: {  	s4 =	sshra.s32 s2, $0x2;
	s2 =	sadd.s32 $0x40, s2  }
0x1c5: {  	v23 =	vld [tilespmem:s4+$0x8400];
	_ =	sdelay $0x4  }
0x1c6: {  	vm0 =	vge.f32 v23, v20  }
0x1c7: {  	v24 =	vmpcnt.ones.xlane vm0;
	_ =	sdelay $0x1  }
0x1c8: {  	(v2sf) =	vpush v24, $0x0  }
0x1c9: {  	s2 =	spop (v2sf);
	(v2sf) =	vpush v22, $0x9;
	_ =	sdelay $0x3  }
0x1ca: {  	s1 =	sadd.s32 $0x10, s1;
	s0 =	sadd.s32 s0, s2  }
0x1cb: {  	v62 =	vor.u32 s1, v0;
	[tilespmem:s0+$0x1A800] =	vst.msk vm0, v23  }
0x1cc: {  	s31 =	simm.s32 $0x0;
	[tilespmem:s0+$0x1B880] =	vst.msk vm0, v62  }
0x1cd: {  	v23 =	vld [tilespmem:s31+$0x8480];
	_ =	sdelay $0x4  }
0x1ce: {  	vm15 =	vge.f32 v23, v20  }
0x1cf: {  	v63 =	vmpcnt.ones.xlane vm15  }
0x1d0: {  	s29 =	spop (v2sf)  }
0x1d1: {  	s30 =	spop (v2sf);
	(v2sf) =	vpush v63, $0x0;
	_ =	sdelay $0x4  }
0x1d2: {  	s0 =	sadd.s32 s0, s29;
	s1 =	sshll.u32 s30, $0x7  }
0x1d3: {  	[tilespmem:s0+$0x1A800] =	vst.msk vm15, v23;
	v25 =	vor.u32 s1, v0  }
0x1d4: {  	s4 =	simm.s32 $0x10;
	s2 =	simm.s32 $0x80;
	[tilespmem:s0+$0x1B880] =	vst.msk vm15, v25  }
.LBB2_22:
0x1d5: {  	p0 =	seq.s32 s2, $0x1C0;
	v23 =	vld [tilespmem:s4+$0x8480];
	_ =	sdelay $0x4  }
0x1d6: {  	vm0 =	vge.f32 v23, v20  }
0x1d7: {  	v24 =	vmpcnt.ones.xlane vm0  }
0x1d8: {  	s4 =	spop (v2sf)  }
0x1d9: {  	s1 =	sadd.s32 $0x10, s1;
	(v2sf) =	vpush v24, $0x0;
	s0 =	sadd.s32 s0, s4  }
0x1da: {  	v24 =	vor.u32 s1, v0;
	[tilespmem:s0+$0x1A800] =	vst.msk vm0, v23  }
0x1db: {  	[tilespmem:s0+$0x1B880] =	vst.msk vm0, v24  }
.Ltmp10:
0x1dc: {  	(pc) =	sbr.rel @!p0 .LBB2_22-.Ltmp10, $2  }
0x1dd: {  	_ =	sdelay $0x2  }
0x1de: {  	s4 =	sshra.s32 s2, $0x2;
	s2 =	sadd.s32 $0x40, s2  }
0x1df: {  	v23 =	vld [tilespmem:s4+$0x8480];
	_ =	sdelay $0x4  }
0x1e0: {  	vm0 =	vge.f32 v23, v20  }
0x1e1: {  	v24 =	vmpcnt.ones.xlane vm0;
	_ =	sdelay $0x1  }
0x1e2: {  	(v2sf) =	vpush v24, $0x0  }
0x1e3: {  	s2 =	spop (v2sf);
	(v2sf) =	vpush v22, $0xA;
	_ =	sdelay $0x3  }
0x1e4: {  	s1 =	sadd.s32 $0x10, s1;
	s0 =	sadd.s32 s0, s2  }
0x1e5: {  	v62 =	vor.u32 s1, v0;
	[tilespmem:s0+$0x1A800] =	vst.msk vm0, v23  }
0x1e6: {  	s31 =	simm.s32 $0x0;
	[tilespmem:s0+$0x1B880] =	vst.msk vm0, v62  }
0x1e7: {  	v23 =	vld [tilespmem:s31+$0x8500];
	_ =	sdelay $0x4  }
0x1e8: {  	vm15 =	vge.f32 v23, v20  }
0x1e9: {  	v63 =	vmpcnt.ones.xlane vm15  }
0x1ea: {  	s29 =	spop (v2sf)  }
0x1eb: {  	s30 =	spop (v2sf);
	(v2sf) =	vpush v63, $0x0;
	_ =	sdelay $0x4  }
0x1ec: {  	s0 =	sadd.s32 s0, s29;
	s1 =	sshll.u32 s30, $0x7  }
0x1ed: {  	[tilespmem:s0+$0x1A800] =	vst.msk vm15, v23;
	v25 =	vor.u32 s1, v0  }
0x1ee: {  	s4 =	simm.s32 $0x10;
	s2 =	simm.s32 $0x80;
	[tilespmem:s0+$0x1B880] =	vst.msk vm15, v25  }
.LBB2_24:
0x1ef: {  	p0 =	seq.s32 s2, $0x1C0;
	v23 =	vld [tilespmem:s4+$0x8500];
	_ =	sdelay $0x4  }
0x1f0: {  	vm0 =	vge.f32 v23, v20  }
0x1f1: {  	v24 =	vmpcnt.ones.xlane vm0  }
0x1f2: {  	s4 =	spop (v2sf)  }
0x1f3: {  	s1 =	sadd.s32 $0x10, s1;
	(v2sf) =	vpush v24, $0x0;
	s0 =	sadd.s32 s0, s4  }
0x1f4: {  	v24 =	vor.u32 s1, v0;
	[tilespmem:s0+$0x1A800] =	vst.msk vm0, v23  }
0x1f5: {  	[tilespmem:s0+$0x1B880] =	vst.msk vm0, v24  }
.Ltmp11:
0x1f6: {  	(pc) =	sbr.rel @!p0 .LBB2_24-.Ltmp11, $2  }
0x1f7: {  	_ =	sdelay $0x2  }
0x1f8: {  	s4 =	sshra.s32 s2, $0x2;
	s2 =	sadd.s32 $0x40, s2  }
0x1f9: {  	v23 =	vld [tilespmem:s4+$0x8500];
	_ =	sdelay $0x4  }
0x1fa: {  	vm0 =	vge.f32 v23, v20  }
0x1fb: {  	v24 =	vmpcnt.ones.xlane vm0;
	_ =	sdelay $0x1  }
0x1fc: {  	(v2sf) =	vpush v24, $0x0  }
0x1fd: {  	s2 =	spop (v2sf);
	(v2sf) =	vpush v22, $0xB;
	_ =	sdelay $0x3  }
0x1fe: {  	s1 =	sadd.s32 $0x10, s1;
	s0 =	sadd.s32 s0, s2  }
0x1ff: {  	v62 =	vor.u32 s1, v0;
	[tilespmem:s0+$0x1A800] =	vst.msk vm0, v23  }
0x200: {  	s31 =	simm.s32 $0x0;
	[tilespmem:s0+$0x1B880] =	vst.msk vm0, v62  }
0x201: {  	v23 =	vld [tilespmem:s31+$0x8580];
	_ =	sdelay $0x4  }
0x202: {  	vm15 =	vge.f32 v23, v20  }
0x203: {  	v63 =	vmpcnt.ones.xlane vm15  }
0x204: {  	s29 =	spop (v2sf)  }
0x205: {  	s30 =	spop (v2sf);
	(v2sf) =	vpush v63, $0x0;
	_ =	sdelay $0x4  }
0x206: {  	s0 =	sadd.s32 s0, s29;
	s1 =	sshll.u32 s30, $0x7  }
0x207: {  	[tilespmem:s0+$0x1A800] =	vst.msk vm15, v23;
	v25 =	vor.u32 s1, v0  }
0x208: {  	s4 =	simm.s32 $0x10;
	s2 =	simm.s32 $0x80;
	[tilespmem:s0+$0x1B880] =	vst.msk vm15, v25  }
.LBB2_26:
0x209: {  	p0 =	seq.s32 s2, $0x1C0;
	v23 =	vld [tilespmem:s4+$0x8580];
	_ =	sdelay $0x4  }
0x20a: {  	vm0 =	vge.f32 v23, v20  }
0x20b: {  	v24 =	vmpcnt.ones.xlane vm0  }
0x20c: {  	s4 =	spop (v2sf)  }
0x20d: {  	s1 =	sadd.s32 $0x10, s1;
	(v2sf) =	vpush v24, $0x0;
	s0 =	sadd.s32 s0, s4  }
0x20e: {  	v24 =	vor.u32 s1, v0;
	[tilespmem:s0+$0x1A800] =	vst.msk vm0, v23  }
0x20f: {  	[tilespmem:s0+$0x1B880] =	vst.msk vm0, v24  }
.Ltmp12:
0x210: {  	(pc) =	sbr.rel @!p0 .LBB2_26-.Ltmp12, $2  }
0x211: {  	_ =	sdelay $0x2  }
0x212: {  	s4 =	sshra.s32 s2, $0x2;
	s2 =	sadd.s32 $0x40, s2  }
0x213: {  	v23 =	vld [tilespmem:s4+$0x8580];
	_ =	sdelay $0x4  }
0x214: {  	vm0 =	vge.f32 v23, v20  }
0x215: {  	v24 =	vmpcnt.ones.xlane vm0;
	_ =	sdelay $0x1  }
0x216: {  	(v2sf) =	vpush v24, $0x0  }
0x217: {  	s2 =	spop (v2sf);
	(v2sf) =	vpush v22, $0xC;
	_ =	sdelay $0x3  }
0x218: {  	s1 =	sadd.s32 $0x10, s1;
	s0 =	sadd.s32 s0, s2  }
0x219: {  	v62 =	vor.u32 s1, v0;
	[tilespmem:s0+$0x1A800] =	vst.msk vm0, v23  }
0x21a: {  	s31 =	simm.s32 $0x0;
	[tilespmem:s0+$0x1B880] =	vst.msk vm0, v62  }
0x21b: {  	v23 =	vld [tilespmem:s31+$0x8600];
	_ =	sdelay $0x4  }
0x21c: {  	vm15 =	vge.f32 v23, v20  }
0x21d: {  	v63 =	vmpcnt.ones.xlane vm15  }
0x21e: {  	s29 =	spop (v2sf)  }
0x21f: {  	s30 =	spop (v2sf);
	(v2sf) =	vpush v63, $0x0;
	_ =	sdelay $0x4  }
0x220: {  	s0 =	sadd.s32 s0, s29;
	s1 =	sshll.u32 s30, $0x7  }
0x221: {  	[tilespmem:s0+$0x1A800] =	vst.msk vm15, v23;
	v25 =	vor.u32 s1, v0  }
0x222: {  	s4 =	simm.s32 $0x10;
	s2 =	simm.s32 $0x80;
	[tilespmem:s0+$0x1B880] =	vst.msk vm15, v25  }
.LBB2_28:
0x223: {  	p0 =	seq.s32 s2, $0x1C0;
	v23 =	vld [tilespmem:s4+$0x8600];
	_ =	sdelay $0x4  }
0x224: {  	vm0 =	vge.f32 v23, v20  }
0x225: {  	v24 =	vmpcnt.ones.xlane vm0  }
0x226: {  	s4 =	spop (v2sf)  }
0x227: {  	s1 =	sadd.s32 $0x10, s1;
	(v2sf) =	vpush v24, $0x0;
	s0 =	sadd.s32 s0, s4  }
0x228: {  	v24 =	vor.u32 s1, v0;
	[tilespmem:s0+$0x1A800] =	vst.msk vm0, v23  }
0x229: {  	[tilespmem:s0+$0x1B880] =	vst.msk vm0, v24  }
.Ltmp13:
0x22a: {  	(pc) =	sbr.rel @!p0 .LBB2_28-.Ltmp13, $2  }
0x22b: {  	_ =	sdelay $0x2  }
0x22c: {  	s4 =	sshra.s32 s2, $0x2;
	s2 =	sadd.s32 $0x40, s2  }
0x22d: {  	v23 =	vld [tilespmem:s4+$0x8600];
	_ =	sdelay $0x4  }
0x22e: {  	vm0 =	vge.f32 v23, v20  }
0x22f: {  	v24 =	vmpcnt.ones.xlane vm0;
	_ =	sdelay $0x1  }
0x230: {  	(v2sf) =	vpush v24, $0x0  }
0x231: {  	s2 =	spop (v2sf);
	(v2sf) =	vpush v22, $0xD;
	_ =	sdelay $0x3  }
0x232: {  	s1 =	sadd.s32 $0x10, s1;
	s0 =	sadd.s32 s0, s2  }
0x233: {  	v62 =	vor.u32 s1, v0;
	[tilespmem:s0+$0x1A800] =	vst.msk vm0, v23  }
0x234: {  	s31 =	simm.s32 $0x0;
	[tilespmem:s0+$0x1B880] =	vst.msk vm0, v62  }
0x235: {  	v23 =	vld [tilespmem:s31+$0x8680];
	_ =	sdelay $0x4  }
0x236: {  	vm15 =	vge.f32 v23, v20  }
0x237: {  	v63 =	vmpcnt.ones.xlane vm15  }
0x238: {  	s29 =	spop (v2sf)  }
0x239: {  	s30 =	spop (v2sf);
	(v2sf) =	vpush v63, $0x0;
	_ =	sdelay $0x4  }
0x23a: {  	s0 =	sadd.s32 s0, s29;
	s1 =	sshll.u32 s30, $0x7  }
0x23b: {  	[tilespmem:s0+$0x1A800] =	vst.msk vm15, v23;
	v25 =	vor.u32 s1, v0  }
0x23c: {  	s4 =	simm.s32 $0x10;
	s2 =	simm.s32 $0x80;
	[tilespmem:s0+$0x1B880] =	vst.msk vm15, v25  }
.LBB2_30:
0x23d: {  	p0 =	seq.s32 s2, $0x1C0;
	v23 =	vld [tilespmem:s4+$0x8680];
	_ =	sdelay $0x4  }
0x23e: {  	vm0 =	vge.f32 v23, v20  }
0x23f: {  	v24 =	vmpcnt.ones.xlane vm0  }
0x240: {  	s4 =	spop (v2sf)  }
0x241: {  	s1 =	sadd.s32 $0x10, s1;
	(v2sf) =	vpush v24, $0x0;
	s0 =	sadd.s32 s0, s4  }
0x242: {  	v24 =	vor.u32 s1, v0;
	[tilespmem:s0+$0x1A800] =	vst.msk vm0, v23  }
0x243: {  	[tilespmem:s0+$0x1B880] =	vst.msk vm0, v24  }
.Ltmp14:
0x244: {  	(pc) =	sbr.rel @!p0 .LBB2_30-.Ltmp14, $2  }
0x245: {  	_ =	sdelay $0x2  }
0x246: {  	s4 =	sshra.s32 s2, $0x2;
	s2 =	sadd.s32 $0x40, s2  }
0x247: {  	v23 =	vld [tilespmem:s4+$0x8680];
	_ =	sdelay $0x4  }
0x248: {  	vm0 =	vge.f32 v23, v20  }
0x249: {  	v24 =	vmpcnt.ones.xlane vm0;
	_ =	sdelay $0x1  }
0x24a: {  	(v2sf) =	vpush v24, $0x0  }
0x24b: {  	s2 =	spop (v2sf);
	(v2sf) =	vpush v22, $0xE;
	_ =	sdelay $0x3  }
0x24c: {  	s1 =	sadd.s32 $0x10, s1;
	s0 =	sadd.s32 s0, s2  }
0x24d: {  	v62 =	vor.u32 s1, v0;
	[tilespmem:s0+$0x1A800] =	vst.msk vm0, v23  }
0x24e: {  	s31 =	simm.s32 $0x0;
	[tilespmem:s0+$0x1B880] =	vst.msk vm0, v62  }
0x24f: {  	v23 =	vld [tilespmem:s31+$0x8700];
	_ =	sdelay $0x4  }
0x250: {  	vm15 =	vge.f32 v23, v20  }
0x251: {  	v63 =	vmpcnt.ones.xlane vm15  }
0x252: {  	s29 =	spop (v2sf)  }
0x253: {  	s30 =	spop (v2sf);
	(v2sf) =	vpush v63, $0x0;
	_ =	sdelay $0x4  }
0x254: {  	s0 =	sadd.s32 s0, s29;
	s1 =	sshll.u32 s30, $0x7  }
0x255: {  	[tilespmem:s0+$0x1A800] =	vst.msk vm15, v23;
	v25 =	vor.u32 s1, v0  }
0x256: {  	s4 =	simm.s32 $0x10;
	s2 =	simm.s32 $0x80;
	[tilespmem:s0+$0x1B880] =	vst.msk vm15, v25  }
.LBB2_32:
0x257: {  	p0 =	seq.s32 s2, $0x1C0;
	v23 =	vld [tilespmem:s4+$0x8700];
	_ =	sdelay $0x4  }
0x258: {  	vm0 =	vge.f32 v23, v20  }
0x259: {  	v24 =	vmpcnt.ones.xlane vm0  }
0x25a: {  	s4 =	spop (v2sf)  }
0x25b: {  	s1 =	sadd.s32 $0x10, s1;
	(v2sf) =	vpush v24, $0x0;
	s0 =	sadd.s32 s0, s4  }
0x25c: {  	v24 =	vor.u32 s1, v0;
	[tilespmem:s0+$0x1A800] =	vst.msk vm0, v23  }
0x25d: {  	[tilespmem:s0+$0x1B880] =	vst.msk vm0, v24  }
.Ltmp15:
0x25e: {  	(pc) =	sbr.rel @!p0 .LBB2_32-.Ltmp15, $2  }
0x25f: {  	_ =	sdelay $0x2  }
0x260: {  	s4 =	sshra.s32 s2, $0x2;
	s2 =	sadd.s32 $0x40, s2  }
0x261: {  	v23 =	vld [tilespmem:s4+$0x8700];
	_ =	sdelay $0x4  }
0x262: {  	vm0 =	vge.f32 v23, v20  }
0x263: {  	v24 =	vmpcnt.ones.xlane vm0;
	_ =	sdelay $0x1  }
0x264: {  	(v2sf) =	vpush v24, $0x0  }
0x265: {  	s2 =	spop (v2sf);
	(v2sf) =	vpush v22, $0xF;
	_ =	sdelay $0x3  }
0x266: {  	s1 =	sadd.s32 $0x10, s1;
	s0 =	sadd.s32 s0, s2  }
0x267: {  	v62 =	vor.u32 s1, v0;
	[tilespmem:s0+$0x1A800] =	vst.msk vm0, v23  }
0x268: {  	s31 =	simm.s32 $0x0;
	[tilespmem:s0+$0x1B880] =	vst.msk vm0, v62  }
0x269: {  	v22 =	vld [tilespmem:s31+$0x8780];
	_ =	sdelay $0x4  }
0x26a: {  	vm15 =	vge.f32 v22, v20  }
0x26b: {  	v23 =	vmpcnt.ones.xlane vm15  }
0x26c: {  	s29 =	spop (v2sf)  }
0x26d: {  	s30 =	spop (v2sf);
	(v2sf) =	vpush v23, $0x0;
	_ =	sdelay $0x4  }
0x26e: {  	s0 =	sadd.s32 s0, s29;
	s1 =	sshll.u32 s30, $0x7  }
0x26f: {  	[tilespmem:s0+$0x1A800] =	vst.msk vm15, v22;
	v63 =	vor.u32 s1, v0  }
0x270: {  	s4 =	simm.s32 $0x10;
	s2 =	simm.s32 $0x80;
	[tilespmem:s0+$0x1B880] =	vst.msk vm15, v63  }
.LBB2_34:
0x271: {  	p0 =	seq.s32 s2, $0x1C0;
	v22 =	vld [tilespmem:s4+$0x8780];
	_ =	sdelay $0x4  }
0x272: {  	vm0 =	vge.f32 v22, v20  }
0x273: {  	v23 =	vmpcnt.ones.xlane vm0  }
0x274: {  	s4 =	spop (v2sf)  }
0x275: {  	s1 =	sadd.s32 $0x10, s1;
	(v2sf) =	vpush v23, $0x0;
	s0 =	sadd.s32 s0, s4  }
0x276: {  	v23 =	vor.u32 s1, v0;
	[tilespmem:s0+$0x1A800] =	vst.msk vm0, v22  }
0x277: {  	[tilespmem:s0+$0x1B880] =	vst.msk vm0, v23  }
.Ltmp16:
0x278: {  	(pc) =	sbr.rel @!p0 .LBB2_34-.Ltmp16, $2  }
0x279: {  	_ =	sdelay $0x2  }
0x27a: {  	s4 =	sshra.s32 s2, $0x2;
	s2 =	sadd.s32 $0x40, s2  }
0x27b: {  	v22 =	vld [tilespmem:s4+$0x8780];
	_ =	sdelay $0x4  }
0x27c: {  	vm0 =	vge.f32 v22, v20  }
0x27d: {  	v23 =	vmpcnt.ones.xlane vm0;
	_ =	sdelay $0x1  }
0x27e: {  	(v2sf) =	vpush v23, $0x0  }
0x27f: {  	s2 =	spop (v2sf);
	(v2sf) =	vpush v21, $0x0;
	_ =	sdelay $0x3  }
0x280: {  	s1 =	sadd.s32 $0x10, s1;
	s0 =	sadd.s32 s0, s2  }
0x281: {  	v23 =	vor.u32 s1, v0;
	[tilespmem:s0+$0x1A800] =	vst.msk vm0, v22  }
0x282: {  	s31 =	simm.s32 $0x0;
	[tilespmem:s0+$0x1B880] =	vst.msk vm0, v23  }
0x283: {  	v22 =	vld [tilespmem:s31+$0x8800];
	_ =	sdelay $0x4  }
0x284: {  	vm15 =	vge.f32 v22, v20  }
0x285: {  	v23 =	vmpcnt.ones.xlane vm15  }
0x286: {  	s29 =	spop (v2sf)  }
0x287: {  	s30 =	spop (v2sf);
	(v2sf) =	vpush v23, $0x0;
	_ =	sdelay $0x4  }
0x288: {  	s0 =	sadd.s32 s0, s29;
	s1 =	sshll.u32 s30, $0x7  }
0x289: {  	[tilespmem:s0+$0x1A800] =	vst.msk vm15, v22;
	v24 =	vor.u32 s1, v0  }
0x28a: {  	s4 =	simm.s32 $0x10;
	s2 =	simm.s32 $0x80;
	[tilespmem:s0+$0x1B880] =	vst.msk vm15, v24  }
.LBB2_36:
0x28b: {  	p0 =	seq.s32 s2, $0x1C0;
	v22 =	vld [tilespmem:s4+$0x8800];
	_ =	sdelay $0x4  }
0x28c: {  	vm0 =	vge.f32 v22, v20  }
0x28d: {  	v23 =	vmpcnt.ones.xlane vm0  }
0x28e: {  	s4 =	spop (v2sf)  }
0x28f: {  	s1 =	sadd.s32 $0x10, s1;
	(v2sf) =	vpush v23, $0x0;
	s0 =	sadd.s32 s0, s4  }
0x290: {  	v23 =	vor.u32 s1, v0;
	[tilespmem:s0+$0x1A800] =	vst.msk vm0, v22  }
0x291: {  	[tilespmem:s0+$0x1B880] =	vst.msk vm0, v23  }
.Ltmp17:
0x292: {  	(pc) =	sbr.rel @!p0 .LBB2_36-.Ltmp17, $2  }
0x293: {  	_ =	sdelay $0x2  }
0x294: {  	s4 =	sshra.s32 s2, $0x2;
	s2 =	sadd.s32 $0x40, s2  }
0x295: {  	v22 =	vld [tilespmem:s4+$0x8800];
	_ =	sdelay $0x4  }
0x296: {  	vm0 =	vge.f32 v22, v20  }
0x297: {  	v23 =	vmpcnt.ones.xlane vm0;
	_ =	sdelay $0x1  }
0x298: {  	(v2sf) =	vpush v23, $0x0  }
0x299: {  	s2 =	spop (v2sf);
	(v2sf) =	vpush v21, $0x1;
	_ =	sdelay $0x3  }
0x29a: {  	s1 =	sadd.s32 $0x10, s1;
	s0 =	sadd.s32 s0, s2  }
0x29b: {  	v23 =	vor.u32 s1, v0;
	[tilespmem:s0+$0x1A800] =	vst.msk vm0, v22  }
0x29c: {  	s31 =	simm.s32 $0x0;
	[tilespmem:s0+$0x1B880] =	vst.msk vm0, v23  }
0x29d: {  	v22 =	vld [tilespmem:s31+$0x8880];
	_ =	sdelay $0x4  }
0x29e: {  	vm15 =	vge.f32 v22, v20  }
0x29f: {  	v23 =	vmpcnt.ones.xlane vm15  }
0x2a0: {  	s29 =	spop (v2sf)  }
0x2a1: {  	s30 =	spop (v2sf);
	(v2sf) =	vpush v23, $0x0;
	_ =	sdelay $0x4  }
0x2a2: {  	s0 =	sadd.s32 s0, s29;
	s1 =	sshll.u32 s30, $0x7  }
0x2a3: {  	[tilespmem:s0+$0x1A800] =	vst.msk vm15, v22;
	v24 =	vor.u32 s1, v0  }
0x2a4: {  	s4 =	simm.s32 $0x10;
	s2 =	simm.s32 $0x80;
	[tilespmem:s0+$0x1B880] =	vst.msk vm15, v24  }
.LBB2_38:
0x2a5: {  	p0 =	seq.s32 s2, $0x1C0;
	v22 =	vld [tilespmem:s4+$0x8880];
	_ =	sdelay $0x4  }
0x2a6: {  	vm0 =	vge.f32 v22, v20  }
0x2a7: {  	v23 =	vmpcnt.ones.xlane vm0  }
0x2a8: {  	s4 =	spop (v2sf)  }
0x2a9: {  	s1 =	sadd.s32 $0x10, s1;
	(v2sf) =	vpush v23, $0x0;
	s0 =	sadd.s32 s0, s4  }
0x2aa: {  	v23 =	vor.u32 s1, v0;
	[tilespmem:s0+$0x1A800] =	vst.msk vm0, v22  }
0x2ab: {  	[tilespmem:s0+$0x1B880] =	vst.msk vm0, v23  }
.Ltmp18:
0x2ac: {  	(pc) =	sbr.rel @!p0 .LBB2_38-.Ltmp18, $2  }
0x2ad: {  	_ =	sdelay $0x2  }
0x2ae: {  	s4 =	sshra.s32 s2, $0x2;
	s2 =	sadd.s32 $0x40, s2  }
0x2af: {  	v22 =	vld [tilespmem:s4+$0x8880];
	_ =	sdelay $0x4  }
0x2b0: {  	vm0 =	vge.f32 v22, v20  }
0x2b1: {  	v23 =	vmpcnt.ones.xlane vm0;
	_ =	sdelay $0x1  }
0x2b2: {  	(v2sf) =	vpush v23, $0x0  }
0x2b3: {  	s2 =	spop (v2sf);
	(v2sf) =	vpush v21, $0x2;
	_ =	sdelay $0x3  }
0x2b4: {  	s1 =	sadd.s32 $0x10, s1;
	s0 =	sadd.s32 s0, s2  }
0x2b5: {  	v23 =	vor.u32 s1, v0;
	[tilespmem:s0+$0x1A800] =	vst.msk vm0, v22  }
0x2b6: {  	s31 =	simm.s32 $0x0;
	[tilespmem:s0+$0x1B880] =	vst.msk vm0, v23  }
0x2b7: {  	v22 =	vld [tilespmem:s31+$0x8900];
	_ =	sdelay $0x4  }
0x2b8: {  	vm15 =	vge.f32 v22, v20  }
0x2b9: {  	v23 =	vmpcnt.ones.xlane vm15  }
0x2ba: {  	s29 =	spop (v2sf)  }
0x2bb: {  	s30 =	spop (v2sf);
	(v2sf) =	vpush v23, $0x0;
	_ =	sdelay $0x4  }
0x2bc: {  	s0 =	sadd.s32 s0, s29;
	s1 =	sshll.u32 s30, $0x7  }
0x2bd: {  	[tilespmem:s0+$0x1A800] =	vst.msk vm15, v22;
	v24 =	vor.u32 s1, v0  }
0x2be: {  	s4 =	simm.s32 $0x10;
	s2 =	simm.s32 $0x80;
	[tilespmem:s0+$0x1B880] =	vst.msk vm15, v24  }
.LBB2_40:
0x2bf: {  	p0 =	seq.s32 s2, $0x1C0;
	v22 =	vld [tilespmem:s4+$0x8900];
	_ =	sdelay $0x4  }
0x2c0: {  	vm0 =	vge.f32 v22, v20  }
0x2c1: {  	v23 =	vmpcnt.ones.xlane vm0  }
0x2c2: {  	s4 =	spop (v2sf)  }
0x2c3: {  	s1 =	sadd.s32 $0x10, s1;
	(v2sf) =	vpush v23, $0x0;
	s0 =	sadd.s32 s0, s4  }
0x2c4: {  	v23 =	vor.u32 s1, v0;
	[tilespmem:s0+$0x1A800] =	vst.msk vm0, v22  }
0x2c5: {  	[tilespmem:s0+$0x1B880] =	vst.msk vm0, v23  }
.Ltmp19:
0x2c6: {  	(pc) =	sbr.rel @!p0 .LBB2_40-.Ltmp19, $2  }
0x2c7: {  	_ =	sdelay $0x2  }
0x2c8: {  	s4 =	sshra.s32 s2, $0x2;
	s2 =	sadd.s32 $0x40, s2  }
0x2c9: {  	v22 =	vld [tilespmem:s4+$0x8900];
	_ =	sdelay $0x4  }
0x2ca: {  	vm0 =	vge.f32 v22, v20  }
0x2cb: {  	v23 =	vmpcnt.ones.xlane vm0;
	_ =	sdelay $0x1  }
0x2cc: {  	(v2sf) =	vpush v23, $0x0  }
0x2cd: {  	s2 =	spop (v2sf);
	(v2sf) =	vpush v21, $0x3;
	_ =	sdelay $0x3  }
0x2ce: {  	s1 =	sadd.s32 $0x10, s1;
	s0 =	sadd.s32 s0, s2  }
0x2cf: {  	v23 =	vor.u32 s1, v0;
	[tilespmem:s0+$0x1A800] =	vst.msk vm0, v22  }
0x2d0: {  	s31 =	simm.s32 $0x0;
	[tilespmem:s0+$0x1B880] =	vst.msk vm0, v23  }
0x2d1: {  	v22 =	vld [tilespmem:s31+$0x8980];
	_ =	sdelay $0x4  }
0x2d2: {  	vm15 =	vge.f32 v22, v20  }
0x2d3: {  	v23 =	vmpcnt.ones.xlane vm15  }
0x2d4: {  	s29 =	spop (v2sf)  }
0x2d5: {  	s30 =	spop (v2sf);
	(v2sf) =	vpush v23, $0x0;
	_ =	sdelay $0x4  }
0x2d6: {  	s0 =	sadd.s32 s0, s29;
	s1 =	sshll.u32 s30, $0x7  }
0x2d7: {  	[tilespmem:s0+$0x1A800] =	vst.msk vm15, v22;
	v24 =	vor.u32 s1, v0  }
0x2d8: {  	s4 =	simm.s32 $0x10;
	s2 =	simm.s32 $0x80;
	[tilespmem:s0+$0x1B880] =	vst.msk vm15, v24  }
.LBB2_42:
0x2d9: {  	p0 =	seq.s32 s2, $0x1C0;
	v22 =	vld [tilespmem:s4+$0x8980];
	_ =	sdelay $0x4  }
0x2da: {  	vm0 =	vge.f32 v22, v20  }
0x2db: {  	v23 =	vmpcnt.ones.xlane vm0  }
0x2dc: {  	s4 =	spop (v2sf)  }
0x2dd: {  	s1 =	sadd.s32 $0x10, s1;
	(v2sf) =	vpush v23, $0x0;
	s0 =	sadd.s32 s0, s4  }
0x2de: {  	v23 =	vor.u32 s1, v0;
	[tilespmem:s0+$0x1A800] =	vst.msk vm0, v22  }
0x2df: {  	[tilespmem:s0+$0x1B880] =	vst.msk vm0, v23  }
.Ltmp20:
0x2e0: {  	(pc) =	sbr.rel @!p0 .LBB2_42-.Ltmp20, $2  }
0x2e1: {  	_ =	sdelay $0x2  }
0x2e2: {  	s4 =	sshra.s32 s2, $0x2;
	s2 =	sadd.s32 $0x40, s2  }
0x2e3: {  	v22 =	vld [tilespmem:s4+$0x8980];
	_ =	sdelay $0x4  }
0x2e4: {  	vm0 =	vge.f32 v22, v20  }
0x2e5: {  	v23 =	vmpcnt.ones.xlane vm0;
	_ =	sdelay $0x1  }
0x2e6: {  	(v2sf) =	vpush v23, $0x0  }
0x2e7: {  	s2 =	spop (v2sf);
	(v2sf) =	vpush v21, $0x4;
	_ =	sdelay $0x3  }
0x2e8: {  	s1 =	sadd.s32 $0x10, s1;
	s0 =	sadd.s32 s0, s2  }
0x2e9: {  	v23 =	vor.u32 s1, v0;
	[tilespmem:s0+$0x1A800] =	vst.msk vm0, v22  }
0x2ea: {  	s31 =	simm.s32 $0x0;
	[tilespmem:s0+$0x1B880] =	vst.msk vm0, v23  }
0x2eb: {  	v22 =	vld [tilespmem:s31+$0x8A00];
	_ =	sdelay $0x4  }
0x2ec: {  	vm15 =	vge.f32 v22, v20  }
0x2ed: {  	v23 =	vmpcnt.ones.xlane vm15  }
0x2ee: {  	s29 =	spop (v2sf)  }
0x2ef: {  	s30 =	spop (v2sf);
	(v2sf) =	vpush v23, $0x0;
	_ =	sdelay $0x4  }
0x2f0: {  	s0 =	sadd.s32 s0, s29;
	s1 =	sshll.u32 s30, $0x7  }
0x2f1: {  	[tilespmem:s0+$0x1A800] =	vst.msk vm15, v22;
	v24 =	vor.u32 s1, v0  }
0x2f2: {  	s4 =	simm.s32 $0x10;
	s2 =	simm.s32 $0x80;
	[tilespmem:s0+$0x1B880] =	vst.msk vm15, v24  }
.LBB2_44:
0x2f3: {  	p0 =	seq.s32 s2, $0x1C0;
	v22 =	vld [tilespmem:s4+$0x8A00];
	_ =	sdelay $0x4  }
0x2f4: {  	vm0 =	vge.f32 v22, v20  }
0x2f5: {  	v23 =	vmpcnt.ones.xlane vm0  }
0x2f6: {  	s4 =	spop (v2sf)  }
0x2f7: {  	s1 =	sadd.s32 $0x10, s1;
	(v2sf) =	vpush v23, $0x0;
	s0 =	sadd.s32 s0, s4  }
0x2f8: {  	v23 =	vor.u32 s1, v0;
	[tilespmem:s0+$0x1A800] =	vst.msk vm0, v22  }
0x2f9: {  	[tilespmem:s0+$0x1B880] =	vst.msk vm0, v23  }
.Ltmp21:
0x2fa: {  	(pc) =	sbr.rel @!p0 .LBB2_44-.Ltmp21, $2  }
0x2fb: {  	_ =	sdelay $0x2  }
0x2fc: {  	s4 =	sshra.s32 s2, $0x2;
	s2 =	sadd.s32 $0x40, s2  }
0x2fd: {  	v22 =	vld [tilespmem:s4+$0x8A00];
	_ =	sdelay $0x4  }
0x2fe: {  	vm0 =	vge.f32 v22, v20  }
0x2ff: {  	v23 =	vmpcnt.ones.xlane vm0;
	_ =	sdelay $0x1  }
0x300: {  	(v2sf) =	vpush v23, $0x0  }
0x301: {  	s2 =	spop (v2sf);
	(v2sf) =	vpush v21, $0x5;
	_ =	sdelay $0x3  }
0x302: {  	s1 =	sadd.s32 $0x10, s1;
	s0 =	sadd.s32 s0, s2  }
0x303: {  	v23 =	vor.u32 s1, v0;
	[tilespmem:s0+$0x1A800] =	vst.msk vm0, v22  }
0x304: {  	s31 =	simm.s32 $0x0;
	[tilespmem:s0+$0x1B880] =	vst.msk vm0, v23  }
0x305: {  	v22 =	vld [tilespmem:s31+$0x8A80];
	_ =	sdelay $0x4  }
0x306: {  	vm15 =	vge.f32 v22, v20  }
0x307: {  	v23 =	vmpcnt.ones.xlane vm15  }
0x308: {  	s29 =	spop (v2sf)  }
0x309: {  	s30 =	spop (v2sf);
	(v2sf) =	vpush v23, $0x0;
	_ =	sdelay $0x4  }
0x30a: {  	s0 =	sadd.s32 s0, s29;
	s1 =	sshll.u32 s30, $0x7  }
0x30b: {  	[tilespmem:s0+$0x1A800] =	vst.msk vm15, v22;
	v24 =	vor.u32 s1, v0  }
0x30c: {  	s4 =	simm.s32 $0x10;
	s2 =	simm.s32 $0x80;
	[tilespmem:s0+$0x1B880] =	vst.msk vm15, v24  }
.LBB2_46:
0x30d: {  	p0 =	seq.s32 s2, $0x1C0;
	v22 =	vld [tilespmem:s4+$0x8A80];
	_ =	sdelay $0x4  }
0x30e: {  	vm0 =	vge.f32 v22, v20  }
0x30f: {  	v23 =	vmpcnt.ones.xlane vm0  }
0x310: {  	s4 =	spop (v2sf)  }
0x311: {  	s1 =	sadd.s32 $0x10, s1;
	(v2sf) =	vpush v23, $0x0;
	s0 =	sadd.s32 s0, s4  }
0x312: {  	v23 =	vor.u32 s1, v0;
	[tilespmem:s0+$0x1A800] =	vst.msk vm0, v22  }
0x313: {  	[tilespmem:s0+$0x1B880] =	vst.msk vm0, v23  }
.Ltmp22:
0x314: {  	(pc) =	sbr.rel @!p0 .LBB2_46-.Ltmp22, $2  }
0x315: {  	_ =	sdelay $0x2  }
0x316: {  	s4 =	sshra.s32 s2, $0x2;
	s2 =	sadd.s32 $0x40, s2  }
0x317: {  	v22 =	vld [tilespmem:s4+$0x8A80];
	_ =	sdelay $0x4  }
0x318: {  	vm0 =	vge.f32 v22, v20  }
0x319: {  	v23 =	vmpcnt.ones.xlane vm0;
	_ =	sdelay $0x1  }
0x31a: {  	(v2sf) =	vpush v23, $0x0  }
0x31b: {  	s2 =	spop (v2sf);
	(v2sf) =	vpush v21, $0x6;
	_ =	sdelay $0x3  }
0x31c: {  	s1 =	sadd.s32 $0x10, s1;
	s0 =	sadd.s32 s0, s2  }
0x31d: {  	v23 =	vor.u32 s1, v0;
	[tilespmem:s0+$0x1A800] =	vst.msk vm0, v22  }
0x31e: {  	s31 =	simm.s32 $0x0;
	[tilespmem:s0+$0x1B880] =	vst.msk vm0, v23  }
0x31f: {  	v22 =	vld [tilespmem:s31+$0x8B00];
	_ =	sdelay $0x4  }
0x320: {  	vm15 =	vge.f32 v22, v20  }
0x321: {  	v23 =	vmpcnt.ones.xlane vm15  }
0x322: {  	s29 =	spop (v2sf)  }
0x323: {  	s30 =	spop (v2sf);
	(v2sf) =	vpush v23, $0x0;
	_ =	sdelay $0x4  }
0x324: {  	s0 =	sadd.s32 s0, s29;
	s1 =	sshll.u32 s30, $0x7  }
0x325: {  	[tilespmem:s0+$0x1A800] =	vst.msk vm15, v22;
	v24 =	vor.u32 s1, v0  }
0x326: {  	s4 =	simm.s32 $0x10;
	s2 =	simm.s32 $0x80;
	[tilespmem:s0+$0x1B880] =	vst.msk vm15, v24  }
.LBB2_48:
0x327: {  	p0 =	seq.s32 s2, $0x1C0;
	v22 =	vld [tilespmem:s4+$0x8B00];
	_ =	sdelay $0x4  }
0x328: {  	vm0 =	vge.f32 v22, v20  }
0x329: {  	v23 =	vmpcnt.ones.xlane vm0  }
0x32a: {  	s4 =	spop (v2sf)  }
0x32b: {  	s1 =	sadd.s32 $0x10, s1;
	(v2sf) =	vpush v23, $0x0;
	s0 =	sadd.s32 s0, s4  }
0x32c: {  	v23 =	vor.u32 s1, v0;
	[tilespmem:s0+$0x1A800] =	vst.msk vm0, v22  }
0x32d: {  	[tilespmem:s0+$0x1B880] =	vst.msk vm0, v23  }
.Ltmp23:
0x32e: {  	(pc) =	sbr.rel @!p0 .LBB2_48-.Ltmp23, $2  }
0x32f: {  	_ =	sdelay $0x2  }
0x330: {  	s4 =	sshra.s32 s2, $0x2;
	s2 =	sadd.s32 $0x40, s2  }
0x331: {  	v22 =	vld [tilespmem:s4+$0x8B00];
	_ =	sdelay $0x4  }
0x332: {  	vm0 =	vge.f32 v22, v20  }
0x333: {  	v23 =	vmpcnt.ones.xlane vm0;
	_ =	sdelay $0x1  }
0x334: {  	(v2sf) =	vpush v23, $0x0  }
0x335: {  	s2 =	spop (v2sf);
	(v2sf) =	vpush v21, $0x7;
	_ =	sdelay $0x3  }
0x336: {  	s1 =	sadd.s32 $0x10, s1;
	s0 =	sadd.s32 s0, s2  }
0x337: {  	v23 =	vor.u32 s1, v0;
	[tilespmem:s0+$0x1A800] =	vst.msk vm0, v22  }
0x338: {  	s31 =	simm.s32 $0x0;
	[tilespmem:s0+$0x1B880] =	vst.msk vm0, v23  }
0x339: {  	v22 =	vld [tilespmem:s31+$0x8B80];
	_ =	sdelay $0x4  }
0x33a: {  	vm15 =	vge.f32 v22, v20  }
0x33b: {  	v23 =	vmpcnt.ones.xlane vm15  }
0x33c: {  	s29 =	spop (v2sf)  }
0x33d: {  	s30 =	spop (v2sf);
	(v2sf) =	vpush v23, $0x0;
	_ =	sdelay $0x4  }
0x33e: {  	s0 =	sadd.s32 s0, s29;
	s1 =	sshll.u32 s30, $0x7  }
0x33f: {  	[tilespmem:s0+$0x1A800] =	vst.msk vm15, v22;
	v24 =	vor.u32 s1, v0  }
0x340: {  	s4 =	simm.s32 $0x10;
	s2 =	simm.s32 $0x80;
	[tilespmem:s0+$0x1B880] =	vst.msk vm15, v24  }
.LBB2_50:
0x341: {  	p0 =	seq.s32 s2, $0x1C0;
	v22 =	vld [tilespmem:s4+$0x8B80];
	_ =	sdelay $0x4  }
0x342: {  	vm0 =	vge.f32 v22, v20  }
0x343: {  	v23 =	vmpcnt.ones.xlane vm0  }
0x344: {  	s4 =	spop (v2sf)  }
0x345: {  	s1 =	sadd.s32 $0x10, s1;
	(v2sf) =	vpush v23, $0x0;
	s0 =	sadd.s32 s0, s4  }
0x346: {  	v23 =	vor.u32 s1, v0;
	[tilespmem:s0+$0x1A800] =	vst.msk vm0, v22  }
0x347: {  	[tilespmem:s0+$0x1B880] =	vst.msk vm0, v23  }
.Ltmp24:
0x348: {  	(pc) =	sbr.rel @!p0 .LBB2_50-.Ltmp24, $2  }
0x349: {  	_ =	sdelay $0x2  }
0x34a: {  	s4 =	sshra.s32 s2, $0x2;
	s2 =	sadd.s32 $0x40, s2  }
0x34b: {  	v22 =	vld [tilespmem:s4+$0x8B80];
	_ =	sdelay $0x4  }
0x34c: {  	vm0 =	vge.f32 v22, v20  }
0x34d: {  	v23 =	vmpcnt.ones.xlane vm0;
	_ =	sdelay $0x1  }
0x34e: {  	(v2sf) =	vpush v23, $0x0  }
0x34f: {  	s2 =	spop (v2sf);
	(v2sf) =	vpush v21, $0x8;
	_ =	sdelay $0x3  }
0x350: {  	s1 =	sadd.s32 $0x10, s1;
	s0 =	sadd.s32 s0, s2  }
0x351: {  	v23 =	vor.u32 s1, v0;
	[tilespmem:s0+$0x1A800] =	vst.msk vm0, v22  }
0x352: {  	s31 =	simm.s32 $0x0;
	[tilespmem:s0+$0x1B880] =	vst.msk vm0, v23  }
0x353: {  	v22 =	vld [tilespmem:s31+$0x8C00];
	_ =	sdelay $0x4  }
0x354: {  	vm15 =	vge.f32 v22, v20  }
0x355: {  	v23 =	vmpcnt.ones.xlane vm15  }
0x356: {  	s29 =	spop (v2sf)  }
0x357: {  	s30 =	spop (v2sf);
	(v2sf) =	vpush v23, $0x0;
	_ =	sdelay $0x4  }
0x358: {  	s0 =	sadd.s32 s0, s29;
	s1 =	sshll.u32 s30, $0x7  }
0x359: {  	[tilespmem:s0+$0x1A800] =	vst.msk vm15, v22;
	v24 =	vor.u32 s1, v0  }
0x35a: {  	s4 =	simm.s32 $0x10;
	s2 =	simm.s32 $0x80;
	[tilespmem:s0+$0x1B880] =	vst.msk vm15, v24  }
.LBB2_52:
0x35b: {  	p0 =	seq.s32 s2, $0x1C0;
	v22 =	vld [tilespmem:s4+$0x8C00];
	_ =	sdelay $0x4  }
0x35c: {  	vm0 =	vge.f32 v22, v20  }
0x35d: {  	v23 =	vmpcnt.ones.xlane vm0  }
0x35e: {  	s4 =	spop (v2sf)  }
0x35f: {  	s1 =	sadd.s32 $0x10, s1;
	(v2sf) =	vpush v23, $0x0;
	s0 =	sadd.s32 s0, s4  }
0x360: {  	v23 =	vor.u32 s1, v0;
	[tilespmem:s0+$0x1A800] =	vst.msk vm0, v22  }
0x361: {  	[tilespmem:s0+$0x1B880] =	vst.msk vm0, v23  }
.Ltmp25:
0x362: {  	(pc) =	sbr.rel @!p0 .LBB2_52-.Ltmp25, $2  }
0x363: {  	_ =	sdelay $0x2  }
0x364: {  	s4 =	sshra.s32 s2, $0x2;
	s2 =	sadd.s32 $0x40, s2  }
0x365: {  	v22 =	vld [tilespmem:s4+$0x8C00];
	_ =	sdelay $0x4  }
0x366: {  	vm0 =	vge.f32 v22, v20  }
0x367: {  	v23 =	vmpcnt.ones.xlane vm0;
	_ =	sdelay $0x1  }
0x368: {  	(v2sf) =	vpush v23, $0x0  }
0x369: {  	s2 =	spop (v2sf);
	(v2sf) =	vpush v21, $0x9;
	_ =	sdelay $0x3  }
0x36a: {  	s1 =	sadd.s32 $0x10, s1;
	s0 =	sadd.s32 s0, s2  }
0x36b: {  	v23 =	vor.u32 s1, v0;
	[tilespmem:s0+$0x1A800] =	vst.msk vm0, v22  }
0x36c: {  	s31 =	simm.s32 $0x0;
	[tilespmem:s0+$0x1B880] =	vst.msk vm0, v23  }
0x36d: {  	v22 =	vld [tilespmem:s31+$0x8C80];
	_ =	sdelay $0x4  }
0x36e: {  	vm15 =	vge.f32 v22, v20  }
0x36f: {  	v23 =	vmpcnt.ones.xlane vm15  }
0x370: {  	s29 =	spop (v2sf)  }
0x371: {  	s30 =	spop (v2sf);
	(v2sf) =	vpush v23, $0x0;
	_ =	sdelay $0x4  }
0x372: {  	s0 =	sadd.s32 s0, s29;
	s1 =	sshll.u32 s30, $0x7  }
0x373: {  	[tilespmem:s0+$0x1A800] =	vst.msk vm15, v22;
	v24 =	vor.u32 s1, v0  }
0x374: {  	s4 =	simm.s32 $0x10;
	s2 =	simm.s32 $0x80;
	[tilespmem:s0+$0x1B880] =	vst.msk vm15, v24  }
.LBB2_54:
0x375: {  	p0 =	seq.s32 s2, $0x1C0;
	v22 =	vld [tilespmem:s4+$0x8C80];
	_ =	sdelay $0x4  }
0x376: {  	vm0 =	vge.f32 v22, v20  }
0x377: {  	v23 =	vmpcnt.ones.xlane vm0  }
0x378: {  	s4 =	spop (v2sf)  }
0x379: {  	s1 =	sadd.s32 $0x10, s1;
	(v2sf) =	vpush v23, $0x0;
	s0 =	sadd.s32 s0, s4  }
0x37a: {  	v23 =	vor.u32 s1, v0;
	[tilespmem:s0+$0x1A800] =	vst.msk vm0, v22  }
0x37b: {  	[tilespmem:s0+$0x1B880] =	vst.msk vm0, v23  }
.Ltmp26:
0x37c: {  	(pc) =	sbr.rel @!p0 .LBB2_54-.Ltmp26, $2  }
0x37d: {  	_ =	sdelay $0x2  }
0x37e: {  	s4 =	sshra.s32 s2, $0x2;
	s2 =	sadd.s32 $0x40, s2  }
0x37f: {  	v22 =	vld [tilespmem:s4+$0x8C80];
	_ =	sdelay $0x4  }
0x380: {  	vm0 =	vge.f32 v22, v20  }
0x381: {  	v23 =	vmpcnt.ones.xlane vm0;
	_ =	sdelay $0x1  }
0x382: {  	(v2sf) =	vpush v23, $0x0  }
0x383: {  	s2 =	spop (v2sf);
	(v2sf) =	vpush v21, $0xA;
	_ =	sdelay $0x3  }
0x384: {  	s1 =	sadd.s32 $0x10, s1;
	s0 =	sadd.s32 s0, s2  }
0x385: {  	v23 =	vor.u32 s1, v0;
	[tilespmem:s0+$0x1A800] =	vst.msk vm0, v22  }
0x386: {  	s31 =	simm.s32 $0x0;
	[tilespmem:s0+$0x1B880] =	vst.msk vm0, v23  }
0x387: {  	v22 =	vld [tilespmem:s31+$0x8D00];
	_ =	sdelay $0x4  }
0x388: {  	vm15 =	vge.f32 v22, v20  }
0x389: {  	v23 =	vmpcnt.ones.xlane vm15  }
0x38a: {  	s29 =	spop (v2sf)  }
0x38b: {  	s30 =	spop (v2sf);
	(v2sf) =	vpush v23, $0x0;
	_ =	sdelay $0x4  }
0x38c: {  	s0 =	sadd.s32 s0, s29;
	s1 =	sshll.u32 s30, $0x7  }
0x38d: {  	[tilespmem:s0+$0x1A800] =	vst.msk vm15, v22;
	v24 =	vor.u32 s1, v0  }
0x38e: {  	s4 =	simm.s32 $0x10;
	s2 =	simm.s32 $0x80;
	[tilespmem:s0+$0x1B880] =	vst.msk vm15, v24  }
.LBB2_56:
0x38f: {  	p0 =	seq.s32 s2, $0x1C0;
	v22 =	vld [tilespmem:s4+$0x8D00];
	_ =	sdelay $0x4  }
0x390: {  	vm0 =	vge.f32 v22, v20  }
0x391: {  	v23 =	vmpcnt.ones.xlane vm0  }
0x392: {  	s4 =	spop (v2sf)  }
0x393: {  	s1 =	sadd.s32 $0x10, s1;
	(v2sf) =	vpush v23, $0x0;
	s0 =	sadd.s32 s0, s4  }
0x394: {  	v23 =	vor.u32 s1, v0;
	[tilespmem:s0+$0x1A800] =	vst.msk vm0, v22  }
0x395: {  	[tilespmem:s0+$0x1B880] =	vst.msk vm0, v23  }
.Ltmp27:
0x396: {  	(pc) =	sbr.rel @!p0 .LBB2_56-.Ltmp27, $2  }
0x397: {  	_ =	sdelay $0x2  }
0x398: {  	s4 =	sshra.s32 s2, $0x2;
	s2 =	sadd.s32 $0x40, s2  }
0x399: {  	v22 =	vld [tilespmem:s4+$0x8D00];
	_ =	sdelay $0x4  }
0x39a: {  	vm0 =	vge.f32 v22, v20  }
0x39b: {  	v23 =	vmpcnt.ones.xlane vm0;
	_ =	sdelay $0x1  }
0x39c: {  	(v2sf) =	vpush v23, $0x0  }
0x39d: {  	s2 =	spop (v2sf);
	(v2sf) =	vpush v21, $0xB;
	_ =	sdelay $0x3  }
0x39e: {  	s1 =	sadd.s32 $0x10, s1;
	s0 =	sadd.s32 s0, s2  }
0x39f: {  	v23 =	vor.u32 s1, v0;
	[tilespmem:s0+$0x1A800] =	vst.msk vm0, v22  }
0x3a0: {  	s31 =	simm.s32 $0x0;
	[tilespmem:s0+$0x1B880] =	vst.msk vm0, v23  }
0x3a1: {  	v22 =	vld [tilespmem:s31+$0x8D80];
	_ =	sdelay $0x4  }
0x3a2: {  	vm15 =	vge.f32 v22, v20  }
0x3a3: {  	v23 =	vmpcnt.ones.xlane vm15  }
0x3a4: {  	s29 =	spop (v2sf)  }
0x3a5: {  	s30 =	spop (v2sf);
	(v2sf) =	vpush v23, $0x0;
	_ =	sdelay $0x4  }
0x3a6: {  	s0 =	sadd.s32 s0, s29;
	s1 =	sshll.u32 s30, $0x7  }
0x3a7: {  	[tilespmem:s0+$0x1A800] =	vst.msk vm15, v22;
	v24 =	vor.u32 s1, v0  }
0x3a8: {  	s4 =	simm.s32 $0x10;
	s2 =	simm.s32 $0x80;
	[tilespmem:s0+$0x1B880] =	vst.msk vm15, v24  }
.LBB2_58:
0x3a9: {  	p0 =	seq.s32 s2, $0x1C0;
	v22 =	vld [tilespmem:s4+$0x8D80];
	_ =	sdelay $0x4  }
0x3aa: {  	vm0 =	vge.f32 v22, v20  }
0x3ab: {  	v23 =	vmpcnt.ones.xlane vm0  }
0x3ac: {  	s4 =	spop (v2sf)  }
0x3ad: {  	s1 =	sadd.s32 $0x10, s1;
	(v2sf) =	vpush v23, $0x0;
	s0 =	sadd.s32 s0, s4  }
0x3ae: {  	v23 =	vor.u32 s1, v0;
	[tilespmem:s0+$0x1A800] =	vst.msk vm0, v22  }
0x3af: {  	[tilespmem:s0+$0x1B880] =	vst.msk vm0, v23  }
.Ltmp28:
0x3b0: {  	(pc) =	sbr.rel @!p0 .LBB2_58-.Ltmp28, $2  }
0x3b1: {  	_ =	sdelay $0x2  }
0x3b2: {  	s4 =	sshra.s32 s2, $0x2;
	s2 =	sadd.s32 $0x40, s2  }
0x3b3: {  	v22 =	vld [tilespmem:s4+$0x8D80];
	_ =	sdelay $0x4  }
0x3b4: {  	vm0 =	vge.f32 v22, v20  }
0x3b5: {  	v23 =	vmpcnt.ones.xlane vm0;
	_ =	sdelay $0x1  }
0x3b6: {  	(v2sf) =	vpush v23, $0x0  }
0x3b7: {  	s2 =	spop (v2sf);
	(v2sf) =	vpush v21, $0xC;
	_ =	sdelay $0x3  }
0x3b8: {  	s1 =	sadd.s32 $0x10, s1;
	s0 =	sadd.s32 s0, s2  }
0x3b9: {  	v23 =	vor.u32 s1, v0;
	[tilespmem:s0+$0x1A800] =	vst.msk vm0, v22  }
0x3ba: {  	s31 =	simm.s32 $0x0;
	[tilespmem:s0+$0x1B880] =	vst.msk vm0, v23  }
0x3bb: {  	v22 =	vld [tilespmem:s31+$0x8E00];
	_ =	sdelay $0x4  }
0x3bc: {  	vm15 =	vge.f32 v22, v20  }
0x3bd: {  	v23 =	vmpcnt.ones.xlane vm15  }
0x3be: {  	s29 =	spop (v2sf)  }
0x3bf: {  	s30 =	spop (v2sf);
	(v2sf) =	vpush v23, $0x0;
	_ =	sdelay $0x4  }
0x3c0: {  	s0 =	sadd.s32 s0, s29;
	s1 =	sshll.u32 s30, $0x7  }
0x3c1: {  	[tilespmem:s0+$0x1A800] =	vst.msk vm15, v22;
	v24 =	vor.u32 s1, v0  }
0x3c2: {  	s4 =	simm.s32 $0x10;
	s2 =	simm.s32 $0x80;
	[tilespmem:s0+$0x1B880] =	vst.msk vm15, v24  }
.LBB2_60:
0x3c3: {  	p0 =	seq.s32 s2, $0x1C0;
	v22 =	vld [tilespmem:s4+$0x8E00];
	_ =	sdelay $0x4  }
0x3c4: {  	vm0 =	vge.f32 v22, v20  }
0x3c5: {  	v23 =	vmpcnt.ones.xlane vm0  }
0x3c6: {  	s4 =	spop (v2sf)  }
0x3c7: {  	s1 =	sadd.s32 $0x10, s1;
	(v2sf) =	vpush v23, $0x0;
	s0 =	sadd.s32 s0, s4  }
0x3c8: {  	v23 =	vor.u32 s1, v0;
	[tilespmem:s0+$0x1A800] =	vst.msk vm0, v22  }
0x3c9: {  	[tilespmem:s0+$0x1B880] =	vst.msk vm0, v23  }
.Ltmp29:
0x3ca: {  	(pc) =	sbr.rel @!p0 .LBB2_60-.Ltmp29, $2  }
0x3cb: {  	_ =	sdelay $0x2  }
0x3cc: {  	s4 =	sshra.s32 s2, $0x2;
	s2 =	sadd.s32 $0x40, s2  }
0x3cd: {  	v22 =	vld [tilespmem:s4+$0x8E00];
	_ =	sdelay $0x4  }
0x3ce: {  	vm0 =	vge.f32 v22, v20  }
0x3cf: {  	v23 =	vmpcnt.ones.xlane vm0;
	_ =	sdelay $0x1  }
0x3d0: {  	(v2sf) =	vpush v23, $0x0  }
0x3d1: {  	s2 =	spop (v2sf);
	(v2sf) =	vpush v21, $0xD;
	_ =	sdelay $0x3  }
0x3d2: {  	s1 =	sadd.s32 $0x10, s1;
	s0 =	sadd.s32 s0, s2  }
0x3d3: {  	v23 =	vor.u32 s1, v0;
	[tilespmem:s0+$0x1A800] =	vst.msk vm0, v22  }
0x3d4: {  	s31 =	simm.s32 $0x0;
	[tilespmem:s0+$0x1B880] =	vst.msk vm0, v23  }
0x3d5: {  	v22 =	vld [tilespmem:s31+$0x8E80];
	_ =	sdelay $0x4  }
0x3d6: {  	vm15 =	vge.f32 v22, v20  }
0x3d7: {  	v23 =	vmpcnt.ones.xlane vm15  }
0x3d8: {  	s29 =	spop (v2sf)  }
0x3d9: {  	s30 =	spop (v2sf);
	(v2sf) =	vpush v23, $0x0;
	_ =	sdelay $0x4  }
0x3da: {  	s0 =	sadd.s32 s0, s29;
	s1 =	sshll.u32 s30, $0x7  }
0x3db: {  	[tilespmem:s0+$0x1A800] =	vst.msk vm15, v22;
	v24 =	vor.u32 s1, v0  }
0x3dc: {  	s4 =	simm.s32 $0x10;
	s2 =	simm.s32 $0x80;
	[tilespmem:s0+$0x1B880] =	vst.msk vm15, v24  }
.LBB2_62:
0x3dd: {  	p0 =	seq.s32 s2, $0x1C0;
	v22 =	vld [tilespmem:s4+$0x8E80];
	_ =	sdelay $0x4  }
0x3de: {  	vm0 =	vge.f32 v22, v20  }
0x3df: {  	v23 =	vmpcnt.ones.xlane vm0  }
0x3e0: {  	s4 =	spop (v2sf)  }
0x3e1: {  	s1 =	sadd.s32 $0x10, s1;
	(v2sf) =	vpush v23, $0x0;
	s0 =	sadd.s32 s0, s4  }
0x3e2: {  	v23 =	vor.u32 s1, v0;
	[tilespmem:s0+$0x1A800] =	vst.msk vm0, v22  }
0x3e3: {  	[tilespmem:s0+$0x1B880] =	vst.msk vm0, v23  }
.Ltmp30:
0x3e4: {  	(pc) =	sbr.rel @!p0 .LBB2_62-.Ltmp30, $2  }
0x3e5: {  	_ =	sdelay $0x2  }
0x3e6: {  	s4 =	sshra.s32 s2, $0x2;
	s2 =	sadd.s32 $0x40, s2  }
0x3e7: {  	v22 =	vld [tilespmem:s4+$0x8E80];
	_ =	sdelay $0x4  }
0x3e8: {  	vm0 =	vge.f32 v22, v20  }
0x3e9: {  	v23 =	vmpcnt.ones.xlane vm0;
	_ =	sdelay $0x1  }
0x3ea: {  	(v2sf) =	vpush v23, $0x0  }
0x3eb: {  	s2 =	spop (v2sf);
	(v2sf) =	vpush v21, $0xE;
	_ =	sdelay $0x3  }
0x3ec: {  	s1 =	sadd.s32 $0x10, s1;
	s0 =	sadd.s32 s0, s2  }
0x3ed: {  	v23 =	vor.u32 s1, v0;
	[tilespmem:s0+$0x1A800] =	vst.msk vm0, v22  }
0x3ee: {  	s31 =	simm.s32 $0x0;
	[tilespmem:s0+$0x1B880] =	vst.msk vm0, v23  }
0x3ef: {  	v22 =	vld [tilespmem:s31+$0x8F00];
	_ =	sdelay $0x4  }
0x3f0: {  	vm15 =	vge.f32 v22, v20  }
0x3f1: {  	v23 =	vmpcnt.ones.xlane vm15  }
0x3f2: {  	s29 =	spop (v2sf)  }
0x3f3: {  	s30 =	spop (v2sf);
	(v2sf) =	vpush v23, $0x0;
	_ =	sdelay $0x4  }
0x3f4: {  	s0 =	sadd.s32 s0, s29;
	s1 =	sshll.u32 s30, $0x7  }
0x3f5: {  	[tilespmem:s0+$0x1A800] =	vst.msk vm15, v22;
	v24 =	vor.u32 s1, v0  }
0x3f6: {  	s4 =	simm.s32 $0x10;
	s2 =	simm.s32 $0x80;
	[tilespmem:s0+$0x1B880] =	vst.msk vm15, v24  }
.LBB2_64:
0x3f7: {  	p0 =	seq.s32 s2, $0x1C0;
	v22 =	vld [tilespmem:s4+$0x8F00];
	_ =	sdelay $0x4  }
0x3f8: {  	vm0 =	vge.f32 v22, v20  }
0x3f9: {  	v23 =	vmpcnt.ones.xlane vm0  }
0x3fa: {  	s4 =	spop (v2sf)  }
0x3fb: {  	s1 =	sadd.s32 $0x10, s1;
	(v2sf) =	vpush v23, $0x0;
	s0 =	sadd.s32 s0, s4  }
0x3fc: {  	v23 =	vor.u32 s1, v0;
	[tilespmem:s0+$0x1A800] =	vst.msk vm0, v22  }
0x3fd: {  	[tilespmem:s0+$0x1B880] =	vst.msk vm0, v23  }
.Ltmp31:
0x3fe: {  	(pc) =	sbr.rel @!p0 .LBB2_64-.Ltmp31, $2  }
0x3ff: {  	_ =	sdelay $0x2  }
0x400: {  	s4 =	sshra.s32 s2, $0x2;
	s2 =	sadd.s32 $0x40, s2  }
0x401: {  	v22 =	vld [tilespmem:s4+$0x8F00];
	_ =	sdelay $0x4  }
0x402: {  	vm0 =	vge.f32 v22, v20  }
0x403: {  	v23 =	vmpcnt.ones.xlane vm0;
	_ =	sdelay $0x1  }
0x404: {  	(v2sf) =	vpush v23, $0x0  }
0x405: {  	s2 =	spop (v2sf);
	(v2sf) =	vpush v21, $0xF;
	_ =	sdelay $0x3  }
0x406: {  	s1 =	sadd.s32 $0x10, s1;
	s0 =	sadd.s32 s0, s2  }
0x407: {  	v23 =	vor.u32 s1, v0;
	[tilespmem:s0+$0x1A800] =	vst.msk vm0, v22  }
0x408: {  	s31 =	simm.s32 $0x0;
	[tilespmem:s0+$0x1B880] =	vst.msk vm0, v23  }
0x409: {  	v21 =	vld [tilespmem:s31+$0x8F80];
	_ =	sdelay $0x4  }
0x40a: {  	vm15 =	vge.f32 v21, v20  }
0x40b: {  	v22 =	vmpcnt.ones.xlane vm15  }
0x40c: {  	s29 =	spop (v2sf)  }
0x40d: {  	s30 =	spop (v2sf);
	(v2sf) =	vpush v22, $0x0;
	_ =	sdelay $0x4  }
0x40e: {  	s1 =	sadd.s32 s0, s29;
	s0 =	sshll.u32 s30, $0x7  }
0x40f: {  	[tilespmem:s1+$0x1A800] =	vst.msk vm15, v21;
	v23 =	vor.u32 s0, v0  }
0x410: {  	s4 =	simm.s32 $0x10;
	s2 =	simm.s32 $0x80;
	[tilespmem:s1+$0x1B880] =	vst.msk vm15, v23  }
.LBB2_66:
0x411: {  	p0 =	sne.s32 s2, $0x1C0;
	v21 =	vld [tilespmem:s4+$0x8F80];
	_ =	sdelay $0x4  }
0x412: {  	vm0 =	vge.f32 v21, v20  }
0x413: {  	v22 =	vmpcnt.ones.xlane vm0  }
0x414: {  	s4 =	spop (v2sf)  }
0x415: {  	s0 =	sadd.s32 $0x10, s0;
	(v2sf) =	vpush v22, $0x0;
	s1 =	sadd.s32 s1, s4  }
0x416: {  	v22 =	vor.u32 s0, v0;
	[tilespmem:s1+$0x1A800] =	vst.msk vm0, v21  }
0x417: {  	[tilespmem:s1+$0x1B880] =	vst.msk vm0, v22  }
.Ltmp32:
0x418: {  	(pc) =	sbr.rel @p0 .LBB2_66-.Ltmp32, $2  }
0x419: {  	_ =	sdelay $0x2  }
0x41a: {  	s4 =	sshra.s32 s2, $0x2;
	s2 =	sadd.s32 $0x40, s2  }
0x41b: {  	v21 =	vld [tilespmem:s4+$0x8F80];
	_ =	sdelay $0x4  }
0x41c: {  	vm0 =	vge.f32 v21, v20  }
0x41d: {  	v20 =	vmpcnt.ones.xlane vm0;
	_ =	sdelay $0x1  }
0x41e: {  	(v2sf) =	vpush v20, $0x0;
	_ =	sdelay $0xd  }
0x41f: {  	s2 =	spop (v2sf)  }
0x420: {  	s28 =	sadd.s32 s1, s2;
	s29 =	spop (v2sf)  }
0x421: {  	s1 =	sadd.s32 s28, s29  }
0x422: {  	s30 =	sadd.s32 $0xF, s1  }
0x423: {  	s5 =	sand.u32 $0xF, s30  }
0x424: {  	s31 =	sshra.s32 s30, $0x1F;
	p1 =	slt.s32 s30, $0x1;
	p0 =	sne.s32 s5, $0x0  }
0x425: {  	s5 =	sshrl.u32 s31, $0x1C;
	p0 =	por !p1, !p0  }
0x426: {  	s2 =	sadd.s32 s5, s30;
	s5 =	simm.s32 $0x1;
	p0 =	por !p0, !p0  }
0x427: {  	s2 =	sshra.s32 s2, $0x4;
	s5 =	simm.s32 @!p0 $0x0  }
0x428: {  	s2 =	ssub.s32 s2, s5  }
0x429: {  	p0 =	slt.s32 s2, $0x1  }
.Ltmp33:
0x42a: {  	_ = 	snop;
	(pc) =	sbr.rel @p0 .LBB2_68-.Ltmp33, $4  }
0x42b: {  	_ = 	snop  }
0x42c: {  	s0 =	sadd.s32 $0x10, s0  }
0x42d: {  	v20 =	vor.u32 s0, v0;
	[tilespmem:s28+$0x1A800] =	vst.msk vm0, v21  }
0x42e: {  	[tilespmem:s28+$0x1B880] =	vst.msk vm0, v20  }
0x42f: {  	s0 =	simm.s32 $0x1A800  }
0x430: {  	s4 =	simm.s32 $0x1B880;
	v20 =	vld [tilespmem:s0+$0x0]  }
0x431: {  	p2 =	sne.s32 s2, $0x1;
	v23 =	vld [tilespmem:s4+$0x0]  }
.Ltmp34:
0x432: {  	s31 =	simm.s32 $0x0;
	(pc) =	sbr.rel @!p2 .LBB2_70-.Ltmp34, $4  }
0x433: {  	v22 =	vmov s1;
	v21 =	vor.u32 s31, v0  }
0x434: {  	vm0 =	vlt.s32 v21, v22  }
0x435: {  	v24 =	vnsel vm0, $0xFF800000, v20  }
0x436: {  	p0 =	por $0x0, $0x0;
	p1 =	por $0x0, $0x0;
	s0 =	sadd.s32 $0xFFFFFFFF, s2;
	v21 =	vimm.f32 $-Inf;
	v20 =	vimm.s32 $0x0;
	(xrf1) =	vsort.dscd.msk.f32 $0xffff, v24, v23  }
0x437: {  	_ =	sdelay $0x6  }
0x438: {  	s1 =	simm.s32 $0x1A810  }
0x439: {  	s30 =	simm.s32 $0x1B890;
	s31 =	simm.s32 $0x10;
	v24 =	vld [tilespmem:s1+$0x0]  }
0x43a: {  	p2 =	sne.s32 s0, $0x1;
	v25 =	vld [tilespmem:s30+$0x0];
	v23 =	vor.u32 s31, v0  }
.Ltmp35:
0x43b: {  	_ = 	snop;
	(pc) =	sbr.rel @!p2 .LBB2_72-.Ltmp35, $4  }
0x43c: {  	_ = 	snop  }
0x43d: {  	vm0 =	vlt.s32 v23, v22  }
0x43e: {  	v27 =	vnsel vm0, $0xFF800000, v24;
	v26, v23, _ =	vpop (xrf1)  }
0x43f: {  	s4 =	sadd.s32 $0xFFFFFFFF, s0;
	p0 =	por $0x1, $0x1;
	(xrf1) =	vsort.dscd.msk.f32 $0xffff, v27, v25;
	v24 =	vperm.xlane v26, v1  }
0x440: {  	_ =	sdelay $0x6  }
0x441: {  	s0 =	simm.s32 $0x1A820;
	v23 =	vperm.xlane v23, v1;
	vm0 =	vge.f32 v21, v24  }
0x442: {  	s1 =	simm.s32 $0x1B8A0;
	v25 =	vld [tilespmem:s0+$0x0];
	v24 =	vsel vm0, v21, v24  }
0x443: {  	p2 =	sne.s32 s4, $0x1;
	v26 =	vld [tilespmem:s1+$0x0];
	v23 =	vsel vm0, v20, v23;
	vm1 =	vge.f32 v21, v24  }
.Ltmp36:
0x444: {  	s2 =	simm.s32 $0x20;
	v27 =	vsel vm1, v24, v21;
	v28 =	vsel vm1, v23, v20;
	(pc) =	sbr.rel @!p2 .LBB2_75-.Ltmp36, $4  }
0x445: {  	v29 =	vor.u32 s2, v0;
	v24 =	vsel vm1, v21, v24;
	v30 =	vsel vm1, v20, v23;
	(xrf1) =	vsort.dscd.msk.f32 $0xffff, v27, v28  }
0x446: {  	vm15 =	vlt.s32 v29, v22;
	(xrf1) =	vsort.dscd.msk.f32 $0xffff, v24, v30  }
0x447: {  	v25 =	vnsel vm15, $0xFF800000, v25;
	v27, v23, _ =	vpop (xrf1)  }
0x448: {  	s4 =	sadd.s32 $0xFFFFFFFF, s4;
	p1 =	por $0x1, $0x1;
	(xrf1) =	vsort.dscd.msk.f32 $0xffff, v25, v26;
	v24 =	vperm.xlane v27, v1  }
.LBB2_74:
0x449: {  	_ = 	snop  }
0x44a: {  	p2 =	sne.s32 s4, $0x1;
	s4 =	sadd.s32 $0xFFFFFFFF, s4;
	_ =	sdelay $0x8  }
0x44b: {  	v25, v26, _ =	vpop (xrf1)  }
0x44c: {  	s0 =	sadd.s32 $0x10, s0;
	v27 =	vperm.xlane v23, v1;
	vm0 =	vge.f32 v25, v24;
	v28, v29, _ =	vpop (xrf1)  }
0x44d: {  	s1 =	sadd.s32 $0x10, s1;
	v30 =	vld [tilespmem:s0+$0x0];
	v25 =	vsel vm0, v25, v24  }
0x44e: {  	v26 =	vsel vm0, v26, v27;
	v31 =	vld [tilespmem:s1+$0x0];
	v24, v23, _ =	vpop (xrf1);
	vm0 =	vge.f32 v28, v25  }
.Ltmp37:
0x44f: {  	s2 =	sadd.s32 $0x10, s2;
	v24 =	vperm.xlane v24, v1;
	v27 =	vsel vm0, v25, v28;
	v32 =	vsel vm0, v26, v29;
	(pc) =	sbr.rel @p2 .LBB2_74-.Ltmp37, $4  }
0x450: {  	v33 =	vor.u32 s2, v0;
	v25 =	vsel vm0, v28, v25;
	v26 =	vsel vm0, v29, v26;
	(xrf1) =	vsort.dscd.msk.f32 $0xffff, v27, v32  }
0x451: {  	vm0 =	vlt.s32 v33, v22;
	(xrf1) =	vsort.dscd.msk.f32 $0xffff, v25, v26  }
0x452: {  	v25 =	vnsel vm0, $0xFF800000, v30  }
0x453: {  	(xrf1) =	vsort.dscd.msk.f32 $0xffff, v25, v31  }
.LBB2_75:
0x454: {  	_ =	sdelay $0x9  }
0x455: {  	v22, v25, _ =	vpop @p1 (xrf1)  }
0x456: {  	v22 =	vpsel p1, v22, v21  }
0x457: {  	v23 =	vperm.xlane @p0 v23, v1;
	v26, v27, _ =	vpop @p1 (xrf1);
	vm0 =	vge.f32 @p0 v22, v24  }
0x458: {  	v22 =	vsel @p0 vm0, v22, v24;
	v24 =	vpsel p1, v25, v20;
	v25 =	vpsel p1, v26, v21  }
0x459: {  	v23 =	vsel @p0 vm0, v24, v23;
	vm0 =	vge.f32 @p0 v25, v22;
	v24 =	vpsel p1, v27, v20  }
0x45a: {  	v26 =	vsel @p0 vm0, v22, v25;
	v27 =	vsel @p0 vm0, v23, v24  }
0x45b: {  	(xrf1) =	vsort.dscd.msk.f32 @p0 $0xffff, v26, v27  }
0x45c: {  	v22 =	vsel @p0 vm0, v25, v22;
	v23 =	vsel @p0 vm0, v24, v23  }
0x45d: {  	(xrf1) =	vsort.dscd.msk.f32 @p0 $0xffff, v22, v23;
	_ =	sdelay $0xa  }
0x45e: {  	v22, v23, _ =	vpop (xrf1)  }
0x45f: {  	v22 =	vperm.xlane v22, v1;
	v24, v25, _ =	vpop @p0 (xrf1)  }
0x460: {  	v24 =	vpsel p0, v24, v21  }
0x461: {  	v23 =	vperm.xlane v23, v1;
	v26, v27, _ =	vpop @p0 (xrf1);
	vm14 =	vge.f32 v24, v22  }
0x462: {  	v63 =	vpsel p0, v26, v21;
	v22 =	vsel vm14, v24, v22;
	v24 =	vpsel p0, v25, v20  }
0x463: {  	v20 =	vpsel p0, v27, v20;
	v23 =	vsel vm14, v24, v23;
	vm15 =	vge.f32 v63, v22  }
0x464: {  	v24 =	vsel vm15, v22, v63;
	v25 =	vsel vm15, v23, v20  }
0x465: {  	v21 =	vsel vm15, v63, v22;
	v20 =	vsel vm15, v20, v23;
	(xrf1) =	vsort.dscd.msk.f32 $0xffff, v24, v25  }
0x466: {  	(xrf1) =	vsort.dscd.msk.f32 $0xffff, v21, v20;
	_ =	sdelay $0x9  }
.Ltmp38:
0x467: {  	_ = 	snop;
	(pc) =	sbr.rel .LBB2_76-.Ltmp38, $3  }
0x468: {  	_ =	sdelay $0x1  }
0x469: {  	v51, v26, _ =	vpop (xrf1)  }
0x46a: {  	v35, v24, _ =	vpop (xrf1)  }
.LBB2_68:
0x46b: {  	v24 =	vimm.s32 $0x0  }
0x46c: {  	v35 =	vimm.f32 $-Inf;
	v51 =	vimm.f32 $-Inf;
	v26 =	vimm.s32 $0x0  }
.LBB2_76:
0x46d: {  	v20 =	vshll.u32 v24, $0x4  }
0x46e: {  	v21 =	vand.u32 $0x7, v24;
	v20 =	vand.u32 $0xFFFFFF80, v20  }
0x46f: {  	v62 =	vand.u32 $0x7, v0;
	v22 =	vshrl.u32 v0, $0x3;
	v20 =	vor.u32 v21, v20  }
0x470: {  	v22 =	vmul.u32 $0x8, v22;
	v23 =	vperm.xlane v20, v62;
	_ =	sdelay $0x1  }
0x471: {  	v23 =	vadd.s32 v22, v23;
	_ =	sdelay $0x1  }
0x472: {  	_ =	strace $0x9000004B  }
0x473: {  	_ =	strace $0x8000004C;
	[tilespmem:$0x1C900] =	vst v24  }
0x474: {  	vm0 =	vmmov $0xffff;
	s0 =	simm.s32 $0x0;
	s2 =	simm.s32 $0x9000;
	[tilespmem:$0x1C910] =	vst v26;
	s1 =	rddreg [dreg:$0x1]  }
0x475: {  	[tilespmem:s2], [sflag:$0x4] =	stream.indirect_vreg.gather [hbm4b:s1+s0], $0x80, v23, vm0, $0x2000b8;
	[tilespmem:$0x1CA00] =	vst v63  }
0x476: {  	s3 =	simm.s32 $0x9800;
	s24 =	rddreg [dreg:$0x8]  }
0x477: {  	[tilespmem:s3], [sflag:$0x4] =	stream.indirect_vreg.gather [hbm4b:s24+s0], $0x80, v23, vm0, $0x2000b8;
	[tilespmem:$0x1CA00] =	vst v63  }
0x478: {  	s4 =	simm.s32 $0xA000;
	s3 =	rddreg [dreg:$0x9]  }
0x479: {  	[tilespmem:s4], [sflag:$0x4] =	stream.indirect_vreg.gather [hbm4b:s3+s0], $0x80, v23, vm0, $0x2000b8;
	[tilespmem:$0x1CA00] =	vst v63  }
0x47a: {  	s5 =	simm.s32 $0xA800;
	s4 =	rddreg [dreg:$0xa]  }
0x47b: {  	[tilespmem:s5], [sflag:$0x4] =	stream.indirect_vreg.gather [hbm4b:s4+s0], $0x80, v23, vm0, $0x2000b8;
	[tilespmem:$0x1CA00] =	vst v63  }
0x47c: {  	s6 =	simm.s32 $0xB000;
	s5 =	rddreg [dreg:$0xb]  }
0x47d: {  	v25 =	vor.u32 $0x8, v0;
	[tilespmem:s6], [sflag:$0x4] =	stream.indirect_vreg.gather [hbm4b:s5+s0], $0x80, v23, vm0, $0x2000b8;
	[tilespmem:$0x1CA00] =	vst v63  }
0x47e: {  	s7 =	simm.s32 $0xB800;
	v20 =	vperm.xlane v20, v25;
	s6 =	rddreg [dreg:$0xc]  }
0x47f: {  	[tilespmem:s7], [sflag:$0x4] =	stream.indirect_vreg.gather [hbm4b:s6+s0], $0x80, v23, vm0, $0x2000b8;
	[tilespmem:$0x1CA00] =	vst v63  }
0x480: {  	s8 =	simm.s32 $0xC000;
	v20 =	vadd.s32 v22, v20;
	s7 =	rddreg [dreg:$0xd]  }
0x481: {  	[tilespmem:s8], [sflag:$0x4] =	stream.indirect_vreg.gather [hbm4b:s7+s0], $0x80, v23, vm0, $0x2000b8;
	[tilespmem:$0x1CA00] =	vst v63  }
0x482: {  	s9 =	simm.s32 $0xC800;
	s8 =	rddreg [dreg:$0xe]  }
0x483: {  	[tilespmem:s9], [sflag:$0x4] =	stream.indirect_vreg.gather [hbm4b:s8+s0], $0x80, v23, vm0, $0x2000b8;
	[tilespmem:$0x1CA00] =	vst v63  }
0x484: {  	s25 =	simm.s32 $0xD000  }
0x485: {  	[tilespmem:s25], [sflag:$0x4] =	stream.indirect_vreg.gather [hbm4b:s1+s0], $0x80, v20, vm0, $0x2000b8;
	[tilespmem:$0x1CA00] =	vst v63  }
0x486: {  	s26 =	simm.s32 $0xD800  }
0x487: {  	[tilespmem:s26], [sflag:$0x4] =	stream.indirect_vreg.gather [hbm4b:s24+s0], $0x80, v20, vm0, $0x2000b8;
	[tilespmem:$0x1CA00] =	vst v63  }
0x488: {  	s28 =	simm.s32 $0xE000  }
0x489: {  	[tilespmem:s28], [sflag:$0x4] =	stream.indirect_vreg.gather [hbm4b:s3+s0], $0x80, v20, vm0, $0x2000b8;
	[tilespmem:$0x1CA00] =	vst v63  }
0x48a: {  	s29 =	simm.s32 $0xE800  }
0x48b: {  	[tilespmem:s29], [sflag:$0x4] =	stream.indirect_vreg.gather [hbm4b:s4+s0], $0x80, v20, vm0, $0x2000b8;
	[tilespmem:$0x1CA00] =	vst v63  }
0x48c: {  	s30 =	simm.s32 $0xF000  }
0x48d: {  	[tilespmem:s30], [sflag:$0x4] =	stream.indirect_vreg.gather [hbm4b:s5+s0], $0x80, v20, vm0, $0x2000b8;
	[tilespmem:$0x1CA00] =	vst v63  }
0x48e: {  	s31 =	simm.s32 $0xF800  }
0x48f: {  	[tilespmem:s31], [sflag:$0x4] =	stream.indirect_vreg.gather [hbm4b:s6+s0], $0x80, v20, vm0, $0x2000b8;
	[tilespmem:$0x1CA00] =	vst v63  }
0x490: {  	s12 =	simm.s32 $0x10000  }
0x491: {  	[tilespmem:s12], [sflag:$0x4] =	stream.indirect_vreg.gather [hbm4b:s7+s0], $0x80, v20, vm0, $0x2000b8;
	[tilespmem:$0x1CA00] =	vst v63  }
0x492: {  	s13 =	simm.s32 $0x10800  }
0x493: {  	[tilespmem:s13], [sflag:$0x4] =	stream.indirect_vreg.gather [hbm4b:s8+s0], $0x80, v20, vm0, $0x2000b8;
	[tilespmem:$0x1CA00] =	vst v63  }
0x494: {  	v20 =	vld [tilespmem:$0x1C910];
	_ =	sdelay $0x4  }
0x495: {  	v63 =	vshll.u32 v20, $0x4  }
0x496: {  	v20 =	vand.u32 $0x7, v20;
	v23 =	vand.u32 $0xFFFFFF80, v63  }
0x497: {  	v20 =	vor.u32 v20, v23  }
0x498: {  	v21 =	vperm.xlane v20, v62;
	_ =	sdelay $0x1  }
0x499: {  	v21 =	vadd.s32 v22, v21;
	_ =	sdelay $0x3  }
0x49a: {  	s14 =	simm.s32 $0x11000  }
0x49b: {  	[tilespmem:s14], [sflag:$0x4] =	stream.indirect_vreg.gather [hbm4b:s1+s0], $0x80, v21, vm0, $0x2000b8;
	[tilespmem:$0x1CA00] =	vst v63  }
0x49c: {  	s15 =	simm.s32 $0x11800  }
0x49d: {  	[tilespmem:s15], [sflag:$0x4] =	stream.indirect_vreg.gather [hbm4b:s24+s0], $0x80, v21, vm0, $0x2000b8;
	[tilespmem:$0x1CA00] =	vst v63  }
0x49e: {  	s16 =	simm.s32 $0x12000  }
0x49f: {  	[tilespmem:s16], [sflag:$0x4] =	stream.indirect_vreg.gather [hbm4b:s3+s0], $0x80, v21, vm0, $0x2000b8;
	[tilespmem:$0x1CA00] =	vst v63  }
0x4a0: {  	s17 =	simm.s32 $0x12800  }
0x4a1: {  	[tilespmem:s17], [sflag:$0x4] =	stream.indirect_vreg.gather [hbm4b:s4+s0], $0x80, v21, vm0, $0x2000b8;
	[tilespmem:$0x1CA00] =	vst v63  }
0x4a2: {  	s18 =	simm.s32 $0x13000  }
0x4a3: {  	[tilespmem:s18], [sflag:$0x4] =	stream.indirect_vreg.gather [hbm4b:s5+s0], $0x80, v21, vm0, $0x2000b8;
	[tilespmem:$0x1CA00] =	vst v63  }
0x4a4: {  	s19 =	simm.s32 $0x13800;
	v20 =	vperm.xlane v20, v25  }
0x4a5: {  	[tilespmem:s19], [sflag:$0x4] =	stream.indirect_vreg.gather [hbm4b:s6+s0], $0x80, v21, vm0, $0x2000b8;
	[tilespmem:$0x1CA00] =	vst v63  }
0x4a6: {  	s20 =	simm.s32 $0x14000;
	v20 =	vadd.s32 v22, v20  }
0x4a7: {  	[tilespmem:s20], [sflag:$0x4] =	stream.indirect_vreg.gather [hbm4b:s7+s0], $0x80, v21, vm0, $0x2000b8;
	[tilespmem:$0x1CA00] =	vst v63  }
0x4a8: {  	s21 =	simm.s32 $0x14800  }
0x4a9: {  	[tilespmem:s21], [sflag:$0x4] =	stream.indirect_vreg.gather [hbm4b:s8+s0], $0x80, v21, vm0, $0x2000b8;
	[tilespmem:$0x1CA00] =	vst v63  }
0x4aa: {  	s22 =	simm.s32 $0x15000  }
0x4ab: {  	[tilespmem:s22], [sflag:$0x4] =	stream.indirect_vreg.gather [hbm4b:s1+s0], $0x80, v20, vm0, $0x2000b8;
	[tilespmem:$0x1CA00] =	vst v63  }
0x4ac: {  	s23 =	simm.s32 $0x15800  }
0x4ad: {  	[tilespmem:s23], [sflag:$0x4] =	stream.indirect_vreg.gather [hbm4b:s24+s0], $0x80, v20, vm0, $0x2000b8;
	[tilespmem:$0x1CA00] =	vst v63  }
0x4ae: {  	s24 =	simm.s32 $0x16000  }
0x4af: {  	[tilespmem:s24], [sflag:$0x4] =	stream.indirect_vreg.gather [hbm4b:s3+s0], $0x80, v20, vm0, $0x2000b8;
	[tilespmem:$0x1CA00] =	vst v63  }
0x4b0: {  	s25 =	simm.s32 $0x16800  }
0x4b1: {  	[tilespmem:s25], [sflag:$0x4] =	stream.indirect_vreg.gather [hbm4b:s4+s0], $0x80, v20, vm0, $0x2000b8;
	[tilespmem:$0x1CA00] =	vst v63  }
0x4b2: {  	s26 =	simm.s32 $0x17000  }
0x4b3: {  	[tilespmem:s26], [sflag:$0x4] =	stream.indirect_vreg.gather [hbm4b:s5+s0], $0x80, v20, vm0, $0x2000b8;
	[tilespmem:$0x1CA00] =	vst v63  }
0x4b4: {  	s28 =	simm.s32 $0x17800  }
0x4b5: {  	[tilespmem:s28], [sflag:$0x4] =	stream.indirect_vreg.gather [hbm4b:s6+s0], $0x80, v20, vm0, $0x2000b8;
	[tilespmem:$0x1CA00] =	vst v63  }
0x4b6: {  	s29 =	simm.s32 $0x18000  }
0x4b7: {  	[tilespmem:s29], [sflag:$0x4] =	stream.indirect_vreg.gather [hbm4b:s7+s0], $0x80, v20, vm0, $0x2000b8;
	[tilespmem:$0x1CA00] =	vst v63  }
0x4b8: {  	s30 =	simm.s32 $0x18800;
	s31 =	sand.u32 $0x7FC0, s0  }
0x4b9: {  	[tilespmem:s30], [sflag:$0x4] =	stream.indirect_vreg.gather [hbm4b:s8+s0], $0x80, v20, vm0, $0x2000b8;
	[tilespmem:$0x1CA00] =	vst v63  }
0x4ba: {  	s0 =	simm.s32 $0x2030;
	[tilespmem:s31+$0x2000] =	vst v19  }
0x4bb: {  	[tilespmem:s0+$0xFFFFFFE0] =	vst v19  }
0x4bc: {  	[tilespmem:s0+$0xFFFFFFF0] =	vst v19  }
0x4bd: {  	s1 =	simm.s32 $0x40;
	[tilespmem:s0+$0x0] =	vst v19  }
.LBB2_77:
0x4be: {  	p0 =	sne.s32 s1, $0x5FC0  }
.Ltmp39:
0x4bf: {  	s2 =	sand.u32 $0x7FC0, s1;
	(pc) =	sbr.rel @p0 .LBB2_77-.Ltmp39, $4  }
0x4c0: {  	s1 =	sadd.s32 $0x40, s1;
	s0 =	sadd.s32 $0x40, s0;
	[tilespmem:s2+$0x2000] =	vst v19  }
0x4c1: {  	[tilespmem:s0+$0xFFFFFFE0] =	vst v19  }
0x4c2: {  	[tilespmem:s0+$0xFFFFFFF0] =	vst v19  }
0x4c3: {  	[tilespmem:s0+$0x0] =	vst v19  }
0x4c4: {  	_ = 	snop  }
0x4c5: {  	v20 =	vbroadcast v35, $0x0;
	v21 =	vbroadcast v35, $0x1  }
0x4c6: {  	v22 =	vbroadcast v35, $0x2;
	v23 =	vbroadcast v35, $0x3  }
0x4c7: {  	s2 =	simm.s32 $0x0;
	v25 =	vbroadcast v35, $0x5;
	v27 =	vbroadcast v35, $0x7  }
0x4c8: {  	v28 =	vbroadcast v35, $0x8;
	v29 =	vbroadcast v35, $0x9;
	[tilespmem:v24+s2+$0x0] =	vst.idx.msk $0xffff, v35  }
0x4c9: {  	v30 =	vbroadcast v35, $0xA;
	v31 =	vbroadcast v35, $0xB;
	[tilespmem:v26+s2+$0x0] =	vst.idx.msk $0xffff, v51  }
0x4ca: {  	v32 =	vbroadcast v35, $0xC;
	v33 =	vbroadcast v35, $0xD;
	_ =	strace $0x9000004C  }
0x4cb: {  	s0 =	simm.s32 $0x2;
	v34 =	vbroadcast v35, $0xE;
	v36 =	vbroadcast v51, $0x0;
	_ =	strace $0x8000004D  }
0x4cc: {  	v37 =	vbroadcast v51, $0x1;
	v38 =	vbroadcast v51, $0x2;
	_ =	swait.ge [sflag:s0], $0x800  }
0x4cd: {  	v39 =	vbroadcast v51, $0x3;
	v40 =	vbroadcast v51, $0x4;
	[sflag:s0] =	ssyncset.done $0x0  }
0x4ce: {  	s30 =	simm.s32 $0x4;
	v41 =	vbroadcast v51, $0x5;
	v42 =	vbroadcast v51, $0x6;
	[sflag:s0] =	ssyncadd.s32 $0xFFFFF800  }
0x4cf: {  	v43 =	vbroadcast v51, $0x7;
	v44 =	vbroadcast v51, $0x8;
	_ =	swait.ge [sflag:s30], $0x10000  }
0x4d0: {  	v45 =	vbroadcast v51, $0x9;
	v46 =	vbroadcast v51, $0xA;
	[sflag:s30] =	ssyncset.done $0x0  }
0x4d1: {  	v47 =	vbroadcast v51, $0xB;
	v48 =	vbroadcast v51, $0xC;
	s31 =	rddreg [dreg:$0xf];
	[sflag:s30] =	ssyncadd.s32 $0xFFFF0000  }
0x4d2: {  	v49 =	vbroadcast v51, $0xD;
	v50 =	vbroadcast v51, $0xE;
	[hbm4b:s31+s10] =	stream.strided.scatter [tilespmem:s2], [sflag:$0x1], $0x8000, s11, s10, $0x200038;
	[tilespmem:$0x1CA00] =	vst v63  }
0x4d3: {  	s17 =	simm.s32 $0x19800;
	v24 =	vbroadcast v35, $0x4;
	v26 =	vbroadcast v35, $0x6;
	_ =	strace $0x9000004D  }
0x4d4: {  	s18 =	simm.s32 $0x19000;
	s20 =	simm.s32 $0x0;
	v35 =	vbroadcast v35, $0xF;
	v51 =	vbroadcast v51, $0xF;
	_ =	strace $0x8000004E  }
.LBB2_79:
0x4d5: {  	s13 =	sand.u32 $0x3C00, s2  }
0x4d6: {  	s24 =	sand.u32 $0x60, s20;
	s21 =	sadd.s32 $0x9000, s13  }
0x4d7: {  	s0 =	sor.u32 s24, s21  }
0x4d8: {  	v52 =	vld [tilespmem:s0+$0x0]  }
0x4d9: {  	v53 =	vld [tilespmem:s0+$0x80]  }
0x4da: {  	v54 =	vld [tilespmem:s0+$0x100]  }
0x4db: {  	v55 =	vld [tilespmem:s0+$0x180]  }
0x4dc: {  	v56 =	vld [tilespmem:s0+$0x200]  }
0x4dd: {  	v57 =	vld [tilespmem:s0+$0x280]  }
0x4de: {  	s22 =	sadd.s32 $0xD000, s13;
	v58 =	vld [tilespmem:s0+$0x300]  }
0x4df: {  	s25 =	sadd.s32 $0xD080, s13;
	s19 =	sor.u32 s24, s22;
	v59 =	vld [tilespmem:s0+$0x380]  }
0x4e0: {  	s31 =	sadd.s32 $0xD100, s13;
	s23 =	sor.u32 s24, s25;
	v60 =	vld [tilespmem:s19+$0x0]  }
0x4e1: {  	s4 =	sadd.s32 $0xD180, s13;
	s26 =	sor.u32 s24, s31;
	v61 =	vld [tilespmem:s23+$0x0]  }
0x4e2: {  	s5 =	sadd.s32 $0xD200, s13;
	s28 =	sor.u32 s24, s4;
	v62 =	vld [tilespmem:s26+$0x0]  }
0x4e3: {  	s6 =	sadd.s32 $0xD280, s13;
	s29 =	sor.u32 s24, s5;
	v63 =	vld [tilespmem:s28+$0x0]  }
0x4e4: {  	s14 =	sadd.s32 $0xD300, s13;
	s30 =	sor.u32 s24, s6;
	v2 =	vld [tilespmem:s29+$0x0]  }
0x4e5: {  	s15 =	sadd.s32 $0xD380, s13;
	s1 =	sor.u32 s24, s14;
	v3 =	vld [tilespmem:s30+$0x0]  }
0x4e6: {  	s16 =	sadd.s32 $0x11000, s13;
	s3 =	sor.u32 s24, s15;
	v4 =	vld [tilespmem:s1+$0x0]  }
0x4e7: {  	s7 =	sor.u32 s24, s16;
	v5 =	vld [tilespmem:s3+$0x0];
	s30 =	sadd.s32 $0x11080, s13  }
0x4e8: {  	v6 =	vld [tilespmem:s7+$0x0];
	s29 =	sadd.s32 $0x11100, s13;
	s8 =	sor.u32 s24, s30  }
0x4e9: {  	s23 =	sadd.s32 $0x11180, s13;
	s9 =	sor.u32 s24, s29;
	v7 =	vld [tilespmem:s8+$0x0];
	v52 =	vmul.f32 v52, v20;
	v53 =	vmul.f32 v53, v21  }
0x4ea: {  	s26 =	sadd.s32 $0x11200, s13;
	s10 =	sor.u32 s24, s23;
	v8 =	vld [tilespmem:s9+$0x0];
	v54 =	vmul.f32 v54, v22;
	v55 =	vmul.f32 v55, v23  }
0x4eb: {  	s28 =	sadd.s32 $0x11280, s13;
	s11 =	sor.u32 s24, s26;
	v9 =	vld [tilespmem:s10+$0x0];
	v56 =	vmul.f32 v56, v24;
	v57 =	vmul.f32 v57, v25  }
0x4ec: {  	s0 =	sadd.s32 $0x11300, s13;
	s1 =	sor.u32 s24, s28;
	v10 =	vld [tilespmem:s11+$0x0];
	v58 =	vmul.f32 v58, v26;
	v59 =	vmul.f32 v59, v27  }
0x4ed: {  	s19 =	sadd.s32 $0x15000, s13;
	s7 =	sor.u32 s24, s0;
	v60 =	vmul.f32 v60, v28;
	v11 =	vmul.f32 v63, v31;
	v53 =	vadd.f32 v57, v53;
	v57 =	vld [tilespmem:s1+$0x0]  }
0x4ee: {  	s8 =	sor.u32 s24, s19;
	v2 =	vmul.f32 v2, v32;
	v52 =	vadd.f32 v56, v52;
	s1 =	sadd.s32 $0x11380, s13;
	v55 =	vadd.f32 v59, v55;
	v59 =	vld [tilespmem:s7+$0x0]  }
0x4ef: {  	v54 =	vadd.f32 v58, v54;
	v58 =	vmul.f32 v61, v29;
	v56 =	vmul.f32 v62, v30;
	s7 =	sadd.s32 $0x15080, s13;
	v62 =	vld [tilespmem:s8+$0x0];
	s12 =	sor.u32 s24, s1  }
0x4f0: {  	v3 =	vmul.f32 v3, v33;
	v4 =	vmul.f32 v4, v34;
	s8 =	sadd.s32 $0x15100, s13;
	s9 =	sor.u32 s24, s7;
	v52 =	vadd.f32 v60, v52;
	v61 =	vld [tilespmem:s12+$0x0]  }
0x4f1: {  	v5 =	vmul.f32 v5, v35;
	s10 =	sor.u32 s24, s8;
	v53 =	vadd.f32 v58, v53;
	v54 =	vadd.f32 v56, v54;
	v56 =	vld [tilespmem:s9+$0x0];
	s9 =	sadd.s32 $0x15180, s13  }
0x4f2: {  	v6 =	vmul.f32 v6, v36;
	v7 =	vmul.f32 v7, v37;
	s11 =	sor.u32 s24, s9;
	v2 =	vadd.f32 v2, v52;
	v52 =	vld [tilespmem:s10+$0x0];
	s10 =	sadd.s32 $0x15200, s13  }
0x4f3: {  	v8 =	vmul.f32 v8, v38;
	v55 =	vadd.f32 v11, v55;
	v3 =	vadd.f32 v3, v53;
	v53 =	vld [tilespmem:s11+$0x0];
	s11 =	sadd.s32 $0x15280, s13;
	s12 =	sor.u32 s24, s10  }
0x4f4: {  	v9 =	vmul.f32 v9, v39;
	v63 =	vmul.f32 v10, v40;
	v4 =	vadd.f32 v4, v54;
	s3 =	sor.u32 s24, s11;
	v54 =	vld [tilespmem:s12+$0x0];
	s12 =	sadd.s32 $0x15300, s13  }
0x4f5: {  	v5 =	vadd.f32 v5, v55;
	v57 =	vmul.f32 v57, v41;
	v60 =	vmul.f32 v59, v42;
	v55 =	vld [tilespmem:s3+$0x0];
	s13 =	sadd.s32 $0x15380, s13;
	s3 =	sor.u32 s24, s12  }
0x4f6: {  	v62 =	vmul.f32 v62, v44;
	v2 =	vadd.f32 v6, v2;
	v3 =	vadd.f32 v7, v3;
	v7 =	vld [tilespmem:s3+$0x0];
	s3 =	sor.u32 s24, s13  }
0x4f7: {  	v4 =	vadd.f32 v8, v4;
	v5 =	vadd.f32 v9, v5;
	v61 =	vmul.f32 v61, v43;
	v9 =	vld [tilespmem:s3+$0x0]  }
0x4f8: {  	v56 =	vmul.f32 v56, v45;
	v2 =	vadd.f32 v63, v2;
	v3 =	vadd.f32 v57, v3  }
0x4f9: {  	v4 =	vadd.f32 v60, v4;
	v5 =	vadd.f32 v61, v5;
	v63 =	vmul.f32 v52, v46  }
0x4fa: {  	v52 =	vmul.f32 v53, v47;
	v2 =	vadd.f32 v62, v2;
	v3 =	vadd.f32 v56, v3  }
0x4fb: {  	v4 =	vadd.f32 v63, v4;
	v53 =	vmul.f32 v54, v48;
	v54 =	vmul.f32 v55, v49  }
0x4fc: {  	v5 =	vadd.f32 v52, v5;
	v7 =	vmul.f32 v7, v50;
	v55 =	vmul.f32 v9, v51  }
0x4fd: {  	v2 =	vadd.f32 v53, v2;
	v3 =	vadd.f32 v54, v3  }
0x4fe: {  	v4 =	vadd.f32 v7, v4;
	v5 =	vadd.f32 v55, v5  }
0x4ff: {  	v56 =	vld [tilespmem:s17+$0x0]  }
0x500: {  	v2 =	vadd.f32 v3, v2;
	v3 =	vadd.f32 v5, v4;
	_ =	sdelay $0x1  }
0x501: {  	v2 =	vadd.f32 v3, v2;
	_ =	sdelay $0x1  }
0x502: {  	v2 =	vadd.f32 v2, v56  }
0x503: {  	s24 =	sor.u32 $0x10, s24  }
0x504: {  	s21 =	sor.u32 s24, s21;
	[tilespmem:s18+$0x0] =	vst v2  }
0x505: {  	v2 =	vld [tilespmem:s21+$0x0]  }
0x506: {  	v3 =	vld [tilespmem:s21+$0x80]  }
0x507: {  	v4 =	vld [tilespmem:s21+$0x100]  }
0x508: {  	v5 =	vld [tilespmem:s21+$0x180]  }
0x509: {  	v6 =	vld [tilespmem:s21+$0x200]  }
0x50a: {  	v7 =	vld [tilespmem:s21+$0x280]  }
0x50b: {  	v8 =	vld [tilespmem:s21+$0x300]  }
0x50c: {  	s22 =	sor.u32 s24, s22;
	v9 =	vld [tilespmem:s21+$0x380]  }
0x50d: {  	s25 =	sor.u32 s24, s25;
	v10 =	vld [tilespmem:s22+$0x0]  }
0x50e: {  	s31 =	sor.u32 s24, s31;
	v52 =	vld [tilespmem:s25+$0x0]  }
0x50f: {  	s4 =	sor.u32 s24, s4;
	v53 =	vld [tilespmem:s31+$0x0]  }
0x510: {  	s5 =	sor.u32 s24, s5;
	v54 =	vld [tilespmem:s4+$0x0]  }
0x511: {  	v55 =	vld [tilespmem:s5+$0x0];
	s21 =	sor.u32 s24, s6  }
0x512: {  	s22 =	sor.u32 s24, s14;
	v56 =	vld [tilespmem:s21+$0x0]  }
0x513: {  	s4 =	sor.u32 s24, s30;
	v57 =	vld [tilespmem:s22+$0x0]  }
0x514: {  	s5 =	sor.u32 s24, s29;
	v60 =	vld [tilespmem:s4+$0x0]  }
0x515: {  	s25 =	sor.u32 s24, s15;
	v61 =	vld [tilespmem:s5+$0x0];
	v2 =	vmul.f32 v2, v20  }
0x516: {  	s31 =	sor.u32 s24, s16;
	v58 =	vld [tilespmem:s25+$0x0];
	v3 =	vmul.f32 v3, v21;
	v4 =	vmul.f32 v4, v22  }
0x517: {  	s6 =	sor.u32 s24, s23;
	v59 =	vld [tilespmem:s31+$0x0];
	v5 =	vmul.f32 v5, v23;
	v6 =	vmul.f32 v6, v24  }
0x518: {  	s14 =	sor.u32 s24, s26;
	v62 =	vld [tilespmem:s6+$0x0];
	v7 =	vmul.f32 v7, v25;
	v8 =	vmul.f32 v8, v26  }
0x519: {  	s15 =	sor.u32 s24, s28;
	v63 =	vld [tilespmem:s14+$0x0];
	v9 =	vmul.f32 v9, v27;
	v57 =	vmul.f32 v57, v34  }
0x51a: {  	s0 =	sor.u32 s24, s0;
	v11 =	vld [tilespmem:s15+$0x0];
	v60 =	vmul.f32 v60, v37;
	v61 =	vmul.f32 v61, v38  }
0x51b: {  	s21 =	sor.u32 s24, s19;
	v2 =	vadd.f32 v6, v2;
	v3 =	vadd.f32 v7, v3;
	v6 =	vmul.f32 v10, v28;
	v7 =	vld [tilespmem:s0+$0x0]  }
0x51c: {  	s22 =	sor.u32 s24, s7;
	v4 =	vadd.f32 v8, v4;
	v5 =	vadd.f32 v9, v5;
	v8 =	vmul.f32 v52, v29;
	v52 =	vld [tilespmem:s21+$0x0]  }
0x51d: {  	s16 =	sor.u32 s24, s1;
	v10 =	vmul.f32 v54, v31;
	v54 =	vld [tilespmem:s22+$0x0];
	v2 =	vadd.f32 v6, v2;
	v6 =	vmul.f32 v53, v30  }
0x51e: {  	s23 =	sor.u32 s24, s8;
	v62 =	vmul.f32 v62, v39;
	v9 =	vld [tilespmem:s16+$0x0];
	v3 =	vadd.f32 v8, v3;
	v8 =	vmul.f32 v55, v32  }
0x51f: {  	s26 =	sor.u32 s24, s10;
	v53 =	vmul.f32 v56, v33;
	v5 =	vadd.f32 v10, v5;
	v10 =	vld [tilespmem:s23+$0x0];
	v4 =	vadd.f32 v6, v4  }
0x520: {  	s25 =	sor.u32 s24, s9;
	v56 =	vld [tilespmem:s26+$0x0];
	v2 =	vadd.f32 v8, v2;
	v8 =	vmul.f32 v58, v35;
	v6 =	vmul.f32 v59, v36  }
0x521: {  	s30 =	sor.u32 s24, s13;
	v3 =	vadd.f32 v53, v3;
	v53 =	vld [tilespmem:s25+$0x0];
	v59 =	vmul.f32 v63, v40;
	v52 =	vmul.f32 v52, v44  }
0x522: {  	s28 =	sor.u32 s24, s11;
	v63 =	vld [tilespmem:s30+$0x0];
	v54 =	vmul.f32 v54, v45;
	v4 =	vadd.f32 v57, v4;
	v5 =	vadd.f32 v8, v5  }
0x523: {  	s29 =	sor.u32 s24, s12;
	v58 =	vld [tilespmem:s28+$0x0];
	v2 =	vadd.f32 v6, v2;
	v3 =	vadd.f32 v60, v3;
	v60 =	vmul.f32 v11, v41  }
0x524: {  	v55 =	vld [tilespmem:s29+$0x0];
	v57 =	vmul.f32 v10, v46;
	v4 =	vadd.f32 v61, v4;
	v5 =	vadd.f32 v62, v5  }
0x525: {  	v2 =	vadd.f32 v59, v2;
	v61 =	vmul.f32 v7, v42;
	v62 =	vmul.f32 v9, v43  }
0x526: {  	v3 =	vadd.f32 v60, v3;
	v60 =	vmul.f32 v56, v48;
	v59 =	vmul.f32 v53, v47  }
0x527: {  	v9 =	vmul.f32 v63, v51;
	v4 =	vadd.f32 v61, v4;
	v5 =	vadd.f32 v62, v5  }
0x528: {  	v2 =	vadd.f32 v52, v2;
	v3 =	vadd.f32 v54, v3;
	v61 =	vmul.f32 v58, v49  }
0x529: {  	v62 =	vmul.f32 v55, v50;
	v4 =	vadd.f32 v57, v4;
	v5 =	vadd.f32 v59, v5  }
0x52a: {  	s31 =	sand.u32 $0x780, s20;
	v2 =	vadd.f32 v60, v2;
	v3 =	vadd.f32 v61, v3  }
0x52b: {  	s0 =	sor.u32 s31, s24;
	v4 =	vadd.f32 v62, v4;
	v5 =	vadd.f32 v9, v5  }
0x52c: {  	v63 =	vld [tilespmem:s0+$0x19800]  }
0x52d: {  	v2 =	vadd.f32 v3, v2;
	v3 =	vadd.f32 v5, v4  }
0x52e: {  	p0 =	sne.s32 s20, $0x7E0  }
.Ltmp40:
0x52f: {  	v2 =	vadd.f32 v3, v2;
	(pc) =	sbr.rel @p0 .LBB2_79-.Ltmp40, $4  }
0x530: {  	_ = 	snop  }
0x531: {  	v2 =	vadd.f32 v2, v63  }
0x532: {  	s2 =	sadd.s32 $0x100, s2  }
0x533: {  	s17 =	sadd.s32 $0x20, s17;
	s18 =	sadd.s32 $0x20, s18;
	s20 =	sadd.s32 $0x20, s20;
	[tilespmem:s0+$0x19000] =	vst v2  }
0x534: {  	_ =	strace $0x9000004E  }
0x535: {  	s10 =	simm.s32 $0x80;
	s11 =	simm.s32 $0x400;
	_ =	strace $0x8000004F  }
0x536: {  	s1 =	simm.s32 $0x19000;
	s29 =	simm.s32 $0x5;
	s0 =	rddreg [dreg:$0x10]  }
0x537: {  	[hbm4b:s0+s10] =	stream.strided.scatter [tilespmem:s1], [sflag:$0x5], $0x800, s11, s10, $0x200038;
	[tilespmem:$0x1CA00] =	vst v63  }
0x538: {  	_ =	swait.ge [sflag:s29], $0x800  }
0x539: {  	[sflag:s29] =	ssyncset.done $0x0  }
0x53a: {  	s3 =	simm.s32 $0x1;
	[sflag:s29] =	ssyncadd.s32 $0xFFFFF800  }
0x53b: {  	_ =	swait.ge [sflag:s3], $0x8000  }
0x53c: {  	s30 =	rddreg [dreg:$0x12]  }
0x53d: {  	s31 =	rddreg [dreg:$0x11];
	s1 =	sadd.s32 $0x1, s30  }
0x53e: {  	p0 =	sne.s32 s1, s31  }
.Ltmp41:
0x53f: {  	_ = 	snop;
	(pc) =	sbr.rel @p0 .LBB2_1-.Ltmp41, $4  }
.Ltmp42:
0x540: {  	_ = 	snop;
	(pc) =	sbr.rel @!p0 .LBB2_81-.Ltmp42, $4  }
0x541: {  	[sflag:s3] =	ssyncset.done $0x0  }
0x542: {  	[sflag:s3] =	ssyncadd.s32 $0xFFFF8000  }
0x543: {  	_ =	strace $0x9000004F  }
0x544: {  	_ = 	snop  }
.LBB2_70:
.Ltmp43:
0x545: {  	(pc) =	sbr.rel .LBB2_75-.Ltmp43, $2  }
0x546: {  	_ =	sdelay $0x2  }
0x547: {  	_ = 	snop  }
.LBB2_72:
.Ltmp44:
0x548: {  	(pc) =	sbr.rel .LBB2_75-.Ltmp44, $2  }
0x549: {  	_ =	sdelay $0x2  }
0x54a: {  	_ = 	snop  }
.LBB2_81:
0x54b: {  	_ =	sfence.sel $0x180000  }
0x54c: {  	[bflag:$0x0] =	sbarrier.arrive $0xFFFF  }
0x54d: {  	_ =	strace $0x90000047  }
0x54e: {  	s0 =	stileid.u32;
	[bflag:$0x2] =	sbarrier.arrive $0xFFFF  }
0x54f: {  	p0 =	sne.s32 s0, $0x0;
	s0 =	rddreg [dreg:$0x5]  }
0x550: {  	s0 =	sadd.s32 @!p0 $0x100000, s0  }
0x551: {  	[sflag:s0] =	ssyncadd.tile.s32 @!p0 $0x1;
	_ =	shalt  }
.Lfunc_end2:
_tile_overlayer_lowered:
.L_overlay_start_2:
0x552: {  	(tag) =	ssettag $0x2  }
0x553: {  	s0 =	rddreg [dreg:$0x0];
	s2 =	stileid.u32  }
0x554: {  	s1 =	rddreg [dreg:$0x1];
	p0 =	sne.s32 s2, $0x0  }
0x555: {  	s3 =	rddreg [dreg:$0x2];
	[bflag:$0x3] =	sbarrier.arrive $0xFFFF;
	s2 =	simm.s32 @!p0 $0x1C05  }
0x556: {  	[timem:s3], [sflag:s2] =	dma.local @!p0 [hbm:s0], s1  }
0x557: {  	s0 =	simm.s32 @!p0 $0x5  }
0x558: {  	_ =	swait.ge @!p0 [sflag:s0], s1  }
0x559: {  	s1 =	ssub.s32 @!p0 $0x0, s1;
	[sflag:s0] =	ssyncset.done @!p0 $0x0  }
0x55a: {  	[sflag:s0] =	ssyncadd.s32 @!p0 s1  }
0x55b: {  	[bflag:$0x3] =	sbarrier.arrive $0xFFFF  }
0x55c: {  	_ =	shalt  }

</sc_bundles>
